<compile_context>
chip_gen: v7x
topology: tpu7x:2x2x1
jax: 0.10.2.dev20260603
libtpu: 0.0.44.dev20260713+nightly
codegen_flags: <defaults>
</compile_context>

<pallas_src>
import jax
import jax.numpy as jnp
from jax import lax
from jax.experimental import pallas as pl
from jax.experimental.pallas import tpu as pltpu
from jax.experimental.pallas import tpu_sc as plsc

N = 10000
D = 128
E = 320000

NC = 2
NS = 16
NW = NC * NS

N_PAD = 10112
TRASH = 10048
APT = N_PAD // NS

K = 128
KW = K // 2
NCH = 80
EPW = NCH * K
E_PAD = NW * EPW

HALF = N_PAD // 2
HH = 5120
HPT = HH // NS

BR = 2528
NBLK = N_PAD // BR

_mesh = plsc.VectorSubcoreMesh(core_axis_name="c", subcore_axis_name="s")
_sc_params = pltpu.CompilerParams(needs_layout_passes=False)


def _unpack_row(wrow, irow, sub, clamp):
    for q in range(K // 32):
        v = wrow[pl.ds(q * 16, 16)]
        lo = (v & 0xFFFF) - sub
        hi = lax.shift_right_logical(v, 16) - sub
        if clamp is not None:
            lo = jnp.where((lo >= 0) & (lo < clamp), lo, clamp)
            hi = jnp.where((hi >= 0) & (hi < clamp), hi, clamp)
        irow[pl.ds(q * 32, 16)] = lo
        irow[pl.ds(q * 32 + 16, 16)] = hi


def _fill16(buf, n, value):
    @pl.loop(0, n)
    def _(r):
        buf[r, :] = value


def _deg_body(srcw_hbm, dstw_hbm, hist_hbm, swr, dwr, sidx, didx, ones_o_v,
              ones_i_v, hist_sh, sem_i):
    c = lax.axis_index("c")
    s = lax.axis_index("s")
    w = s * NC + c

    def words_start(j, b):
        pltpu.async_copy(srcw_hbm.at[w, j], swr.at[b], sem_i)
        pltpu.async_copy(dstw_hbm.at[w, j], dwr.at[b], sem_i)

    def words_wait(j, b):
        pltpu.make_async_copy(srcw_hbm.at[w, j], swr.at[b], sem_i).wait()
        pltpu.make_async_copy(dstw_hbm.at[w, j], dwr.at[b], sem_i).wait()

    lane = lax.iota(jnp.int32, 16)
    row_o = jnp.where(lane < 8, 1.0, 0.0).astype(jnp.float32)
    row_i = jnp.where(lane < 8, 0.0, 1.0).astype(jnp.float32)
    zeros16 = jnp.zeros((16,), jnp.float32)

    base = s * HPT
    for p in range(2):
        _fill16(ones_o_v, K, zeros16)
        for j in range(HPT // K):
            pltpu.sync_copy(ones_o_v, hist_sh.at[pl.ds(base + j * K, K)])
        pltpu.sync_copy(ones_o_v.at[pl.ds(0, HPT % K)],
                        hist_sh.at[pl.ds(base + (HPT // K) * K, HPT % K)])
        _fill16(ones_o_v, K, row_o)
        _fill16(ones_i_v, K, row_i)
        words_start(0, 0)
        plsc.subcore_barrier()
        words_wait(0, 0)

        @pl.loop(0, NCH, step=2)
        def _(j0):
            for b in range(2):
                jn = j0 + b + 1

                @pl.when(jn < NCH)
                def _():
                    words_start(jn, 1 - b)

                _unpack_row(swr.at[b], sidx.at[0], p * HALF, HALF)
                _unpack_row(dwr.at[b], didx.at[0], p * HALF, HALF)
                pltpu.sync_copy(ones_o_v, hist_sh.at[sidx.at[0]], add=True)
                pltpu.sync_copy(ones_i_v, hist_sh.at[didx.at[0]], add=True)

                @pl.when(jn < NCH)
                def _():
                    words_wait(jn, 1 - b)

        plsc.subcore_barrier()
        pltpu.sync_copy(hist_sh.at[pl.ds(base, HPT)],
                        hist_hbm.at[c, p, pl.ds(base, HPT)])
        if p == 0:
            plsc.subcore_barrier()


_deg_call = pl.kernel(
    _deg_body,
    out_type=jax.ShapeDtypeStruct((NC, 2, HH, 16), jnp.float32),
    mesh=_mesh,
    compiler_params=_sc_params,
    scratch_types=[
        pltpu.VMEM((2, KW), jnp.int32),
        pltpu.VMEM((2, KW), jnp.int32),
        pltpu.VMEM((1, K), jnp.int32),
        pltpu.VMEM((1, K), jnp.int32),
        pltpu.VMEM((K, 16), jnp.float32),
        pltpu.VMEM((K, 16), jnp.float32),
        pltpu.VMEM_SHARED((HH, 16), jnp.float32),
        pltpu.SemaphoreType.DMA,
    ],
)


def _prop_body(h_hbm, srcw_hbm, dstw_hbm, out_hbm, swr, dwr, sir, dir_, rows,
               agg_sh, sem_i, sem_g):
    c = lax.axis_index("c")
    s = lax.axis_index("s")
    w = s * NC + c

    def words_start(j, b):
        pltpu.async_copy(srcw_hbm.at[w, j], swr.at[b], sem_i)
        pltpu.async_copy(dstw_hbm.at[w, j], dwr.at[b], sem_i)

    def words_wait(j, b):
        pltpu.make_async_copy(srcw_hbm.at[w, j], swr.at[b], sem_i).wait()
        pltpu.make_async_copy(dstw_hbm.at[w, j], dwr.at[b], sem_i).wait()

    def unpack(b):
        _unpack_row(swr.at[b], sir.at[b], 0, None)
        _unpack_row(dwr.at[b], dir_.at[b], 0, None)

    def gather_start(b):
        pltpu.async_copy(h_hbm.at[sir.at[b]], rows.at[b], sem_g)

    def gather_wait(b):
        pltpu.make_async_copy(h_hbm.at[sir.at[b]], rows.at[b], sem_g).wait()

    def scatter(b):
        pltpu.sync_copy(rows.at[b], agg_sh.at[dir_.at[b]], add=True)

    words_start(0, 0)

    zeros16 = jnp.zeros((16,), jnp.float32)

    @pl.loop(0, K)
    def _(r):
        for j in range(D // 16):
            rows[0, r, pl.ds(j * 16, 16)] = zeros16

    zbase = s * APT
    for j in range(APT // K):
        pltpu.sync_copy(rows.at[0], agg_sh.at[pl.ds(zbase + j * K, K)])
    pltpu.sync_copy(rows.at[0, pl.ds(0, APT % K)],
                    agg_sh.at[pl.ds(zbase + (APT // K) * K, APT % K)])

    words_wait(0, 0)
    words_start(1, 1)
    unpack(0)
    plsc.subcore_barrier()
    gather_start(0)

    @pl.loop(0, NCH, step=2)
    def _(j0):
        words_wait(j0 + 1, 1)
        unpack(1)
        gather_wait(0)
        gather_start(1)

        @pl.when(j0 + 2 < NCH)
        def _():
            words_start(j0 + 2, 0)

        scatter(0)

        @pl.when(j0 + 2 < NCH)
        def _():
            words_wait(j0 + 2, 0)
            unpack(0)

        gather_wait(1)

        @pl.when(j0 + 2 < NCH)
        def _():
            gather_start(0)

        @pl.when(j0 + 3 < NCH)
        def _():
            words_start(j0 + 3, 1)

        scatter(1)

    plsc.subcore_barrier()
    pltpu.sync_copy(agg_sh.at[pl.ds(zbase, APT)],
                    out_hbm.at[c, pl.ds(zbase, APT)])


_prop_call = pl.kernel(
    _prop_body,
    out_type=jax.ShapeDtypeStruct((NC, N_PAD, D), jnp.float32),
    mesh=_mesh,
    compiler_params=_sc_params,
    scratch_types=[
        pltpu.VMEM((2, KW), jnp.int32),
        pltpu.VMEM((2, KW), jnp.int32),
        pltpu.VMEM((2, K), jnp.int32),
        pltpu.VMEM((2, K), jnp.int32),
        pltpu.VMEM((2, K, D), jnp.float32),
        pltpu.VMEM_SHARED((N_PAD, D), jnp.float32),
        pltpu.SemaphoreType.DMA,
        pltpu.SemaphoreType.DMA,
    ],
)


def _norm_body(hist_ref, no_ref, ni_ref):
    h = hist_ref[...]
    full = jnp.concatenate([h[:, 0, :HALF, :], h[:, 1, :HALF, :]], axis=1)
    deg_o = jnp.sum(full[:, :, :8], axis=(0, 2)) * 0.125
    deg_i = jnp.sum(full[:, :, 8:], axis=(0, 2)) * 0.125
    no_ref[...] = lax.rsqrt(jnp.maximum(deg_o, 1.0))
    ni_ref[...] = lax.rsqrt(jnp.maximum(deg_i, 1.0))


_norm_call = pl.pallas_call(
    _norm_body,
    out_shape=(
        jax.ShapeDtypeStruct((N_PAD,), jnp.float32),
        jax.ShapeDtypeStruct((N_PAD,), jnp.float32),
    ),
)


def _scale_body(x_ref, no_ref, out_ref):
    out_ref[...] = x_ref[...] * no_ref[...]


_scale_call = pl.pallas_call(
    _scale_body,
    grid=(NBLK,),
    in_specs=[
        pl.BlockSpec((BR, D), lambda i: (i, 0)),
        pl.BlockSpec((BR, 1), lambda i: (i, 0)),
    ],
    out_specs=pl.BlockSpec((BR, D), lambda i: (i, 0)),
    out_shape=jax.ShapeDtypeStruct((N_PAD, D), jnp.float32),
)


def _layer_body(agg_ref, ni_ref, no_ref, w_ref, b_ref, f_ref, out_ref):
    t = (agg_ref[0] + agg_ref[1]) * ni_ref[...]
    z = lax.dot_general(t, w_ref[...], (((1,), (0,)), ((), ())),
                        precision=lax.Precision.HIGHEST,
                        preferred_element_type=jnp.float32)
    z = z + b_ref[...]
    zm = jnp.maximum(z, 0.0) * no_ref[...]
    out_ref[...] = jnp.where(f_ref[0, 0] > 0.5, z, zm)


_layer_call = pl.pallas_call(
    _layer_body,
    grid=(NBLK,),
    in_specs=[
        pl.BlockSpec((NC, BR, D), lambda i: (0, i, 0)),
        pl.BlockSpec((BR, 1), lambda i: (i, 0)),
        pl.BlockSpec((BR, 1), lambda i: (i, 0)),
        pl.BlockSpec((D, D), lambda i: (0, 0)),
        pl.BlockSpec((1, D), lambda i: (0, 0)),
        pl.BlockSpec((1, 1), lambda i: (0, 0)),
    ],
    out_specs=pl.BlockSpec((BR, D), lambda i: (i, 0)),
    out_shape=jax.ShapeDtypeStruct((N_PAD, D), jnp.float32),
)


@jax.jit
def kernel(x, edge_index, W0, b0, W1, b1, W2, b2):
    src = edge_index[0]
    dst = edge_index[1]

    def _pack(idx):
        p = jnp.full((E_PAD,), TRASH, jnp.int32).at[:E].set(idx)
        p = p.reshape(E_PAD // 2, 2)
        return (p[:, 0] | (p[:, 1] << 16)).reshape(NW, NCH, KW)

    src_m = _pack(src)
    dst_m = _pack(dst)
    x_pad = jnp.zeros((N_PAD, D), jnp.float32).at[:N].set(x)

    hist = _deg_call(src_m, dst_m)
    norm_out, norm_in = _norm_call(hist)
    no_col = norm_out.reshape(N_PAD, 1)
    ni_col = norm_in.reshape(N_PAD, 1)

    h0 = _scale_call(x_pad, no_col)

    Ws = jnp.stack([W0, W1, W2])
    bs = jnp.stack([b0.reshape(1, D), b1.reshape(1, D), b2.reshape(1, D)])
    fs = jnp.array([0.0, 0.0, 1.0], jnp.float32).reshape(3, 1, 1)

    def _layer_step(h, xs):
        Wl, bl, fl = xs
        agg = _prop_call(h, src_m, dst_m)
        return _layer_call(agg, ni_col, no_col, Wl, bl, fl), None

    h, _ = lax.scan(_layer_step, h0, (Ws, bs, fs))
    return h[:N]

# --- scband reference (transcript-rebuilt; emitter-appended) ---
"""Pipeline reference for scband-feed-forward-dgl-32950989095235 (READ-ONLY COPY).

The authoritative reference and input builder live on the scoring server;
editing this copy changes nothing except your own understanding.
"""

import jax, jax.numpy as jnp
import numpy as np

N_NODES = 10000
D = 128
N_EDGES = 320000


def setup_inputs(seed: int = 0) -> dict:
    key = jax.random.key(seed)
    ks = jax.random.split(key, 10)
    x = jax.random.normal(ks[0], (N_NODES, D), dtype=jnp.float32)
    edge_index = jax.random.randint(ks[1], (2, N_EDGES), 0, N_NODES, dtype=jnp.int32)
    scale = 1.0 / np.sqrt(D)
    W0 = jax.random.normal(ks[2], (D, D), dtype=jnp.float32) * scale
    b0 = jnp.zeros((D,), dtype=jnp.float32)
    W1 = jax.random.normal(ks[3], (D, D), dtype=jnp.float32) * scale
    b1 = jnp.zeros((D,), dtype=jnp.float32)
    W2 = jax.random.normal(ks[4], (D, D), dtype=jnp.float32) * scale
    b2 = jnp.zeros((D,), dtype=jnp.float32)
    return {"x": x, "edge_index": edge_index, "W0": W0, "b0": b0, "W1": W1, "b1": b1, "W2": W2, "b2": b2}


def _gcn_layer(h, src, dst, W, b, act):
    # DGL GraphConv with norm='both': symmetric degree normalization,
    # message = gather(h*norm_out, src); aggregate = scatter-add on dst; then scale + linear.
    ones = jnp.ones((src.shape[0],), dtype=h.dtype)
    deg_out = jnp.zeros((N_NODES,), dtype=h.dtype).at[src].add(ones)
    deg_in = jnp.zeros((N_NODES,), dtype=h.dtype).at[dst].add(ones)
    norm_out = jax.lax.rsqrt(jnp.clip(deg_out, 1.0, None))
    norm_in = jax.lax.rsqrt(jnp.clip(deg_in, 1.0, None))
    h_scaled = h * norm_out[:, None]
    msgs = jnp.take(h_scaled, src, axis=0)
    agg = jnp.zeros((N_NODES, h.shape[1]), dtype=h.dtype).at[dst].add(msgs)
    agg = agg * norm_in[:, None]
    out = agg @ W + b
    return act(out)


def reference(x, edge_index, W0, b0, W1, b1, W2, b2):
    src = edge_index[0]
    dst = edge_index[1]
    # depth = len(hidden_dims) + 1 = 3 GCN layers; relu on all but last; residual_type='none'.
    h = _gcn_layer(x, src, dst, W0, b0, jax.nn.relu)
    h = _gcn_layer(h, src, dst, W1, b1, jax.nn.relu)
    h = _gcn_layer(h, src, dst, W2, b2, lambda t: t)
    return h

if __name__ == "__main__":
    import jax
    _d = setup_inputs()
    print(jax.jit(kernel)(*tuple(_d.values())))

</pallas_src>

<mosaic_0001>
#map = affine_map<(d0, d1) -> (0, 0)>
#map1 = affine_map<(d0, d1) -> (0, 0, 0)>
module attributes {stable_mosaic.version = 14 : i64} {
  func.func @_prop_body(%arg0: i32, %arg1: i32, %arg2: memref<10112x128xf32, #tpu.memory_space<hbm>>, %arg3: memref<32x80x64xi32, #tpu.memory_space<hbm>>, %arg4: memref<32x80x64xi32, #tpu.memory_space<hbm>>, %arg5: memref<2x10112x128xf32, #tpu.memory_space<hbm>>, %arg6: memref<2x64xi32, #tpu.memory_space<vmem>>, %arg7: memref<2x64xi32, #tpu.memory_space<vmem>>, %arg8: memref<2x128xi32, #tpu.memory_space<vmem>>, %arg9: memref<2x128xi32, #tpu.memory_space<vmem>>, %arg10: memref<2x128x128xf32, #tpu.memory_space<vmem>>, %arg11: memref<10112x128xf32, #tpu.memory_space<vmem_shared>>, %arg12: memref<!tpu.dma_semaphore, #tpu.memory_space<semaphore_mem>>, %arg13: memref<!tpu.dma_semaphore, #tpu.memory_space<semaphore_mem>>) attributes {dimension_semantics = [#tpu.dimension_semantics<core_parallel>, #tpu.dimension_semantics<subcore_parallel>], iteration_bounds = array<i64: 2, 16>, scalar_prefetch = 0 : i64, scratch_operands = 8 : i64, tpu.core_type = #tpu.core_type<sc_vector_subcore>, window_params = [{transform_indices = #map}, {transform_indices = #map1}, {transform_indices = #map1}, {transform_indices = #map1}]} {
    %mul3A = arith.constant 2 : i32
    %mul3A_0 = arith.muli %arg1, %mul3A : i32
    %add3A = arith.addi %mul3A_0, %arg0 : i32
    %dma_start3A = arith.constant 0 : i32
    %dma_start3A_1 = arith.constant 0 : i32
    %dma_start3A_2 = arith.constant 0 : i32
    %dma_start3A_3 = tpu.memref_slice %arg6[%dma_start3A_1, %dma_start3A_2] : memref<2x64xi32, #tpu.memory_space<vmem>> -> memref<1x64xi32, #tpu.memory_space<vmem>>
    %dma_start3A_4 = tpu.memref_squeeze %dma_start3A_3 : memref<1x64xi32, #tpu.memory_space<vmem>> -> memref<64xi32, #tpu.memory_space<vmem>>
    %dma_start3A_5 = arith.constant 0 : i32
    %dma_start3A_6 = tpu.memref_slice %arg3[%add3A, %dma_start3A, %dma_start3A_5] : memref<32x80x64xi32, #tpu.memory_space<hbm>> -> memref<1x1x64xi32, #tpu.memory_space<hbm>>
    %dma_start3A_7 = tpu.memref_squeeze %dma_start3A_6 : memref<1x1x64xi32, #tpu.memory_space<hbm>> -> memref<64xi32, #tpu.memory_space<hbm>>
    %dma_start3A_8 = arith.constant 0 : i32
    %dma_start3A_9 = tpu.memref_slice %arg6[%dma_start3A_1, %dma_start3A_8] : memref<2x64xi32, #tpu.memory_space<vmem>> -> memref<1x64xi32, #tpu.memory_space<vmem>>
    %dma_start3A_10 = tpu.memref_squeeze %dma_start3A_9 : memref<1x64xi32, #tpu.memory_space<vmem>> -> memref<64xi32, #tpu.memory_space<vmem>>
    %dma_start3A_11 = arith.constant 0 : i32
    %dma_start3A_12 = tpu.memref_slice %arg3[%add3A, %dma_start3A, %dma_start3A_11] : memref<32x80x64xi32, #tpu.memory_space<hbm>> -> memref<1x1x64xi32, #tpu.memory_space<hbm>>
    %dma_start3A_13 = tpu.memref_squeeze %dma_start3A_12 : memref<1x1x64xi32, #tpu.memory_space<hbm>> -> memref<64xi32, #tpu.memory_space<hbm>>
    tpu.enqueue_dma source(%dma_start3A_13 : memref<64xi32, #tpu.memory_space<hbm>>) target(%dma_start3A_10 : memref<64xi32, #tpu.memory_space<vmem>>) target_semaphore(%arg12 : memref<!tpu.dma_semaphore, #tpu.memory_space<semaphore_mem>>)
    %dma_start3A_14 = arith.constant 0 : i32
    %dma_start3A_15 = arith.constant 0 : i32
    %dma_start3A_16 = arith.constant 0 : i32
    %dma_start3A_17 = tpu.memref_slice %arg7[%dma_start3A_15, %dma_start3A_16] : memref<2x64xi32, #tpu.memory_space<vmem>> -> memref<1x64xi32, #tpu.memory_space<vmem>>
    %dma_start3A_18 = tpu.memref_squeeze %dma_start3A_17 : memref<1x64xi32, #tpu.memory_space<vmem>> -> memref<64xi32, #tpu.memory_space<vmem>>
    %dma_start3A_19 = arith.constant 0 : i32
    %dma_start3A_20 = tpu.memref_slice %arg4[%add3A, %dma_start3A_14, %dma_start3A_19] : memref<32x80x64xi32, #tpu.memory_space<hbm>> -> memref<1x1x64xi32, #tpu.memory_space<hbm>>
    %dma_start3A_21 = tpu.memref_squeeze %dma_start3A_20 : memref<1x1x64xi32, #tpu.memory_space<hbm>> -> memref<64xi32, #tpu.memory_space<hbm>>
    %dma_start3A_22 = arith.constant 0 : i32
    %dma_start3A_23 = tpu.memref_slice %arg7[%dma_start3A_15, %dma_start3A_22] : memref<2x64xi32, #tpu.memory_space<vmem>> -> memref<1x64xi32, #tpu.memory_space<vmem>>
    %dma_start3A_24 = tpu.memref_squeeze %dma_start3A_23 : memref<1x64xi32, #tpu.memory_space<vmem>> -> memref<64xi32, #tpu.memory_space<vmem>>
    %dma_start3A_25 = arith.constant 0 : i32
    %dma_start3A_26 = tpu.memref_slice %arg4[%add3A, %dma_start3A_14, %dma_start3A_25] : memref<32x80x64xi32, #tpu.memory_space<hbm>> -> memref<1x1x64xi32, #tpu.memory_space<hbm>>
    %dma_start3A_27 = tpu.memref_squeeze %dma_start3A_26 : memref<1x1x64xi32, #tpu.memory_space<hbm>> -> memref<64xi32, #tpu.memory_space<hbm>>
    tpu.enqueue_dma source(%dma_start3A_27 : memref<64xi32, #tpu.memory_space<hbm>>) target(%dma_start3A_24 : memref<64xi32, #tpu.memory_space<vmem>>) target_semaphore(%arg12 : memref<!tpu.dma_semaphore, #tpu.memory_space<semaphore_mem>>)
    %broadcast_in_dim3A = arith.constant 0.000000e+00 : f32
    %broadcast_in_dim3A_28 = vector.broadcast %broadcast_in_dim3A : f32 to vector<16xf32>
    %scan3A = arith.constant 0 : i32
    %scan3A_29 = arith.constant 128 : i32
    %scan3A_30 = arith.addi %scan3A, %scan3A_29 : i32
    %scan3A_31 = arith.constant 1 : i32
    scf.for %scan3A_357 = %scan3A to %scan3A_30 step %scan3A_31  : i32 {
      %mul3A_358 = arith.constant 1 : i32
      %mul3A_359 = arith.muli %scan3A_357, %mul3A_358 : i32
      %add3A_360 = arith.constant 0 : i32
      %add3A_361 = arith.addi %add3A_360, %mul3A_359 : i32
      %swap3A_362 = arith.constant 0 : i32
      %swap3A_363 = arith.index_cast %swap3A_362 : i32 to index
      %swap3A_364 = arith.index_cast %add3A_361 : i32 to index
      %swap3A_365 = arith.constant 0 : index
      %swap3A_366 = tpu.vector_load %arg10[%swap3A_363, %swap3A_364, %swap3A_365] {strides = array<i32>} : memref<2x128x128xf32, #tpu.memory_space<vmem>>, vector<16xf32>,
      tpu.vector_store %arg10[%swap3A_363, %swap3A_364, %swap3A_365], %broadcast_in_dim3A_28 {strides = array<i32>} : memref<2x128x128xf32, #tpu.memory_space<vmem>>, vector<16xf32>,
      %swap3A_367 = arith.constant 0 : i32
      %swap3A_368 = arith.index_cast %swap3A_367 : i32 to index
      %swap3A_369 = arith.index_cast %add3A_361 : i32 to index
      %swap3A_370 = arith.constant 16 : index
      %swap3A_371 = tpu.vector_load %arg10[%swap3A_368, %swap3A_369, %swap3A_370] {strides = array<i32>} : memref<2x128x128xf32, #tpu.memory_space<vmem>>, vector<16xf32>,
      tpu.vector_store %arg10[%swap3A_368, %swap3A_369, %swap3A_370], %broadcast_in_dim3A_28 {strides = array<i32>} : memref<2x128x128xf32, #tpu.memory_space<vmem>>, vector<16xf32>,
      %swap3A_372 = arith.constant 0 : i32
      %swap3A_373 = arith.index_cast %swap3A_372 : i32 to index
      %swap3A_374 = arith.index_cast %add3A_361 : i32 to index
      %swap3A_375 = arith.constant 32 : index
      %swap3A_376 = tpu.vector_load %arg10[%swap3A_373, %swap3A_374, %swap3A_375] {strides = array<i32>} : memref<2x128x128xf32, #tpu.memory_space<vmem>>, vector<16xf32>,
      tpu.vector_store %arg10[%swap3A_373, %swap3A_374, %swap3A_375], %broadcast_in_dim3A_28 {strides = array<i32>} : memref<2x128x128xf32, #tpu.memory_space<vmem>>, vector<16xf32>,
      %swap3A_377 = arith.constant 0 : i32
      %swap3A_378 = arith.index_cast %swap3A_377 : i32 to index
      %swap3A_379 = arith.index_cast %add3A_361 : i32 to index
      %swap3A_380 = arith.constant 48 : index
      %swap3A_381 = tpu.vector_load %arg10[%swap3A_378, %swap3A_379, %swap3A_380] {strides = array<i32>} : memref<2x128x128xf32, #tpu.memory_space<vmem>>, vector<16xf32>,
      tpu.vector_store %arg10[%swap3A_378, %swap3A_379, %swap3A_380], %broadcast_in_dim3A_28 {strides = array<i32>} : memref<2x128x128xf32, #tpu.memory_space<vmem>>, vector<16xf32>,
      %swap3A_382 = arith.constant 0 : i32
      %swap3A_383 = arith.index_cast %swap3A_382 : i32 to index
      %swap3A_384 = arith.index_cast %add3A_361 : i32 to index
      %swap3A_385 = arith.constant 64 : index
      %swap3A_386 = tpu.vector_load %arg10[%swap3A_383, %swap3A_384, %swap3A_385] {strides = array<i32>} : memref<2x128x128xf32, #tpu.memory_space<vmem>>, vector<16xf32>,
      tpu.vector_store %arg10[%swap3A_383, %swap3A_384, %swap3A_385], %broadcast_in_dim3A_28 {strides = array<i32>} : memref<2x128x128xf32, #tpu.memory_space<vmem>>, vector<16xf32>,
      %swap3A_387 = arith.constant 0 : i32
      %swap3A_388 = arith.index_cast %swap3A_387 : i32 to index
      %swap3A_389 = arith.index_cast %add3A_361 : i32 to index
      %swap3A_390 = arith.constant 80 : index
      %swap3A_391 = tpu.vector_load %arg10[%swap3A_388, %swap3A_389, %swap3A_390] {strides = array<i32>} : memref<2x128x128xf32, #tpu.memory_space<vmem>>, vector<16xf32>,
      tpu.vector_store %arg10[%swap3A_388, %swap3A_389, %swap3A_390], %broadcast_in_dim3A_28 {strides = array<i32>} : memref<2x128x128xf32, #tpu.memory_space<vmem>>, vector<16xf32>,
      %swap3A_392 = arith.constant 0 : i32
      %swap3A_393 = arith.index_cast %swap3A_392 : i32 to index
      %swap3A_394 = arith.index_cast %add3A_361 : i32 to index
      %swap3A_395 = arith.constant 96 : index
      %swap3A_396 = tpu.vector_load %arg10[%swap3A_393, %swap3A_394, %swap3A_395] {strides = array<i32>} : memref<2x128x128xf32, #tpu.memory_space<vmem>>, vector<16xf32>,
      tpu.vector_store %arg10[%swap3A_393, %swap3A_394, %swap3A_395], %broadcast_in_dim3A_28 {strides = array<i32>} : memref<2x128x128xf32, #tpu.memory_space<vmem>>, vector<16xf32>,
      %swap3A_397 = arith.constant 0 : i32
      %swap3A_398 = arith.index_cast %swap3A_397 : i32 to index
      %swap3A_399 = arith.index_cast %add3A_361 : i32 to index
      %swap3A_400 = arith.constant 112 : index
      %swap3A_401 = tpu.vector_load %arg10[%swap3A_398, %swap3A_399, %swap3A_400] {strides = array<i32>} : memref<2x128x128xf32, #tpu.memory_space<vmem>>, vector<16xf32>,
      tpu.vector_store %arg10[%swap3A_398, %swap3A_399, %swap3A_400], %broadcast_in_dim3A_28 {strides = array<i32>} : memref<2x128x128xf32, #tpu.memory_space<vmem>>, vector<16xf32>,
    }
    %scan3A_32 = arith.constant 128 : i32
    %mul3A_33 = arith.constant 632 : i32
    %mul3A_34 = arith.muli %arg1, %mul3A_33 : i32
    %add3A_35 = arith.constant 0 : i32
    %add3A_36 = arith.addi %mul3A_34, %add3A_35 : i32
    %run_scoped3A = arith.constant 0 : i32
    "tpu.region"() ({
      %run_scoped3A_357 = tpu.sem_alloc : memref<!tpu.dma_semaphore, #tpu.memory_space<semaphore_mem>>
      %dma_start3A_358 = arith.constant 0 : i32
      %dma_start3A_359 = arith.constant 0 : i32
      %dma_start3A_360 = tpu.memref_slice %arg10[%run_scoped3A, %dma_start3A_358, %dma_start3A_359] : memref<2x128x128xf32, #tpu.memory_space<vmem>> -> memref<1x128x128xf32, #tpu.memory_space<vmem>>
      %dma_start3A_361 = tpu.memref_squeeze %dma_start3A_360 : memref<1x128x128xf32, #tpu.memory_space<vmem>> -> memref<128x128xf32, #tpu.memory_space<vmem>>
      %dma_start3A_362 = arith.constant 0 : i32
      %dma_start3A_363 = tpu.memref_slice %arg11[%add3A_36, %dma_start3A_362] : memref<10112x128xf32, #tpu.memory_space<vmem_shared>> -> memref<128x128xf32, #tpu.memory_space<vmem_shared>>
      %dma_start3A_364 = arith.constant 0 : i32
      %dma_start3A_365 = tpu.memref_slice %arg11[%add3A_36, %dma_start3A_364] : memref<10112x128xf32, #tpu.memory_space<vmem_shared>> -> memref<128x128xf32, #tpu.memory_space<vmem_shared>>
      %dma_start3A_366 = arith.constant 0 : i32
      %dma_start3A_367 = arith.constant 0 : i32
      %dma_start3A_368 = tpu.memref_slice %arg10[%run_scoped3A, %dma_start3A_366, %dma_start3A_367] : memref<2x128x128xf32, #tpu.memory_space<vmem>> -> memref<1x128x128xf32, #tpu.memory_space<vmem>>
      %dma_start3A_369 = tpu.memref_squeeze %dma_start3A_368 : memref<1x128x128xf32, #tpu.memory_space<vmem>> -> memref<128x128xf32, #tpu.memory_space<vmem>>
      tpu.enqueue_dma source(%dma_start3A_369 : memref<128x128xf32, #tpu.memory_space<vmem>>) target(%dma_start3A_365 : memref<128x128xf32, #tpu.memory_space<vmem_shared>>) target_semaphore(%run_scoped3A_357 : memref<!tpu.dma_semaphore, #tpu.memory_space<semaphore_mem>>)
      %dma_wait3A_370 = arith.constant 0 : i32
      %dma_wait3A_371 = arith.constant 0 : i32
      %dma_wait3A_372 = tpu.memref_slice %arg10[%run_scoped3A, %dma_wait3A_370, %dma_wait3A_371] : memref<2x128x128xf32, #tpu.memory_space<vmem>> -> memref<1x128x128xf32, #tpu.memory_space<vmem>>
      %dma_wait3A_373 = tpu.memref_squeeze %dma_wait3A_372 : memref<1x128x128xf32, #tpu.memory_space<vmem>> -> memref<128x128xf32, #tpu.memory_space<vmem>>
      %dma_wait3A_374 = arith.constant 0 : i32
      %dma_wait3A_375 = tpu.memref_slice %arg11[%add3A_36, %dma_wait3A_374] : memref<10112x128xf32, #tpu.memory_space<vmem_shared>> -> memref<128x128xf32, #tpu.memory_space<vmem_shared>>
      %dma_wait3A_376 = arith.constant 0 : i32
      %dma_wait3A_377 = tpu.memref_slice %arg11[%add3A_36, %dma_wait3A_376] : memref<10112x128xf32, #tpu.memory_space<vmem_shared>> -> memref<128x128xf32, #tpu.memory_space<vmem_shared>>
      %dma_wait3A_378 = arith.constant 0 : i32
      %dma_wait3A_379 = arith.constant 0 : i32
      %dma_wait3A_380 = tpu.memref_slice %arg10[%run_scoped3A, %dma_wait3A_378, %dma_wait3A_379] : memref<2x128x128xf32, #tpu.memory_space<vmem>> -> memref<1x128x128xf32, #tpu.memory_space<vmem>>
      %dma_wait3A_381 = tpu.memref_squeeze %dma_wait3A_380 : memref<1x128x128xf32, #tpu.memory_space<vmem>> -> memref<128x128xf32, #tpu.memory_space<vmem>>
      tpu.wait_dma2 semaphore(%run_scoped3A_357 : memref<!tpu.dma_semaphore, #tpu.memory_space<semaphore_mem>>) src(%dma_wait3A_381 : memref<128x128xf32, #tpu.memory_space<vmem>>) dst(%dma_wait3A_377 : memref<128x128xf32, #tpu.memory_space<vmem_shared>>)
      tpu.yield
    }) : () -> ()
    %add3A_37 = arith.constant 128 : i32
    %add3A_38 = arith.addi %mul3A_34, %add3A_37 : i32
    %run_scoped3A_39 = arith.constant 0 : i32
    "tpu.region"() ({
      %run_scoped3A_357 = tpu.sem_alloc : memref<!tpu.dma_semaphore, #tpu.memory_space<semaphore_mem>>
      %dma_start3A_358 = arith.constant 0 : i32
      %dma_start3A_359 = arith.constant 0 : i32
      %dma_start3A_360 = tpu.memref_slice %arg10[%run_scoped3A_39, %dma_start3A_358, %dma_start3A_359] : memref<2x128x128xf32, #tpu.memory_space<vmem>> -> memref<1x128x128xf32, #tpu.memory_space<vmem>>
      %dma_start3A_361 = tpu.memref_squeeze %dma_start3A_360 : memref<1x128x128xf32, #tpu.memory_space<vmem>> -> memref<128x128xf32, #tpu.memory_space<vmem>>
      %dma_start3A_362 = arith.constant 0 : i32
      %dma_start3A_363 = tpu.memref_slice %arg11[%add3A_38, %dma_start3A_362] : memref<10112x128xf32, #tpu.memory_space<vmem_shared>> -> memref<128x128xf32, #tpu.memory_space<vmem_shared>>
      %dma_start3A_364 = arith.constant 0 : i32
      %dma_start3A_365 = tpu.memref_slice %arg11[%add3A_38, %dma_start3A_364] : memref<10112x128xf32, #tpu.memory_space<vmem_shared>> -> memref<128x128xf32, #tpu.memory_space<vmem_shared>>
      %dma_start3A_366 = arith.constant 0 : i32
      %dma_start3A_367 = arith.constant 0 : i32
      %dma_start3A_368 = tpu.memref_slice %arg10[%run_scoped3A_39, %dma_start3A_366, %dma_start3A_367] : memref<2x128x128xf32, #tpu.memory_space<vmem>> -> memref<1x128x128xf32, #tpu.memory_space<vmem>>
      %dma_start3A_369 = tpu.memref_squeeze %dma_start3A_368 : memref<1x128x128xf32, #tpu.memory_space<vmem>> -> memref<128x128xf32, #tpu.memory_space<vmem>>
      tpu.enqueue_dma source(%dma_start3A_369 : memref<128x128xf32, #tpu.memory_space<vmem>>) target(%dma_start3A_365 : memref<128x128xf32, #tpu.memory_space<vmem_shared>>) target_semaphore(%run_scoped3A_357 : memref<!tpu.dma_semaphore, #tpu.memory_space<semaphore_mem>>)
      %dma_wait3A_370 = arith.constant 0 : i32
      %dma_wait3A_371 = arith.constant 0 : i32
      %dma_wait3A_372 = tpu.memref_slice %arg10[%run_scoped3A_39, %dma_wait3A_370, %dma_wait3A_371] : memref<2x128x128xf32, #tpu.memory_space<vmem>> -> memref<1x128x128xf32, #tpu.memory_space<vmem>>
      %dma_wait3A_373 = tpu.memref_squeeze %dma_wait3A_372 : memref<1x128x128xf32, #tpu.memory_space<vmem>> -> memref<128x128xf32, #tpu.memory_space<vmem>>
      %dma_wait3A_374 = arith.constant 0 : i32
      %dma_wait3A_375 = tpu.memref_slice %arg11[%add3A_38, %dma_wait3A_374] : memref<10112x128xf32, #tpu.memory_space<vmem_shared>> -> memref<128x128xf32, #tpu.memory_space<vmem_shared>>
      %dma_wait3A_376 = arith.constant 0 : i32
      %dma_wait3A_377 = tpu.memref_slice %arg11[%add3A_38, %dma_wait3A_376] : memref<10112x128xf32, #tpu.memory_space<vmem_shared>> -> memref<128x128xf32, #tpu.memory_space<vmem_shared>>
      %dma_wait3A_378 = arith.constant 0 : i32
      %dma_wait3A_379 = arith.constant 0 : i32
      %dma_wait3A_380 = tpu.memref_slice %arg10[%run_scoped3A_39, %dma_wait3A_378, %dma_wait3A_379] : memref<2x128x128xf32, #tpu.memory_space<vmem>> -> memref<1x128x128xf32, #tpu.memory_space<vmem>>
      %dma_wait3A_381 = tpu.memref_squeeze %dma_wait3A_380 : memref<1x128x128xf32, #tpu.memory_space<vmem>> -> memref<128x128xf32, #tpu.memory_space<vmem>>
      tpu.wait_dma2 semaphore(%run_scoped3A_357 : memref<!tpu.dma_semaphore, #tpu.memory_space<semaphore_mem>>) src(%dma_wait3A_381 : memref<128x128xf32, #tpu.memory_space<vmem>>) dst(%dma_wait3A_377 : memref<128x128xf32, #tpu.memory_space<vmem_shared>>)
      tpu.yield
    }) : () -> ()
    %add3A_40 = arith.constant 256 : i32
    %add3A_41 = arith.addi %mul3A_34, %add3A_40 : i32
    %run_scoped3A_42 = arith.constant 0 : i32
    "tpu.region"() ({
      %run_scoped3A_357 = tpu.sem_alloc : memref<!tpu.dma_semaphore, #tpu.memory_space<semaphore_mem>>
      %dma_start3A_358 = arith.constant 0 : i32
      %dma_start3A_359 = arith.constant 0 : i32
      %dma_start3A_360 = tpu.memref_slice %arg10[%run_scoped3A_42, %dma_start3A_358, %dma_start3A_359] : memref<2x128x128xf32, #tpu.memory_space<vmem>> -> memref<1x128x128xf32, #tpu.memory_space<vmem>>
      %dma_start3A_361 = tpu.memref_squeeze %dma_start3A_360 : memref<1x128x128xf32, #tpu.memory_space<vmem>> -> memref<128x128xf32, #tpu.memory_space<vmem>>
      %dma_start3A_362 = arith.constant 0 : i32
      %dma_start3A_363 = tpu.memref_slice %arg11[%add3A_41, %dma_start3A_362] : memref<10112x128xf32, #tpu.memory_space<vmem_shared>> -> memref<128x128xf32, #tpu.memory_space<vmem_shared>>
      %dma_start3A_364 = arith.constant 0 : i32
      %dma_start3A_365 = tpu.memref_slice %arg11[%add3A_41, %dma_start3A_364] : memref<10112x128xf32, #tpu.memory_space<vmem_shared>> -> memref<128x128xf32, #tpu.memory_space<vmem_shared>>
      %dma_start3A_366 = arith.constant 0 : i32
      %dma_start3A_367 = arith.constant 0 : i32
      %dma_start3A_368 = tpu.memref_slice %arg10[%run_scoped3A_42, %dma_start3A_366, %dma_start3A_367] : memref<2x128x128xf32, #tpu.memory_space<vmem>> -> memref<1x128x128xf32, #tpu.memory_space<vmem>>
      %dma_start3A_369 = tpu.memref_squeeze %dma_start3A_368 : memref<1x128x128xf32, #tpu.memory_space<vmem>> -> memref<128x128xf32, #tpu.memory_space<vmem>>
      tpu.enqueue_dma source(%dma_start3A_369 : memref<128x128xf32, #tpu.memory_space<vmem>>) target(%dma_start3A_365 : memref<128x128xf32, #tpu.memory_space<vmem_shared>>) target_semaphore(%run_scoped3A_357 : memref<!tpu.dma_semaphore, #tpu.memory_space<semaphore_mem>>)
      %dma_wait3A_370 = arith.constant 0 : i32
      %dma_wait3A_371 = arith.constant 0 : i32
      %dma_wait3A_372 = tpu.memref_slice %arg10[%run_scoped3A_42, %dma_wait3A_370, %dma_wait3A_371] : memref<2x128x128xf32, #tpu.memory_space<vmem>> -> memref<1x128x128xf32, #tpu.memory_space<vmem>>
      %dma_wait3A_373 = tpu.memref_squeeze %dma_wait3A_372 : memref<1x128x128xf32, #tpu.memory_space<vmem>> -> memref<128x128xf32, #tpu.memory_space<vmem>>
      %dma_wait3A_374 = arith.constant 0 : i32
      %dma_wait3A_375 = tpu.memref_slice %arg11[%add3A_41, %dma_wait3A_374] : memref<10112x128xf32, #tpu.memory_space<vmem_shared>> -> memref<128x128xf32, #tpu.memory_space<vmem_shared>>
      %dma_wait3A_376 = arith.constant 0 : i32
      %dma_wait3A_377 = tpu.memref_slice %arg11[%add3A_41, %dma_wait3A_376] : memref<10112x128xf32, #tpu.memory_space<vmem_shared>> -> memref<128x128xf32, #tpu.memory_space<vmem_shared>>
      %dma_wait3A_378 = arith.constant 0 : i32
      %dma_wait3A_379 = arith.constant 0 : i32
      %dma_wait3A_380 = tpu.memref_slice %arg10[%run_scoped3A_42, %dma_wait3A_378, %dma_wait3A_379] : memref<2x128x128xf32, #tpu.memory_space<vmem>> -> memref<1x128x128xf32, #tpu.memory_space<vmem>>
      %dma_wait3A_381 = tpu.memref_squeeze %dma_wait3A_380 : memref<1x128x128xf32, #tpu.memory_space<vmem>> -> memref<128x128xf32, #tpu.memory_space<vmem>>
      tpu.wait_dma2 semaphore(%run_scoped3A_357 : memref<!tpu.dma_semaphore, #tpu.memory_space<semaphore_mem>>) src(%dma_wait3A_381 : memref<128x128xf32, #tpu.memory_space<vmem>>) dst(%dma_wait3A_377 : memref<128x128xf32, #tpu.memory_space<vmem_shared>>)
      tpu.yield
    }) : () -> ()
    %add3A_43 = arith.constant 384 : i32
    %add3A_44 = arith.addi %mul3A_34, %add3A_43 : i32
    %run_scoped3A_45 = arith.constant 0 : i32
    "tpu.region"() ({
      %run_scoped3A_357 = tpu.sem_alloc : memref<!tpu.dma_semaphore, #tpu.memory_space<semaphore_mem>>
      %dma_start3A_358 = arith.constant 0 : i32
      %dma_start3A_359 = arith.constant 0 : i32
      %dma_start3A_360 = tpu.memref_slice %arg10[%run_scoped3A_45, %dma_start3A_358, %dma_start3A_359] : memref<2x128x128xf32, #tpu.memory_space<vmem>> -> memref<1x128x128xf32, #tpu.memory_space<vmem>>
      %dma_start3A_361 = tpu.memref_squeeze %dma_start3A_360 : memref<1x128x128xf32, #tpu.memory_space<vmem>> -> memref<128x128xf32, #tpu.memory_space<vmem>>
      %dma_start3A_362 = arith.constant 0 : i32
      %dma_start3A_363 = tpu.memref_slice %arg11[%add3A_44, %dma_start3A_362] : memref<10112x128xf32, #tpu.memory_space<vmem_shared>> -> memref<128x128xf32, #tpu.memory_space<vmem_shared>>
      %dma_start3A_364 = arith.constant 0 : i32
      %dma_start3A_365 = tpu.memref_slice %arg11[%add3A_44, %dma_start3A_364] : memref<10112x128xf32, #tpu.memory_space<vmem_shared>> -> memref<128x128xf32, #tpu.memory_space<vmem_shared>>
      %dma_start3A_366 = arith.constant 0 : i32
      %dma_start3A_367 = arith.constant 0 : i32
      %dma_start3A_368 = tpu.memref_slice %arg10[%run_scoped3A_45, %dma_start3A_366, %dma_start3A_367] : memref<2x128x128xf32, #tpu.memory_space<vmem>> -> memref<1x128x128xf32, #tpu.memory_space<vmem>>
      %dma_start3A_369 = tpu.memref_squeeze %dma_start3A_368 : memref<1x128x128xf32, #tpu.memory_space<vmem>> -> memref<128x128xf32, #tpu.memory_space<vmem>>
      tpu.enqueue_dma source(%dma_start3A_369 : memref<128x128xf32, #tpu.memory_space<vmem>>) target(%dma_start3A_365 : memref<128x128xf32, #tpu.memory_space<vmem_shared>>) target_semaphore(%run_scoped3A_357 : memref<!tpu.dma_semaphore, #tpu.memory_space<semaphore_mem>>)
      %dma_wait3A_370 = arith.constant 0 : i32
      %dma_wait3A_371 = arith.constant 0 : i32
      %dma_wait3A_372 = tpu.memref_slice %arg10[%run_scoped3A_45, %dma_wait3A_370, %dma_wait3A_371] : memref<2x128x128xf32, #tpu.memory_space<vmem>> -> memref<1x128x128xf32, #tpu.memory_space<vmem>>
      %dma_wait3A_373 = tpu.memref_squeeze %dma_wait3A_372 : memref<1x128x128xf32, #tpu.memory_space<vmem>> -> memref<128x128xf32, #tpu.memory_space<vmem>>
      %dma_wait3A_374 = arith.constant 0 : i32
      %dma_wait3A_375 = tpu.memref_slice %arg11[%add3A_44, %dma_wait3A_374] : memref<10112x128xf32, #tpu.memory_space<vmem_shared>> -> memref<128x128xf32, #tpu.memory_space<vmem_shared>>
      %dma_wait3A_376 = arith.constant 0 : i32
      %dma_wait3A_377 = tpu.memref_slice %arg11[%add3A_44, %dma_wait3A_376] : memref<10112x128xf32, #tpu.memory_space<vmem_shared>> -> memref<128x128xf32, #tpu.memory_space<vmem_shared>>
      %dma_wait3A_378 = arith.constant 0 : i32
      %dma_wait3A_379 = arith.constant 0 : i32
      %dma_wait3A_380 = tpu.memref_slice %arg10[%run_scoped3A_45, %dma_wait3A_378, %dma_wait3A_379] : memref<2x128x128xf32, #tpu.memory_space<vmem>> -> memref<1x128x128xf32, #tpu.memory_space<vmem>>
      %dma_wait3A_381 = tpu.memref_squeeze %dma_wait3A_380 : memref<1x128x128xf32, #tpu.memory_space<vmem>> -> memref<128x128xf32, #tpu.memory_space<vmem>>
      tpu.wait_dma2 semaphore(%run_scoped3A_357 : memref<!tpu.dma_semaphore, #tpu.memory_space<semaphore_mem>>) src(%dma_wait3A_381 : memref<128x128xf32, #tpu.memory_space<vmem>>) dst(%dma_wait3A_377 : memref<128x128xf32, #tpu.memory_space<vmem_shared>>)
      tpu.yield
    }) : () -> ()
    %add3A_46 = arith.constant 512 : i32
    %add3A_47 = arith.addi %mul3A_34, %add3A_46 : i32
    %run_scoped3A_48 = arith.constant 0 : i32
    "tpu.region"() ({
      %run_scoped3A_357 = tpu.sem_alloc : memref<!tpu.dma_semaphore, #tpu.memory_space<semaphore_mem>>
      %dma_start3A_358 = arith.constant 0 : i32
      %dma_start3A_359 = arith.constant 0 : i32
      %dma_start3A_360 = tpu.memref_slice %arg10[%run_scoped3A_48, %dma_start3A_358, %dma_start3A_359] : memref<2x128x128xf32, #tpu.memory_space<vmem>> -> memref<1x120x128xf32, #tpu.memory_space<vmem>>
      %dma_start3A_361 = tpu.memref_squeeze %dma_start3A_360 : memref<1x120x128xf32, #tpu.memory_space<vmem>> -> memref<120x128xf32, #tpu.memory_space<vmem>>
      %dma_start3A_362 = arith.constant 0 : i32
      %dma_start3A_363 = tpu.memref_slice %arg11[%add3A_47, %dma_start3A_362] : memref<10112x128xf32, #tpu.memory_space<vmem_shared>> -> memref<120x128xf32, #tpu.memory_space<vmem_shared>>
      %dma_start3A_364 = arith.constant 0 : i32
      %dma_start3A_365 = tpu.memref_slice %arg11[%add3A_47, %dma_start3A_364] : memref<10112x128xf32, #tpu.memory_space<vmem_shared>> -> memref<120x128xf32, #tpu.memory_space<vmem_shared>>
      %dma_start3A_366 = arith.constant 0 : i32
      %dma_start3A_367 = arith.constant 0 : i32
      %dma_start3A_368 = tpu.memref_slice %arg10[%run_scoped3A_48, %dma_start3A_366, %dma_start3A_367] : memref<2x128x128xf32, #tpu.memory_space<vmem>> -> memref<1x120x128xf32, #tpu.memory_space<vmem>>
      %dma_start3A_369 = tpu.memref_squeeze %dma_start3A_368 : memref<1x120x128xf32, #tpu.memory_space<vmem>> -> memref<120x128xf32, #tpu.memory_space<vmem>>
      tpu.enqueue_dma source(%dma_start3A_369 : memref<120x128xf32, #tpu.memory_space<vmem>>) target(%dma_start3A_365 : memref<120x128xf32, #tpu.memory_space<vmem_shared>>) target_semaphore(%run_scoped3A_357 : memref<!tpu.dma_semaphore, #tpu.memory_space<semaphore_mem>>)
      %dma_wait3A_370 = arith.constant 0 : i32
      %dma_wait3A_371 = arith.constant 0 : i32
      %dma_wait3A_372 = tpu.memref_slice %arg10[%run_scoped3A_48, %dma_wait3A_370, %dma_wait3A_371] : memref<2x128x128xf32, #tpu.memory_space<vmem>> -> memref<1x120x128xf32, #tpu.memory_space<vmem>>
      %dma_wait3A_373 = tpu.memref_squeeze %dma_wait3A_372 : memref<1x120x128xf32, #tpu.memory_space<vmem>> -> memref<120x128xf32, #tpu.memory_space<vmem>>
      %dma_wait3A_374 = arith.constant 0 : i32
      %dma_wait3A_375 = tpu.memref_slice %arg11[%add3A_47, %dma_wait3A_374] : memref<10112x128xf32, #tpu.memory_space<vmem_shared>> -> memref<120x128xf32, #tpu.memory_space<vmem_shared>>
      %dma_wait3A_376 = arith.constant 0 : i32
      %dma_wait3A_377 = tpu.memref_slice %arg11[%add3A_47, %dma_wait3A_376] : memref<10112x128xf32, #tpu.memory_space<vmem_shared>> -> memref<120x128xf32, #tpu.memory_space<vmem_shared>>
      %dma_wait3A_378 = arith.constant 0 : i32
      %dma_wait3A_379 = arith.constant 0 : i32
      %dma_wait3A_380 = tpu.memref_slice %arg10[%run_scoped3A_48, %dma_wait3A_378, %dma_wait3A_379] : memref<2x128x128xf32, #tpu.memory_space<vmem>> -> memref<1x120x128xf32, #tpu.memory_space<vmem>>
      %dma_wait3A_381 = tpu.memref_squeeze %dma_wait3A_380 : memref<1x120x128xf32, #tpu.memory_space<vmem>> -> memref<120x128xf32, #tpu.memory_space<vmem>>
      tpu.wait_dma2 semaphore(%run_scoped3A_357 : memref<!tpu.dma_semaphore, #tpu.memory_space<semaphore_mem>>) src(%dma_wait3A_381 : memref<120x128xf32, #tpu.memory_space<vmem>>) dst(%dma_wait3A_377 : memref<120x128xf32, #tpu.memory_space<vmem_shared>>)
      tpu.yield
    }) : () -> ()
    %dma_wait3A = arith.constant 0 : i32
    %dma_wait3A_49 = arith.constant 0 : i32
    %dma_wait3A_50 = arith.constant 0 : i32
    %dma_wait3A_51 = tpu.memref_slice %arg6[%dma_wait3A_49, %dma_wait3A_50] : memref<2x64xi32, #tpu.memory_space<vmem>> -> memref<1x64xi32, #tpu.memory_space<vmem>>
    %dma_wait3A_52 = tpu.memref_squeeze %dma_wait3A_51 : memref<1x64xi32, #tpu.memory_space<vmem>> -> memref<64xi32, #tpu.memory_space<vmem>>
    %dma_wait3A_53 = arith.constant 0 : i32
    %dma_wait3A_54 = tpu.memref_slice %arg3[%add3A, %dma_wait3A, %dma_wait3A_53] : memref<32x80x64xi32, #tpu.memory_space<hbm>> -> memref<1x1x64xi32, #tpu.memory_space<hbm>>
    %dma_wait3A_55 = tpu.memref_squeeze %dma_wait3A_54 : memref<1x1x64xi32, #tpu.memory_space<hbm>> -> memref<64xi32, #tpu.memory_space<hbm>>
    %dma_wait3A_56 = arith.constant 0 : i32
    %dma_wait3A_57 = tpu.memref_slice %arg6[%dma_wait3A_49, %dma_wait3A_56] : memref<2x64xi32, #tpu.memory_space<vmem>> -> memref<1x64xi32, #tpu.memory_space<vmem>>
    %dma_wait3A_58 = tpu.memref_squeeze %dma_wait3A_57 : memref<1x64xi32, #tpu.memory_space<vmem>> -> memref<64xi32, #tpu.memory_space<vmem>>
    %dma_wait3A_59 = arith.constant 0 : i32
    %dma_wait3A_60 = tpu.memref_slice %arg3[%add3A, %dma_wait3A, %dma_wait3A_59] : memref<32x80x64xi32, #tpu.memory_space<hbm>> -> memref<1x1x64xi32, #tpu.memory_space<hbm>>
    %dma_wait3A_61 = tpu.memref_squeeze %dma_wait3A_60 : memref<1x1x64xi32, #tpu.memory_space<hbm>> -> memref<64xi32, #tpu.memory_space<hbm>>
    tpu.wait_dma2 semaphore(%arg12 : memref<!tpu.dma_semaphore, #tpu.memory_space<semaphore_mem>>) src(%dma_wait3A_61 : memref<64xi32, #tpu.memory_space<hbm>>) dst(%dma_wait3A_58 : memref<64xi32, #tpu.memory_space<vmem>>)
    %dma_wait3A_62 = arith.constant 0 : i32
    %dma_wait3A_63 = arith.constant 0 : i32
    %dma_wait3A_64 = arith.constant 0 : i32
    %dma_wait3A_65 = tpu.memref_slice %arg7[%dma_wait3A_63, %dma_wait3A_64] : memref<2x64xi32, #tpu.memory_space<vmem>> -> memref<1x64xi32, #tpu.memory_space<vmem>>
    %dma_wait3A_66 = tpu.memref_squeeze %dma_wait3A_65 : memref<1x64xi32, #tpu.memory_space<vmem>> -> memref<64xi32, #tpu.memory_space<vmem>>
    %dma_wait3A_67 = arith.constant 0 : i32
    %dma_wait3A_68 = tpu.memref_slice %arg4[%add3A, %dma_wait3A_62, %dma_wait3A_67] : memref<32x80x64xi32, #tpu.memory_space<hbm>> -> memref<1x1x64xi32, #tpu.memory_space<hbm>>
    %dma_wait3A_69 = tpu.memref_squeeze %dma_wait3A_68 : memref<1x1x64xi32, #tpu.memory_space<hbm>> -> memref<64xi32, #tpu.memory_space<hbm>>
    %dma_wait3A_70 = arith.constant 0 : i32
    %dma_wait3A_71 = tpu.memref_slice %arg7[%dma_wait3A_63, %dma_wait3A_70] : memref<2x64xi32, #tpu.memory_space<vmem>> -> memref<1x64xi32, #tpu.memory_space<vmem>>
    %dma_wait3A_72 = tpu.memref_squeeze %dma_wait3A_71 : memref<1x64xi32, #tpu.memory_space<vmem>> -> memref<64xi32, #tpu.memory_space<vmem>>
    %dma_wait3A_73 = arith.constant 0 : i32
    %dma_wait3A_74 = tpu.memref_slice %arg4[%add3A, %dma_wait3A_62, %dma_wait3A_73] : memref<32x80x64xi32, #tpu.memory_space<hbm>> -> memref<1x1x64xi32, #tpu.memory_space<hbm>>
    %dma_wait3A_75 = tpu.memref_squeeze %dma_wait3A_74 : memref<1x1x64xi32, #tpu.memory_space<hbm>> -> memref<64xi32, #tpu.memory_space<hbm>>
    tpu.wait_dma2 semaphore(%arg12 : memref<!tpu.dma_semaphore, #tpu.memory_space<semaphore_mem>>) src(%dma_wait3A_75 : memref<64xi32, #tpu.memory_space<hbm>>) dst(%dma_wait3A_72 : memref<64xi32, #tpu.memory_space<vmem>>)
    %dma_start3A_76 = arith.constant 1 : i32
    %dma_start3A_77 = arith.constant 1 : i32
    %dma_start3A_78 = arith.constant 0 : i32
    %dma_start3A_79 = tpu.memref_slice %arg6[%dma_start3A_77, %dma_start3A_78] : memref<2x64xi32, #tpu.memory_space<vmem>> -> memref<1x64xi32, #tpu.memory_space<vmem>>
    %dma_start3A_80 = tpu.memref_squeeze %dma_start3A_79 : memref<1x64xi32, #tpu.memory_space<vmem>> -> memref<64xi32, #tpu.memory_space<vmem>>
    %dma_start3A_81 = arith.constant 0 : i32
    %dma_start3A_82 = tpu.memref_slice %arg3[%add3A, %dma_start3A_76, %dma_start3A_81] : memref<32x80x64xi32, #tpu.memory_space<hbm>> -> memref<1x1x64xi32, #tpu.memory_space<hbm>>
    %dma_start3A_83 = tpu.memref_squeeze %dma_start3A_82 : memref<1x1x64xi32, #tpu.memory_space<hbm>> -> memref<64xi32, #tpu.memory_space<hbm>>
    %dma_start3A_84 = arith.constant 0 : i32
    %dma_start3A_85 = tpu.memref_slice %arg6[%dma_start3A_77, %dma_start3A_84] : memref<2x64xi32, #tpu.memory_space<vmem>> -> memref<1x64xi32, #tpu.memory_space<vmem>>
    %dma_start3A_86 = tpu.memref_squeeze %dma_start3A_85 : memref<1x64xi32, #tpu.memory_space<vmem>> -> memref<64xi32, #tpu.memory_space<vmem>>
    %dma_start3A_87 = arith.constant 0 : i32
    %dma_start3A_88 = tpu.memref_slice %arg3[%add3A, %dma_start3A_76, %dma_start3A_87] : memref<32x80x64xi32, #tpu.memory_space<hbm>> -> memref<1x1x64xi32, #tpu.memory_space<hbm>>
    %dma_start3A_89 = tpu.memref_squeeze %dma_start3A_88 : memref<1x1x64xi32, #tpu.memory_space<hbm>> -> memref<64xi32, #tpu.memory_space<hbm>>
    tpu.enqueue_dma source(%dma_start3A_89 : memref<64xi32, #tpu.memory_space<hbm>>) target(%dma_start3A_86 : memref<64xi32, #tpu.memory_space<vmem>>) target_semaphore(%arg12 : memref<!tpu.dma_semaphore, #tpu.memory_space<semaphore_mem>>)
    %dma_start3A_90 = arith.constant 1 : i32
    %dma_start3A_91 = arith.constant 1 : i32
    %dma_start3A_92 = arith.constant 0 : i32
    %dma_start3A_93 = tpu.memref_slice %arg7[%dma_start3A_91, %dma_start3A_92] : memref<2x64xi32, #tpu.memory_space<vmem>> -> memref<1x64xi32, #tpu.memory_space<vmem>>
    %dma_start3A_94 = tpu.memref_squeeze %dma_start3A_93 : memref<1x64xi32, #tpu.memory_space<vmem>> -> memref<64xi32, #tpu.memory_space<vmem>>
    %dma_start3A_95 = arith.constant 0 : i32
    %dma_start3A_96 = tpu.memref_slice %arg4[%add3A, %dma_start3A_90, %dma_start3A_95] : memref<32x80x64xi32, #tpu.memory_space<hbm>> -> memref<1x1x64xi32, #tpu.memory_space<hbm>>
    %dma_start3A_97 = tpu.memref_squeeze %dma_start3A_96 : memref<1x1x64xi32, #tpu.memory_space<hbm>> -> memref<64xi32, #tpu.memory_space<hbm>>
    %dma_start3A_98 = arith.constant 0 : i32
    %dma_start3A_99 = tpu.memref_slice %arg7[%dma_start3A_91, %dma_start3A_98] : memref<2x64xi32, #tpu.memory_space<vmem>> -> memref<1x64xi32, #tpu.memory_space<vmem>>
    %dma_start3A_100 = tpu.memref_squeeze %dma_start3A_99 : memref<1x64xi32, #tpu.memory_space<vmem>> -> memref<64xi32, #tpu.memory_space<vmem>>
    %dma_start3A_101 = arith.constant 0 : i32
    %dma_start3A_102 = tpu.memref_slice %arg4[%add3A, %dma_start3A_90, %dma_start3A_101] : memref<32x80x64xi32, #tpu.memory_space<hbm>> -> memref<1x1x64xi32, #tpu.memory_space<hbm>>
    %dma_start3A_103 = tpu.memref_squeeze %dma_start3A_102 : memref<1x1x64xi32, #tpu.memory_space<hbm>> -> memref<64xi32, #tpu.memory_space<hbm>>
    tpu.enqueue_dma source(%dma_start3A_103 : memref<64xi32, #tpu.memory_space<hbm>>) target(%dma_start3A_100 : memref<64xi32, #tpu.memory_space<vmem>>) target_semaphore(%arg12 : memref<!tpu.dma_semaphore, #tpu.memory_space<semaphore_mem>>)
    %get3A = arith.constant 0 : i32
    %get3A_104 = arith.constant 0 : i32
    %get3A_105 = tpu.memref_slice %arg6[%get3A, %get3A_104] : memref<2x64xi32, #tpu.memory_space<vmem>> -> memref<1x64xi32, #tpu.memory_space<vmem>>
    %get3A_106 = tpu.memref_squeeze %get3A_105 : memref<1x64xi32, #tpu.memory_space<vmem>> -> memref<64xi32, #tpu.memory_space<vmem>>
    %get3A_107 = arith.constant 0 : index
    %get3A_108 = tpu.vector_load %get3A_106[%get3A_107] {strides = array<i32>} : memref<64xi32, #tpu.memory_space<vmem>>, vector<16xi32>,
    %and3A = arith.constant 65535 : i32
    %and3A_109 = vector.broadcast %and3A : i32 to vector<16xi32>
    %and3A_110 = arith.andi %get3A_108, %and3A_109 : vector<16xi32>
    %sub3A = arith.constant 0 : i32
    %sub3A_111 = vector.broadcast %sub3A : i32 to vector<16xi32>
    %sub3A_112 = arith.subi %and3A_110, %sub3A_111 : vector<16xi32>
    %shift_right_logical3A = arith.constant 16 : i32
    %shift_right_logical3A_113 = vector.broadcast %shift_right_logical3A : i32 to vector<16xi32>
    %shift_right_logical3A_114 = arith.shrui %get3A_108, %shift_right_logical3A_113 : vector<16xi32>
    %sub3A_115 = arith.constant 0 : i32
    %sub3A_116 = vector.broadcast %sub3A_115 : i32 to vector<16xi32>
    %sub3A_117 = arith.subi %shift_right_logical3A_114, %sub3A_116 : vector<16xi32>
    %swap3A = arith.constant 0 : i32
    %swap3A_118 = arith.constant 0 : i32
    %swap3A_119 = tpu.memref_slice %arg8[%swap3A, %swap3A_118] : memref<2x128xi32, #tpu.memory_space<vmem>> -> memref<1x128xi32, #tpu.memory_space<vmem>>
    %swap3A_120 = tpu.memref_squeeze %swap3A_119 : memref<1x128xi32, #tpu.memory_space<vmem>> -> memref<128xi32, #tpu.memory_space<vmem>>
    %swap3A_121 = arith.constant 0 : index
    %swap3A_122 = tpu.vector_load %swap3A_120[%swap3A_121] {strides = array<i32>} : memref<128xi32, #tpu.memory_space<vmem>>, vector<16xi32>,
    tpu.vector_store %swap3A_120[%swap3A_121], %sub3A_112 {strides = array<i32>} : memref<128xi32, #tpu.memory_space<vmem>>, vector<16xi32>,
    %swap3A_123 = arith.constant 0 : i32
    %swap3A_124 = arith.constant 0 : i32
    %swap3A_125 = tpu.memref_slice %arg8[%swap3A_123, %swap3A_124] : memref<2x128xi32, #tpu.memory_space<vmem>> -> memref<1x128xi32, #tpu.memory_space<vmem>>
    %swap3A_126 = tpu.memref_squeeze %swap3A_125 : memref<1x128xi32, #tpu.memory_space<vmem>> -> memref<128xi32, #tpu.memory_space<vmem>>
    %swap3A_127 = arith.constant 16 : index
    %swap3A_128 = tpu.vector_load %swap3A_126[%swap3A_127] {strides = array<i32>} : memref<128xi32, #tpu.memory_space<vmem>>, vector<16xi32>,
    tpu.vector_store %swap3A_126[%swap3A_127], %sub3A_117 {strides = array<i32>} : memref<128xi32, #tpu.memory_space<vmem>>, vector<16xi32>,
    %get3A_129 = arith.constant 0 : i32
    %get3A_130 = arith.constant 0 : i32
    %get3A_131 = tpu.memref_slice %arg6[%get3A_129, %get3A_130] : memref<2x64xi32, #tpu.memory_space<vmem>> -> memref<1x64xi32, #tpu.memory_space<vmem>>
    %get3A_132 = tpu.memref_squeeze %get3A_131 : memref<1x64xi32, #tpu.memory_space<vmem>> -> memref<64xi32, #tpu.memory_space<vmem>>
    %get3A_133 = arith.constant 16 : index
    %get3A_134 = tpu.vector_load %get3A_132[%get3A_133] {strides = array<i32>} : memref<64xi32, #tpu.memory_space<vmem>>, vector<16xi32>,
    %and3A_135 = arith.constant 65535 : i32
    %and3A_136 = vector.broadcast %and3A_135 : i32 to vector<16xi32>
    %and3A_137 = arith.andi %get3A_134, %and3A_136 : vector<16xi32>
    %sub3A_138 = arith.constant 0 : i32
    %sub3A_139 = vector.broadcast %sub3A_138 : i32 to vector<16xi32>
    %sub3A_140 = arith.subi %and3A_137, %sub3A_139 : vector<16xi32>
    %shift_right_logical3A_141 = arith.constant 16 : i32
    %shift_right_logical3A_142 = vector.broadcast %shift_right_logical3A_141 : i32 to vector<16xi32>
    %shift_right_logical3A_143 = arith.shrui %get3A_134, %shift_right_logical3A_142 : vector<16xi32>
    %sub3A_144 = arith.constant 0 : i32
    %sub3A_145 = vector.broadcast %sub3A_144 : i32 to vector<16xi32>
    %sub3A_146 = arith.subi %shift_right_logical3A_143, %sub3A_145 : vector<16xi32>
    %swap3A_147 = arith.constant 0 : i32
    %swap3A_148 = arith.constant 0 : i32
    %swap3A_149 = tpu.memref_slice %arg8[%swap3A_147, %swap3A_148] : memref<2x128xi32, #tpu.memory_space<vmem>> -> memref<1x128xi32, #tpu.memory_space<vmem>>
    %swap3A_150 = tpu.memref_squeeze %swap3A_149 : memref<1x128xi32, #tpu.memory_space<vmem>> -> memref<128xi32, #tpu.memory_space<vmem>>
    %swap3A_151 = arith.constant 32 : index
    %swap3A_152 = tpu.vector_load %swap3A_150[%swap3A_151] {strides = array<i32>} : memref<128xi32, #tpu.memory_space<vmem>>, vector<16xi32>,
    tpu.vector_store %swap3A_150[%swap3A_151], %sub3A_140 {strides = array<i32>} : memref<128xi32, #tpu.memory_space<vmem>>, vector<16xi32>,
    %swap3A_153 = arith.constant 0 : i32
    %swap3A_154 = arith.constant 0 : i32
    %swap3A_155 = tpu.memref_slice %arg8[%swap3A_153, %swap3A_154] : memref<2x128xi32, #tpu.memory_space<vmem>> -> memref<1x128xi32, #tpu.memory_space<vmem>>
    %swap3A_156 = tpu.memref_squeeze %swap3A_155 : memref<1x128xi32, #tpu.memory_space<vmem>> -> memref<128xi32, #tpu.memory_space<vmem>>
    %swap3A_157 = arith.constant 48 : index
    %swap3A_158 = tpu.vector_load %swap3A_156[%swap3A_157] {strides = array<i32>} : memref<128xi32, #tpu.memory_space<vmem>>, vector<16xi32>,
    tpu.vector_store %swap3A_156[%swap3A_157], %sub3A_146 {strides = array<i32>} : memref<128xi32, #tpu.memory_space<vmem>>, vector<16xi32>,
    %get3A_159 = arith.constant 0 : i32
    %get3A_160 = arith.constant 0 : i32
    %get3A_161 = tpu.memref_slice %arg6[%get3A_159, %get3A_160] : memref<2x64xi32, #tpu.memory_space<vmem>> -> memref<1x64xi32, #tpu.memory_space<vmem>>
    %get3A_162 = tpu.memref_squeeze %get3A_161 : memref<1x64xi32, #tpu.memory_space<vmem>> -> memref<64xi32, #tpu.memory_space<vmem>>
    %get3A_163 = arith.constant 32 : index
    %get3A_164 = tpu.vector_load %get3A_162[%get3A_163] {strides = array<i32>} : memref<64xi32, #tpu.memory_space<vmem>>, vector<16xi32>,
    %and3A_165 = arith.constant 65535 : i32
    %and3A_166 = vector.broadcast %and3A_165 : i32 to vector<16xi32>
    %and3A_167 = arith.andi %get3A_164, %and3A_166 : vector<16xi32>
    %sub3A_168 = arith.constant 0 : i32
    %sub3A_169 = vector.broadcast %sub3A_168 : i32 to vector<16xi32>
    %sub3A_170 = arith.subi %and3A_167, %sub3A_169 : vector<16xi32>
    %shift_right_logical3A_171 = arith.constant 16 : i32
    %shift_right_logical3A_172 = vector.broadcast %shift_right_logical3A_171 : i32 to vector<16xi32>
    %shift_right_logical3A_173 = arith.shrui %get3A_164, %shift_right_logical3A_172 : vector<16xi32>
    %sub3A_174 = arith.constant 0 : i32
    %sub3A_175 = vector.broadcast %sub3A_174 : i32 to vector<16xi32>
    %sub3A_176 = arith.subi %shift_right_logical3A_173, %sub3A_175 : vector<16xi32>
    %swap3A_177 = arith.constant 0 : i32
    %swap3A_178 = arith.constant 0 : i32
    %swap3A_179 = tpu.memref_slice %arg8[%swap3A_177, %swap3A_178] : memref<2x128xi32, #tpu.memory_space<vmem>> -> memref<1x128xi32, #tpu.memory_space<vmem>>
    %swap3A_180 = tpu.memref_squeeze %swap3A_179 : memref<1x128xi32, #tpu.memory_space<vmem>> -> memref<128xi32, #tpu.memory_space<vmem>>
    %swap3A_181 = arith.constant 64 : index
    %swap3A_182 = tpu.vector_load %swap3A_180[%swap3A_181] {strides = array<i32>} : memref<128xi32, #tpu.memory_space<vmem>>, vector<16xi32>,
    tpu.vector_store %swap3A_180[%swap3A_181], %sub3A_170 {strides = array<i32>} : memref<128xi32, #tpu.memory_space<vmem>>, vector<16xi32>,
    %swap3A_183 = arith.constant 0 : i32
    %swap3A_184 = arith.constant 0 : i32
    %swap3A_185 = tpu.memref_slice %arg8[%swap3A_183, %swap3A_184] : memref<2x128xi32, #tpu.memory_space<vmem>> -> memref<1x128xi32, #tpu.memory_space<vmem>>
    %swap3A_186 = tpu.memref_squeeze %swap3A_185 : memref<1x128xi32, #tpu.memory_space<vmem>> -> memref<128xi32, #tpu.memory_space<vmem>>
    %swap3A_187 = arith.constant 80 : index
    %swap3A_188 = tpu.vector_load %swap3A_186[%swap3A_187] {strides = array<i32>} : memref<128xi32, #tpu.memory_space<vmem>>, vector<16xi32>,
    tpu.vector_store %swap3A_186[%swap3A_187], %sub3A_176 {strides = array<i32>} : memref<128xi32, #tpu.memory_space<vmem>>, vector<16xi32>,
    %get3A_189 = arith.constant 0 : i32
    %get3A_190 = arith.constant 0 : i32
    %get3A_191 = tpu.memref_slice %arg6[%get3A_189, %get3A_190] : memref<2x64xi32, #tpu.memory_space<vmem>> -> memref<1x64xi32, #tpu.memory_space<vmem>>
    %get3A_192 = tpu.memref_squeeze %get3A_191 : memref<1x64xi32, #tpu.memory_space<vmem>> -> memref<64xi32, #tpu.memory_space<vmem>>
    %get3A_193 = arith.constant 48 : index
    %get3A_194 = tpu.vector_load %get3A_192[%get3A_193] {strides = array<i32>} : memref<64xi32, #tpu.memory_space<vmem>>, vector<16xi32>,
    %and3A_195 = arith.constant 65535 : i32
    %and3A_196 = vector.broadcast %and3A_195 : i32 to vector<16xi32>
    %and3A_197 = arith.andi %get3A_194, %and3A_196 : vector<16xi32>
    %sub3A_198 = arith.constant 0 : i32
    %sub3A_199 = vector.broadcast %sub3A_198 : i32 to vector<16xi32>
    %sub3A_200 = arith.subi %and3A_197, %sub3A_199 : vector<16xi32>
    %shift_right_logical3A_201 = arith.constant 16 : i32
    %shift_right_logical3A_202 = vector.broadcast %shift_right_logical3A_201 : i32 to vector<16xi32>
    %shift_right_logical3A_203 = arith.shrui %get3A_194, %shift_right_logical3A_202 : vector<16xi32>
    %sub3A_204 = arith.constant 0 : i32
    %sub3A_205 = vector.broadcast %sub3A_204 : i32 to vector<16xi32>
    %sub3A_206 = arith.subi %shift_right_logical3A_203, %sub3A_205 : vector<16xi32>
    %swap3A_207 = arith.constant 0 : i32
    %swap3A_208 = arith.constant 0 : i32
    %swap3A_209 = tpu.memref_slice %arg8[%swap3A_207, %swap3A_208] : memref<2x128xi32, #tpu.memory_space<vmem>> -> memref<1x128xi32, #tpu.memory_space<vmem>>
    %swap3A_210 = tpu.memref_squeeze %swap3A_209 : memref<1x128xi32, #tpu.memory_space<vmem>> -> memref<128xi32, #tpu.memory_space<vmem>>
    %swap3A_211 = arith.constant 96 : index
    %swap3A_212 = tpu.vector_load %swap3A_210[%swap3A_211] {strides = array<i32>} : memref<128xi32, #tpu.memory_space<vmem>>, vector<16xi32>,
    tpu.vector_store %swap3A_210[%swap3A_211], %sub3A_200 {strides = array<i32>} : memref<128xi32, #tpu.memory_space<vmem>>, vector<16xi32>,
    %swap3A_213 = arith.constant 0 : i32
    %swap3A_214 = arith.constant 0 : i32
    %swap3A_215 = tpu.memref_slice %arg8[%swap3A_213, %swap3A_214] : memref<2x128xi32, #tpu.memory_space<vmem>> -> memref<1x128xi32, #tpu.memory_space<vmem>>
    %swap3A_216 = tpu.memref_squeeze %swap3A_215 : memref<1x128xi32, #tpu.memory_space<vmem>> -> memref<128xi32, #tpu.memory_space<vmem>>
    %swap3A_217 = arith.constant 112 : index
    %swap3A_218 = tpu.vector_load %swap3A_216[%swap3A_217] {strides = array<i32>} : memref<128xi32, #tpu.memory_space<vmem>>, vector<16xi32>,
    tpu.vector_store %swap3A_216[%swap3A_217], %sub3A_206 {strides = array<i32>} : memref<128xi32, #tpu.memory_space<vmem>>, vector<16xi32>,
    %get3A_219 = arith.constant 0 : i32
    %get3A_220 = arith.constant 0 : i32
    %get3A_221 = tpu.memref_slice %arg7[%get3A_219, %get3A_220] : memref<2x64xi32, #tpu.memory_space<vmem>> -> memref<1x64xi32, #tpu.memory_space<vmem>>
    %get3A_222 = tpu.memref_squeeze %get3A_221 : memref<1x64xi32, #tpu.memory_space<vmem>> -> memref<64xi32, #tpu.memory_space<vmem>>
    %get3A_223 = arith.constant 0 : index
    %get3A_224 = tpu.vector_load %get3A_222[%get3A_223] {strides = array<i32>} : memref<64xi32, #tpu.memory_space<vmem>>, vector<16xi32>,
    %and3A_225 = arith.constant 65535 : i32
    %and3A_226 = vector.broadcast %and3A_225 : i32 to vector<16xi32>
    %and3A_227 = arith.andi %get3A_224, %and3A_226 : vector<16xi32>
    %sub3A_228 = arith.constant 0 : i32
    %sub3A_229 = vector.broadcast %sub3A_228 : i32 to vector<16xi32>
    %sub3A_230 = arith.subi %and3A_227, %sub3A_229 : vector<16xi32>
    %shift_right_logical3A_231 = arith.constant 16 : i32
    %shift_right_logical3A_232 = vector.broadcast %shift_right_logical3A_231 : i32 to vector<16xi32>
    %shift_right_logical3A_233 = arith.shrui %get3A_224, %shift_right_logical3A_232 : vector<16xi32>
    %sub3A_234 = arith.constant 0 : i32
    %sub3A_235 = vector.broadcast %sub3A_234 : i32 to vector<16xi32>
    %sub3A_236 = arith.subi %shift_right_logical3A_233, %sub3A_235 : vector<16xi32>
    %swap3A_237 = arith.constant 0 : i32
    %swap3A_238 = arith.constant 0 : i32
    %swap3A_239 = tpu.memref_slice %arg9[%swap3A_237, %swap3A_238] : memref<2x128xi32, #tpu.memory_space<vmem>> -> memref<1x128xi32, #tpu.memory_space<vmem>>
    %swap3A_240 = tpu.memref_squeeze %swap3A_239 : memref<1x128xi32, #tpu.memory_space<vmem>> -> memref<128xi32, #tpu.memory_space<vmem>>
    %swap3A_241 = arith.constant 0 : index
    %swap3A_242 = tpu.vector_load %swap3A_240[%swap3A_241] {strides = array<i32>} : memref<128xi32, #tpu.memory_space<vmem>>, vector<16xi32>,
    tpu.vector_store %swap3A_240[%swap3A_241], %sub3A_230 {strides = array<i32>} : memref<128xi32, #tpu.memory_space<vmem>>, vector<16xi32>,
    %swap3A_243 = arith.constant 0 : i32
    %swap3A_244 = arith.constant 0 : i32
    %swap3A_245 = tpu.memref_slice %arg9[%swap3A_243, %swap3A_244] : memref<2x128xi32, #tpu.memory_space<vmem>> -> memref<1x128xi32, #tpu.memory_space<vmem>>
    %swap3A_246 = tpu.memref_squeeze %swap3A_245 : memref<1x128xi32, #tpu.memory_space<vmem>> -> memref<128xi32, #tpu.memory_space<vmem>>
    %swap3A_247 = arith.constant 16 : index
    %swap3A_248 = tpu.vector_load %swap3A_246[%swap3A_247] {strides = array<i32>} : memref<128xi32, #tpu.memory_space<vmem>>, vector<16xi32>,
    tpu.vector_store %swap3A_246[%swap3A_247], %sub3A_236 {strides = array<i32>} : memref<128xi32, #tpu.memory_space<vmem>>, vector<16xi32>,
    %get3A_249 = arith.constant 0 : i32
    %get3A_250 = arith.constant 0 : i32
    %get3A_251 = tpu.memref_slice %arg7[%get3A_249, %get3A_250] : memref<2x64xi32, #tpu.memory_space<vmem>> -> memref<1x64xi32, #tpu.memory_space<vmem>>
    %get3A_252 = tpu.memref_squeeze %get3A_251 : memref<1x64xi32, #tpu.memory_space<vmem>> -> memref<64xi32, #tpu.memory_space<vmem>>
    %get3A_253 = arith.constant 16 : index
    %get3A_254 = tpu.vector_load %get3A_252[%get3A_253] {strides = array<i32>} : memref<64xi32, #tpu.memory_space<vmem>>, vector<16xi32>,
    %and3A_255 = arith.constant 65535 : i32
    %and3A_256 = vector.broadcast %and3A_255 : i32 to vector<16xi32>
    %and3A_257 = arith.andi %get3A_254, %and3A_256 : vector<16xi32>
    %sub3A_258 = arith.constant 0 : i32
    %sub3A_259 = vector.broadcast %sub3A_258 : i32 to vector<16xi32>
    %sub3A_260 = arith.subi %and3A_257, %sub3A_259 : vector<16xi32>
    %shift_right_logical3A_261 = arith.constant 16 : i32
    %shift_right_logical3A_262 = vector.broadcast %shift_right_logical3A_261 : i32 to vector<16xi32>
    %shift_right_logical3A_263 = arith.shrui %get3A_254, %shift_right_logical3A_262 : vector<16xi32>
    %sub3A_264 = arith.constant 0 : i32
    %sub3A_265 = vector.broadcast %sub3A_264 : i32 to vector<16xi32>
    %sub3A_266 = arith.subi %shift_right_logical3A_263, %sub3A_265 : vector<16xi32>
    %swap3A_267 = arith.constant 0 : i32
    %swap3A_268 = arith.constant 0 : i32
    %swap3A_269 = tpu.memref_slice %arg9[%swap3A_267, %swap3A_268] : memref<2x128xi32, #tpu.memory_space<vmem>> -> memref<1x128xi32, #tpu.memory_space<vmem>>
    %swap3A_270 = tpu.memref_squeeze %swap3A_269 : memref<1x128xi32, #tpu.memory_space<vmem>> -> memref<128xi32, #tpu.memory_space<vmem>>
    %swap3A_271 = arith.constant 32 : index
    %swap3A_272 = tpu.vector_load %swap3A_270[%swap3A_271] {strides = array<i32>} : memref<128xi32, #tpu.memory_space<vmem>>, vector<16xi32>,
    tpu.vector_store %swap3A_270[%swap3A_271], %sub3A_260 {strides = array<i32>} : memref<128xi32, #tpu.memory_space<vmem>>, vector<16xi32>,
    %swap3A_273 = arith.constant 0 : i32
    %swap3A_274 = arith.constant 0 : i32
    %swap3A_275 = tpu.memref_slice %arg9[%swap3A_273, %swap3A_274] : memref<2x128xi32, #tpu.memory_space<vmem>> -> memref<1x128xi32, #tpu.memory_space<vmem>>
    %swap3A_276 = tpu.memref_squeeze %swap3A_275 : memref<1x128xi32, #tpu.memory_space<vmem>> -> memref<128xi32, #tpu.memory_space<vmem>>
    %swap3A_277 = arith.constant 48 : index
    %swap3A_278 = tpu.vector_load %swap3A_276[%swap3A_277] {strides = array<i32>} : memref<128xi32, #tpu.memory_space<vmem>>, vector<16xi32>,
    tpu.vector_store %swap3A_276[%swap3A_277], %sub3A_266 {strides = array<i32>} : memref<128xi32, #tpu.memory_space<vmem>>, vector<16xi32>,
    %get3A_279 = arith.constant 0 : i32
    %get3A_280 = arith.constant 0 : i32
    %get3A_281 = tpu.memref_slice %arg7[%get3A_279, %get3A_280] : memref<2x64xi32, #tpu.memory_space<vmem>> -> memref<1x64xi32, #tpu.memory_space<vmem>>
    %get3A_282 = tpu.memref_squeeze %get3A_281 : memref<1x64xi32, #tpu.memory_space<vmem>> -> memref<64xi32, #tpu.memory_space<vmem>>
    %get3A_283 = arith.constant 32 : index
    %get3A_284 = tpu.vector_load %get3A_282[%get3A_283] {strides = array<i32>} : memref<64xi32, #tpu.memory_space<vmem>>, vector<16xi32>,
    %and3A_285 = arith.constant 65535 : i32
    %and3A_286 = vector.broadcast %and3A_285 : i32 to vector<16xi32>
    %and3A_287 = arith.andi %get3A_284, %and3A_286 : vector<16xi32>
    %sub3A_288 = arith.constant 0 : i32
    %sub3A_289 = vector.broadcast %sub3A_288 : i32 to vector<16xi32>
    %sub3A_290 = arith.subi %and3A_287, %sub3A_289 : vector<16xi32>
    %shift_right_logical3A_291 = arith.constant 16 : i32
    %shift_right_logical3A_292 = vector.broadcast %shift_right_logical3A_291 : i32 to vector<16xi32>
    %shift_right_logical3A_293 = arith.shrui %get3A_284, %shift_right_logical3A_292 : vector<16xi32>
    %sub3A_294 = arith.constant 0 : i32
    %sub3A_295 = vector.broadcast %sub3A_294 : i32 to vector<16xi32>
    %sub3A_296 = arith.subi %shift_right_logical3A_293, %sub3A_295 : vector<16xi32>
    %swap3A_297 = arith.constant 0 : i32
    %swap3A_298 = arith.constant 0 : i32
    %swap3A_299 = tpu.memref_slice %arg9[%swap3A_297, %swap3A_298] : memref<2x128xi32, #tpu.memory_space<vmem>> -> memref<1x128xi32, #tpu.memory_space<vmem>>
    %swap3A_300 = tpu.memref_squeeze %swap3A_299 : memref<1x128xi32, #tpu.memory_space<vmem>> -> memref<128xi32, #tpu.memory_space<vmem>>
    %swap3A_301 = arith.constant 64 : index
    %swap3A_302 = tpu.vector_load %swap3A_300[%swap3A_301] {strides = array<i32>} : memref<128xi32, #tpu.memory_space<vmem>>, vector<16xi32>,
    tpu.vector_store %swap3A_300[%swap3A_301], %sub3A_290 {strides = array<i32>} : memref<128xi32, #tpu.memory_space<vmem>>, vector<16xi32>,
    %swap3A_303 = arith.constant 0 : i32
    %swap3A_304 = arith.constant 0 : i32
    %swap3A_305 = tpu.memref_slice %arg9[%swap3A_303, %swap3A_304] : memref<2x128xi32, #tpu.memory_space<vmem>> -> memref<1x128xi32, #tpu.memory_space<vmem>>
    %swap3A_306 = tpu.memref_squeeze %swap3A_305 : memref<1x128xi32, #tpu.memory_space<vmem>> -> memref<128xi32, #tpu.memory_space<vmem>>
    %swap3A_307 = arith.constant 80 : index
    %swap3A_308 = tpu.vector_load %swap3A_306[%swap3A_307] {strides = array<i32>} : memref<128xi32, #tpu.memory_space<vmem>>, vector<16xi32>,
    tpu.vector_store %swap3A_306[%swap3A_307], %sub3A_296 {strides = array<i32>} : memref<128xi32, #tpu.memory_space<vmem>>, vector<16xi32>,
    %get3A_309 = arith.constant 0 : i32
    %get3A_310 = arith.constant 0 : i32
    %get3A_311 = tpu.memref_slice %arg7[%get3A_309, %get3A_310] : memref<2x64xi32, #tpu.memory_space<vmem>> -> memref<1x64xi32, #tpu.memory_space<vmem>>
    %get3A_312 = tpu.memref_squeeze %get3A_311 : memref<1x64xi32, #tpu.memory_space<vmem>> -> memref<64xi32, #tpu.memory_space<vmem>>
    %get3A_313 = arith.constant 48 : index
    %get3A_314 = tpu.vector_load %get3A_312[%get3A_313] {strides = array<i32>} : memref<64xi32, #tpu.memory_space<vmem>>, vector<16xi32>,
    %and3A_315 = arith.constant 65535 : i32
    %and3A_316 = vector.broadcast %and3A_315 : i32 to vector<16xi32>
    %and3A_317 = arith.andi %get3A_314, %and3A_316 : vector<16xi32>
    %sub3A_318 = arith.constant 0 : i32
    %sub3A_319 = vector.broadcast %sub3A_318 : i32 to vector<16xi32>
    %sub3A_320 = arith.subi %and3A_317, %sub3A_319 : vector<16xi32>
    %shift_right_logical3A_321 = arith.constant 16 : i32
    %shift_right_logical3A_322 = vector.broadcast %shift_right_logical3A_321 : i32 to vector<16xi32>
    %shift_right_logical3A_323 = arith.shrui %get3A_314, %shift_right_logical3A_322 : vector<16xi32>
    %sub3A_324 = arith.constant 0 : i32
    %sub3A_325 = vector.broadcast %sub3A_324 : i32 to vector<16xi32>
    %sub3A_326 = arith.subi %shift_right_logical3A_323, %sub3A_325 : vector<16xi32>
    %swap3A_327 = arith.constant 0 : i32
    %swap3A_328 = arith.constant 0 : i32
    %swap3A_329 = tpu.memref_slice %arg9[%swap3A_327, %swap3A_328] : memref<2x128xi32, #tpu.memory_space<vmem>> -> memref<1x128xi32, #tpu.memory_space<vmem>>
    %swap3A_330 = tpu.memref_squeeze %swap3A_329 : memref<1x128xi32, #tpu.memory_space<vmem>> -> memref<128xi32, #tpu.memory_space<vmem>>
    %swap3A_331 = arith.constant 96 : index
    %swap3A_332 = tpu.vector_load %swap3A_330[%swap3A_331] {strides = array<i32>} : memref<128xi32, #tpu.memory_space<vmem>>, vector<16xi32>,
    tpu.vector_store %swap3A_330[%swap3A_331], %sub3A_320 {strides = array<i32>} : memref<128xi32, #tpu.memory_space<vmem>>, vector<16xi32>,
    %swap3A_333 = arith.constant 0 : i32
    %swap3A_334 = arith.constant 0 : i32
    %swap3A_335 = tpu.memref_slice %arg9[%swap3A_333, %swap3A_334] : memref<2x128xi32, #tpu.memory_space<vmem>> -> memref<1x128xi32, #tpu.memory_space<vmem>>
    %swap3A_336 = tpu.memref_squeeze %swap3A_335 : memref<1x128xi32, #tpu.memory_space<vmem>> -> memref<128xi32, #tpu.memory_space<vmem>>
    %swap3A_337 = arith.constant 112 : index
    %swap3A_338 = tpu.vector_load %swap3A_336[%swap3A_337] {strides = array<i32>} : memref<128xi32, #tpu.memory_space<vmem>>, vector<16xi32>,
    tpu.vector_store %swap3A_336[%swap3A_337], %sub3A_326 {strides = array<i32>} : memref<128xi32, #tpu.memory_space<vmem>>, vector<16xi32>,
    %barrier3A = arith.constant 0 : index
    tpu.barrier barrier_id(%barrier3A)
    %dma_start3A_339 = arith.constant 0 : i32
    %dma_start3A_340 = arith.constant 0 : i32
    %dma_start3A_341 = arith.constant 0 : i32
    %dma_start3A_342 = arith.constant 0 : i32
    %dma_start3A_343 = tpu.memref_slice %arg10[%dma_start3A_340, %dma_start3A_341, %dma_start3A_342] : memref<2x128x128xf32, #tpu.memory_space<vmem>> -> memref<1x128x128xf32, #tpu.memory_space<vmem>>
    %dma_start3A_344 = tpu.memref_squeeze %dma_start3A_343 : memref<1x128x128xf32, #tpu.memory_space<vmem>> -> memref<128x128xf32, #tpu.memory_space<vmem>>
    %dma_start3A_345 = arith.constant 0 : i32
    %dma_start3A_346 = tpu.memref_slice %arg8[%dma_start3A_339, %dma_start3A_345] : memref<2x128xi32, #tpu.memory_space<vmem>> -> memref<1x128xi32, #tpu.memory_space<vmem>>
    %dma_start3A_347 = tpu.memref_squeeze %dma_start3A_346 : memref<1x128xi32, #tpu.memory_space<vmem>> -> memref<128xi32, #tpu.memory_space<vmem>>
    %dma_start3A_348 = arith.constant 0 : i32
    %dma_start3A_349 = arith.constant 0 : i32
    %dma_start3A_350 = tpu.memref_slice %arg2[%dma_start3A_348, %dma_start3A_349] : memref<10112x128xf32, #tpu.memory_space<hbm>> -> memref<10112x128xf32, #tpu.memory_space<hbm>>
    tpu.enqueue_indirect_dma source(%dma_start3A_350 : memref<10112x128xf32, #tpu.memory_space<hbm>>) target(%dma_start3A_344 : memref<128x128xf32, #tpu.memory_space<vmem>>) offsets(%dma_start3A_347 : memref<128xi32, #tpu.memory_space<vmem>>) semaphore(%arg13 : memref<!tpu.dma_semaphore, #tpu.memory_space<semaphore_mem>>)
    %scan3A_351 = arith.constant 0 : i32
    %scan3A_352 = arith.constant 40 : i32
    %scan3A_353 = arith.addi %scan3A_351, %scan3A_352 : i32
    %scan3A_354 = arith.constant 1 : i32
    scf.for %scan3A_357 = %scan3A_351 to %scan3A_353 step %scan3A_354  : i32 {
      %mul3A_358 = arith.constant 2 : i32
      %mul3A_359 = arith.muli %scan3A_357, %mul3A_358 : i32
      %add3A_360 = arith.constant 0 : i32
      %add3A_361 = arith.addi %add3A_360, %mul3A_359 : i32
      %add3A_362 = arith.constant 1 : i32
      %add3A_363 = arith.addi %add3A_361, %add3A_362 : i32
      %dma_wait3A_364 = arith.constant 1 : i32
      %dma_wait3A_365 = arith.constant 0 : i32
      %dma_wait3A_366 = tpu.memref_slice %arg6[%dma_wait3A_364, %dma_wait3A_365] : memref<2x64xi32, #tpu.memory_space<vmem>> -> memref<1x64xi32, #tpu.memory_space<vmem>>
      %dma_wait3A_367 = tpu.memref_squeeze %dma_wait3A_366 : memref<1x64xi32, #tpu.memory_space<vmem>> -> memref<64xi32, #tpu.memory_space<vmem>>
      %dma_wait3A_368 = arith.constant 0 : i32
      %dma_wait3A_369 = tpu.memref_slice %arg3[%add3A, %add3A_363, %dma_wait3A_368] : memref<32x80x64xi32, #tpu.memory_space<hbm>> -> memref<1x1x64xi32, #tpu.memory_space<hbm>>
      %dma_wait3A_370 = tpu.memref_squeeze %dma_wait3A_369 : memref<1x1x64xi32, #tpu.memory_space<hbm>> -> memref<64xi32, #tpu.memory_space<hbm>>
      %dma_wait3A_371 = arith.constant 0 : i32
      %dma_wait3A_372 = tpu.memref_slice %arg6[%dma_wait3A_364, %dma_wait3A_371] : memref<2x64xi32, #tpu.memory_space<vmem>> -> memref<1x64xi32, #tpu.memory_space<vmem>>
      %dma_wait3A_373 = tpu.memref_squeeze %dma_wait3A_372 : memref<1x64xi32, #tpu.memory_space<vmem>> -> memref<64xi32, #tpu.memory_space<vmem>>
      %dma_wait3A_374 = arith.constant 0 : i32
      %dma_wait3A_375 = tpu.memref_slice %arg3[%add3A, %add3A_363, %dma_wait3A_374] : memref<32x80x64xi32, #tpu.memory_space<hbm>> -> memref<1x1x64xi32, #tpu.memory_space<hbm>>
      %dma_wait3A_376 = tpu.memref_squeeze %dma_wait3A_375 : memref<1x1x64xi32, #tpu.memory_space<hbm>> -> memref<64xi32, #tpu.memory_space<hbm>>
      tpu.wait_dma2 semaphore(%arg12 : memref<!tpu.dma_semaphore, #tpu.memory_space<semaphore_mem>>) src(%dma_wait3A_376 : memref<64xi32, #tpu.memory_space<hbm>>) dst(%dma_wait3A_373 : memref<64xi32, #tpu.memory_space<vmem>>)
      %dma_wait3A_377 = arith.constant 1 : i32
      %dma_wait3A_378 = arith.constant 0 : i32
      %dma_wait3A_379 = tpu.memref_slice %arg7[%dma_wait3A_377, %dma_wait3A_378] : memref<2x64xi32, #tpu.memory_space<vmem>> -> memref<1x64xi32, #tpu.memory_space<vmem>>
      %dma_wait3A_380 = tpu.memref_squeeze %dma_wait3A_379 : memref<1x64xi32, #tpu.memory_space<vmem>> -> memref<64xi32, #tpu.memory_space<vmem>>
      %dma_wait3A_381 = arith.constant 0 : i32
      %dma_wait3A_382 = tpu.memref_slice %arg4[%add3A, %add3A_363, %dma_wait3A_381] : memref<32x80x64xi32, #tpu.memory_space<hbm>> -> memref<1x1x64xi32, #tpu.memory_space<hbm>>
      %dma_wait3A_383 = tpu.memref_squeeze %dma_wait3A_382 : memref<1x1x64xi32, #tpu.memory_space<hbm>> -> memref<64xi32, #tpu.memory_space<hbm>>
      %dma_wait3A_384 = arith.constant 0 : i32
      %dma_wait3A_385 = tpu.memref_slice %arg7[%dma_wait3A_377, %dma_wait3A_384] : memref<2x64xi32, #tpu.memory_space<vmem>> -> memref<1x64xi32, #tpu.memory_space<vmem>>
      %dma_wait3A_386 = tpu.memref_squeeze %dma_wait3A_385 : memref<1x64xi32, #tpu.memory_space<vmem>> -> memref<64xi32, #tpu.memory_space<vmem>>
      %dma_wait3A_387 = arith.constant 0 : i32
      %dma_wait3A_388 = tpu.memref_slice %arg4[%add3A, %add3A_363, %dma_wait3A_387] : memref<32x80x64xi32, #tpu.memory_space<hbm>> -> memref<1x1x64xi32, #tpu.memory_space<hbm>>
      %dma_wait3A_389 = tpu.memref_squeeze %dma_wait3A_388 : memref<1x1x64xi32, #tpu.memory_space<hbm>> -> memref<64xi32, #tpu.memory_space<hbm>>
      tpu.wait_dma2 semaphore(%arg12 : memref<!tpu.dma_semaphore, #tpu.memory_space<semaphore_mem>>) src(%dma_wait3A_389 : memref<64xi32, #tpu.memory_space<hbm>>) dst(%dma_wait3A_386 : memref<64xi32, #tpu.memory_space<vmem>>)
      %get3A_390 = arith.constant 1 : i32
      %get3A_391 = arith.constant 0 : i32
      %get3A_392 = tpu.memref_slice %arg6[%get3A_390, %get3A_391] : memref<2x64xi32, #tpu.memory_space<vmem>> -> memref<1x64xi32, #tpu.memory_space<vmem>>
      %get3A_393 = tpu.memref_squeeze %get3A_392 : memref<1x64xi32, #tpu.memory_space<vmem>> -> memref<64xi32, #tpu.memory_space<vmem>>
      %get3A_394 = arith.constant 0 : index
      %get3A_395 = tpu.vector_load %get3A_393[%get3A_394] {strides = array<i32>} : memref<64xi32, #tpu.memory_space<vmem>>, vector<16xi32>,
      %and3A_396 = arith.constant 65535 : i32
      %and3A_397 = vector.broadcast %and3A_396 : i32 to vector<16xi32>
      %and3A_398 = arith.andi %get3A_395, %and3A_397 : vector<16xi32>
      %sub3A_399 = arith.constant 0 : i32
      %sub3A_400 = vector.broadcast %sub3A_399 : i32 to vector<16xi32>
      %sub3A_401 = arith.subi %and3A_398, %sub3A_400 : vector<16xi32>
      %shift_right_logical3A_402 = arith.constant 16 : i32
      %shift_right_logical3A_403 = vector.broadcast %shift_right_logical3A_402 : i32 to vector<16xi32>
      %shift_right_logical3A_404 = arith.shrui %get3A_395, %shift_right_logical3A_403 : vector<16xi32>
      %sub3A_405 = arith.constant 0 : i32
      %sub3A_406 = vector.broadcast %sub3A_405 : i32 to vector<16xi32>
      %sub3A_407 = arith.subi %shift_right_logical3A_404, %sub3A_406 : vector<16xi32>
      %swap3A_408 = arith.constant 1 : i32
      %swap3A_409 = arith.constant 0 : i32
      %swap3A_410 = tpu.memref_slice %arg8[%swap3A_408, %swap3A_409] : memref<2x128xi32, #tpu.memory_space<vmem>> -> memref<1x128xi32, #tpu.memory_space<vmem>>
      %swap3A_411 = tpu.memref_squeeze %swap3A_410 : memref<1x128xi32, #tpu.memory_space<vmem>> -> memref<128xi32, #tpu.memory_space<vmem>>
      %swap3A_412 = arith.constant 0 : index
      %swap3A_413 = tpu.vector_load %swap3A_411[%swap3A_412] {strides = array<i32>} : memref<128xi32, #tpu.memory_space<vmem>>, vector<16xi32>,
      tpu.vector_store %swap3A_411[%swap3A_412], %sub3A_401 {strides = array<i32>} : memref<128xi32, #tpu.memory_space<vmem>>, vector<16xi32>,
      %swap3A_414 = arith.constant 1 : i32
      %swap3A_415 = arith.constant 0 : i32
      %swap3A_416 = tpu.memref_slice %arg8[%swap3A_414, %swap3A_415] : memref<2x128xi32, #tpu.memory_space<vmem>> -> memref<1x128xi32, #tpu.memory_space<vmem>>
      %swap3A_417 = tpu.memref_squeeze %swap3A_416 : memref<1x128xi32, #tpu.memory_space<vmem>> -> memref<128xi32, #tpu.memory_space<vmem>>
      %swap3A_418 = arith.constant 16 : index
      %swap3A_419 = tpu.vector_load %swap3A_417[%swap3A_418] {strides = array<i32>} : memref<128xi32, #tpu.memory_space<vmem>>, vector<16xi32>,
      tpu.vector_store %swap3A_417[%swap3A_418], %sub3A_407 {strides = array<i32>} : memref<128xi32, #tpu.memory_space<vmem>>, vector<16xi32>,
      %get3A_420 = arith.constant 1 : i32
      %get3A_421 = arith.constant 0 : i32
      %get3A_422 = tpu.memref_slice %arg6[%get3A_420, %get3A_421] : memref<2x64xi32, #tpu.memory_space<vmem>> -> memref<1x64xi32, #tpu.memory_space<vmem>>
      %get3A_423 = tpu.memref_squeeze %get3A_422 : memref<1x64xi32, #tpu.memory_space<vmem>> -> memref<64xi32, #tpu.memory_space<vmem>>
      %get3A_424 = arith.constant 16 : index
      %get3A_425 = tpu.vector_load %get3A_423[%get3A_424] {strides = array<i32>} : memref<64xi32, #tpu.memory_space<vmem>>, vector<16xi32>,
      %and3A_426 = arith.constant 65535 : i32
      %and3A_427 = vector.broadcast %and3A_426 : i32 to vector<16xi32>
      %and3A_428 = arith.andi %get3A_425, %and3A_427 : vector<16xi32>
      %sub3A_429 = arith.constant 0 : i32
      %sub3A_430 = vector.broadcast %sub3A_429 : i32 to vector<16xi32>
      %sub3A_431 = arith.subi %and3A_428, %sub3A_430 : vector<16xi32>
      %shift_right_logical3A_432 = arith.constant 16 : i32
      %shift_right_logical3A_433 = vector.broadcast %shift_right_logical3A_432 : i32 to vector<16xi32>
      %shift_right_logical3A_434 = arith.shrui %get3A_425, %shift_right_logical3A_433 : vector<16xi32>
      %sub3A_435 = arith.constant 0 : i32
      %sub3A_436 = vector.broadcast %sub3A_435 : i32 to vector<16xi32>
      %sub3A_437 = arith.subi %shift_right_logical3A_434, %sub3A_436 : vector<16xi32>
      %swap3A_438 = arith.constant 1 : i32
      %swap3A_439 = arith.constant 0 : i32
      %swap3A_440 = tpu.memref_slice %arg8[%swap3A_438, %swap3A_439] : memref<2x128xi32, #tpu.memory_space<vmem>> -> memref<1x128xi32, #tpu.memory_space<vmem>>
      %swap3A_441 = tpu.memref_squeeze %swap3A_440 : memref<1x128xi32, #tpu.memory_space<vmem>> -> memref<128xi32, #tpu.memory_space<vmem>>
      %swap3A_442 = arith.constant 32 : index
      %swap3A_443 = tpu.vector_load %swap3A_441[%swap3A_442] {strides = array<i32>} : memref<128xi32, #tpu.memory_space<vmem>>, vector<16xi32>,
      tpu.vector_store %swap3A_441[%swap3A_442], %sub3A_431 {strides = array<i32>} : memref<128xi32, #tpu.memory_space<vmem>>, vector<16xi32>,
      %swap3A_444 = arith.constant 1 : i32
      %swap3A_445 = arith.constant 0 : i32
      %swap3A_446 = tpu.memref_slice %arg8[%swap3A_444, %swap3A_445] : memref<2x128xi32, #tpu.memory_space<vmem>> -> memref<1x128xi32, #tpu.memory_space<vmem>>
      %swap3A_447 = tpu.memref_squeeze %swap3A_446 : memref<1x128xi32, #tpu.memory_space<vmem>> -> memref<128xi32, #tpu.memory_space<vmem>>
      %swap3A_448 = arith.constant 48 : index
      %swap3A_449 = tpu.vector_load %swap3A_447[%swap3A_448] {strides = array<i32>} : memref<128xi32, #tpu.memory_space<vmem>>, vector<16xi32>,
      tpu.vector_store %swap3A_447[%swap3A_448], %sub3A_437 {strides = array<i32>} : memref<128xi32, #tpu.memory_space<vmem>>, vector<16xi32>,
      %get3A_450 = arith.constant 1 : i32
      %get3A_451 = arith.constant 0 : i32
      %get3A_452 = tpu.memref_slice %arg6[%get3A_450, %get3A_451] : memref<2x64xi32, #tpu.memory_space<vmem>> -> memref<1x64xi32, #tpu.memory_space<vmem>>
      %get3A_453 = tpu.memref_squeeze %get3A_452 : memref<1x64xi32, #tpu.memory_space<vmem>> -> memref<64xi32, #tpu.memory_space<vmem>>
      %get3A_454 = arith.constant 32 : index
      %get3A_455 = tpu.vector_load %get3A_453[%get3A_454] {strides = array<i32>} : memref<64xi32, #tpu.memory_space<vmem>>, vector<16xi32>,
      %and3A_456 = arith.constant 65535 : i32
      %and3A_457 = vector.broadcast %and3A_456 : i32 to vector<16xi32>
      %and3A_458 = arith.andi %get3A_455, %and3A_457 : vector<16xi32>
      %sub3A_459 = arith.constant 0 : i32
      %sub3A_460 = vector.broadcast %sub3A_459 : i32 to vector<16xi32>
      %sub3A_461 = arith.subi %and3A_458, %sub3A_460 : vector<16xi32>
      %shift_right_logical3A_462 = arith.constant 16 : i32
      %shift_right_logical3A_463 = vector.broadcast %shift_right_logical3A_462 : i32 to vector<16xi32>
      %shift_right_logical3A_464 = arith.shrui %get3A_455, %shift_right_logical3A_463 : vector<16xi32>
      %sub3A_465 = arith.constant 0 : i32
      %sub3A_466 = vector.broadcast %sub3A_465 : i32 to vector<16xi32>
      %sub3A_467 = arith.subi %shift_right_logical3A_464, %sub3A_466 : vector<16xi32>
      %swap3A_468 = arith.constant 1 : i32
      %swap3A_469 = arith.constant 0 : i32
      %swap3A_470 = tpu.memref_slice %arg8[%swap3A_468, %swap3A_469] : memref<2x128xi32, #tpu.memory_space<vmem>> -> memref<1x128xi32, #tpu.memory_space<vmem>>
      %swap3A_471 = tpu.memref_squeeze %swap3A_470 : memref<1x128xi32, #tpu.memory_space<vmem>> -> memref<128xi32, #tpu.memory_space<vmem>>
      %swap3A_472 = arith.constant 64 : index
      %swap3A_473 = tpu.vector_load %swap3A_471[%swap3A_472] {strides = array<i32>} : memref<128xi32, #tpu.memory_space<vmem>>, vector<16xi32>,
      tpu.vector_store %swap3A_471[%swap3A_472], %sub3A_461 {strides = array<i32>} : memref<128xi32, #tpu.memory_space<vmem>>, vector<16xi32>,
      %swap3A_474 = arith.constant 1 : i32
      %swap3A_475 = arith.constant 0 : i32
      %swap3A_476 = tpu.memref_slice %arg8[%swap3A_474, %swap3A_475] : memref<2x128xi32, #tpu.memory_space<vmem>> -> memref<1x128xi32, #tpu.memory_space<vmem>>
      %swap3A_477 = tpu.memref_squeeze %swap3A_476 : memref<1x128xi32, #tpu.memory_space<vmem>> -> memref<128xi32, #tpu.memory_space<vmem>>
      %swap3A_478 = arith.constant 80 : index
      %swap3A_479 = tpu.vector_load %swap3A_477[%swap3A_478] {strides = array<i32>} : memref<128xi32, #tpu.memory_space<vmem>>, vector<16xi32>,
      tpu.vector_store %swap3A_477[%swap3A_478], %sub3A_467 {strides = array<i32>} : memref<128xi32, #tpu.memory_space<vmem>>, vector<16xi32>,
      %get3A_480 = arith.constant 1 : i32
      %get3A_481 = arith.constant 0 : i32
      %get3A_482 = tpu.memref_slice %arg6[%get3A_480, %get3A_481] : memref<2x64xi32, #tpu.memory_space<vmem>> -> memref<1x64xi32, #tpu.memory_space<vmem>>
      %get3A_483 = tpu.memref_squeeze %get3A_482 : memref<1x64xi32, #tpu.memory_space<vmem>> -> memref<64xi32, #tpu.memory_space<vmem>>
      %get3A_484 = arith.constant 48 : index
      %get3A_485 = tpu.vector_load %get3A_483[%get3A_484] {strides = array<i32>} : memref<64xi32, #tpu.memory_space<vmem>>, vector<16xi32>,
      %and3A_486 = arith.constant 65535 : i32
      %and3A_487 = vector.broadcast %and3A_486 : i32 to vector<16xi32>
      %and3A_488 = arith.andi %get3A_485, %and3A_487 : vector<16xi32>
      %sub3A_489 = arith.constant 0 : i32
      %sub3A_490 = vector.broadcast %sub3A_489 : i32 to vector<16xi32>
      %sub3A_491 = arith.subi %and3A_488, %sub3A_490 : vector<16xi32>
      %shift_right_logical3A_492 = arith.constant 16 : i32
      %shift_right_logical3A_493 = vector.broadcast %shift_right_logical3A_492 : i32 to vector<16xi32>
      %shift_right_logical3A_494 = arith.shrui %get3A_485, %shift_right_logical3A_493 : vector<16xi32>
      %sub3A_495 = arith.constant 0 : i32
      %sub3A_496 = vector.broadcast %sub3A_495 : i32 to vector<16xi32>
      %sub3A_497 = arith.subi %shift_right_logical3A_494, %sub3A_496 : vector<16xi32>
      %swap3A_498 = arith.constant 1 : i32
      %swap3A_499 = arith.constant 0 : i32
      %swap3A_500 = tpu.memref_slice %arg8[%swap3A_498, %swap3A_499] : memref<2x128xi32, #tpu.memory_space<vmem>> -> memref<1x128xi32, #tpu.memory_space<vmem>>
      %swap3A_501 = tpu.memref_squeeze %swap3A_500 : memref<1x128xi32, #tpu.memory_space<vmem>> -> memref<128xi32, #tpu.memory_space<vmem>>
      %swap3A_502 = arith.constant 96 : index
      %swap3A_503 = tpu.vector_load %swap3A_501[%swap3A_502] {strides = array<i32>} : memref<128xi32, #tpu.memory_space<vmem>>, vector<16xi32>,
      tpu.vector_store %swap3A_501[%swap3A_502], %sub3A_491 {strides = array<i32>} : memref<128xi32, #tpu.memory_space<vmem>>, vector<16xi32>,
      %swap3A_504 = arith.constant 1 : i32
      %swap3A_505 = arith.constant 0 : i32
      %swap3A_506 = tpu.memref_slice %arg8[%swap3A_504, %swap3A_505] : memref<2x128xi32, #tpu.memory_space<vmem>> -> memref<1x128xi32, #tpu.memory_space<vmem>>
      %swap3A_507 = tpu.memref_squeeze %swap3A_506 : memref<1x128xi32, #tpu.memory_space<vmem>> -> memref<128xi32, #tpu.memory_space<vmem>>
      %swap3A_508 = arith.constant 112 : index
      %swap3A_509 = tpu.vector_load %swap3A_507[%swap3A_508] {strides = array<i32>} : memref<128xi32, #tpu.memory_space<vmem>>, vector<16xi32>,
      tpu.vector_store %swap3A_507[%swap3A_508], %sub3A_497 {strides = array<i32>} : memref<128xi32, #tpu.memory_space<vmem>>, vector<16xi32>,
      %get3A_510 = arith.constant 1 : i32
      %get3A_511 = arith.constant 0 : i32
      %get3A_512 = tpu.memref_slice %arg7[%get3A_510, %get3A_511] : memref<2x64xi32, #tpu.memory_space<vmem>> -> memref<1x64xi32, #tpu.memory_space<vmem>>
      %get3A_513 = tpu.memref_squeeze %get3A_512 : memref<1x64xi32, #tpu.memory_space<vmem>> -> memref<64xi32, #tpu.memory_space<vmem>>
      %get3A_514 = arith.constant 0 : index
      %get3A_515 = tpu.vector_load %get3A_513[%get3A_514] {strides = array<i32>} : memref<64xi32, #tpu.memory_space<vmem>>, vector<16xi32>,
      %and3A_516 = arith.constant 65535 : i32
      %and3A_517 = vector.broadcast %and3A_516 : i32 to vector<16xi32>
      %and3A_518 = arith.andi %get3A_515, %and3A_517 : vector<16xi32>
      %sub3A_519 = arith.constant 0 : i32
      %sub3A_520 = vector.broadcast %sub3A_519 : i32 to vector<16xi32>
      %sub3A_521 = arith.subi %and3A_518, %sub3A_520 : vector<16xi32>
      %shift_right_logical3A_522 = arith.constant 16 : i32
      %shift_right_logical3A_523 = vector.broadcast %shift_right_logical3A_522 : i32 to vector<16xi32>
      %shift_right_logical3A_524 = arith.shrui %get3A_515, %shift_right_logical3A_523 : vector<16xi32>
      %sub3A_525 = arith.constant 0 : i32
      %sub3A_526 = vector.broadcast %sub3A_525 : i32 to vector<16xi32>
      %sub3A_527 = arith.subi %shift_right_logical3A_524, %sub3A_526 : vector<16xi32>
      %swap3A_528 = arith.constant 1 : i32
      %swap3A_529 = arith.constant 0 : i32
      %swap3A_530 = tpu.memref_slice %arg9[%swap3A_528, %swap3A_529] : memref<2x128xi32, #tpu.memory_space<vmem>> -> memref<1x128xi32, #tpu.memory_space<vmem>>
      %swap3A_531 = tpu.memref_squeeze %swap3A_530 : memref<1x128xi32, #tpu.memory_space<vmem>> -> memref<128xi32, #tpu.memory_space<vmem>>
      %swap3A_532 = arith.constant 0 : index
      %swap3A_533 = tpu.vector_load %swap3A_531[%swap3A_532] {strides = array<i32>} : memref<128xi32, #tpu.memory_space<vmem>>, vector<16xi32>,
      tpu.vector_store %swap3A_531[%swap3A_532], %sub3A_521 {strides = array<i32>} : memref<128xi32, #tpu.memory_space<vmem>>, vector<16xi32>,
      %swap3A_534 = arith.constant 1 : i32
      %swap3A_535 = arith.constant 0 : i32
      %swap3A_536 = tpu.memref_slice %arg9[%swap3A_534, %swap3A_535] : memref<2x128xi32, #tpu.memory_space<vmem>> -> memref<1x128xi32, #tpu.memory_space<vmem>>
      %swap3A_537 = tpu.memref_squeeze %swap3A_536 : memref<1x128xi32, #tpu.memory_space<vmem>> -> memref<128xi32, #tpu.memory_space<vmem>>
      %swap3A_538 = arith.constant 16 : index
      %swap3A_539 = tpu.vector_load %swap3A_537[%swap3A_538] {strides = array<i32>} : memref<128xi32, #tpu.memory_space<vmem>>, vector<16xi32>,
      tpu.vector_store %swap3A_537[%swap3A_538], %sub3A_527 {strides = array<i32>} : memref<128xi32, #tpu.memory_space<vmem>>, vector<16xi32>,
      %get3A_540 = arith.constant 1 : i32
      %get3A_541 = arith.constant 0 : i32
      %get3A_542 = tpu.memref_slice %arg7[%get3A_540, %get3A_541] : memref<2x64xi32, #tpu.memory_space<vmem>> -> memref<1x64xi32, #tpu.memory_space<vmem>>
      %get3A_543 = tpu.memref_squeeze %get3A_542 : memref<1x64xi32, #tpu.memory_space<vmem>> -> memref<64xi32, #tpu.memory_space<vmem>>
      %get3A_544 = arith.constant 16 : index
      %get3A_545 = tpu.vector_load %get3A_543[%get3A_544] {strides = array<i32>} : memref<64xi32, #tpu.memory_space<vmem>>, vector<16xi32>,
      %and3A_546 = arith.constant 65535 : i32
      %and3A_547 = vector.broadcast %and3A_546 : i32 to vector<16xi32>
      %and3A_548 = arith.andi %get3A_545, %and3A_547 : vector<16xi32>
      %sub3A_549 = arith.constant 0 : i32
      %sub3A_550 = vector.broadcast %sub3A_549 : i32 to vector<16xi32>
      %sub3A_551 = arith.subi %and3A_548, %sub3A_550 : vector<16xi32>
      %shift_right_logical3A_552 = arith.constant 16 : i32
      %shift_right_logical3A_553 = vector.broadcast %shift_right_logical3A_552 : i32 to vector<16xi32>
      %shift_right_logical3A_554 = arith.shrui %get3A_545, %shift_right_logical3A_553 : vector<16xi32>
      %sub3A_555 = arith.constant 0 : i32
      %sub3A_556 = vector.broadcast %sub3A_555 : i32 to vector<16xi32>
      %sub3A_557 = arith.subi %shift_right_logical3A_554, %sub3A_556 : vector<16xi32>
      %swap3A_558 = arith.constant 1 : i32
      %swap3A_559 = arith.constant 0 : i32
      %swap3A_560 = tpu.memref_slice %arg9[%swap3A_558, %swap3A_559] : memref<2x128xi32, #tpu.memory_space<vmem>> -> memref<1x128xi32, #tpu.memory_space<vmem>>
      %swap3A_561 = tpu.memref_squeeze %swap3A_560 : memref<1x128xi32, #tpu.memory_space<vmem>> -> memref<128xi32, #tpu.memory_space<vmem>>
      %swap3A_562 = arith.constant 32 : index
      %swap3A_563 = tpu.vector_load %swap3A_561[%swap3A_562] {strides = array<i32>} : memref<128xi32, #tpu.memory_space<vmem>>, vector<16xi32>,
      tpu.vector_store %swap3A_561[%swap3A_562], %sub3A_551 {strides = array<i32>} : memref<128xi32, #tpu.memory_space<vmem>>, vector<16xi32>,
      %swap3A_564 = arith.constant 1 : i32
      %swap3A_565 = arith.constant 0 : i32
      %swap3A_566 = tpu.memref_slice %arg9[%swap3A_564, %swap3A_565] : memref<2x128xi32, #tpu.memory_space<vmem>> -> memref<1x128xi32, #tpu.memory_space<vmem>>
      %swap3A_567 = tpu.memref_squeeze %swap3A_566 : memref<1x128xi32, #tpu.memory_space<vmem>> -> memref<128xi32, #tpu.memory_space<vmem>>
      %swap3A_568 = arith.constant 48 : index
      %swap3A_569 = tpu.vector_load %swap3A_567[%swap3A_568] {strides = array<i32>} : memref<128xi32, #tpu.memory_space<vmem>>, vector<16xi32>,
      tpu.vector_store %swap3A_567[%swap3A_568], %sub3A_557 {strides = array<i32>} : memref<128xi32, #tpu.memory_space<vmem>>, vector<16xi32>,
      %get3A_570 = arith.constant 1 : i32
      %get3A_571 = arith.constant 0 : i32
      %get3A_572 = tpu.memref_slice %arg7[%get3A_570, %get3A_571] : memref<2x64xi32, #tpu.memory_space<vmem>> -> memref<1x64xi32, #tpu.memory_space<vmem>>
      %get3A_573 = tpu.memref_squeeze %get3A_572 : memref<1x64xi32, #tpu.memory_space<vmem>> -> memref<64xi32, #tpu.memory_space<vmem>>
      %get3A_574 = arith.constant 32 : index
      %get3A_575 = tpu.vector_load %get3A_573[%get3A_574] {strides = array<i32>} : memref<64xi32, #tpu.memory_space<vmem>>, vector<16xi32>,
      %and3A_576 = arith.constant 65535 : i32
      %and3A_577 = vector.broadcast %and3A_576 : i32 to vector<16xi32>
      %and3A_578 = arith.andi %get3A_575, %and3A_577 : vector<16xi32>
      %sub3A_579 = arith.constant 0 : i32
      %sub3A_580 = vector.broadcast %sub3A_579 : i32 to vector<16xi32>
      %sub3A_581 = arith.subi %and3A_578, %sub3A_580 : vector<16xi32>
      %shift_right_logical3A_582 = arith.constant 16 : i32
      %shift_right_logical3A_583 = vector.broadcast %shift_right_logical3A_582 : i32 to vector<16xi32>
      %shift_right_logical3A_584 = arith.shrui %get3A_575, %shift_right_logical3A_583 : vector<16xi32>
      %sub3A_585 = arith.constant 0 : i32
      %sub3A_586 = vector.broadcast %sub3A_585 : i32 to vector<16xi32>
      %sub3A_587 = arith.subi %shift_right_logical3A_584, %sub3A_586 : vector<16xi32>
      %swap3A_588 = arith.constant 1 : i32
      %swap3A_589 = arith.constant 0 : i32
      %swap3A_590 = tpu.memref_slice %arg9[%swap3A_588, %swap3A_589] : memref<2x128xi32, #tpu.memory_space<vmem>> -> memref<1x128xi32, #tpu.memory_space<vmem>>
      %swap3A_591 = tpu.memref_squeeze %swap3A_590 : memref<1x128xi32, #tpu.memory_space<vmem>> -> memref<128xi32, #tpu.memory_space<vmem>>
      %swap3A_592 = arith.constant 64 : index
      %swap3A_593 = tpu.vector_load %swap3A_591[%swap3A_592] {strides = array<i32>} : memref<128xi32, #tpu.memory_space<vmem>>, vector<16xi32>,
      tpu.vector_store %swap3A_591[%swap3A_592], %sub3A_581 {strides = array<i32>} : memref<128xi32, #tpu.memory_space<vmem>>, vector<16xi32>,
      %swap3A_594 = arith.constant 1 : i32
      %swap3A_595 = arith.constant 0 : i32
      %swap3A_596 = tpu.memref_slice %arg9[%swap3A_594, %swap3A_595] : memref<2x128xi32, #tpu.memory_space<vmem>> -> memref<1x128xi32, #tpu.memory_space<vmem>>
      %swap3A_597 = tpu.memref_squeeze %swap3A_596 : memref<1x128xi32, #tpu.memory_space<vmem>> -> memref<128xi32, #tpu.memory_space<vmem>>
      %swap3A_598 = arith.constant 80 : index
      %swap3A_599 = tpu.vector_load %swap3A_597[%swap3A_598] {strides = array<i32>} : memref<128xi32, #tpu.memory_space<vmem>>, vector<16xi32>,
      tpu.vector_store %swap3A_597[%swap3A_598], %sub3A_587 {strides = array<i32>} : memref<128xi32, #tpu.memory_space<vmem>>, vector<16xi32>,
      %get3A_600 = arith.constant 1 : i32
      %get3A_601 = arith.constant 0 : i32
      %get3A_602 = tpu.memref_slice %arg7[%get3A_600, %get3A_601] : memref<2x64xi32, #tpu.memory_space<vmem>> -> memref<1x64xi32, #tpu.memory_space<vmem>>
      %get3A_603 = tpu.memref_squeeze %get3A_602 : memref<1x64xi32, #tpu.memory_space<vmem>> -> memref<64xi32, #tpu.memory_space<vmem>>
      %get3A_604 = arith.constant 48 : index
      %get3A_605 = tpu.vector_load %get3A_603[%get3A_604] {strides = array<i32>} : memref<64xi32, #tpu.memory_space<vmem>>, vector<16xi32>,
      %and3A_606 = arith.constant 65535 : i32
      %and3A_607 = vector.broadcast %and3A_606 : i32 to vector<16xi32>
      %and3A_608 = arith.andi %get3A_605, %and3A_607 : vector<16xi32>
      %sub3A_609 = arith.constant 0 : i32
      %sub3A_610 = vector.broadcast %sub3A_609 : i32 to vector<16xi32>
      %sub3A_611 = arith.subi %and3A_608, %sub3A_610 : vector<16xi32>
      %shift_right_logical3A_612 = arith.constant 16 : i32
      %shift_right_logical3A_613 = vector.broadcast %shift_right_logical3A_612 : i32 to vector<16xi32>
      %shift_right_logical3A_614 = arith.shrui %get3A_605, %shift_right_logical3A_613 : vector<16xi32>
      %sub3A_615 = arith.constant 0 : i32
      %sub3A_616 = vector.broadcast %sub3A_615 : i32 to vector<16xi32>
      %sub3A_617 = arith.subi %shift_right_logical3A_614, %sub3A_616 : vector<16xi32>
      %swap3A_618 = arith.constant 1 : i32
      %swap3A_619 = arith.constant 0 : i32
      %swap3A_620 = tpu.memref_slice %arg9[%swap3A_618, %swap3A_619] : memref<2x128xi32, #tpu.memory_space<vmem>> -> memref<1x128xi32, #tpu.memory_space<vmem>>
      %swap3A_621 = tpu.memref_squeeze %swap3A_620 : memref<1x128xi32, #tpu.memory_space<vmem>> -> memref<128xi32, #tpu.memory_space<vmem>>
      %swap3A_622 = arith.constant 96 : index
      %swap3A_623 = tpu.vector_load %swap3A_621[%swap3A_622] {strides = array<i32>} : memref<128xi32, #tpu.memory_space<vmem>>, vector<16xi32>,
      tpu.vector_store %swap3A_621[%swap3A_622], %sub3A_611 {strides = array<i32>} : memref<128xi32, #tpu.memory_space<vmem>>, vector<16xi32>,
      %swap3A_624 = arith.constant 1 : i32
      %swap3A_625 = arith.constant 0 : i32
      %swap3A_626 = tpu.memref_slice %arg9[%swap3A_624, %swap3A_625] : memref<2x128xi32, #tpu.memory_space<vmem>> -> memref<1x128xi32, #tpu.memory_space<vmem>>
      %swap3A_627 = tpu.memref_squeeze %swap3A_626 : memref<1x128xi32, #tpu.memory_space<vmem>> -> memref<128xi32, #tpu.memory_space<vmem>>
      %swap3A_628 = arith.constant 112 : index
      %swap3A_629 = tpu.vector_load %swap3A_627[%swap3A_628] {strides = array<i32>} : memref<128xi32, #tpu.memory_space<vmem>>, vector<16xi32>,
      tpu.vector_store %swap3A_627[%swap3A_628], %sub3A_617 {strides = array<i32>} : memref<128xi32, #tpu.memory_space<vmem>>, vector<16xi32>,
      %dma_wait3A_630 = arith.constant 0 : i32
      %dma_wait3A_631 = arith.constant 0 : i32
      %dma_wait3A_632 = arith.constant 0 : i32
      %dma_wait3A_633 = arith.constant 0 : i32
      %dma_wait3A_634 = tpu.memref_slice %arg10[%dma_wait3A_631, %dma_wait3A_632, %dma_wait3A_633] : memref<2x128x128xf32, #tpu.memory_space<vmem>> -> memref<1x128x128xf32, #tpu.memory_space<vmem>>
      %dma_wait3A_635 = tpu.memref_squeeze %dma_wait3A_634 : memref<1x128x128xf32, #tpu.memory_space<vmem>> -> memref<128x128xf32, #tpu.memory_space<vmem>>
      %dma_wait3A_636 = arith.constant 0 : i32
      %dma_wait3A_637 = tpu.memref_slice %arg8[%dma_wait3A_630, %dma_wait3A_636] : memref<2x128xi32, #tpu.memory_space<vmem>> -> memref<1x128xi32, #tpu.memory_space<vmem>>
      %dma_wait3A_638 = tpu.memref_squeeze %dma_wait3A_637 : memref<1x128xi32, #tpu.memory_space<vmem>> -> memref<128xi32, #tpu.memory_space<vmem>>
      %dma_wait3A_639 = arith.constant 0 : i32
      %dma_wait3A_640 = arith.constant 0 : i32
      %dma_wait3A_641 = tpu.memref_slice %arg2[%dma_wait3A_639, %dma_wait3A_640] : memref<10112x128xf32, #tpu.memory_space<hbm>> -> memref<10112x128xf32, #tpu.memory_space<hbm>>
      tpu.wait_indirect_dma semaphore(%arg13 : memref<!tpu.dma_semaphore, #tpu.memory_space<semaphore_mem>>) src(%dma_wait3A_641 : memref<10112x128xf32, #tpu.memory_space<hbm>>) dst(%dma_wait3A_635 : memref<128x128xf32, #tpu.memory_space<vmem>>)
      %dma_start3A_642 = arith.constant 1 : i32
      %dma_start3A_643 = arith.constant 1 : i32
      %dma_start3A_644 = arith.constant 0 : i32
      %dma_start3A_645 = arith.constant 0 : i32
      %dma_start3A_646 = tpu.memref_slice %arg10[%dma_start3A_643, %dma_start3A_644, %dma_start3A_645] : memref<2x128x128xf32, #tpu.memory_space<vmem>> -> memref<1x128x128xf32, #tpu.memory_space<vmem>>
      %dma_start3A_647 = tpu.memref_squeeze %dma_start3A_646 : memref<1x128x128xf32, #tpu.memory_space<vmem>> -> memref<128x128xf32, #tpu.memory_space<vmem>>
      %dma_start3A_648 = arith.constant 0 : i32
      %dma_start3A_649 = tpu.memref_slice %arg8[%dma_start3A_642, %dma_start3A_648] : memref<2x128xi32, #tpu.memory_space<vmem>> -> memref<1x128xi32, #tpu.memory_space<vmem>>
      %dma_start3A_650 = tpu.memref_squeeze %dma_start3A_649 : memref<1x128xi32, #tpu.memory_space<vmem>> -> memref<128xi32, #tpu.memory_space<vmem>>
      %dma_start3A_651 = arith.constant 0 : i32
      %dma_start3A_652 = arith.constant 0 : i32
      %dma_start3A_653 = tpu.memref_slice %arg2[%dma_start3A_651, %dma_start3A_652] : memref<10112x128xf32, #tpu.memory_space<hbm>> -> memref<10112x128xf32, #tpu.memory_space<hbm>>
      tpu.enqueue_indirect_dma source(%dma_start3A_653 : memref<10112x128xf32, #tpu.memory_space<hbm>>) target(%dma_start3A_647 : memref<128x128xf32, #tpu.memory_space<vmem>>) offsets(%dma_start3A_650 : memref<128xi32, #tpu.memory_space<vmem>>) semaphore(%arg13 : memref<!tpu.dma_semaphore, #tpu.memory_space<semaphore_mem>>)
      %add3A_654 = arith.constant 2 : i32
      %add3A_655 = arith.addi %add3A_361, %add3A_654 : i32
      %lt3A = arith.constant 80 : i32
      %lt3A_656 = arith.cmpi slt, %add3A_655, %lt3A : i32
      %convert_element_type3A = arith.extui %lt3A_656 : i1 to i32
      %cond3A = arith.constant 0 : i32
      %cond3A_657 = arith.cmpi ne, %convert_element_type3A, %cond3A : i32
      scf.if %cond3A_657 {
        %add3A_695 = arith.constant 2 : i32
        %add3A_696 = arith.addi %add3A_361, %add3A_695 : i32
        %dma_start3A_697 = arith.constant 0 : i32
        %dma_start3A_698 = arith.constant 0 : i32
        %dma_start3A_699 = tpu.memref_slice %arg6[%dma_start3A_697, %dma_start3A_698] : memref<2x64xi32, #tpu.memory_space<vmem>> -> memref<1x64xi32, #tpu.memory_space<vmem>>
        %dma_start3A_700 = tpu.memref_squeeze %dma_start3A_699 : memref<1x64xi32, #tpu.memory_space<vmem>> -> memref<64xi32, #tpu.memory_space<vmem>>
        %dma_start3A_701 = arith.constant 0 : i32
        %dma_start3A_702 = tpu.memref_slice %arg3[%add3A, %add3A_696, %dma_start3A_701] : memref<32x80x64xi32, #tpu.memory_space<hbm>> -> memref<1x1x64xi32, #tpu.memory_space<hbm>>
        %dma_start3A_703 = tpu.memref_squeeze %dma_start3A_702 : memref<1x1x64xi32, #tpu.memory_space<hbm>> -> memref<64xi32, #tpu.memory_space<hbm>>
        %dma_start3A_704 = arith.constant 0 : i32
        %dma_start3A_705 = tpu.memref_slice %arg6[%dma_start3A_697, %dma_start3A_704] : memref<2x64xi32, #tpu.memory_space<vmem>> -> memref<1x64xi32, #tpu.memory_space<vmem>>
        %dma_start3A_706 = tpu.memref_squeeze %dma_start3A_705 : memref<1x64xi32, #tpu.memory_space<vmem>> -> memref<64xi32, #tpu.memory_space<vmem>>
        %dma_start3A_707 = arith.constant 0 : i32
        %dma_start3A_708 = tpu.memref_slice %arg3[%add3A, %add3A_696, %dma_start3A_707] : memref<32x80x64xi32, #tpu.memory_space<hbm>> -> memref<1x1x64xi32, #tpu.memory_space<hbm>>
        %dma_start3A_709 = tpu.memref_squeeze %dma_start3A_708 : memref<1x1x64xi32, #tpu.memory_space<hbm>> -> memref<64xi32, #tpu.memory_space<hbm>>
        tpu.enqueue_dma source(%dma_start3A_709 : memref<64xi32, #tpu.memory_space<hbm>>) target(%dma_start3A_706 : memref<64xi32, #tpu.memory_space<vmem>>) target_semaphore(%arg12 : memref<!tpu.dma_semaphore, #tpu.memory_space<semaphore_mem>>)
        %dma_start3A_710 = arith.constant 0 : i32
        %dma_start3A_711 = arith.constant 0 : i32
        %dma_start3A_712 = tpu.memref_slice %arg7[%dma_start3A_710, %dma_start3A_711] : memref<2x64xi32, #tpu.memory_space<vmem>> -> memref<1x64xi32, #tpu.memory_space<vmem>>
        %dma_start3A_713 = tpu.memref_squeeze %dma_start3A_712 : memref<1x64xi32, #tpu.memory_space<vmem>> -> memref<64xi32, #tpu.memory_space<vmem>>
        %dma_start3A_714 = arith.constant 0 : i32
        %dma_start3A_715 = tpu.memref_slice %arg4[%add3A, %add3A_696, %dma_start3A_714] : memref<32x80x64xi32, #tpu.memory_space<hbm>> -> memref<1x1x64xi32, #tpu.memory_space<hbm>>
        %dma_start3A_716 = tpu.memref_squeeze %dma_start3A_715 : memref<1x1x64xi32, #tpu.memory_space<hbm>> -> memref<64xi32, #tpu.memory_space<hbm>>
        %dma_start3A_717 = arith.constant 0 : i32
        %dma_start3A_718 = tpu.memref_slice %arg7[%dma_start3A_710, %dma_start3A_717] : memref<2x64xi32, #tpu.memory_space<vmem>> -> memref<1x64xi32, #tpu.memory_space<vmem>>
        %dma_start3A_719 = tpu.memref_squeeze %dma_start3A_718 : memref<1x64xi32, #tpu.memory_space<vmem>> -> memref<64xi32, #tpu.memory_space<vmem>>
        %dma_start3A_720 = arith.constant 0 : i32
        %dma_start3A_721 = tpu.memref_slice %arg4[%add3A, %add3A_696, %dma_start3A_720] : memref<32x80x64xi32, #tpu.memory_space<hbm>> -> memref<1x1x64xi32, #tpu.memory_space<hbm>>
        %dma_start3A_722 = tpu.memref_squeeze %dma_start3A_721 : memref<1x1x64xi32, #tpu.memory_space<hbm>> -> memref<64xi32, #tpu.memory_space<hbm>>
        tpu.enqueue_dma source(%dma_start3A_722 : memref<64xi32, #tpu.memory_space<hbm>>) target(%dma_start3A_719 : memref<64xi32, #tpu.memory_space<vmem>>) target_semaphore(%arg12 : memref<!tpu.dma_semaphore, #tpu.memory_space<semaphore_mem>>)
      } else {
      }
      %run_scoped3A_658 = arith.constant 0 : i32
      %run_scoped3A_659 = arith.constant 0 : i32
      "tpu.region"() ({
        %run_scoped3A_695 = tpu.sem_alloc : memref<!tpu.dma_semaphore, #tpu.memory_space<semaphore_mem>>
        %dma_start3A_696 = arith.constant 0 : i32
        %dma_start3A_697 = arith.constant 0 : i32
        %dma_start3A_698 = tpu.memref_slice %arg10[%run_scoped3A_658, %dma_start3A_696, %dma_start3A_697] : memref<2x128x128xf32, #tpu.memory_space<vmem>> -> memref<1x128x128xf32, #tpu.memory_space<vmem>>
        %dma_start3A_699 = tpu.memref_squeeze %dma_start3A_698 : memref<1x128x128xf32, #tpu.memory_space<vmem>> -> memref<128x128xf32, #tpu.memory_space<vmem>>
        %dma_start3A_700 = arith.constant 0 : i32
        %dma_start3A_701 = tpu.memref_slice %arg9[%run_scoped3A_659, %dma_start3A_700] : memref<2x128xi32, #tpu.memory_space<vmem>> -> memref<1x128xi32, #tpu.memory_space<vmem>>
        %dma_start3A_702 = tpu.memref_squeeze %dma_start3A_701 : memref<1x128xi32, #tpu.memory_space<vmem>> -> memref<128xi32, #tpu.memory_space<vmem>>
        %dma_start3A_703 = arith.constant 0 : i32
        %dma_start3A_704 = arith.constant 0 : i32
        %dma_start3A_705 = tpu.memref_slice %arg11[%dma_start3A_703, %dma_start3A_704] : memref<10112x128xf32, #tpu.memory_space<vmem_shared>> -> memref<10112x128xf32, #tpu.memory_space<vmem_shared>>
        tpu.enqueue_indirect_dma source(%dma_start3A_699 : memref<128x128xf32, #tpu.memory_space<vmem>>) target(%dma_start3A_705 : memref<10112x128xf32, #tpu.memory_space<vmem_shared>>) offsets(%dma_start3A_702 : memref<128xi32, #tpu.memory_space<vmem>>) semaphore(%run_scoped3A_695 : memref<!tpu.dma_semaphore, #tpu.memory_space<semaphore_mem>>) {add = true}
        %dma_wait3A_706 = arith.constant 0 : i32
        %dma_wait3A_707 = arith.constant 0 : i32
        %dma_wait3A_708 = tpu.memref_slice %arg10[%run_scoped3A_658, %dma_wait3A_706, %dma_wait3A_707] : memref<2x128x128xf32, #tpu.memory_space<vmem>> -> memref<1x128x128xf32, #tpu.memory_space<vmem>>
        %dma_wait3A_709 = tpu.memref_squeeze %dma_wait3A_708 : memref<1x128x128xf32, #tpu.memory_space<vmem>> -> memref<128x128xf32, #tpu.memory_space<vmem>>
        %dma_wait3A_710 = arith.constant 0 : i32
        %dma_wait3A_711 = tpu.memref_slice %arg9[%run_scoped3A_659, %dma_wait3A_710] : memref<2x128xi32, #tpu.memory_space<vmem>> -> memref<1x128xi32, #tpu.memory_space<vmem>>
        %dma_wait3A_712 = tpu.memref_squeeze %dma_wait3A_711 : memref<1x128xi32, #tpu.memory_space<vmem>> -> memref<128xi32, #tpu.memory_space<vmem>>
        %dma_wait3A_713 = arith.constant 0 : i32
        %dma_wait3A_714 = arith.constant 0 : i32
        %dma_wait3A_715 = tpu.memref_slice %arg11[%dma_wait3A_713, %dma_wait3A_714] : memref<10112x128xf32, #tpu.memory_space<vmem_shared>> -> memref<10112x128xf32, #tpu.memory_space<vmem_shared>>
        tpu.wait_indirect_dma semaphore(%run_scoped3A_695 : memref<!tpu.dma_semaphore, #tpu.memory_space<semaphore_mem>>) src(%dma_wait3A_709 : memref<128x128xf32, #tpu.memory_space<vmem>>) dst(%dma_wait3A_715 : memref<10112x128xf32, #tpu.memory_space<vmem_shared>>)
        tpu.yield
      }) : () -> ()
      %add3A_660 = arith.constant 2 : i32
      %add3A_661 = arith.addi %add3A_361, %add3A_660 : i32
      %lt3A_662 = arith.constant 80 : i32
      %lt3A_663 = arith.cmpi slt, %add3A_661, %lt3A_662 : i32
      %convert_element_type3A_664 = arith.extui %lt3A_663 : i1 to i32
      %cond3A_665 = arith.constant 0 : i32
      %cond3A_666 = arith.cmpi ne, %convert_element_type3A_664, %cond3A_665 : i32
      scf.if %cond3A_666 {
        %add3A_695 = arith.constant 2 : i32
        %add3A_696 = arith.addi %add3A_361, %add3A_695 : i32
        %dma_wait3A_697 = arith.constant 0 : i32
        %dma_wait3A_698 = arith.constant 0 : i32
        %dma_wait3A_699 = tpu.memref_slice %arg6[%dma_wait3A_697, %dma_wait3A_698] : memref<2x64xi32, #tpu.memory_space<vmem>> -> memref<1x64xi32, #tpu.memory_space<vmem>>
        %dma_wait3A_700 = tpu.memref_squeeze %dma_wait3A_699 : memref<1x64xi32, #tpu.memory_space<vmem>> -> memref<64xi32, #tpu.memory_space<vmem>>
        %dma_wait3A_701 = arith.constant 0 : i32
        %dma_wait3A_702 = tpu.memref_slice %arg3[%add3A, %add3A_696, %dma_wait3A_701] : memref<32x80x64xi32, #tpu.memory_space<hbm>> -> memref<1x1x64xi32, #tpu.memory_space<hbm>>
        %dma_wait3A_703 = tpu.memref_squeeze %dma_wait3A_702 : memref<1x1x64xi32, #tpu.memory_space<hbm>> -> memref<64xi32, #tpu.memory_space<hbm>>
        %dma_wait3A_704 = arith.constant 0 : i32
        %dma_wait3A_705 = tpu.memref_slice %arg6[%dma_wait3A_697, %dma_wait3A_704] : memref<2x64xi32, #tpu.memory_space<vmem>> -> memref<1x64xi32, #tpu.memory_space<vmem>>
        %dma_wait3A_706 = tpu.memref_squeeze %dma_wait3A_705 : memref<1x64xi32, #tpu.memory_space<vmem>> -> memref<64xi32, #tpu.memory_space<vmem>>
        %dma_wait3A_707 = arith.constant 0 : i32
        %dma_wait3A_708 = tpu.memref_slice %arg3[%add3A, %add3A_696, %dma_wait3A_707] : memref<32x80x64xi32, #tpu.memory_space<hbm>> -> memref<1x1x64xi32, #tpu.memory_space<hbm>>
        %dma_wait3A_709 = tpu.memref_squeeze %dma_wait3A_708 : memref<1x1x64xi32, #tpu.memory_space<hbm>> -> memref<64xi32, #tpu.memory_space<hbm>>
        tpu.wait_dma2 semaphore(%arg12 : memref<!tpu.dma_semaphore, #tpu.memory_space<semaphore_mem>>) src(%dma_wait3A_709 : memref<64xi32, #tpu.memory_space<hbm>>) dst(%dma_wait3A_706 : memref<64xi32, #tpu.memory_space<vmem>>)
        %dma_wait3A_710 = arith.constant 0 : i32
        %dma_wait3A_711 = arith.constant 0 : i32
        %dma_wait3A_712 = tpu.memref_slice %arg7[%dma_wait3A_710, %dma_wait3A_711] : memref<2x64xi32, #tpu.memory_space<vmem>> -> memref<1x64xi32, #tpu.memory_space<vmem>>
        %dma_wait3A_713 = tpu.memref_squeeze %dma_wait3A_712 : memref<1x64xi32, #tpu.memory_space<vmem>> -> memref<64xi32, #tpu.memory_space<vmem>>
        %dma_wait3A_714 = arith.constant 0 : i32
        %dma_wait3A_715 = tpu.memref_slice %arg4[%add3A, %add3A_696, %dma_wait3A_714] : memref<32x80x64xi32, #tpu.memory_space<hbm>> -> memref<1x1x64xi32, #tpu.memory_space<hbm>>
        %dma_wait3A_716 = tpu.memref_squeeze %dma_wait3A_715 : memref<1x1x64xi32, #tpu.memory_space<hbm>> -> memref<64xi32, #tpu.memory_space<hbm>>
        %dma_wait3A_717 = arith.constant 0 : i32
        %dma_wait3A_718 = tpu.memref_slice %arg7[%dma_wait3A_710, %dma_wait3A_717] : memref<2x64xi32, #tpu.memory_space<vmem>> -> memref<1x64xi32, #tpu.memory_space<vmem>>
        %dma_wait3A_719 = tpu.memref_squeeze %dma_wait3A_718 : memref<1x64xi32, #tpu.memory_space<vmem>> -> memref<64xi32, #tpu.memory_space<vmem>>
        %dma_wait3A_720 = arith.constant 0 : i32
        %dma_wait3A_721 = tpu.memref_slice %arg4[%add3A, %add3A_696, %dma_wait3A_720] : memref<32x80x64xi32, #tpu.memory_space<hbm>> -> memref<1x1x64xi32, #tpu.memory_space<hbm>>
        %dma_wait3A_722 = tpu.memref_squeeze %dma_wait3A_721 : memref<1x1x64xi32, #tpu.memory_space<hbm>> -> memref<64xi32, #tpu.memory_space<hbm>>
        tpu.wait_dma2 semaphore(%arg12 : memref<!tpu.dma_semaphore, #tpu.memory_space<semaphore_mem>>) src(%dma_wait3A_722 : memref<64xi32, #tpu.memory_space<hbm>>) dst(%dma_wait3A_719 : memref<64xi32, #tpu.memory_space<vmem>>)
        %get3A_723 = arith.constant 0 : i32
        %get3A_724 = arith.constant 0 : i32
        %get3A_725 = tpu.memref_slice %arg6[%get3A_723, %get3A_724] : memref<2x64xi32, #tpu.memory_space<vmem>> -> memref<1x64xi32, #tpu.memory_space<vmem>>
        %get3A_726 = tpu.memref_squeeze %get3A_725 : memref<1x64xi32, #tpu.memory_space<vmem>> -> memref<64xi32, #tpu.memory_space<vmem>>
        %get3A_727 = arith.constant 0 : index
        %get3A_728 = tpu.vector_load %get3A_726[%get3A_727] {strides = array<i32>} : memref<64xi32, #tpu.memory_space<vmem>>, vector<16xi32>,
        %and3A_729 = arith.constant 65535 : i32
        %and3A_730 = vector.broadcast %and3A_729 : i32 to vector<16xi32>
        %and3A_731 = arith.andi %get3A_728, %and3A_730 : vector<16xi32>
        %sub3A_732 = arith.constant 0 : i32
        %sub3A_733 = vector.broadcast %sub3A_732 : i32 to vector<16xi32>
        %sub3A_734 = arith.subi %and3A_731, %sub3A_733 : vector<16xi32>
        %shift_right_logical3A_735 = arith.constant 16 : i32
        %shift_right_logical3A_736 = vector.broadcast %shift_right_logical3A_735 : i32 to vector<16xi32>
        %shift_right_logical3A_737 = arith.shrui %get3A_728, %shift_right_logical3A_736 : vector<16xi32>
        %sub3A_738 = arith.constant 0 : i32
        %sub3A_739 = vector.broadcast %sub3A_738 : i32 to vector<16xi32>
        %sub3A_740 = arith.subi %shift_right_logical3A_737, %sub3A_739 : vector<16xi32>
        %swap3A_741 = arith.constant 0 : i32
        %swap3A_742 = arith.constant 0 : i32
        %swap3A_743 = tpu.memref_slice %arg8[%swap3A_741, %swap3A_742] : memref<2x128xi32, #tpu.memory_space<vmem>> -> memref<1x128xi32, #tpu.memory_space<vmem>>
        %swap3A_744 = tpu.memref_squeeze %swap3A_743 : memref<1x128xi32, #tpu.memory_space<vmem>> -> memref<128xi32, #tpu.memory_space<vmem>>
        %swap3A_745 = arith.constant 0 : index
        %swap3A_746 = tpu.vector_load %swap3A_744[%swap3A_745] {strides = array<i32>} : memref<128xi32, #tpu.memory_space<vmem>>, vector<16xi32>,
        tpu.vector_store %swap3A_744[%swap3A_745], %sub3A_734 {strides = array<i32>} : memref<128xi32, #tpu.memory_space<vmem>>, vector<16xi32>,
        %swap3A_747 = arith.constant 0 : i32
        %swap3A_748 = arith.constant 0 : i32
        %swap3A_749 = tpu.memref_slice %arg8[%swap3A_747, %swap3A_748] : memref<2x128xi32, #tpu.memory_space<vmem>> -> memref<1x128xi32, #tpu.memory_space<vmem>>
        %swap3A_750 = tpu.memref_squeeze %swap3A_749 : memref<1x128xi32, #tpu.memory_space<vmem>> -> memref<128xi32, #tpu.memory_space<vmem>>
        %swap3A_751 = arith.constant 16 : index
        %swap3A_752 = tpu.vector_load %swap3A_750[%swap3A_751] {strides = array<i32>} : memref<128xi32, #tpu.memory_space<vmem>>, vector<16xi32>,
        tpu.vector_store %swap3A_750[%swap3A_751], %sub3A_740 {strides = array<i32>} : memref<128xi32, #tpu.memory_space<vmem>>, vector<16xi32>,
        %get3A_753 = arith.constant 0 : i32
        %get3A_754 = arith.constant 0 : i32
        %get3A_755 = tpu.memref_slice %arg6[%get3A_753, %get3A_754] : memref<2x64xi32, #tpu.memory_space<vmem>> -> memref<1x64xi32, #tpu.memory_space<vmem>>
        %get3A_756 = tpu.memref_squeeze %get3A_755 : memref<1x64xi32, #tpu.memory_space<vmem>> -> memref<64xi32, #tpu.memory_space<vmem>>
        %get3A_757 = arith.constant 16 : index
        %get3A_758 = tpu.vector_load %get3A_756[%get3A_757] {strides = array<i32>} : memref<64xi32, #tpu.memory_space<vmem>>, vector<16xi32>,
        %and3A_759 = arith.constant 65535 : i32
        %and3A_760 = vector.broadcast %and3A_759 : i32 to vector<16xi32>
        %and3A_761 = arith.andi %get3A_758, %and3A_760 : vector<16xi32>
        %sub3A_762 = arith.constant 0 : i32
        %sub3A_763 = vector.broadcast %sub3A_762 : i32 to vector<16xi32>
        %sub3A_764 = arith.subi %and3A_761, %sub3A_763 : vector<16xi32>
        %shift_right_logical3A_765 = arith.constant 16 : i32
        %shift_right_logical3A_766 = vector.broadcast %shift_right_logical3A_765 : i32 to vector<16xi32>
        %shift_right_logical3A_767 = arith.shrui %get3A_758, %shift_right_logical3A_766 : vector<16xi32>
        %sub3A_768 = arith.constant 0 : i32
        %sub3A_769 = vector.broadcast %sub3A_768 : i32 to vector<16xi32>
        %sub3A_770 = arith.subi %shift_right_logical3A_767, %sub3A_769 : vector<16xi32>
        %swap3A_771 = arith.constant 0 : i32
        %swap3A_772 = arith.constant 0 : i32
        %swap3A_773 = tpu.memref_slice %arg8[%swap3A_771, %swap3A_772] : memref<2x128xi32, #tpu.memory_space<vmem>> -> memref<1x128xi32, #tpu.memory_space<vmem>>
        %swap3A_774 = tpu.memref_squeeze %swap3A_773 : memref<1x128xi32, #tpu.memory_space<vmem>> -> memref<128xi32, #tpu.memory_space<vmem>>
        %swap3A_775 = arith.constant 32 : index
        %swap3A_776 = tpu.vector_load %swap3A_774[%swap3A_775] {strides = array<i32>} : memref<128xi32, #tpu.memory_space<vmem>>, vector<16xi32>,
        tpu.vector_store %swap3A_774[%swap3A_775], %sub3A_764 {strides = array<i32>} : memref<128xi32, #tpu.memory_space<vmem>>, vector<16xi32>,
        %swap3A_777 = arith.constant 0 : i32
        %swap3A_778 = arith.constant 0 : i32
        %swap3A_779 = tpu.memref_slice %arg8[%swap3A_777, %swap3A_778] : memref<2x128xi32, #tpu.memory_space<vmem>> -> memref<1x128xi32, #tpu.memory_space<vmem>>
        %swap3A_780 = tpu.memref_squeeze %swap3A_779 : memref<1x128xi32, #tpu.memory_space<vmem>> -> memref<128xi32, #tpu.memory_space<vmem>>
        %swap3A_781 = arith.constant 48 : index
        %swap3A_782 = tpu.vector_load %swap3A_780[%swap3A_781] {strides = array<i32>} : memref<128xi32, #tpu.memory_space<vmem>>, vector<16xi32>,
        tpu.vector_store %swap3A_780[%swap3A_781], %sub3A_770 {strides = array<i32>} : memref<128xi32, #tpu.memory_space<vmem>>, vector<16xi32>,
        %get3A_783 = arith.constant 0 : i32
        %get3A_784 = arith.constant 0 : i32
        %get3A_785 = tpu.memref_slice %arg6[%get3A_783, %get3A_784] : memref<2x64xi32, #tpu.memory_space<vmem>> -> memref<1x64xi32, #tpu.memory_space<vmem>>
        %get3A_786 = tpu.memref_squeeze %get3A_785 : memref<1x64xi32, #tpu.memory_space<vmem>> -> memref<64xi32, #tpu.memory_space<vmem>>
        %get3A_787 = arith.constant 32 : index
        %get3A_788 = tpu.vector_load %get3A_786[%get3A_787] {strides = array<i32>} : memref<64xi32, #tpu.memory_space<vmem>>, vector<16xi32>,
        %and3A_789 = arith.constant 65535 : i32
        %and3A_790 = vector.broadcast %and3A_789 : i32 to vector<16xi32>
        %and3A_791 = arith.andi %get3A_788, %and3A_790 : vector<16xi32>
        %sub3A_792 = arith.constant 0 : i32
        %sub3A_793 = vector.broadcast %sub3A_792 : i32 to vector<16xi32>
        %sub3A_794 = arith.subi %and3A_791, %sub3A_793 : vector<16xi32>
        %shift_right_logical3A_795 = arith.constant 16 : i32
        %shift_right_logical3A_796 = vector.broadcast %shift_right_logical3A_795 : i32 to vector<16xi32>
        %shift_right_logical3A_797 = arith.shrui %get3A_788, %shift_right_logical3A_796 : vector<16xi32>
        %sub3A_798 = arith.constant 0 : i32
        %sub3A_799 = vector.broadcast %sub3A_798 : i32 to vector<16xi32>
        %sub3A_800 = arith.subi %shift_right_logical3A_797, %sub3A_799 : vector<16xi32>
        %swap3A_801 = arith.constant 0 : i32
        %swap3A_802 = arith.constant 0 : i32
        %swap3A_803 = tpu.memref_slice %arg8[%swap3A_801, %swap3A_802] : memref<2x128xi32, #tpu.memory_space<vmem>> -> memref<1x128xi32, #tpu.memory_space<vmem>>
        %swap3A_804 = tpu.memref_squeeze %swap3A_803 : memref<1x128xi32, #tpu.memory_space<vmem>> -> memref<128xi32, #tpu.memory_space<vmem>>
        %swap3A_805 = arith.constant 64 : index
        %swap3A_806 = tpu.vector_load %swap3A_804[%swap3A_805] {strides = array<i32>} : memref<128xi32, #tpu.memory_space<vmem>>, vector<16xi32>,
        tpu.vector_store %swap3A_804[%swap3A_805], %sub3A_794 {strides = array<i32>} : memref<128xi32, #tpu.memory_space<vmem>>, vector<16xi32>,
        %swap3A_807 = arith.constant 0 : i32
        %swap3A_808 = arith.constant 0 : i32
        %swap3A_809 = tpu.memref_slice %arg8[%swap3A_807, %swap3A_808] : memref<2x128xi32, #tpu.memory_space<vmem>> -> memref<1x128xi32, #tpu.memory_space<vmem>>
        %swap3A_810 = tpu.memref_squeeze %swap3A_809 : memref<1x128xi32, #tpu.memory_space<vmem>> -> memref<128xi32, #tpu.memory_space<vmem>>
        %swap3A_811 = arith.constant 80 : index
        %swap3A_812 = tpu.vector_load %swap3A_810[%swap3A_811] {strides = array<i32>} : memref<128xi32, #tpu.memory_space<vmem>>, vector<16xi32>,
        tpu.vector_store %swap3A_810[%swap3A_811], %sub3A_800 {strides = array<i32>} : memref<128xi32, #tpu.memory_space<vmem>>, vector<16xi32>,
        %get3A_813 = arith.constant 0 : i32
        %get3A_814 = arith.constant 0 : i32
        %get3A_815 = tpu.memref_slice %arg6[%get3A_813, %get3A_814] : memref<2x64xi32, #tpu.memory_space<vmem>> -> memref<1x64xi32, #tpu.memory_space<vmem>>
        %get3A_816 = tpu.memref_squeeze %get3A_815 : memref<1x64xi32, #tpu.memory_space<vmem>> -> memref<64xi32, #tpu.memory_space<vmem>>
        %get3A_817 = arith.constant 48 : index
        %get3A_818 = tpu.vector_load %get3A_816[%get3A_817] {strides = array<i32>} : memref<64xi32, #tpu.memory_space<vmem>>, vector<16xi32>,
        %and3A_819 = arith.constant 65535 : i32
        %and3A_820 = vector.broadcast %and3A_819 : i32 to vector<16xi32>
        %and3A_821 = arith.andi %get3A_818, %and3A_820 : vector<16xi32>
        %sub3A_822 = arith.constant 0 : i32
        %sub3A_823 = vector.broadcast %sub3A_822 : i32 to vector<16xi32>
        %sub3A_824 = arith.subi %and3A_821, %sub3A_823 : vector<16xi32>
        %shift_right_logical3A_825 = arith.constant 16 : i32
        %shift_right_logical3A_826 = vector.broadcast %shift_right_logical3A_825 : i32 to vector<16xi32>
        %shift_right_logical3A_827 = arith.shrui %get3A_818, %shift_right_logical3A_826 : vector<16xi32>
        %sub3A_828 = arith.constant 0 : i32
        %sub3A_829 = vector.broadcast %sub3A_828 : i32 to vector<16xi32>
        %sub3A_830 = arith.subi %shift_right_logical3A_827, %sub3A_829 : vector<16xi32>
        %swap3A_831 = arith.constant 0 : i32
        %swap3A_832 = arith.constant 0 : i32
        %swap3A_833 = tpu.memref_slice %arg8[%swap3A_831, %swap3A_832] : memref<2x128xi32, #tpu.memory_space<vmem>> -> memref<1x128xi32, #tpu.memory_space<vmem>>
        %swap3A_834 = tpu.memref_squeeze %swap3A_833 : memref<1x128xi32, #tpu.memory_space<vmem>> -> memref<128xi32, #tpu.memory_space<vmem>>
        %swap3A_835 = arith.constant 96 : index
        %swap3A_836 = tpu.vector_load %swap3A_834[%swap3A_835] {strides = array<i32>} : memref<128xi32, #tpu.memory_space<vmem>>, vector<16xi32>,
        tpu.vector_store %swap3A_834[%swap3A_835], %sub3A_824 {strides = array<i32>} : memref<128xi32, #tpu.memory_space<vmem>>, vector<16xi32>,
        %swap3A_837 = arith.constant 0 : i32
        %swap3A_838 = arith.constant 0 : i32
        %swap3A_839 = tpu.memref_slice %arg8[%swap3A_837, %swap3A_838] : memref<2x128xi32, #tpu.memory_space<vmem>> -> memref<1x128xi32, #tpu.memory_space<vmem>>
        %swap3A_840 = tpu.memref_squeeze %swap3A_839 : memref<1x128xi32, #tpu.memory_space<vmem>> -> memref<128xi32, #tpu.memory_space<vmem>>
        %swap3A_841 = arith.constant 112 : index
        %swap3A_842 = tpu.vector_load %swap3A_840[%swap3A_841] {strides = array<i32>} : memref<128xi32, #tpu.memory_space<vmem>>, vector<16xi32>,
        tpu.vector_store %swap3A_840[%swap3A_841], %sub3A_830 {strides = array<i32>} : memref<128xi32, #tpu.memory_space<vmem>>, vector<16xi32>,
        %get3A_843 = arith.constant 0 : i32
        %get3A_844 = arith.constant 0 : i32
        %get3A_845 = tpu.memref_slice %arg7[%get3A_843, %get3A_844] : memref<2x64xi32, #tpu.memory_space<vmem>> -> memref<1x64xi32, #tpu.memory_space<vmem>>
        %get3A_846 = tpu.memref_squeeze %get3A_845 : memref<1x64xi32, #tpu.memory_space<vmem>> -> memref<64xi32, #tpu.memory_space<vmem>>
        %get3A_847 = arith.constant 0 : index
        %get3A_848 = tpu.vector_load %get3A_846[%get3A_847] {strides = array<i32>} : memref<64xi32, #tpu.memory_space<vmem>>, vector<16xi32>,
        %and3A_849 = arith.constant 65535 : i32
        %and3A_850 = vector.broadcast %and3A_849 : i32 to vector<16xi32>
        %and3A_851 = arith.andi %get3A_848, %and3A_850 : vector<16xi32>
        %sub3A_852 = arith.constant 0 : i32
        %sub3A_853 = vector.broadcast %sub3A_852 : i32 to vector<16xi32>
        %sub3A_854 = arith.subi %and3A_851, %sub3A_853 : vector<16xi32>
        %shift_right_logical3A_855 = arith.constant 16 : i32
        %shift_right_logical3A_856 = vector.broadcast %shift_right_logical3A_855 : i32 to vector<16xi32>
        %shift_right_logical3A_857 = arith.shrui %get3A_848, %shift_right_logical3A_856 : vector<16xi32>
        %sub3A_858 = arith.constant 0 : i32
        %sub3A_859 = vector.broadcast %sub3A_858 : i32 to vector<16xi32>
        %sub3A_860 = arith.subi %shift_right_logical3A_857, %sub3A_859 : vector<16xi32>
        %swap3A_861 = arith.constant 0 : i32
        %swap3A_862 = arith.constant 0 : i32
        %swap3A_863 = tpu.memref_slice %arg9[%swap3A_861, %swap3A_862] : memref<2x128xi32, #tpu.memory_space<vmem>> -> memref<1x128xi32, #tpu.memory_space<vmem>>
        %swap3A_864 = tpu.memref_squeeze %swap3A_863 : memref<1x128xi32, #tpu.memory_space<vmem>> -> memref<128xi32, #tpu.memory_space<vmem>>
        %swap3A_865 = arith.constant 0 : index
        %swap3A_866 = tpu.vector_load %swap3A_864[%swap3A_865] {strides = array<i32>} : memref<128xi32, #tpu.memory_space<vmem>>, vector<16xi32>,
        tpu.vector_store %swap3A_864[%swap3A_865], %sub3A_854 {strides = array<i32>} : memref<128xi32, #tpu.memory_space<vmem>>, vector<16xi32>,
        %swap3A_867 = arith.constant 0 : i32
        %swap3A_868 = arith.constant 0 : i32
        %swap3A_869 = tpu.memref_slice %arg9[%swap3A_867, %swap3A_868] : memref<2x128xi32, #tpu.memory_space<vmem>> -> memref<1x128xi32, #tpu.memory_space<vmem>>
        %swap3A_870 = tpu.memref_squeeze %swap3A_869 : memref<1x128xi32, #tpu.memory_space<vmem>> -> memref<128xi32, #tpu.memory_space<vmem>>
        %swap3A_871 = arith.constant 16 : index
        %swap3A_872 = tpu.vector_load %swap3A_870[%swap3A_871] {strides = array<i32>} : memref<128xi32, #tpu.memory_space<vmem>>, vector<16xi32>,
        tpu.vector_store %swap3A_870[%swap3A_871], %sub3A_860 {strides = array<i32>} : memref<128xi32, #tpu.memory_space<vmem>>, vector<16xi32>,
        %get3A_873 = arith.constant 0 : i32
        %get3A_874 = arith.constant 0 : i32
        %get3A_875 = tpu.memref_slice %arg7[%get3A_873, %get3A_874] : memref<2x64xi32, #tpu.memory_space<vmem>> -> memref<1x64xi32, #tpu.memory_space<vmem>>
        %get3A_876 = tpu.memref_squeeze %get3A_875 : memref<1x64xi32, #tpu.memory_space<vmem>> -> memref<64xi32, #tpu.memory_space<vmem>>
        %get3A_877 = arith.constant 16 : index
        %get3A_878 = tpu.vector_load %get3A_876[%get3A_877] {strides = array<i32>} : memref<64xi32, #tpu.memory_space<vmem>>, vector<16xi32>,
        %and3A_879 = arith.constant 65535 : i32
        %and3A_880 = vector.broadcast %and3A_879 : i32 to vector<16xi32>
        %and3A_881 = arith.andi %get3A_878, %and3A_880 : vector<16xi32>
        %sub3A_882 = arith.constant 0 : i32
        %sub3A_883 = vector.broadcast %sub3A_882 : i32 to vector<16xi32>
        %sub3A_884 = arith.subi %and3A_881, %sub3A_883 : vector<16xi32>
        %shift_right_logical3A_885 = arith.constant 16 : i32
        %shift_right_logical3A_886 = vector.broadcast %shift_right_logical3A_885 : i32 to vector<16xi32>
        %shift_right_logical3A_887 = arith.shrui %get3A_878, %shift_right_logical3A_886 : vector<16xi32>
        %sub3A_888 = arith.constant 0 : i32
        %sub3A_889 = vector.broadcast %sub3A_888 : i32 to vector<16xi32>
        %sub3A_890 = arith.subi %shift_right_logical3A_887, %sub3A_889 : vector<16xi32>
        %swap3A_891 = arith.constant 0 : i32
        %swap3A_892 = arith.constant 0 : i32
        %swap3A_893 = tpu.memref_slice %arg9[%swap3A_891, %swap3A_892] : memref<2x128xi32, #tpu.memory_space<vmem>> -> memref<1x128xi32, #tpu.memory_space<vmem>>
        %swap3A_894 = tpu.memref_squeeze %swap3A_893 : memref<1x128xi32, #tpu.memory_space<vmem>> -> memref<128xi32, #tpu.memory_space<vmem>>
        %swap3A_895 = arith.constant 32 : index
        %swap3A_896 = tpu.vector_load %swap3A_894[%swap3A_895] {strides = array<i32>} : memref<128xi32, #tpu.memory_space<vmem>>, vector<16xi32>,
        tpu.vector_store %swap3A_894[%swap3A_895], %sub3A_884 {strides = array<i32>} : memref<128xi32, #tpu.memory_space<vmem>>, vector<16xi32>,
        %swap3A_897 = arith.constant 0 : i32
        %swap3A_898 = arith.constant 0 : i32
        %swap3A_899 = tpu.memref_slice %arg9[%swap3A_897, %swap3A_898] : memref<2x128xi32, #tpu.memory_space<vmem>> -> memref<1x128xi32, #tpu.memory_space<vmem>>
        %swap3A_900 = tpu.memref_squeeze %swap3A_899 : memref<1x128xi32, #tpu.memory_space<vmem>> -> memref<128xi32, #tpu.memory_space<vmem>>
        %swap3A_901 = arith.constant 48 : index
        %swap3A_902 = tpu.vector_load %swap3A_900[%swap3A_901] {strides = array<i32>} : memref<128xi32, #tpu.memory_space<vmem>>, vector<16xi32>,
        tpu.vector_store %swap3A_900[%swap3A_901], %sub3A_890 {strides = array<i32>} : memref<128xi32, #tpu.memory_space<vmem>>, vector<16xi32>,
        %get3A_903 = arith.constant 0 : i32
        %get3A_904 = arith.constant 0 : i32
        %get3A_905 = tpu.memref_slice %arg7[%get3A_903, %get3A_904] : memref<2x64xi32, #tpu.memory_space<vmem>> -> memref<1x64xi32, #tpu.memory_space<vmem>>
        %get3A_906 = tpu.memref_squeeze %get3A_905 : memref<1x64xi32, #tpu.memory_space<vmem>> -> memref<64xi32, #tpu.memory_space<vmem>>
        %get3A_907 = arith.constant 32 : index
        %get3A_908 = tpu.vector_load %get3A_906[%get3A_907] {strides = array<i32>} : memref<64xi32, #tpu.memory_space<vmem>>, vector<16xi32>,
        %and3A_909 = arith.constant 65535 : i32
        %and3A_910 = vector.broadcast %and3A_909 : i32 to vector<16xi32>
        %and3A_911 = arith.andi %get3A_908, %and3A_910 : vector<16xi32>
        %sub3A_912 = arith.constant 0 : i32
        %sub3A_913 = vector.broadcast %sub3A_912 : i32 to vector<16xi32>
        %sub3A_914 = arith.subi %and3A_911, %sub3A_913 : vector<16xi32>
        %shift_right_logical3A_915 = arith.constant 16 : i32
        %shift_right_logical3A_916 = vector.broadcast %shift_right_logical3A_915 : i32 to vector<16xi32>
        %shift_right_logical3A_917 = arith.shrui %get3A_908, %shift_right_logical3A_916 : vector<16xi32>
        %sub3A_918 = arith.constant 0 : i32
        %sub3A_919 = vector.broadcast %sub3A_918 : i32 to vector<16xi32>
        %sub3A_920 = arith.subi %shift_right_logical3A_917, %sub3A_919 : vector<16xi32>
        %swap3A_921 = arith.constant 0 : i32
        %swap3A_922 = arith.constant 0 : i32
        %swap3A_923 = tpu.memref_slice %arg9[%swap3A_921, %swap3A_922] : memref<2x128xi32, #tpu.memory_space<vmem>> -> memref<1x128xi32, #tpu.memory_space<vmem>>
        %swap3A_924 = tpu.memref_squeeze %swap3A_923 : memref<1x128xi32, #tpu.memory_space<vmem>> -> memref<128xi32, #tpu.memory_space<vmem>>
        %swap3A_925 = arith.constant 64 : index
        %swap3A_926 = tpu.vector_load %swap3A_924[%swap3A_925] {strides = array<i32>} : memref<128xi32, #tpu.memory_space<vmem>>, vector<16xi32>,
        tpu.vector_store %swap3A_924[%swap3A_925], %sub3A_914 {strides = array<i32>} : memref<128xi32, #tpu.memory_space<vmem>>, vector<16xi32>,
        %swap3A_927 = arith.constant 0 : i32
        %swap3A_928 = arith.constant 0 : i32
        %swap3A_929 = tpu.memref_slice %arg9[%swap3A_927, %swap3A_928] : memref<2x128xi32, #tpu.memory_space<vmem>> -> memref<1x128xi32, #tpu.memory_space<vmem>>
        %swap3A_930 = tpu.memref_squeeze %swap3A_929 : memref<1x128xi32, #tpu.memory_space<vmem>> -> memref<128xi32, #tpu.memory_space<vmem>>
        %swap3A_931 = arith.constant 80 : index
        %swap3A_932 = tpu.vector_load %swap3A_930[%swap3A_931] {strides = array<i32>} : memref<128xi32, #tpu.memory_space<vmem>>, vector<16xi32>,
        tpu.vector_store %swap3A_930[%swap3A_931], %sub3A_920 {strides = array<i32>} : memref<128xi32, #tpu.memory_space<vmem>>, vector<16xi32>,
        %get3A_933 = arith.constant 0 : i32
        %get3A_934 = arith.constant 0 : i32
        %get3A_935 = tpu.memref_slice %arg7[%get3A_933, %get3A_934] : memref<2x64xi32, #tpu.memory_space<vmem>> -> memref<1x64xi32, #tpu.memory_space<vmem>>
        %get3A_936 = tpu.memref_squeeze %get3A_935 : memref<1x64xi32, #tpu.memory_space<vmem>> -> memref<64xi32, #tpu.memory_space<vmem>>
        %get3A_937 = arith.constant 48 : index
        %get3A_938 = tpu.vector_load %get3A_936[%get3A_937] {strides = array<i32>} : memref<64xi32, #tpu.memory_space<vmem>>, vector<16xi32>,
        %and3A_939 = arith.constant 65535 : i32
        %and3A_940 = vector.broadcast %and3A_939 : i32 to vector<16xi32>
        %and3A_941 = arith.andi %get3A_938, %and3A_940 : vector<16xi32>
        %sub3A_942 = arith.constant 0 : i32
        %sub3A_943 = vector.broadcast %sub3A_942 : i32 to vector<16xi32>
        %sub3A_944 = arith.subi %and3A_941, %sub3A_943 : vector<16xi32>
        %shift_right_logical3A_945 = arith.constant 16 : i32
        %shift_right_logical3A_946 = vector.broadcast %shift_right_logical3A_945 : i32 to vector<16xi32>
        %shift_right_logical3A_947 = arith.shrui %get3A_938, %shift_right_logical3A_946 : vector<16xi32>
        %sub3A_948 = arith.constant 0 : i32
        %sub3A_949 = vector.broadcast %sub3A_948 : i32 to vector<16xi32>
        %sub3A_950 = arith.subi %shift_right_logical3A_947, %sub3A_949 : vector<16xi32>
        %swap3A_951 = arith.constant 0 : i32
        %swap3A_952 = arith.constant 0 : i32
        %swap3A_953 = tpu.memref_slice %arg9[%swap3A_951, %swap3A_952] : memref<2x128xi32, #tpu.memory_space<vmem>> -> memref<1x128xi32, #tpu.memory_space<vmem>>
        %swap3A_954 = tpu.memref_squeeze %swap3A_953 : memref<1x128xi32, #tpu.memory_space<vmem>> -> memref<128xi32, #tpu.memory_space<vmem>>
        %swap3A_955 = arith.constant 96 : index
        %swap3A_956 = tpu.vector_load %swap3A_954[%swap3A_955] {strides = array<i32>} : memref<128xi32, #tpu.memory_space<vmem>>, vector<16xi32>,
        tpu.vector_store %swap3A_954[%swap3A_955], %sub3A_944 {strides = array<i32>} : memref<128xi32, #tpu.memory_space<vmem>>, vector<16xi32>,
        %swap3A_957 = arith.constant 0 : i32
        %swap3A_958 = arith.constant 0 : i32
        %swap3A_959 = tpu.memref_slice %arg9[%swap3A_957, %swap3A_958] : memref<2x128xi32, #tpu.memory_space<vmem>> -> memref<1x128xi32, #tpu.memory_space<vmem>>
        %swap3A_960 = tpu.memref_squeeze %swap3A_959 : memref<1x128xi32, #tpu.memory_space<vmem>> -> memref<128xi32, #tpu.memory_space<vmem>>
        %swap3A_961 = arith.constant 112 : index
        %swap3A_962 = tpu.vector_load %swap3A_960[%swap3A_961] {strides = array<i32>} : memref<128xi32, #tpu.memory_space<vmem>>, vector<16xi32>,
        tpu.vector_store %swap3A_960[%swap3A_961], %sub3A_950 {strides = array<i32>} : memref<128xi32, #tpu.memory_space<vmem>>, vector<16xi32>,
      } else {
      }
      %dma_wait3A_667 = arith.constant 1 : i32
      %dma_wait3A_668 = arith.constant 1 : i32
      %dma_wait3A_669 = arith.constant 0 : i32
      %dma_wait3A_670 = arith.constant 0 : i32
      %dma_wait3A_671 = tpu.memref_slice %arg10[%dma_wait3A_668, %dma_wait3A_669, %dma_wait3A_670] : memref<2x128x128xf32, #tpu.memory_space<vmem>> -> memref<1x128x128xf32, #tpu.memory_space<vmem>>
      %dma_wait3A_672 = tpu.memref_squeeze %dma_wait3A_671 : memref<1x128x128xf32, #tpu.memory_space<vmem>> -> memref<128x128xf32, #tpu.memory_space<vmem>>
      %dma_wait3A_673 = arith.constant 0 : i32
      %dma_wait3A_674 = tpu.memref_slice %arg8[%dma_wait3A_667, %dma_wait3A_673] : memref<2x128xi32, #tpu.memory_space<vmem>> -> memref<1x128xi32, #tpu.memory_space<vmem>>
      %dma_wait3A_675 = tpu.memref_squeeze %dma_wait3A_674 : memref<1x128xi32, #tpu.memory_space<vmem>> -> memref<128xi32, #tpu.memory_space<vmem>>
      %dma_wait3A_676 = arith.constant 0 : i32
      %dma_wait3A_677 = arith.constant 0 : i32
      %dma_wait3A_678 = tpu.memref_slice %arg2[%dma_wait3A_676, %dma_wait3A_677] : memref<10112x128xf32, #tpu.memory_space<hbm>> -> memref<10112x128xf32, #tpu.memory_space<hbm>>
      tpu.wait_indirect_dma semaphore(%arg13 : memref<!tpu.dma_semaphore, #tpu.memory_space<semaphore_mem>>) src(%dma_wait3A_678 : memref<10112x128xf32, #tpu.memory_space<hbm>>) dst(%dma_wait3A_672 : memref<128x128xf32, #tpu.memory_space<vmem>>)
      %add3A_679 = arith.constant 2 : i32
      %add3A_680 = arith.addi %add3A_361, %add3A_679 : i32
      %lt3A_681 = arith.constant 80 : i32
      %lt3A_682 = arith.cmpi slt, %add3A_680, %lt3A_681 : i32
      %convert_element_type3A_683 = arith.extui %lt3A_682 : i1 to i32
      %cond3A_684 = arith.constant 0 : i32
      %cond3A_685 = arith.cmpi ne, %convert_element_type3A_683, %cond3A_684 : i32
      scf.if %cond3A_685 {
        %dma_start3A_695 = arith.constant 0 : i32
        %dma_start3A_696 = arith.constant 0 : i32
        %dma_start3A_697 = arith.constant 0 : i32
        %dma_start3A_698 = arith.constant 0 : i32
        %dma_start3A_699 = tpu.memref_slice %arg10[%dma_start3A_696, %dma_start3A_697, %dma_start3A_698] : memref<2x128x128xf32, #tpu.memory_space<vmem>> -> memref<1x128x128xf32, #tpu.memory_space<vmem>>
        %dma_start3A_700 = tpu.memref_squeeze %dma_start3A_699 : memref<1x128x128xf32, #tpu.memory_space<vmem>> -> memref<128x128xf32, #tpu.memory_space<vmem>>
        %dma_start3A_701 = arith.constant 0 : i32
        %dma_start3A_702 = tpu.memref_slice %arg8[%dma_start3A_695, %dma_start3A_701] : memref<2x128xi32, #tpu.memory_space<vmem>> -> memref<1x128xi32, #tpu.memory_space<vmem>>
        %dma_start3A_703 = tpu.memref_squeeze %dma_start3A_702 : memref<1x128xi32, #tpu.memory_space<vmem>> -> memref<128xi32, #tpu.memory_space<vmem>>
        %dma_start3A_704 = arith.constant 0 : i32
        %dma_start3A_705 = arith.constant 0 : i32
        %dma_start3A_706 = tpu.memref_slice %arg2[%dma_start3A_704, %dma_start3A_705] : memref<10112x128xf32, #tpu.memory_space<hbm>> -> memref<10112x128xf32, #tpu.memory_space<hbm>>
        tpu.enqueue_indirect_dma source(%dma_start3A_706 : memref<10112x128xf32, #tpu.memory_space<hbm>>) target(%dma_start3A_700 : memref<128x128xf32, #tpu.memory_space<vmem>>) offsets(%dma_start3A_703 : memref<128xi32, #tpu.memory_space<vmem>>) semaphore(%arg13 : memref<!tpu.dma_semaphore, #tpu.memory_space<semaphore_mem>>)
      } else {
      }
      %add3A_686 = arith.constant 3 : i32
      %add3A_687 = arith.addi %add3A_361, %add3A_686 : i32
      %lt3A_688 = arith.constant 80 : i32
      %lt3A_689 = arith.cmpi slt, %add3A_687, %lt3A_688 : i32
      %convert_element_type3A_690 = arith.extui %lt3A_689 : i1 to i32
      %cond3A_691 = arith.constant 0 : i32
      %cond3A_692 = arith.cmpi ne, %convert_element_type3A_690, %cond3A_691 : i32
      scf.if %cond3A_692 {
        %add3A_695 = arith.constant 3 : i32
        %add3A_696 = arith.addi %add3A_361, %add3A_695 : i32
        %dma_start3A_697 = arith.constant 1 : i32
        %dma_start3A_698 = arith.constant 0 : i32
        %dma_start3A_699 = tpu.memref_slice %arg6[%dma_start3A_697, %dma_start3A_698] : memref<2x64xi32, #tpu.memory_space<vmem>> -> memref<1x64xi32, #tpu.memory_space<vmem>>
        %dma_start3A_700 = tpu.memref_squeeze %dma_start3A_699 : memref<1x64xi32, #tpu.memory_space<vmem>> -> memref<64xi32, #tpu.memory_space<vmem>>
        %dma_start3A_701 = arith.constant 0 : i32
        %dma_start3A_702 = tpu.memref_slice %arg3[%add3A, %add3A_696, %dma_start3A_701] : memref<32x80x64xi32, #tpu.memory_space<hbm>> -> memref<1x1x64xi32, #tpu.memory_space<hbm>>
        %dma_start3A_703 = tpu.memref_squeeze %dma_start3A_702 : memref<1x1x64xi32, #tpu.memory_space<hbm>> -> memref<64xi32, #tpu.memory_space<hbm>>
        %dma_start3A_704 = arith.constant 0 : i32
        %dma_start3A_705 = tpu.memref_slice %arg6[%dma_start3A_697, %dma_start3A_704] : memref<2x64xi32, #tpu.memory_space<vmem>> -> memref<1x64xi32, #tpu.memory_space<vmem>>
        %dma_start3A_706 = tpu.memref_squeeze %dma_start3A_705 : memref<1x64xi32, #tpu.memory_space<vmem>> -> memref<64xi32, #tpu.memory_space<vmem>>
        %dma_start3A_707 = arith.constant 0 : i32
        %dma_start3A_708 = tpu.memref_slice %arg3[%add3A, %add3A_696, %dma_start3A_707] : memref<32x80x64xi32, #tpu.memory_space<hbm>> -> memref<1x1x64xi32, #tpu.memory_space<hbm>>
        %dma_start3A_709 = tpu.memref_squeeze %dma_start3A_708 : memref<1x1x64xi32, #tpu.memory_space<hbm>> -> memref<64xi32, #tpu.memory_space<hbm>>
        tpu.enqueue_dma source(%dma_start3A_709 : memref<64xi32, #tpu.memory_space<hbm>>) target(%dma_start3A_706 : memref<64xi32, #tpu.memory_space<vmem>>) target_semaphore(%arg12 : memref<!tpu.dma_semaphore, #tpu.memory_space<semaphore_mem>>)
        %dma_start3A_710 = arith.constant 1 : i32
        %dma_start3A_711 = arith.constant 0 : i32
        %dma_start3A_712 = tpu.memref_slice %arg7[%dma_start3A_710, %dma_start3A_711] : memref<2x64xi32, #tpu.memory_space<vmem>> -> memref<1x64xi32, #tpu.memory_space<vmem>>
        %dma_start3A_713 = tpu.memref_squeeze %dma_start3A_712 : memref<1x64xi32, #tpu.memory_space<vmem>> -> memref<64xi32, #tpu.memory_space<vmem>>
        %dma_start3A_714 = arith.constant 0 : i32
        %dma_start3A_715 = tpu.memref_slice %arg4[%add3A, %add3A_696, %dma_start3A_714] : memref<32x80x64xi32, #tpu.memory_space<hbm>> -> memref<1x1x64xi32, #tpu.memory_space<hbm>>
        %dma_start3A_716 = tpu.memref_squeeze %dma_start3A_715 : memref<1x1x64xi32, #tpu.memory_space<hbm>> -> memref<64xi32, #tpu.memory_space<hbm>>
        %dma_start3A_717 = arith.constant 0 : i32
        %dma_start3A_718 = tpu.memref_slice %arg7[%dma_start3A_710, %dma_start3A_717] : memref<2x64xi32, #tpu.memory_space<vmem>> -> memref<1x64xi32, #tpu.memory_space<vmem>>
        %dma_start3A_719 = tpu.memref_squeeze %dma_start3A_718 : memref<1x64xi32, #tpu.memory_space<vmem>> -> memref<64xi32, #tpu.memory_space<vmem>>
        %dma_start3A_720 = arith.constant 0 : i32
        %dma_start3A_721 = tpu.memref_slice %arg4[%add3A, %add3A_696, %dma_start3A_720] : memref<32x80x64xi32, #tpu.memory_space<hbm>> -> memref<1x1x64xi32, #tpu.memory_space<hbm>>
        %dma_start3A_722 = tpu.memref_squeeze %dma_start3A_721 : memref<1x1x64xi32, #tpu.memory_space<hbm>> -> memref<64xi32, #tpu.memory_space<hbm>>
        tpu.enqueue_dma source(%dma_start3A_722 : memref<64xi32, #tpu.memory_space<hbm>>) target(%dma_start3A_719 : memref<64xi32, #tpu.memory_space<vmem>>) target_semaphore(%arg12 : memref<!tpu.dma_semaphore, #tpu.memory_space<semaphore_mem>>)
      } else {
      }
      %run_scoped3A_693 = arith.constant 1 : i32
      %run_scoped3A_694 = arith.constant 1 : i32
      "tpu.region"() ({
        %run_scoped3A_695 = tpu.sem_alloc : memref<!tpu.dma_semaphore, #tpu.memory_space<semaphore_mem>>
        %dma_start3A_696 = arith.constant 0 : i32
        %dma_start3A_697 = arith.constant 0 : i32
        %dma_start3A_698 = tpu.memref_slice %arg10[%run_scoped3A_693, %dma_start3A_696, %dma_start3A_697] : memref<2x128x128xf32, #tpu.memory_space<vmem>> -> memref<1x128x128xf32, #tpu.memory_space<vmem>>
        %dma_start3A_699 = tpu.memref_squeeze %dma_start3A_698 : memref<1x128x128xf32, #tpu.memory_space<vmem>> -> memref<128x128xf32, #tpu.memory_space<vmem>>
        %dma_start3A_700 = arith.constant 0 : i32
        %dma_start3A_701 = tpu.memref_slice %arg9[%run_scoped3A_694, %dma_start3A_700] : memref<2x128xi32, #tpu.memory_space<vmem>> -> memref<1x128xi32, #tpu.memory_space<vmem>>
        %dma_start3A_702 = tpu.memref_squeeze %dma_start3A_701 : memref<1x128xi32, #tpu.memory_space<vmem>> -> memref<128xi32, #tpu.memory_space<vmem>>
        %dma_start3A_703 = arith.constant 0 : i32
        %dma_start3A_704 = arith.constant 0 : i32
        %dma_start3A_705 = tpu.memref_slice %arg11[%dma_start3A_703, %dma_start3A_704] : memref<10112x128xf32, #tpu.memory_space<vmem_shared>> -> memref<10112x128xf32, #tpu.memory_space<vmem_shared>>
        tpu.enqueue_indirect_dma source(%dma_start3A_699 : memref<128x128xf32, #tpu.memory_space<vmem>>) target(%dma_start3A_705 : memref<10112x128xf32, #tpu.memory_space<vmem_shared>>) offsets(%dma_start3A_702 : memref<128xi32, #tpu.memory_space<vmem>>) semaphore(%run_scoped3A_695 : memref<!tpu.dma_semaphore, #tpu.memory_space<semaphore_mem>>) {add = true}
        %dma_wait3A_706 = arith.constant 0 : i32
        %dma_wait3A_707 = arith.constant 0 : i32
        %dma_wait3A_708 = tpu.memref_slice %arg10[%run_scoped3A_693, %dma_wait3A_706, %dma_wait3A_707] : memref<2x128x128xf32, #tpu.memory_space<vmem>> -> memref<1x128x128xf32, #tpu.memory_space<vmem>>
        %dma_wait3A_709 = tpu.memref_squeeze %dma_wait3A_708 : memref<1x128x128xf32, #tpu.memory_space<vmem>> -> memref<128x128xf32, #tpu.memory_space<vmem>>
        %dma_wait3A_710 = arith.constant 0 : i32
        %dma_wait3A_711 = tpu.memref_slice %arg9[%run_scoped3A_694, %dma_wait3A_710] : memref<2x128xi32, #tpu.memory_space<vmem>> -> memref<1x128xi32, #tpu.memory_space<vmem>>
        %dma_wait3A_712 = tpu.memref_squeeze %dma_wait3A_711 : memref<1x128xi32, #tpu.memory_space<vmem>> -> memref<128xi32, #tpu.memory_space<vmem>>
        %dma_wait3A_713 = arith.constant 0 : i32
        %dma_wait3A_714 = arith.constant 0 : i32
        %dma_wait3A_715 = tpu.memref_slice %arg11[%dma_wait3A_713, %dma_wait3A_714] : memref<10112x128xf32, #tpu.memory_space<vmem_shared>> -> memref<10112x128xf32, #tpu.memory_space<vmem_shared>>
        tpu.wait_indirect_dma semaphore(%run_scoped3A_695 : memref<!tpu.dma_semaphore, #tpu.memory_space<semaphore_mem>>) src(%dma_wait3A_709 : memref<128x128xf32, #tpu.memory_space<vmem>>) dst(%dma_wait3A_715 : memref<10112x128xf32, #tpu.memory_space<vmem_shared>>)
        tpu.yield
      }) : () -> ()
    }
    %scan3A_355 = arith.constant 40 : i32
    %barrier3A_356 = arith.constant 0 : index
    tpu.barrier barrier_id(%barrier3A_356)
    "tpu.region"() ({
      %run_scoped3A_357 = tpu.sem_alloc : memref<!tpu.dma_semaphore, #tpu.memory_space<semaphore_mem>>
      %dma_start3A_358 = arith.constant 0 : i32
      %dma_start3A_359 = tpu.memref_slice %arg5[%arg0, %mul3A_34, %dma_start3A_358] : memref<2x10112x128xf32, #tpu.memory_space<hbm>> -> memref<1x632x128xf32, #tpu.memory_space<hbm>>
      %dma_start3A_360 = tpu.memref_squeeze %dma_start3A_359 : memref<1x632x128xf32, #tpu.memory_space<hbm>> -> memref<632x128xf32, #tpu.memory_space<hbm>>
      %dma_start3A_361 = arith.constant 0 : i32
      %dma_start3A_362 = tpu.memref_slice %arg11[%mul3A_34, %dma_start3A_361] : memref<10112x128xf32, #tpu.memory_space<vmem_shared>> -> memref<632x128xf32, #tpu.memory_space<vmem_shared>>
      tpu.enqueue_dma source(%dma_start3A_362 : memref<632x128xf32, #tpu.memory_space<vmem_shared>>) target(%dma_start3A_360 : memref<632x128xf32, #tpu.memory_space<hbm>>) target_semaphore(%run_scoped3A_357 : memref<!tpu.dma_semaphore, #tpu.memory_space<semaphore_mem>>)
      %dma_wait3A_363 = arith.constant 0 : i32
      %dma_wait3A_364 = tpu.memref_slice %arg5[%arg0, %mul3A_34, %dma_wait3A_363] : memref<2x10112x128xf32, #tpu.memory_space<hbm>> -> memref<1x632x128xf32, #tpu.memory_space<hbm>>
      %dma_wait3A_365 = tpu.memref_squeeze %dma_wait3A_364 : memref<1x632x128xf32, #tpu.memory_space<hbm>> -> memref<632x128xf32, #tpu.memory_space<hbm>>
      %dma_wait3A_366 = arith.constant 0 : i32
      %dma_wait3A_367 = tpu.memref_slice %arg11[%mul3A_34, %dma_wait3A_366] : memref<10112x128xf32, #tpu.memory_space<vmem_shared>> -> memref<632x128xf32, #tpu.memory_space<vmem_shared>>
      tpu.wait_dma2 semaphore(%run_scoped3A_357 : memref<!tpu.dma_semaphore, #tpu.memory_space<semaphore_mem>>) src(%dma_wait3A_367 : memref<632x128xf32, #tpu.memory_space<vmem_shared>>) dst(%dma_wait3A_365 : memref<632x128xf32, #tpu.memory_space<hbm>>)
      tpu.yield
    }) : () -> ()
    return
  }
}

#map = affine_map<(d0, d1) -> (0, 0, 0)>
#map1 = affine_map<(d0, d1) -> (0, 0, 0, 0)>
module attributes {stable_mosaic.version = 14 : i64} {
  func.func @_deg_body(%arg0: i32, %arg1: i32, %arg2: memref<32x80x64xi32, #tpu.memory_space<hbm>>, %arg3: memref<32x80x64xi32, #tpu.memory_space<hbm>>, %arg4: memref<2x2x5120x16xf32, #tpu.memory_space<hbm>>, %arg5: memref<2x64xi32, #tpu.memory_space<vmem>>, %arg6: memref<2x64xi32, #tpu.memory_space<vmem>>, %arg7: memref<1x128xi32, #tpu.memory_space<vmem>>, %arg8: memref<1x128xi32, #tpu.memory_space<vmem>>, %arg9: memref<128x16xf32, #tpu.memory_space<vmem>>, %arg10: memref<128x16xf32, #tpu.memory_space<vmem>>, %arg11: memref<5120x16xf32, #tpu.memory_space<vmem_shared>>, %arg12: memref<!tpu.dma_semaphore, #tpu.memory_space<semaphore_mem>>) attributes {dimension_semantics = [#tpu.dimension_semantics<core_parallel>, #tpu.dimension_semantics<subcore_parallel>], iteration_bounds = array<i64: 2, 16>, scalar_prefetch = 0 : i64, scratch_operands = 8 : i64, tpu.core_type = #tpu.core_type<sc_vector_subcore>, window_params = [{transform_indices = #map}, {transform_indices = #map}, {transform_indices = #map1}]} {
    %mul3A = arith.constant 2 : i32
    %mul3A_0 = arith.muli %arg1, %mul3A : i32
    %add3A = arith.addi %mul3A_0, %arg0 : i32
    %iota3A = tpu.iota {dimensions = array<i32: 0>} : vector<16xi32>
    %lt3A = arith.constant 8 : i32
    %lt3A_1 = vector.broadcast %lt3A : i32 to vector<16xi32>
    %lt3A_2 = arith.cmpi slt, %iota3A, %lt3A_1 : vector<16xi32>
    %jit3A = arith.constant 1.000000e+00 : f32
    %jit3A_3 = arith.constant 0.000000e+00 : f32
    %broadcast_in_dim3A = vector.broadcast %jit3A : f32 to vector<16xf32>
    %broadcast_in_dim3A_4 = vector.broadcast %jit3A_3 : f32 to vector<16xf32>
    %select_n3A = arith.select %lt3A_2, %broadcast_in_dim3A, %broadcast_in_dim3A_4 : vector<16xi1>, vector<16xf32>
    %lt3A_5 = arith.constant 8 : i32
    %lt3A_6 = vector.broadcast %lt3A_5 : i32 to vector<16xi32>
    %lt3A_7 = arith.cmpi slt, %iota3A, %lt3A_6 : vector<16xi32>
    %jit3A_8 = arith.constant 0.000000e+00 : f32
    %jit3A_9 = arith.constant 1.000000e+00 : f32
    %broadcast_in_dim3A_10 = vector.broadcast %jit3A_8 : f32 to vector<16xf32>
    %broadcast_in_dim3A_11 = vector.broadcast %jit3A_9 : f32 to vector<16xf32>
    %select_n3A_12 = arith.select %lt3A_7, %broadcast_in_dim3A_10, %broadcast_in_dim3A_11 : vector<16xi1>, vector<16xf32>
    %broadcast_in_dim3A_13 = arith.constant 0.000000e+00 : f32
    %broadcast_in_dim3A_14 = vector.broadcast %broadcast_in_dim3A_13 : f32 to vector<16xf32>
    %mul3A_15 = arith.constant 320 : i32
    %mul3A_16 = arith.muli %arg1, %mul3A_15 : i32
    %scan3A = arith.constant 0 : i32
    %scan3A_17 = arith.constant 128 : i32
    %scan3A_18 = arith.addi %scan3A, %scan3A_17 : i32
    %scan3A_19 = arith.constant 1 : i32
    scf.for %scan3A_183 = %scan3A to %scan3A_18 step %scan3A_19  : i32 {
      %mul3A_184 = arith.constant 1 : i32
      %mul3A_185 = arith.muli %scan3A_183, %mul3A_184 : i32
      %add3A_186 = arith.constant 0 : i32
      %add3A_187 = arith.addi %add3A_186, %mul3A_185 : i32
      %swap3A = arith.index_cast %add3A_187 : i32 to index
      %swap3A_188 = arith.constant 0 : index
      %swap3A_189 = tpu.vector_load %arg9[%swap3A, %swap3A_188] {strides = array<i32>} : memref<128x16xf32, #tpu.memory_space<vmem>>, vector<16xf32>,
      tpu.vector_store %arg9[%swap3A, %swap3A_188], %broadcast_in_dim3A_14 {strides = array<i32>} : memref<128x16xf32, #tpu.memory_space<vmem>>, vector<16xf32>,
    }
    %scan3A_20 = arith.constant 128 : i32
    %add3A_21 = arith.constant 0 : i32
    %add3A_22 = arith.addi %mul3A_16, %add3A_21 : i32
    "tpu.region"() ({
      %run_scoped3A_183 = tpu.sem_alloc : memref<!tpu.dma_semaphore, #tpu.memory_space<semaphore_mem>>
      %dma_start3A_184 = arith.constant 0 : i32
      %dma_start3A_185 = tpu.memref_slice %arg11[%add3A_22, %dma_start3A_184] : memref<5120x16xf32, #tpu.memory_space<vmem_shared>> -> memref<128x16xf32, #tpu.memory_space<vmem_shared>>
      %dma_start3A_186 = arith.constant 0 : i32
      %dma_start3A_187 = tpu.memref_slice %arg11[%add3A_22, %dma_start3A_186] : memref<5120x16xf32, #tpu.memory_space<vmem_shared>> -> memref<128x16xf32, #tpu.memory_space<vmem_shared>>
      tpu.enqueue_dma source(%arg9 : memref<128x16xf32, #tpu.memory_space<vmem>>) target(%dma_start3A_187 : memref<128x16xf32, #tpu.memory_space<vmem_shared>>) target_semaphore(%run_scoped3A_183 : memref<!tpu.dma_semaphore, #tpu.memory_space<semaphore_mem>>)
      %dma_wait3A_188 = arith.constant 0 : i32
      %dma_wait3A_189 = tpu.memref_slice %arg11[%add3A_22, %dma_wait3A_188] : memref<5120x16xf32, #tpu.memory_space<vmem_shared>> -> memref<128x16xf32, #tpu.memory_space<vmem_shared>>
      %dma_wait3A_190 = arith.constant 0 : i32
      %dma_wait3A_191 = tpu.memref_slice %arg11[%add3A_22, %dma_wait3A_190] : memref<5120x16xf32, #tpu.memory_space<vmem_shared>> -> memref<128x16xf32, #tpu.memory_space<vmem_shared>>
      tpu.wait_dma2 semaphore(%run_scoped3A_183 : memref<!tpu.dma_semaphore, #tpu.memory_space<semaphore_mem>>) src(%arg9 : memref<128x16xf32, #tpu.memory_space<vmem>>) dst(%dma_wait3A_191 : memref<128x16xf32, #tpu.memory_space<vmem_shared>>)
      tpu.yield
    }) : () -> ()
    %add3A_23 = arith.constant 128 : i32
    %add3A_24 = arith.addi %mul3A_16, %add3A_23 : i32
    "tpu.region"() ({
      %run_scoped3A_183 = tpu.sem_alloc : memref<!tpu.dma_semaphore, #tpu.memory_space<semaphore_mem>>
      %dma_start3A_184 = arith.constant 0 : i32
      %dma_start3A_185 = tpu.memref_slice %arg11[%add3A_24, %dma_start3A_184] : memref<5120x16xf32, #tpu.memory_space<vmem_shared>> -> memref<128x16xf32, #tpu.memory_space<vmem_shared>>
      %dma_start3A_186 = arith.constant 0 : i32
      %dma_start3A_187 = tpu.memref_slice %arg11[%add3A_24, %dma_start3A_186] : memref<5120x16xf32, #tpu.memory_space<vmem_shared>> -> memref<128x16xf32, #tpu.memory_space<vmem_shared>>
      tpu.enqueue_dma source(%arg9 : memref<128x16xf32, #tpu.memory_space<vmem>>) target(%dma_start3A_187 : memref<128x16xf32, #tpu.memory_space<vmem_shared>>) target_semaphore(%run_scoped3A_183 : memref<!tpu.dma_semaphore, #tpu.memory_space<semaphore_mem>>)
      %dma_wait3A_188 = arith.constant 0 : i32
      %dma_wait3A_189 = tpu.memref_slice %arg11[%add3A_24, %dma_wait3A_188] : memref<5120x16xf32, #tpu.memory_space<vmem_shared>> -> memref<128x16xf32, #tpu.memory_space<vmem_shared>>
      %dma_wait3A_190 = arith.constant 0 : i32
      %dma_wait3A_191 = tpu.memref_slice %arg11[%add3A_24, %dma_wait3A_190] : memref<5120x16xf32, #tpu.memory_space<vmem_shared>> -> memref<128x16xf32, #tpu.memory_space<vmem_shared>>
      tpu.wait_dma2 semaphore(%run_scoped3A_183 : memref<!tpu.dma_semaphore, #tpu.memory_space<semaphore_mem>>) src(%arg9 : memref<128x16xf32, #tpu.memory_space<vmem>>) dst(%dma_wait3A_191 : memref<128x16xf32, #tpu.memory_space<vmem_shared>>)
      tpu.yield
    }) : () -> ()
    %add3A_25 = arith.constant 256 : i32
    %add3A_26 = arith.addi %mul3A_16, %add3A_25 : i32
    "tpu.region"() ({
      %run_scoped3A_183 = tpu.sem_alloc : memref<!tpu.dma_semaphore, #tpu.memory_space<semaphore_mem>>
      %dma_start3A_184 = arith.constant 0 : i32
      %dma_start3A_185 = arith.constant 0 : i32
      %dma_start3A_186 = tpu.memref_slice %arg9[%dma_start3A_184, %dma_start3A_185] : memref<128x16xf32, #tpu.memory_space<vmem>> -> memref<64x16xf32, #tpu.memory_space<vmem>>
      %dma_start3A_187 = arith.constant 0 : i32
      %dma_start3A_188 = tpu.memref_slice %arg11[%add3A_26, %dma_start3A_187] : memref<5120x16xf32, #tpu.memory_space<vmem_shared>> -> memref<64x16xf32, #tpu.memory_space<vmem_shared>>
      %dma_start3A_189 = arith.constant 0 : i32
      %dma_start3A_190 = tpu.memref_slice %arg11[%add3A_26, %dma_start3A_189] : memref<5120x16xf32, #tpu.memory_space<vmem_shared>> -> memref<64x16xf32, #tpu.memory_space<vmem_shared>>
      %dma_start3A_191 = arith.constant 0 : i32
      %dma_start3A_192 = arith.constant 0 : i32
      %dma_start3A_193 = tpu.memref_slice %arg9[%dma_start3A_191, %dma_start3A_192] : memref<128x16xf32, #tpu.memory_space<vmem>> -> memref<64x16xf32, #tpu.memory_space<vmem>>
      tpu.enqueue_dma source(%dma_start3A_193 : memref<64x16xf32, #tpu.memory_space<vmem>>) target(%dma_start3A_190 : memref<64x16xf32, #tpu.memory_space<vmem_shared>>) target_semaphore(%run_scoped3A_183 : memref<!tpu.dma_semaphore, #tpu.memory_space<semaphore_mem>>)
      %dma_wait3A_194 = arith.constant 0 : i32
      %dma_wait3A_195 = arith.constant 0 : i32
      %dma_wait3A_196 = tpu.memref_slice %arg9[%dma_wait3A_194, %dma_wait3A_195] : memref<128x16xf32, #tpu.memory_space<vmem>> -> memref<64x16xf32, #tpu.memory_space<vmem>>
      %dma_wait3A_197 = arith.constant 0 : i32
      %dma_wait3A_198 = tpu.memref_slice %arg11[%add3A_26, %dma_wait3A_197] : memref<5120x16xf32, #tpu.memory_space<vmem_shared>> -> memref<64x16xf32, #tpu.memory_space<vmem_shared>>
      %dma_wait3A_199 = arith.constant 0 : i32
      %dma_wait3A_200 = tpu.memref_slice %arg11[%add3A_26, %dma_wait3A_199] : memref<5120x16xf32, #tpu.memory_space<vmem_shared>> -> memref<64x16xf32, #tpu.memory_space<vmem_shared>>
      %dma_wait3A_201 = arith.constant 0 : i32
      %dma_wait3A_202 = arith.constant 0 : i32
      %dma_wait3A_203 = tpu.memref_slice %arg9[%dma_wait3A_201, %dma_wait3A_202] : memref<128x16xf32, #tpu.memory_space<vmem>> -> memref<64x16xf32, #tpu.memory_space<vmem>>
      tpu.wait_dma2 semaphore(%run_scoped3A_183 : memref<!tpu.dma_semaphore, #tpu.memory_space<semaphore_mem>>) src(%dma_wait3A_203 : memref<64x16xf32, #tpu.memory_space<vmem>>) dst(%dma_wait3A_200 : memref<64x16xf32, #tpu.memory_space<vmem_shared>>)
      tpu.yield
    }) : () -> ()
    %scan3A_27 = arith.constant 0 : i32
    %scan3A_28 = arith.constant 128 : i32
    %scan3A_29 = arith.addi %scan3A_27, %scan3A_28 : i32
    %scan3A_30 = arith.constant 1 : i32
    scf.for %scan3A_183 = %scan3A_27 to %scan3A_29 step %scan3A_30  : i32 {
      %mul3A_184 = arith.constant 1 : i32
      %mul3A_185 = arith.muli %scan3A_183, %mul3A_184 : i32
      %add3A_186 = arith.constant 0 : i32
      %add3A_187 = arith.addi %add3A_186, %mul3A_185 : i32
      %swap3A = arith.index_cast %add3A_187 : i32 to index
      %swap3A_188 = arith.constant 0 : index
      %swap3A_189 = tpu.vector_load %arg9[%swap3A, %swap3A_188] {strides = array<i32>} : memref<128x16xf32, #tpu.memory_space<vmem>>, vector<16xf32>,
      tpu.vector_store %arg9[%swap3A, %swap3A_188], %select_n3A {strides = array<i32>} : memref<128x16xf32, #tpu.memory_space<vmem>>, vector<16xf32>,
    }
    %scan3A_31 = arith.constant 128 : i32
    %scan3A_32 = arith.constant 0 : i32
    %scan3A_33 = arith.constant 128 : i32
    %scan3A_34 = arith.addi %scan3A_32, %scan3A_33 : i32
    %scan3A_35 = arith.constant 1 : i32
    scf.for %scan3A_183 = %scan3A_32 to %scan3A_34 step %scan3A_35  : i32 {
      %mul3A_184 = arith.constant 1 : i32
      %mul3A_185 = arith.muli %scan3A_183, %mul3A_184 : i32
      %add3A_186 = arith.constant 0 : i32
      %add3A_187 = arith.addi %add3A_186, %mul3A_185 : i32
      %swap3A = arith.index_cast %add3A_187 : i32 to index
      %swap3A_188 = arith.constant 0 : index
      %swap3A_189 = tpu.vector_load %arg10[%swap3A, %swap3A_188] {strides = array<i32>} : memref<128x16xf32, #tpu.memory_space<vmem>>, vector<16xf32>,
      tpu.vector_store %arg10[%swap3A, %swap3A_188], %select_n3A_12 {strides = array<i32>} : memref<128x16xf32, #tpu.memory_space<vmem>>, vector<16xf32>,
    }
    %scan3A_36 = arith.constant 128 : i32
    %dma_start3A = arith.constant 0 : i32
    %dma_start3A_37 = arith.constant 0 : i32
    %dma_start3A_38 = arith.constant 0 : i32
    %dma_start3A_39 = tpu.memref_slice %arg5[%dma_start3A_37, %dma_start3A_38] : memref<2x64xi32, #tpu.memory_space<vmem>> -> memref<1x64xi32, #tpu.memory_space<vmem>>
    %dma_start3A_40 = tpu.memref_squeeze %dma_start3A_39 : memref<1x64xi32, #tpu.memory_space<vmem>> -> memref<64xi32, #tpu.memory_space<vmem>>
    %dma_start3A_41 = arith.constant 0 : i32
    %dma_start3A_42 = tpu.memref_slice %arg2[%add3A, %dma_start3A, %dma_start3A_41] : memref<32x80x64xi32, #tpu.memory_space<hbm>> -> memref<1x1x64xi32, #tpu.memory_space<hbm>>
    %dma_start3A_43 = tpu.memref_squeeze %dma_start3A_42 : memref<1x1x64xi32, #tpu.memory_space<hbm>> -> memref<64xi32, #tpu.memory_space<hbm>>
    %dma_start3A_44 = arith.constant 0 : i32
    %dma_start3A_45 = tpu.memref_slice %arg5[%dma_start3A_37, %dma_start3A_44] : memref<2x64xi32, #tpu.memory_space<vmem>> -> memref<1x64xi32, #tpu.memory_space<vmem>>
    %dma_start3A_46 = tpu.memref_squeeze %dma_start3A_45 : memref<1x64xi32, #tpu.memory_space<vmem>> -> memref<64xi32, #tpu.memory_space<vmem>>
    %dma_start3A_47 = arith.constant 0 : i32
    %dma_start3A_48 = tpu.memref_slice %arg2[%add3A, %dma_start3A, %dma_start3A_47] : memref<32x80x64xi32, #tpu.memory_space<hbm>> -> memref<1x1x64xi32, #tpu.memory_space<hbm>>
    %dma_start3A_49 = tpu.memref_squeeze %dma_start3A_48 : memref<1x1x64xi32, #tpu.memory_space<hbm>> -> memref<64xi32, #tpu.memory_space<hbm>>
    tpu.enqueue_dma source(%dma_start3A_49 : memref<64xi32, #tpu.memory_space<hbm>>) target(%dma_start3A_46 : memref<64xi32, #tpu.memory_space<vmem>>) target_semaphore(%arg12 : memref<!tpu.dma_semaphore, #tpu.memory_space<semaphore_mem>>)
    %dma_start3A_50 = arith.constant 0 : i32
    %dma_start3A_51 = arith.constant 0 : i32
    %dma_start3A_52 = arith.constant 0 : i32
    %dma_start3A_53 = tpu.memref_slice %arg6[%dma_start3A_51, %dma_start3A_52] : memref<2x64xi32, #tpu.memory_space<vmem>> -> memref<1x64xi32, #tpu.memory_space<vmem>>
    %dma_start3A_54 = tpu.memref_squeeze %dma_start3A_53 : memref<1x64xi32, #tpu.memory_space<vmem>> -> memref<64xi32, #tpu.memory_space<vmem>>
    %dma_start3A_55 = arith.constant 0 : i32
    %dma_start3A_56 = tpu.memref_slice %arg3[%add3A, %dma_start3A_50, %dma_start3A_55] : memref<32x80x64xi32, #tpu.memory_space<hbm>> -> memref<1x1x64xi32, #tpu.memory_space<hbm>>
    %dma_start3A_57 = tpu.memref_squeeze %dma_start3A_56 : memref<1x1x64xi32, #tpu.memory_space<hbm>> -> memref<64xi32, #tpu.memory_space<hbm>>
    %dma_start3A_58 = arith.constant 0 : i32
    %dma_start3A_59 = tpu.memref_slice %arg6[%dma_start3A_51, %dma_start3A_58] : memref<2x64xi32, #tpu.memory_space<vmem>> -> memref<1x64xi32, #tpu.memory_space<vmem>>
    %dma_start3A_60 = tpu.memref_squeeze %dma_start3A_59 : memref<1x64xi32, #tpu.memory_space<vmem>> -> memref<64xi32, #tpu.memory_space<vmem>>
    %dma_start3A_61 = arith.constant 0 : i32
    %dma_start3A_62 = tpu.memref_slice %arg3[%add3A, %dma_start3A_50, %dma_start3A_61] : memref<32x80x64xi32, #tpu.memory_space<hbm>> -> memref<1x1x64xi32, #tpu.memory_space<hbm>>
    %dma_start3A_63 = tpu.memref_squeeze %dma_start3A_62 : memref<1x1x64xi32, #tpu.memory_space<hbm>> -> memref<64xi32, #tpu.memory_space<hbm>>
    tpu.enqueue_dma source(%dma_start3A_63 : memref<64xi32, #tpu.memory_space<hbm>>) target(%dma_start3A_60 : memref<64xi32, #tpu.memory_space<vmem>>) target_semaphore(%arg12 : memref<!tpu.dma_semaphore, #tpu.memory_space<semaphore_mem>>)
    %barrier3A = arith.constant 0 : index
    tpu.barrier barrier_id(%barrier3A)
    %dma_wait3A = arith.constant 0 : i32
    %dma_wait3A_64 = arith.constant 0 : i32
    %dma_wait3A_65 = arith.constant 0 : i32
    %dma_wait3A_66 = tpu.memref_slice %arg5[%dma_wait3A_64, %dma_wait3A_65] : memref<2x64xi32, #tpu.memory_space<vmem>> -> memref<1x64xi32, #tpu.memory_space<vmem>>
    %dma_wait3A_67 = tpu.memref_squeeze %dma_wait3A_66 : memref<1x64xi32, #tpu.memory_space<vmem>> -> memref<64xi32, #tpu.memory_space<vmem>>
    %dma_wait3A_68 = arith.constant 0 : i32
    %dma_wait3A_69 = tpu.memref_slice %arg2[%add3A, %dma_wait3A, %dma_wait3A_68] : memref<32x80x64xi32, #tpu.memory_space<hbm>> -> memref<1x1x64xi32, #tpu.memory_space<hbm>>
    %dma_wait3A_70 = tpu.memref_squeeze %dma_wait3A_69 : memref<1x1x64xi32, #tpu.memory_space<hbm>> -> memref<64xi32, #tpu.memory_space<hbm>>
    %dma_wait3A_71 = arith.constant 0 : i32
    %dma_wait3A_72 = tpu.memref_slice %arg5[%dma_wait3A_64, %dma_wait3A_71] : memref<2x64xi32, #tpu.memory_space<vmem>> -> memref<1x64xi32, #tpu.memory_space<vmem>>
    %dma_wait3A_73 = tpu.memref_squeeze %dma_wait3A_72 : memref<1x64xi32, #tpu.memory_space<vmem>> -> memref<64xi32, #tpu.memory_space<vmem>>
    %dma_wait3A_74 = arith.constant 0 : i32
    %dma_wait3A_75 = tpu.memref_slice %arg2[%add3A, %dma_wait3A, %dma_wait3A_74] : memref<32x80x64xi32, #tpu.memory_space<hbm>> -> memref<1x1x64xi32, #tpu.memory_space<hbm>>
    %dma_wait3A_76 = tpu.memref_squeeze %dma_wait3A_75 : memref<1x1x64xi32, #tpu.memory_space<hbm>> -> memref<64xi32, #tpu.memory_space<hbm>>
    tpu.wait_dma2 semaphore(%arg12 : memref<!tpu.dma_semaphore, #tpu.memory_space<semaphore_mem>>) src(%dma_wait3A_76 : memref<64xi32, #tpu.memory_space<hbm>>) dst(%dma_wait3A_73 : memref<64xi32, #tpu.memory_space<vmem>>)
    %dma_wait3A_77 = arith.constant 0 : i32
    %dma_wait3A_78 = arith.constant 0 : i32
    %dma_wait3A_79 = arith.constant 0 : i32
    %dma_wait3A_80 = tpu.memref_slice %arg6[%dma_wait3A_78, %dma_wait3A_79] : memref<2x64xi32, #tpu.memory_space<vmem>> -> memref<1x64xi32, #tpu.memory_space<vmem>>
    %dma_wait3A_81 = tpu.memref_squeeze %dma_wait3A_80 : memref<1x64xi32, #tpu.memory_space<vmem>> -> memref<64xi32, #tpu.memory_space<vmem>>
    %dma_wait3A_82 = arith.constant 0 : i32
    %dma_wait3A_83 = tpu.memref_slice %arg3[%add3A, %dma_wait3A_77, %dma_wait3A_82] : memref<32x80x64xi32, #tpu.memory_space<hbm>> -> memref<1x1x64xi32, #tpu.memory_space<hbm>>
    %dma_wait3A_84 = tpu.memref_squeeze %dma_wait3A_83 : memref<1x1x64xi32, #tpu.memory_space<hbm>> -> memref<64xi32, #tpu.memory_space<hbm>>
    %dma_wait3A_85 = arith.constant 0 : i32
    %dma_wait3A_86 = tpu.memref_slice %arg6[%dma_wait3A_78, %dma_wait3A_85] : memref<2x64xi32, #tpu.memory_space<vmem>> -> memref<1x64xi32, #tpu.memory_space<vmem>>
    %dma_wait3A_87 = tpu.memref_squeeze %dma_wait3A_86 : memref<1x64xi32, #tpu.memory_space<vmem>> -> memref<64xi32, #tpu.memory_space<vmem>>
    %dma_wait3A_88 = arith.constant 0 : i32
    %dma_wait3A_89 = tpu.memref_slice %arg3[%add3A, %dma_wait3A_77, %dma_wait3A_88] : memref<32x80x64xi32, #tpu.memory_space<hbm>> -> memref<1x1x64xi32, #tpu.memory_space<hbm>>
    %dma_wait3A_90 = tpu.memref_squeeze %dma_wait3A_89 : memref<1x1x64xi32, #tpu.memory_space<hbm>> -> memref<64xi32, #tpu.memory_space<hbm>>
    tpu.wait_dma2 semaphore(%arg12 : memref<!tpu.dma_semaphore, #tpu.memory_space<semaphore_mem>>) src(%dma_wait3A_90 : memref<64xi32, #tpu.memory_space<hbm>>) dst(%dma_wait3A_87 : memref<64xi32, #tpu.memory_space<vmem>>)
    %scan3A_91 = arith.constant 0 : i32
    %scan3A_92 = arith.constant 40 : i32
    %scan3A_93 = arith.addi %scan3A_91, %scan3A_92 : i32
    %scan3A_94 = arith.constant 1 : i32
    scf.for %scan3A_183 = %scan3A_91 to %scan3A_93 step %scan3A_94  : i32 {
      %mul3A_184 = arith.constant 2 : i32
      %mul3A_185 = arith.muli %scan3A_183, %mul3A_184 : i32
      %add3A_186 = arith.constant 0 : i32
      %add3A_187 = arith.addi %add3A_186, %mul3A_185 : i32
      %add3A_188 = arith.constant 0 : i32
      %add3A_189 = arith.addi %add3A_187, %add3A_188 : i32
      %add3A_190 = arith.constant 1 : i32
      %add3A_191 = arith.addi %add3A_189, %add3A_190 : i32
      %lt3A_192 = arith.constant 80 : i32
      %lt3A_193 = arith.cmpi slt, %add3A_191, %lt3A_192 : i32
      %convert_element_type3A = arith.extui %lt3A_193 : i1 to i32
      %cond3A = arith.constant 0 : i32
      %cond3A_194 = arith.cmpi ne, %convert_element_type3A, %cond3A : i32
      scf.if %cond3A_194 {
        %dma_start3A_1012 = arith.constant 1 : i32
        %dma_start3A_1013 = arith.constant 0 : i32
        %dma_start3A_1014 = tpu.memref_slice %arg5[%dma_start3A_1012, %dma_start3A_1013] : memref<2x64xi32, #tpu.memory_space<vmem>> -> memref<1x64xi32, #tpu.memory_space<vmem>>
        %dma_start3A_1015 = tpu.memref_squeeze %dma_start3A_1014 : memref<1x64xi32, #tpu.memory_space<vmem>> -> memref<64xi32, #tpu.memory_space<vmem>>
        %dma_start3A_1016 = arith.constant 0 : i32
        %dma_start3A_1017 = tpu.memref_slice %arg2[%add3A, %add3A_191, %dma_start3A_1016] : memref<32x80x64xi32, #tpu.memory_space<hbm>> -> memref<1x1x64xi32, #tpu.memory_space<hbm>>
        %dma_start3A_1018 = tpu.memref_squeeze %dma_start3A_1017 : memref<1x1x64xi32, #tpu.memory_space<hbm>> -> memref<64xi32, #tpu.memory_space<hbm>>
        %dma_start3A_1019 = arith.constant 0 : i32
        %dma_start3A_1020 = tpu.memref_slice %arg5[%dma_start3A_1012, %dma_start3A_1019] : memref<2x64xi32, #tpu.memory_space<vmem>> -> memref<1x64xi32, #tpu.memory_space<vmem>>
        %dma_start3A_1021 = tpu.memref_squeeze %dma_start3A_1020 : memref<1x64xi32, #tpu.memory_space<vmem>> -> memref<64xi32, #tpu.memory_space<vmem>>
        %dma_start3A_1022 = arith.constant 0 : i32
        %dma_start3A_1023 = tpu.memref_slice %arg2[%add3A, %add3A_191, %dma_start3A_1022] : memref<32x80x64xi32, #tpu.memory_space<hbm>> -> memref<1x1x64xi32, #tpu.memory_space<hbm>>
        %dma_start3A_1024 = tpu.memref_squeeze %dma_start3A_1023 : memref<1x1x64xi32, #tpu.memory_space<hbm>> -> memref<64xi32, #tpu.memory_space<hbm>>
        tpu.enqueue_dma source(%dma_start3A_1024 : memref<64xi32, #tpu.memory_space<hbm>>) target(%dma_start3A_1021 : memref<64xi32, #tpu.memory_space<vmem>>) target_semaphore(%arg12 : memref<!tpu.dma_semaphore, #tpu.memory_space<semaphore_mem>>)
        %dma_start3A_1025 = arith.constant 1 : i32
        %dma_start3A_1026 = arith.constant 0 : i32
        %dma_start3A_1027 = tpu.memref_slice %arg6[%dma_start3A_1025, %dma_start3A_1026] : memref<2x64xi32, #tpu.memory_space<vmem>> -> memref<1x64xi32, #tpu.memory_space<vmem>>
        %dma_start3A_1028 = tpu.memref_squeeze %dma_start3A_1027 : memref<1x64xi32, #tpu.memory_space<vmem>> -> memref<64xi32, #tpu.memory_space<vmem>>
        %dma_start3A_1029 = arith.constant 0 : i32
        %dma_start3A_1030 = tpu.memref_slice %arg3[%add3A, %add3A_191, %dma_start3A_1029] : memref<32x80x64xi32, #tpu.memory_space<hbm>> -> memref<1x1x64xi32, #tpu.memory_space<hbm>>
        %dma_start3A_1031 = tpu.memref_squeeze %dma_start3A_1030 : memref<1x1x64xi32, #tpu.memory_space<hbm>> -> memref<64xi32, #tpu.memory_space<hbm>>
        %dma_start3A_1032 = arith.constant 0 : i32
        %dma_start3A_1033 = tpu.memref_slice %arg6[%dma_start3A_1025, %dma_start3A_1032] : memref<2x64xi32, #tpu.memory_space<vmem>> -> memref<1x64xi32, #tpu.memory_space<vmem>>
        %dma_start3A_1034 = tpu.memref_squeeze %dma_start3A_1033 : memref<1x64xi32, #tpu.memory_space<vmem>> -> memref<64xi32, #tpu.memory_space<vmem>>
        %dma_start3A_1035 = arith.constant 0 : i32
        %dma_start3A_1036 = tpu.memref_slice %arg3[%add3A, %add3A_191, %dma_start3A_1035] : memref<32x80x64xi32, #tpu.memory_space<hbm>> -> memref<1x1x64xi32, #tpu.memory_space<hbm>>
        %dma_start3A_1037 = tpu.memref_squeeze %dma_start3A_1036 : memref<1x1x64xi32, #tpu.memory_space<hbm>> -> memref<64xi32, #tpu.memory_space<hbm>>
        tpu.enqueue_dma source(%dma_start3A_1037 : memref<64xi32, #tpu.memory_space<hbm>>) target(%dma_start3A_1034 : memref<64xi32, #tpu.memory_space<vmem>>) target_semaphore(%arg12 : memref<!tpu.dma_semaphore, #tpu.memory_space<semaphore_mem>>)
      } else {
      }
      %get3A = arith.constant 0 : i32
      %get3A_195 = arith.constant 0 : i32
      %get3A_196 = tpu.memref_slice %arg5[%get3A, %get3A_195] : memref<2x64xi32, #tpu.memory_space<vmem>> -> memref<1x64xi32, #tpu.memory_space<vmem>>
      %get3A_197 = tpu.memref_squeeze %get3A_196 : memref<1x64xi32, #tpu.memory_space<vmem>> -> memref<64xi32, #tpu.memory_space<vmem>>
      %get3A_198 = arith.constant 0 : index
      %get3A_199 = tpu.vector_load %get3A_197[%get3A_198] {strides = array<i32>} : memref<64xi32, #tpu.memory_space<vmem>>, vector<16xi32>,
      %and3A = arith.constant 65535 : i32
      %and3A_200 = vector.broadcast %and3A : i32 to vector<16xi32>
      %and3A_201 = arith.andi %get3A_199, %and3A_200 : vector<16xi32>
      %sub3A = arith.constant 0 : i32
      %sub3A_202 = vector.broadcast %sub3A : i32 to vector<16xi32>
      %sub3A_203 = arith.subi %and3A_201, %sub3A_202 : vector<16xi32>
      %shift_right_logical3A = arith.constant 16 : i32
      %shift_right_logical3A_204 = vector.broadcast %shift_right_logical3A : i32 to vector<16xi32>
      %shift_right_logical3A_205 = arith.shrui %get3A_199, %shift_right_logical3A_204 : vector<16xi32>
      %sub3A_206 = arith.constant 0 : i32
      %sub3A_207 = vector.broadcast %sub3A_206 : i32 to vector<16xi32>
      %sub3A_208 = arith.subi %shift_right_logical3A_205, %sub3A_207 : vector<16xi32>
      %ge3A = arith.constant 0 : i32
      %ge3A_209 = vector.broadcast %ge3A : i32 to vector<16xi32>
      %ge3A_210 = arith.cmpi sge, %sub3A_203, %ge3A_209 : vector<16xi32>
      %lt3A_211 = arith.constant 5056 : i32
      %lt3A_212 = vector.broadcast %lt3A_211 : i32 to vector<16xi32>
      %lt3A_213 = arith.cmpi slt, %sub3A_203, %lt3A_212 : vector<16xi32>
      %and3A_214 = arith.andi %ge3A_210, %lt3A_213 : vector<16xi1>
      %jit3A_215 = arith.constant 5056 : i32
      %broadcast_in_dim3A_216 = vector.broadcast %jit3A_215 : i32 to vector<16xi32>
      %select_n3A_217 = arith.select %and3A_214, %sub3A_203, %broadcast_in_dim3A_216 : vector<16xi1>, vector<16xi32>
      %ge3A_218 = arith.constant 0 : i32
      %ge3A_219 = vector.broadcast %ge3A_218 : i32 to vector<16xi32>
      %ge3A_220 = arith.cmpi sge, %sub3A_208, %ge3A_219 : vector<16xi32>
      %lt3A_221 = arith.constant 5056 : i32
      %lt3A_222 = vector.broadcast %lt3A_221 : i32 to vector<16xi32>
      %lt3A_223 = arith.cmpi slt, %sub3A_208, %lt3A_222 : vector<16xi32>
      %and3A_224 = arith.andi %ge3A_220, %lt3A_223 : vector<16xi1>
      %jit3A_225 = arith.constant 5056 : i32
      %broadcast_in_dim3A_226 = vector.broadcast %jit3A_225 : i32 to vector<16xi32>
      %select_n3A_227 = arith.select %and3A_224, %sub3A_208, %broadcast_in_dim3A_226 : vector<16xi1>, vector<16xi32>
      %swap3A = arith.constant 0 : i32
      %swap3A_228 = arith.constant 0 : i32
      %swap3A_229 = tpu.memref_slice %arg7[%swap3A, %swap3A_228] : memref<1x128xi32, #tpu.memory_space<vmem>> -> memref<1x128xi32, #tpu.memory_space<vmem>>
      %swap3A_230 = tpu.memref_squeeze %swap3A_229 : memref<1x128xi32, #tpu.memory_space<vmem>> -> memref<128xi32, #tpu.memory_space<vmem>>
      %swap3A_231 = arith.constant 0 : index
      %swap3A_232 = tpu.vector_load %swap3A_230[%swap3A_231] {strides = array<i32>} : memref<128xi32, #tpu.memory_space<vmem>>, vector<16xi32>,
      tpu.vector_store %swap3A_230[%swap3A_231], %select_n3A_217 {strides = array<i32>} : memref<128xi32, #tpu.memory_space<vmem>>, vector<16xi32>,
      %swap3A_233 = arith.constant 0 : i32
      %swap3A_234 = arith.constant 0 : i32
      %swap3A_235 = tpu.memref_slice %arg7[%swap3A_233, %swap3A_234] : memref<1x128xi32, #tpu.memory_space<vmem>> -> memref<1x128xi32, #tpu.memory_space<vmem>>
      %swap3A_236 = tpu.memref_squeeze %swap3A_235 : memref<1x128xi32, #tpu.memory_space<vmem>> -> memref<128xi32, #tpu.memory_space<vmem>>
      %swap3A_237 = arith.constant 16 : index
      %swap3A_238 = tpu.vector_load %swap3A_236[%swap3A_237] {strides = array<i32>} : memref<128xi32, #tpu.memory_space<vmem>>, vector<16xi32>,
      tpu.vector_store %swap3A_236[%swap3A_237], %select_n3A_227 {strides = array<i32>} : memref<128xi32, #tpu.memory_space<vmem>>, vector<16xi32>,
      %get3A_239 = arith.constant 0 : i32
      %get3A_240 = arith.constant 0 : i32
      %get3A_241 = tpu.memref_slice %arg5[%get3A_239, %get3A_240] : memref<2x64xi32, #tpu.memory_space<vmem>> -> memref<1x64xi32, #tpu.memory_space<vmem>>
      %get3A_242 = tpu.memref_squeeze %get3A_241 : memref<1x64xi32, #tpu.memory_space<vmem>> -> memref<64xi32, #tpu.memory_space<vmem>>
      %get3A_243 = arith.constant 16 : index
      %get3A_244 = tpu.vector_load %get3A_242[%get3A_243] {strides = array<i32>} : memref<64xi32, #tpu.memory_space<vmem>>, vector<16xi32>,
      %and3A_245 = arith.constant 65535 : i32
      %and3A_246 = vector.broadcast %and3A_245 : i32 to vector<16xi32>
      %and3A_247 = arith.andi %get3A_244, %and3A_246 : vector<16xi32>
      %sub3A_248 = arith.constant 0 : i32
      %sub3A_249 = vector.broadcast %sub3A_248 : i32 to vector<16xi32>
      %sub3A_250 = arith.subi %and3A_247, %sub3A_249 : vector<16xi32>
      %shift_right_logical3A_251 = arith.constant 16 : i32
      %shift_right_logical3A_252 = vector.broadcast %shift_right_logical3A_251 : i32 to vector<16xi32>
      %shift_right_logical3A_253 = arith.shrui %get3A_244, %shift_right_logical3A_252 : vector<16xi32>
      %sub3A_254 = arith.constant 0 : i32
      %sub3A_255 = vector.broadcast %sub3A_254 : i32 to vector<16xi32>
      %sub3A_256 = arith.subi %shift_right_logical3A_253, %sub3A_255 : vector<16xi32>
      %ge3A_257 = arith.constant 0 : i32
      %ge3A_258 = vector.broadcast %ge3A_257 : i32 to vector<16xi32>
      %ge3A_259 = arith.cmpi sge, %sub3A_250, %ge3A_258 : vector<16xi32>
      %lt3A_260 = arith.constant 5056 : i32
      %lt3A_261 = vector.broadcast %lt3A_260 : i32 to vector<16xi32>
      %lt3A_262 = arith.cmpi slt, %sub3A_250, %lt3A_261 : vector<16xi32>
      %and3A_263 = arith.andi %ge3A_259, %lt3A_262 : vector<16xi1>
      %jit3A_264 = arith.constant 5056 : i32
      %broadcast_in_dim3A_265 = vector.broadcast %jit3A_264 : i32 to vector<16xi32>
      %select_n3A_266 = arith.select %and3A_263, %sub3A_250, %broadcast_in_dim3A_265 : vector<16xi1>, vector<16xi32>
      %ge3A_267 = arith.constant 0 : i32
      %ge3A_268 = vector.broadcast %ge3A_267 : i32 to vector<16xi32>
      %ge3A_269 = arith.cmpi sge, %sub3A_256, %ge3A_268 : vector<16xi32>
      %lt3A_270 = arith.constant 5056 : i32
      %lt3A_271 = vector.broadcast %lt3A_270 : i32 to vector<16xi32>
      %lt3A_272 = arith.cmpi slt, %sub3A_256, %lt3A_271 : vector<16xi32>
      %and3A_273 = arith.andi %ge3A_269, %lt3A_272 : vector<16xi1>
      %jit3A_274 = arith.constant 5056 : i32
      %broadcast_in_dim3A_275 = vector.broadcast %jit3A_274 : i32 to vector<16xi32>
      %select_n3A_276 = arith.select %and3A_273, %sub3A_256, %broadcast_in_dim3A_275 : vector<16xi1>, vector<16xi32>
      %swap3A_277 = arith.constant 0 : i32
      %swap3A_278 = arith.constant 0 : i32
      %swap3A_279 = tpu.memref_slice %arg7[%swap3A_277, %swap3A_278] : memref<1x128xi32, #tpu.memory_space<vmem>> -> memref<1x128xi32, #tpu.memory_space<vmem>>
      %swap3A_280 = tpu.memref_squeeze %swap3A_279 : memref<1x128xi32, #tpu.memory_space<vmem>> -> memref<128xi32, #tpu.memory_space<vmem>>
      %swap3A_281 = arith.constant 32 : index
      %swap3A_282 = tpu.vector_load %swap3A_280[%swap3A_281] {strides = array<i32>} : memref<128xi32, #tpu.memory_space<vmem>>, vector<16xi32>,
      tpu.vector_store %swap3A_280[%swap3A_281], %select_n3A_266 {strides = array<i32>} : memref<128xi32, #tpu.memory_space<vmem>>, vector<16xi32>,
      %swap3A_283 = arith.constant 0 : i32
      %swap3A_284 = arith.constant 0 : i32
      %swap3A_285 = tpu.memref_slice %arg7[%swap3A_283, %swap3A_284] : memref<1x128xi32, #tpu.memory_space<vmem>> -> memref<1x128xi32, #tpu.memory_space<vmem>>
      %swap3A_286 = tpu.memref_squeeze %swap3A_285 : memref<1x128xi32, #tpu.memory_space<vmem>> -> memref<128xi32, #tpu.memory_space<vmem>>
      %swap3A_287 = arith.constant 48 : index
      %swap3A_288 = tpu.vector_load %swap3A_286[%swap3A_287] {strides = array<i32>} : memref<128xi32, #tpu.memory_space<vmem>>, vector<16xi32>,
      tpu.vector_store %swap3A_286[%swap3A_287], %select_n3A_276 {strides = array<i32>} : memref<128xi32, #tpu.memory_space<vmem>>, vector<16xi32>,
      %get3A_289 = arith.constant 0 : i32
      %get3A_290 = arith.constant 0 : i32
      %get3A_291 = tpu.memref_slice %arg5[%get3A_289, %get3A_290] : memref<2x64xi32, #tpu.memory_space<vmem>> -> memref<1x64xi32, #tpu.memory_space<vmem>>
      %get3A_292 = tpu.memref_squeeze %get3A_291 : memref<1x64xi32, #tpu.memory_space<vmem>> -> memref<64xi32, #tpu.memory_space<vmem>>
      %get3A_293 = arith.constant 32 : index
      %get3A_294 = tpu.vector_load %get3A_292[%get3A_293] {strides = array<i32>} : memref<64xi32, #tpu.memory_space<vmem>>, vector<16xi32>,
      %and3A_295 = arith.constant 65535 : i32
      %and3A_296 = vector.broadcast %and3A_295 : i32 to vector<16xi32>
      %and3A_297 = arith.andi %get3A_294, %and3A_296 : vector<16xi32>
      %sub3A_298 = arith.constant 0 : i32
      %sub3A_299 = vector.broadcast %sub3A_298 : i32 to vector<16xi32>
      %sub3A_300 = arith.subi %and3A_297, %sub3A_299 : vector<16xi32>
      %shift_right_logical3A_301 = arith.constant 16 : i32
      %shift_right_logical3A_302 = vector.broadcast %shift_right_logical3A_301 : i32 to vector<16xi32>
      %shift_right_logical3A_303 = arith.shrui %get3A_294, %shift_right_logical3A_302 : vector<16xi32>
      %sub3A_304 = arith.constant 0 : i32
      %sub3A_305 = vector.broadcast %sub3A_304 : i32 to vector<16xi32>
      %sub3A_306 = arith.subi %shift_right_logical3A_303, %sub3A_305 : vector<16xi32>
      %ge3A_307 = arith.constant 0 : i32
      %ge3A_308 = vector.broadcast %ge3A_307 : i32 to vector<16xi32>
      %ge3A_309 = arith.cmpi sge, %sub3A_300, %ge3A_308 : vector<16xi32>
      %lt3A_310 = arith.constant 5056 : i32
      %lt3A_311 = vector.broadcast %lt3A_310 : i32 to vector<16xi32>
      %lt3A_312 = arith.cmpi slt, %sub3A_300, %lt3A_311 : vector<16xi32>
      %and3A_313 = arith.andi %ge3A_309, %lt3A_312 : vector<16xi1>
      %jit3A_314 = arith.constant 5056 : i32
      %broadcast_in_dim3A_315 = vector.broadcast %jit3A_314 : i32 to vector<16xi32>
      %select_n3A_316 = arith.select %and3A_313, %sub3A_300, %broadcast_in_dim3A_315 : vector<16xi1>, vector<16xi32>
      %ge3A_317 = arith.constant 0 : i32
      %ge3A_318 = vector.broadcast %ge3A_317 : i32 to vector<16xi32>
      %ge3A_319 = arith.cmpi sge, %sub3A_306, %ge3A_318 : vector<16xi32>
      %lt3A_320 = arith.constant 5056 : i32
      %lt3A_321 = vector.broadcast %lt3A_320 : i32 to vector<16xi32>
      %lt3A_322 = arith.cmpi slt, %sub3A_306, %lt3A_321 : vector<16xi32>
      %and3A_323 = arith.andi %ge3A_319, %lt3A_322 : vector<16xi1>
      %jit3A_324 = arith.constant 5056 : i32
      %broadcast_in_dim3A_325 = vector.broadcast %jit3A_324 : i32 to vector<16xi32>
      %select_n3A_326 = arith.select %and3A_323, %sub3A_306, %broadcast_in_dim3A_325 : vector<16xi1>, vector<16xi32>
      %swap3A_327 = arith.constant 0 : i32
      %swap3A_328 = arith.constant 0 : i32
      %swap3A_329 = tpu.memref_slice %arg7[%swap3A_327, %swap3A_328] : memref<1x128xi32, #tpu.memory_space<vmem>> -> memref<1x128xi32, #tpu.memory_space<vmem>>
      %swap3A_330 = tpu.memref_squeeze %swap3A_329 : memref<1x128xi32, #tpu.memory_space<vmem>> -> memref<128xi32, #tpu.memory_space<vmem>>
      %swap3A_331 = arith.constant 64 : index
      %swap3A_332 = tpu.vector_load %swap3A_330[%swap3A_331] {strides = array<i32>} : memref<128xi32, #tpu.memory_space<vmem>>, vector<16xi32>,
      tpu.vector_store %swap3A_330[%swap3A_331], %select_n3A_316 {strides = array<i32>} : memref<128xi32, #tpu.memory_space<vmem>>, vector<16xi32>,
      %swap3A_333 = arith.constant 0 : i32
      %swap3A_334 = arith.constant 0 : i32
      %swap3A_335 = tpu.memref_slice %arg7[%swap3A_333, %swap3A_334] : memref<1x128xi32, #tpu.memory_space<vmem>> -> memref<1x128xi32, #tpu.memory_space<vmem>>
      %swap3A_336 = tpu.memref_squeeze %swap3A_335 : memref<1x128xi32, #tpu.memory_space<vmem>> -> memref<128xi32, #tpu.memory_space<vmem>>
      %swap3A_337 = arith.constant 80 : index
      %swap3A_338 = tpu.vector_load %swap3A_336[%swap3A_337] {strides = array<i32>} : memref<128xi32, #tpu.memory_space<vmem>>, vector<16xi32>,
      tpu.vector_store %swap3A_336[%swap3A_337], %select_n3A_326 {strides = array<i32>} : memref<128xi32, #tpu.memory_space<vmem>>, vector<16xi32>,
      %get3A_339 = arith.constant 0 : i32
      %get3A_340 = arith.constant 0 : i32
      %get3A_341 = tpu.memref_slice %arg5[%get3A_339, %get3A_340] : memref<2x64xi32, #tpu.memory_space<vmem>> -> memref<1x64xi32, #tpu.memory_space<vmem>>
      %get3A_342 = tpu.memref_squeeze %get3A_341 : memref<1x64xi32, #tpu.memory_space<vmem>> -> memref<64xi32, #tpu.memory_space<vmem>>
      %get3A_343 = arith.constant 48 : index
      %get3A_344 = tpu.vector_load %get3A_342[%get3A_343] {strides = array<i32>} : memref<64xi32, #tpu.memory_space<vmem>>, vector<16xi32>,
      %and3A_345 = arith.constant 65535 : i32
      %and3A_346 = vector.broadcast %and3A_345 : i32 to vector<16xi32>
      %and3A_347 = arith.andi %get3A_344, %and3A_346 : vector<16xi32>
      %sub3A_348 = arith.constant 0 : i32
      %sub3A_349 = vector.broadcast %sub3A_348 : i32 to vector<16xi32>
      %sub3A_350 = arith.subi %and3A_347, %sub3A_349 : vector<16xi32>
      %shift_right_logical3A_351 = arith.constant 16 : i32
      %shift_right_logical3A_352 = vector.broadcast %shift_right_logical3A_351 : i32 to vector<16xi32>
      %shift_right_logical3A_353 = arith.shrui %get3A_344, %shift_right_logical3A_352 : vector<16xi32>
      %sub3A_354 = arith.constant 0 : i32
      %sub3A_355 = vector.broadcast %sub3A_354 : i32 to vector<16xi32>
      %sub3A_356 = arith.subi %shift_right_logical3A_353, %sub3A_355 : vector<16xi32>
      %ge3A_357 = arith.constant 0 : i32
      %ge3A_358 = vector.broadcast %ge3A_357 : i32 to vector<16xi32>
      %ge3A_359 = arith.cmpi sge, %sub3A_350, %ge3A_358 : vector<16xi32>
      %lt3A_360 = arith.constant 5056 : i32
      %lt3A_361 = vector.broadcast %lt3A_360 : i32 to vector<16xi32>
      %lt3A_362 = arith.cmpi slt, %sub3A_350, %lt3A_361 : vector<16xi32>
      %and3A_363 = arith.andi %ge3A_359, %lt3A_362 : vector<16xi1>
      %jit3A_364 = arith.constant 5056 : i32
      %broadcast_in_dim3A_365 = vector.broadcast %jit3A_364 : i32 to vector<16xi32>
      %select_n3A_366 = arith.select %and3A_363, %sub3A_350, %broadcast_in_dim3A_365 : vector<16xi1>, vector<16xi32>
      %ge3A_367 = arith.constant 0 : i32
      %ge3A_368 = vector.broadcast %ge3A_367 : i32 to vector<16xi32>
      %ge3A_369 = arith.cmpi sge, %sub3A_356, %ge3A_368 : vector<16xi32>
      %lt3A_370 = arith.constant 5056 : i32
      %lt3A_371 = vector.broadcast %lt3A_370 : i32 to vector<16xi32>
      %lt3A_372 = arith.cmpi slt, %sub3A_356, %lt3A_371 : vector<16xi32>
      %and3A_373 = arith.andi %ge3A_369, %lt3A_372 : vector<16xi1>
      %jit3A_374 = arith.constant 5056 : i32
      %broadcast_in_dim3A_375 = vector.broadcast %jit3A_374 : i32 to vector<16xi32>
      %select_n3A_376 = arith.select %and3A_373, %sub3A_356, %broadcast_in_dim3A_375 : vector<16xi1>, vector<16xi32>
      %swap3A_377 = arith.constant 0 : i32
      %swap3A_378 = arith.constant 0 : i32
      %swap3A_379 = tpu.memref_slice %arg7[%swap3A_377, %swap3A_378] : memref<1x128xi32, #tpu.memory_space<vmem>> -> memref<1x128xi32, #tpu.memory_space<vmem>>
      %swap3A_380 = tpu.memref_squeeze %swap3A_379 : memref<1x128xi32, #tpu.memory_space<vmem>> -> memref<128xi32, #tpu.memory_space<vmem>>
      %swap3A_381 = arith.constant 96 : index
      %swap3A_382 = tpu.vector_load %swap3A_380[%swap3A_381] {strides = array<i32>} : memref<128xi32, #tpu.memory_space<vmem>>, vector<16xi32>,
      tpu.vector_store %swap3A_380[%swap3A_381], %select_n3A_366 {strides = array<i32>} : memref<128xi32, #tpu.memory_space<vmem>>, vector<16xi32>,
      %swap3A_383 = arith.constant 0 : i32
      %swap3A_384 = arith.constant 0 : i32
      %swap3A_385 = tpu.memref_slice %arg7[%swap3A_383, %swap3A_384] : memref<1x128xi32, #tpu.memory_space<vmem>> -> memref<1x128xi32, #tpu.memory_space<vmem>>
      %swap3A_386 = tpu.memref_squeeze %swap3A_385 : memref<1x128xi32, #tpu.memory_space<vmem>> -> memref<128xi32, #tpu.memory_space<vmem>>
      %swap3A_387 = arith.constant 112 : index
      %swap3A_388 = tpu.vector_load %swap3A_386[%swap3A_387] {strides = array<i32>} : memref<128xi32, #tpu.memory_space<vmem>>, vector<16xi32>,
      tpu.vector_store %swap3A_386[%swap3A_387], %select_n3A_376 {strides = array<i32>} : memref<128xi32, #tpu.memory_space<vmem>>, vector<16xi32>,
      %get3A_389 = arith.constant 0 : i32
      %get3A_390 = arith.constant 0 : i32
      %get3A_391 = tpu.memref_slice %arg6[%get3A_389, %get3A_390] : memref<2x64xi32, #tpu.memory_space<vmem>> -> memref<1x64xi32, #tpu.memory_space<vmem>>
      %get3A_392 = tpu.memref_squeeze %get3A_391 : memref<1x64xi32, #tpu.memory_space<vmem>> -> memref<64xi32, #tpu.memory_space<vmem>>
      %get3A_393 = arith.constant 0 : index
      %get3A_394 = tpu.vector_load %get3A_392[%get3A_393] {strides = array<i32>} : memref<64xi32, #tpu.memory_space<vmem>>, vector<16xi32>,
      %and3A_395 = arith.constant 65535 : i32
      %and3A_396 = vector.broadcast %and3A_395 : i32 to vector<16xi32>
      %and3A_397 = arith.andi %get3A_394, %and3A_396 : vector<16xi32>
      %sub3A_398 = arith.constant 0 : i32
      %sub3A_399 = vector.broadcast %sub3A_398 : i32 to vector<16xi32>
      %sub3A_400 = arith.subi %and3A_397, %sub3A_399 : vector<16xi32>
      %shift_right_logical3A_401 = arith.constant 16 : i32
      %shift_right_logical3A_402 = vector.broadcast %shift_right_logical3A_401 : i32 to vector<16xi32>
      %shift_right_logical3A_403 = arith.shrui %get3A_394, %shift_right_logical3A_402 : vector<16xi32>
      %sub3A_404 = arith.constant 0 : i32
      %sub3A_405 = vector.broadcast %sub3A_404 : i32 to vector<16xi32>
      %sub3A_406 = arith.subi %shift_right_logical3A_403, %sub3A_405 : vector<16xi32>
      %ge3A_407 = arith.constant 0 : i32
      %ge3A_408 = vector.broadcast %ge3A_407 : i32 to vector<16xi32>
      %ge3A_409 = arith.cmpi sge, %sub3A_400, %ge3A_408 : vector<16xi32>
      %lt3A_410 = arith.constant 5056 : i32
      %lt3A_411 = vector.broadcast %lt3A_410 : i32 to vector<16xi32>
      %lt3A_412 = arith.cmpi slt, %sub3A_400, %lt3A_411 : vector<16xi32>
      %and3A_413 = arith.andi %ge3A_409, %lt3A_412 : vector<16xi1>
      %jit3A_414 = arith.constant 5056 : i32
      %broadcast_in_dim3A_415 = vector.broadcast %jit3A_414 : i32 to vector<16xi32>
      %select_n3A_416 = arith.select %and3A_413, %sub3A_400, %broadcast_in_dim3A_415 : vector<16xi1>, vector<16xi32>
      %ge3A_417 = arith.constant 0 : i32
      %ge3A_418 = vector.broadcast %ge3A_417 : i32 to vector<16xi32>
      %ge3A_419 = arith.cmpi sge, %sub3A_406, %ge3A_418 : vector<16xi32>
      %lt3A_420 = arith.constant 5056 : i32
      %lt3A_421 = vector.broadcast %lt3A_420 : i32 to vector<16xi32>
      %lt3A_422 = arith.cmpi slt, %sub3A_406, %lt3A_421 : vector<16xi32>
      %and3A_423 = arith.andi %ge3A_419, %lt3A_422 : vector<16xi1>
      %jit3A_424 = arith.constant 5056 : i32
      %broadcast_in_dim3A_425 = vector.broadcast %jit3A_424 : i32 to vector<16xi32>
      %select_n3A_426 = arith.select %and3A_423, %sub3A_406, %broadcast_in_dim3A_425 : vector<16xi1>, vector<16xi32>
      %swap3A_427 = arith.constant 0 : i32
      %swap3A_428 = arith.constant 0 : i32
      %swap3A_429 = tpu.memref_slice %arg8[%swap3A_427, %swap3A_428] : memref<1x128xi32, #tpu.memory_space<vmem>> -> memref<1x128xi32, #tpu.memory_space<vmem>>
      %swap3A_430 = tpu.memref_squeeze %swap3A_429 : memref<1x128xi32, #tpu.memory_space<vmem>> -> memref<128xi32, #tpu.memory_space<vmem>>
      %swap3A_431 = arith.constant 0 : index
      %swap3A_432 = tpu.vector_load %swap3A_430[%swap3A_431] {strides = array<i32>} : memref<128xi32, #tpu.memory_space<vmem>>, vector<16xi32>,
      tpu.vector_store %swap3A_430[%swap3A_431], %select_n3A_416 {strides = array<i32>} : memref<128xi32, #tpu.memory_space<vmem>>, vector<16xi32>,
      %swap3A_433 = arith.constant 0 : i32
      %swap3A_434 = arith.constant 0 : i32
      %swap3A_435 = tpu.memref_slice %arg8[%swap3A_433, %swap3A_434] : memref<1x128xi32, #tpu.memory_space<vmem>> -> memref<1x128xi32, #tpu.memory_space<vmem>>
      %swap3A_436 = tpu.memref_squeeze %swap3A_435 : memref<1x128xi32, #tpu.memory_space<vmem>> -> memref<128xi32, #tpu.memory_space<vmem>>
      %swap3A_437 = arith.constant 16 : index
      %swap3A_438 = tpu.vector_load %swap3A_436[%swap3A_437] {strides = array<i32>} : memref<128xi32, #tpu.memory_space<vmem>>, vector<16xi32>,
      tpu.vector_store %swap3A_436[%swap3A_437], %select_n3A_426 {strides = array<i32>} : memref<128xi32, #tpu.memory_space<vmem>>, vector<16xi32>,
      %get3A_439 = arith.constant 0 : i32
      %get3A_440 = arith.constant 0 : i32
      %get3A_441 = tpu.memref_slice %arg6[%get3A_439, %get3A_440] : memref<2x64xi32, #tpu.memory_space<vmem>> -> memref<1x64xi32, #tpu.memory_space<vmem>>
      %get3A_442 = tpu.memref_squeeze %get3A_441 : memref<1x64xi32, #tpu.memory_space<vmem>> -> memref<64xi32, #tpu.memory_space<vmem>>
      %get3A_443 = arith.constant 16 : index
      %get3A_444 = tpu.vector_load %get3A_442[%get3A_443] {strides = array<i32>} : memref<64xi32, #tpu.memory_space<vmem>>, vector<16xi32>,
      %and3A_445 = arith.constant 65535 : i32
      %and3A_446 = vector.broadcast %and3A_445 : i32 to vector<16xi32>
      %and3A_447 = arith.andi %get3A_444, %and3A_446 : vector<16xi32>
      %sub3A_448 = arith.constant 0 : i32
      %sub3A_449 = vector.broadcast %sub3A_448 : i32 to vector<16xi32>
      %sub3A_450 = arith.subi %and3A_447, %sub3A_449 : vector<16xi32>
      %shift_right_logical3A_451 = arith.constant 16 : i32
      %shift_right_logical3A_452 = vector.broadcast %shift_right_logical3A_451 : i32 to vector<16xi32>
      %shift_right_logical3A_453 = arith.shrui %get3A_444, %shift_right_logical3A_452 : vector<16xi32>
      %sub3A_454 = arith.constant 0 : i32
      %sub3A_455 = vector.broadcast %sub3A_454 : i32 to vector<16xi32>
      %sub3A_456 = arith.subi %shift_right_logical3A_453, %sub3A_455 : vector<16xi32>
      %ge3A_457 = arith.constant 0 : i32
      %ge3A_458 = vector.broadcast %ge3A_457 : i32 to vector<16xi32>
      %ge3A_459 = arith.cmpi sge, %sub3A_450, %ge3A_458 : vector<16xi32>
      %lt3A_460 = arith.constant 5056 : i32
      %lt3A_461 = vector.broadcast %lt3A_460 : i32 to vector<16xi32>
      %lt3A_462 = arith.cmpi slt, %sub3A_450, %lt3A_461 : vector<16xi32>
      %and3A_463 = arith.andi %ge3A_459, %lt3A_462 : vector<16xi1>
      %jit3A_464 = arith.constant 5056 : i32
      %broadcast_in_dim3A_465 = vector.broadcast %jit3A_464 : i32 to vector<16xi32>
      %select_n3A_466 = arith.select %and3A_463, %sub3A_450, %broadcast_in_dim3A_465 : vector<16xi1>, vector<16xi32>
      %ge3A_467 = arith.constant 0 : i32
      %ge3A_468 = vector.broadcast %ge3A_467 : i32 to vector<16xi32>
      %ge3A_469 = arith.cmpi sge, %sub3A_456, %ge3A_468 : vector<16xi32>
      %lt3A_470 = arith.constant 5056 : i32
      %lt3A_471 = vector.broadcast %lt3A_470 : i32 to vector<16xi32>
      %lt3A_472 = arith.cmpi slt, %sub3A_456, %lt3A_471 : vector<16xi32>
      %and3A_473 = arith.andi %ge3A_469, %lt3A_472 : vector<16xi1>
      %jit3A_474 = arith.constant 5056 : i32
      %broadcast_in_dim3A_475 = vector.broadcast %jit3A_474 : i32 to vector<16xi32>
      %select_n3A_476 = arith.select %and3A_473, %sub3A_456, %broadcast_in_dim3A_475 : vector<16xi1>, vector<16xi32>
      %swap3A_477 = arith.constant 0 : i32
      %swap3A_478 = arith.constant 0 : i32
      %swap3A_479 = tpu.memref_slice %arg8[%swap3A_477, %swap3A_478] : memref<1x128xi32, #tpu.memory_space<vmem>> -> memref<1x128xi32, #tpu.memory_space<vmem>>
      %swap3A_480 = tpu.memref_squeeze %swap3A_479 : memref<1x128xi32, #tpu.memory_space<vmem>> -> memref<128xi32, #tpu.memory_space<vmem>>
      %swap3A_481 = arith.constant 32 : index
      %swap3A_482 = tpu.vector_load %swap3A_480[%swap3A_481] {strides = array<i32>} : memref<128xi32, #tpu.memory_space<vmem>>, vector<16xi32>,
      tpu.vector_store %swap3A_480[%swap3A_481], %select_n3A_466 {strides = array<i32>} : memref<128xi32, #tpu.memory_space<vmem>>, vector<16xi32>,
      %swap3A_483 = arith.constant 0 : i32
      %swap3A_484 = arith.constant 0 : i32
      %swap3A_485 = tpu.memref_slice %arg8[%swap3A_483, %swap3A_484] : memref<1x128xi32, #tpu.memory_space<vmem>> -> memref<1x128xi32, #tpu.memory_space<vmem>>
      %swap3A_486 = tpu.memref_squeeze %swap3A_485 : memref<1x128xi32, #tpu.memory_space<vmem>> -> memref<128xi32, #tpu.memory_space<vmem>>
      %swap3A_487 = arith.constant 48 : index
      %swap3A_488 = tpu.vector_load %swap3A_486[%swap3A_487] {strides = array<i32>} : memref<128xi32, #tpu.memory_space<vmem>>, vector<16xi32>,
      tpu.vector_store %swap3A_486[%swap3A_487], %select_n3A_476 {strides = array<i32>} : memref<128xi32, #tpu.memory_space<vmem>>, vector<16xi32>,
      %get3A_489 = arith.constant 0 : i32
      %get3A_490 = arith.constant 0 : i32
      %get3A_491 = tpu.memref_slice %arg6[%get3A_489, %get3A_490] : memref<2x64xi32, #tpu.memory_space<vmem>> -> memref<1x64xi32, #tpu.memory_space<vmem>>
      %get3A_492 = tpu.memref_squeeze %get3A_491 : memref<1x64xi32, #tpu.memory_space<vmem>> -> memref<64xi32, #tpu.memory_space<vmem>>
      %get3A_493 = arith.constant 32 : index
      %get3A_494 = tpu.vector_load %get3A_492[%get3A_493] {strides = array<i32>} : memref<64xi32, #tpu.memory_space<vmem>>, vector<16xi32>,
      %and3A_495 = arith.constant 65535 : i32
      %and3A_496 = vector.broadcast %and3A_495 : i32 to vector<16xi32>
      %and3A_497 = arith.andi %get3A_494, %and3A_496 : vector<16xi32>
      %sub3A_498 = arith.constant 0 : i32
      %sub3A_499 = vector.broadcast %sub3A_498 : i32 to vector<16xi32>
      %sub3A_500 = arith.subi %and3A_497, %sub3A_499 : vector<16xi32>
      %shift_right_logical3A_501 = arith.constant 16 : i32
      %shift_right_logical3A_502 = vector.broadcast %shift_right_logical3A_501 : i32 to vector<16xi32>
      %shift_right_logical3A_503 = arith.shrui %get3A_494, %shift_right_logical3A_502 : vector<16xi32>
      %sub3A_504 = arith.constant 0 : i32
      %sub3A_505 = vector.broadcast %sub3A_504 : i32 to vector<16xi32>
      %sub3A_506 = arith.subi %shift_right_logical3A_503, %sub3A_505 : vector<16xi32>
      %ge3A_507 = arith.constant 0 : i32
      %ge3A_508 = vector.broadcast %ge3A_507 : i32 to vector<16xi32>
      %ge3A_509 = arith.cmpi sge, %sub3A_500, %ge3A_508 : vector<16xi32>
      %lt3A_510 = arith.constant 5056 : i32
      %lt3A_511 = vector.broadcast %lt3A_510 : i32 to vector<16xi32>
      %lt3A_512 = arith.cmpi slt, %sub3A_500, %lt3A_511 : vector<16xi32>
      %and3A_513 = arith.andi %ge3A_509, %lt3A_512 : vector<16xi1>
      %jit3A_514 = arith.constant 5056 : i32
      %broadcast_in_dim3A_515 = vector.broadcast %jit3A_514 : i32 to vector<16xi32>
      %select_n3A_516 = arith.select %and3A_513, %sub3A_500, %broadcast_in_dim3A_515 : vector<16xi1>, vector<16xi32>
      %ge3A_517 = arith.constant 0 : i32
      %ge3A_518 = vector.broadcast %ge3A_517 : i32 to vector<16xi32>
      %ge3A_519 = arith.cmpi sge, %sub3A_506, %ge3A_518 : vector<16xi32>
      %lt3A_520 = arith.constant 5056 : i32
      %lt3A_521 = vector.broadcast %lt3A_520 : i32 to vector<16xi32>
      %lt3A_522 = arith.cmpi slt, %sub3A_506, %lt3A_521 : vector<16xi32>
      %and3A_523 = arith.andi %ge3A_519, %lt3A_522 : vector<16xi1>
      %jit3A_524 = arith.constant 5056 : i32
      %broadcast_in_dim3A_525 = vector.broadcast %jit3A_524 : i32 to vector<16xi32>
      %select_n3A_526 = arith.select %and3A_523, %sub3A_506, %broadcast_in_dim3A_525 : vector<16xi1>, vector<16xi32>
      %swap3A_527 = arith.constant 0 : i32
      %swap3A_528 = arith.constant 0 : i32
      %swap3A_529 = tpu.memref_slice %arg8[%swap3A_527, %swap3A_528] : memref<1x128xi32, #tpu.memory_space<vmem>> -> memref<1x128xi32, #tpu.memory_space<vmem>>
      %swap3A_530 = tpu.memref_squeeze %swap3A_529 : memref<1x128xi32, #tpu.memory_space<vmem>> -> memref<128xi32, #tpu.memory_space<vmem>>
      %swap3A_531 = arith.constant 64 : index
      %swap3A_532 = tpu.vector_load %swap3A_530[%swap3A_531] {strides = array<i32>} : memref<128xi32, #tpu.memory_space<vmem>>, vector<16xi32>,
      tpu.vector_store %swap3A_530[%swap3A_531], %select_n3A_516 {strides = array<i32>} : memref<128xi32, #tpu.memory_space<vmem>>, vector<16xi32>,
      %swap3A_533 = arith.constant 0 : i32
      %swap3A_534 = arith.constant 0 : i32
      %swap3A_535 = tpu.memref_slice %arg8[%swap3A_533, %swap3A_534] : memref<1x128xi32, #tpu.memory_space<vmem>> -> memref<1x128xi32, #tpu.memory_space<vmem>>
      %swap3A_536 = tpu.memref_squeeze %swap3A_535 : memref<1x128xi32, #tpu.memory_space<vmem>> -> memref<128xi32, #tpu.memory_space<vmem>>
      %swap3A_537 = arith.constant 80 : index
      %swap3A_538 = tpu.vector_load %swap3A_536[%swap3A_537] {strides = array<i32>} : memref<128xi32, #tpu.memory_space<vmem>>, vector<16xi32>,
      tpu.vector_store %swap3A_536[%swap3A_537], %select_n3A_526 {strides = array<i32>} : memref<128xi32, #tpu.memory_space<vmem>>, vector<16xi32>,
      %get3A_539 = arith.constant 0 : i32
      %get3A_540 = arith.constant 0 : i32
      %get3A_541 = tpu.memref_slice %arg6[%get3A_539, %get3A_540] : memref<2x64xi32, #tpu.memory_space<vmem>> -> memref<1x64xi32, #tpu.memory_space<vmem>>
      %get3A_542 = tpu.memref_squeeze %get3A_541 : memref<1x64xi32, #tpu.memory_space<vmem>> -> memref<64xi32, #tpu.memory_space<vmem>>
      %get3A_543 = arith.constant 48 : index
      %get3A_544 = tpu.vector_load %get3A_542[%get3A_543] {strides = array<i32>} : memref<64xi32, #tpu.memory_space<vmem>>, vector<16xi32>,
      %and3A_545 = arith.constant 65535 : i32
      %and3A_546 = vector.broadcast %and3A_545 : i32 to vector<16xi32>
      %and3A_547 = arith.andi %get3A_544, %and3A_546 : vector<16xi32>
      %sub3A_548 = arith.constant 0 : i32
      %sub3A_549 = vector.broadcast %sub3A_548 : i32 to vector<16xi32>
      %sub3A_550 = arith.subi %and3A_547, %sub3A_549 : vector<16xi32>
      %shift_right_logical3A_551 = arith.constant 16 : i32
      %shift_right_logical3A_552 = vector.broadcast %shift_right_logical3A_551 : i32 to vector<16xi32>
      %shift_right_logical3A_553 = arith.shrui %get3A_544, %shift_right_logical3A_552 : vector<16xi32>
      %sub3A_554 = arith.constant 0 : i32
      %sub3A_555 = vector.broadcast %sub3A_554 : i32 to vector<16xi32>
      %sub3A_556 = arith.subi %shift_right_logical3A_553, %sub3A_555 : vector<16xi32>
      %ge3A_557 = arith.constant 0 : i32
      %ge3A_558 = vector.broadcast %ge3A_557 : i32 to vector<16xi32>
      %ge3A_559 = arith.cmpi sge, %sub3A_550, %ge3A_558 : vector<16xi32>
      %lt3A_560 = arith.constant 5056 : i32
      %lt3A_561 = vector.broadcast %lt3A_560 : i32 to vector<16xi32>
      %lt3A_562 = arith.cmpi slt, %sub3A_550, %lt3A_561 : vector<16xi32>
      %and3A_563 = arith.andi %ge3A_559, %lt3A_562 : vector<16xi1>
      %jit3A_564 = arith.constant 5056 : i32
      %broadcast_in_dim3A_565 = vector.broadcast %jit3A_564 : i32 to vector<16xi32>
      %select_n3A_566 = arith.select %and3A_563, %sub3A_550, %broadcast_in_dim3A_565 : vector<16xi1>, vector<16xi32>
      %ge3A_567 = arith.constant 0 : i32
      %ge3A_568 = vector.broadcast %ge3A_567 : i32 to vector<16xi32>
      %ge3A_569 = arith.cmpi sge, %sub3A_556, %ge3A_568 : vector<16xi32>
      %lt3A_570 = arith.constant 5056 : i32
      %lt3A_571 = vector.broadcast %lt3A_570 : i32 to vector<16xi32>
      %lt3A_572 = arith.cmpi slt, %sub3A_556, %lt3A_571 : vector<16xi32>
      %and3A_573 = arith.andi %ge3A_569, %lt3A_572 : vector<16xi1>
      %jit3A_574 = arith.constant 5056 : i32
      %broadcast_in_dim3A_575 = vector.broadcast %jit3A_574 : i32 to vector<16xi32>
      %select_n3A_576 = arith.select %and3A_573, %sub3A_556, %broadcast_in_dim3A_575 : vector<16xi1>, vector<16xi32>
      %swap3A_577 = arith.constant 0 : i32
      %swap3A_578 = arith.constant 0 : i32
      %swap3A_579 = tpu.memref_slice %arg8[%swap3A_577, %swap3A_578] : memref<1x128xi32, #tpu.memory_space<vmem>> -> memref<1x128xi32, #tpu.memory_space<vmem>>
      %swap3A_580 = tpu.memref_squeeze %swap3A_579 : memref<1x128xi32, #tpu.memory_space<vmem>> -> memref<128xi32, #tpu.memory_space<vmem>>
      %swap3A_581 = arith.constant 96 : index
      %swap3A_582 = tpu.vector_load %swap3A_580[%swap3A_581] {strides = array<i32>} : memref<128xi32, #tpu.memory_space<vmem>>, vector<16xi32>,
      tpu.vector_store %swap3A_580[%swap3A_581], %select_n3A_566 {strides = array<i32>} : memref<128xi32, #tpu.memory_space<vmem>>, vector<16xi32>,
      %swap3A_583 = arith.constant 0 : i32
      %swap3A_584 = arith.constant 0 : i32
      %swap3A_585 = tpu.memref_slice %arg8[%swap3A_583, %swap3A_584] : memref<1x128xi32, #tpu.memory_space<vmem>> -> memref<1x128xi32, #tpu.memory_space<vmem>>
      %swap3A_586 = tpu.memref_squeeze %swap3A_585 : memref<1x128xi32, #tpu.memory_space<vmem>> -> memref<128xi32, #tpu.memory_space<vmem>>
      %swap3A_587 = arith.constant 112 : index
      %swap3A_588 = tpu.vector_load %swap3A_586[%swap3A_587] {strides = array<i32>} : memref<128xi32, #tpu.memory_space<vmem>>, vector<16xi32>,
      tpu.vector_store %swap3A_586[%swap3A_587], %select_n3A_576 {strides = array<i32>} : memref<128xi32, #tpu.memory_space<vmem>>, vector<16xi32>,
      %run_scoped3A_589 = arith.constant 0 : i32
      "tpu.region"() ({
        %run_scoped3A_1012 = tpu.sem_alloc : memref<!tpu.dma_semaphore, #tpu.memory_space<semaphore_mem>>
        %dma_start3A_1013 = arith.constant 0 : i32
        %dma_start3A_1014 = tpu.memref_slice %arg7[%run_scoped3A_589, %dma_start3A_1013] : memref<1x128xi32, #tpu.memory_space<vmem>> -> memref<1x128xi32, #tpu.memory_space<vmem>>
        %dma_start3A_1015 = tpu.memref_squeeze %dma_start3A_1014 : memref<1x128xi32, #tpu.memory_space<vmem>> -> memref<128xi32, #tpu.memory_space<vmem>>
        %dma_start3A_1016 = arith.constant 0 : i32
        %dma_start3A_1017 = arith.constant 0 : i32
        %dma_start3A_1018 = tpu.memref_slice %arg11[%dma_start3A_1016, %dma_start3A_1017] : memref<5120x16xf32, #tpu.memory_space<vmem_shared>> -> memref<5120x16xf32, #tpu.memory_space<vmem_shared>>
        tpu.enqueue_indirect_dma source(%arg9 : memref<128x16xf32, #tpu.memory_space<vmem>>) target(%dma_start3A_1018 : memref<5120x16xf32, #tpu.memory_space<vmem_shared>>) offsets(%dma_start3A_1015 : memref<128xi32, #tpu.memory_space<vmem>>) semaphore(%run_scoped3A_1012 : memref<!tpu.dma_semaphore, #tpu.memory_space<semaphore_mem>>) {add = true}
        %dma_wait3A_1019 = arith.constant 0 : i32
        %dma_wait3A_1020 = tpu.memref_slice %arg7[%run_scoped3A_589, %dma_wait3A_1019] : memref<1x128xi32, #tpu.memory_space<vmem>> -> memref<1x128xi32, #tpu.memory_space<vmem>>
        %dma_wait3A_1021 = tpu.memref_squeeze %dma_wait3A_1020 : memref<1x128xi32, #tpu.memory_space<vmem>> -> memref<128xi32, #tpu.memory_space<vmem>>
        %dma_wait3A_1022 = arith.constant 0 : i32
        %dma_wait3A_1023 = arith.constant 0 : i32
        %dma_wait3A_1024 = tpu.memref_slice %arg11[%dma_wait3A_1022, %dma_wait3A_1023] : memref<5120x16xf32, #tpu.memory_space<vmem_shared>> -> memref<5120x16xf32, #tpu.memory_space<vmem_shared>>
        tpu.wait_indirect_dma semaphore(%run_scoped3A_1012 : memref<!tpu.dma_semaphore, #tpu.memory_space<semaphore_mem>>) src(%arg9 : memref<128x16xf32, #tpu.memory_space<vmem>>) dst(%dma_wait3A_1024 : memref<5120x16xf32, #tpu.memory_space<vmem_shared>>)
        tpu.yield
      }) : () -> ()
      %run_scoped3A_590 = arith.constant 0 : i32
      "tpu.region"() ({
        %run_scoped3A_1012 = tpu.sem_alloc : memref<!tpu.dma_semaphore, #tpu.memory_space<semaphore_mem>>
        %dma_start3A_1013 = arith.constant 0 : i32
        %dma_start3A_1014 = tpu.memref_slice %arg8[%run_scoped3A_590, %dma_start3A_1013] : memref<1x128xi32, #tpu.memory_space<vmem>> -> memref<1x128xi32, #tpu.memory_space<vmem>>
        %dma_start3A_1015 = tpu.memref_squeeze %dma_start3A_1014 : memref<1x128xi32, #tpu.memory_space<vmem>> -> memref<128xi32, #tpu.memory_space<vmem>>
        %dma_start3A_1016 = arith.constant 0 : i32
        %dma_start3A_1017 = arith.constant 0 : i32
        %dma_start3A_1018 = tpu.memref_slice %arg11[%dma_start3A_1016, %dma_start3A_1017] : memref<5120x16xf32, #tpu.memory_space<vmem_shared>> -> memref<5120x16xf32, #tpu.memory_space<vmem_shared>>
        tpu.enqueue_indirect_dma source(%arg10 : memref<128x16xf32, #tpu.memory_space<vmem>>) target(%dma_start3A_1018 : memref<5120x16xf32, #tpu.memory_space<vmem_shared>>) offsets(%dma_start3A_1015 : memref<128xi32, #tpu.memory_space<vmem>>) semaphore(%run_scoped3A_1012 : memref<!tpu.dma_semaphore, #tpu.memory_space<semaphore_mem>>) {add = true}
        %dma_wait3A_1019 = arith.constant 0 : i32
        %dma_wait3A_1020 = tpu.memref_slice %arg8[%run_scoped3A_590, %dma_wait3A_1019] : memref<1x128xi32, #tpu.memory_space<vmem>> -> memref<1x128xi32, #tpu.memory_space<vmem>>
        %dma_wait3A_1021 = tpu.memref_squeeze %dma_wait3A_1020 : memref<1x128xi32, #tpu.memory_space<vmem>> -> memref<128xi32, #tpu.memory_space<vmem>>
        %dma_wait3A_1022 = arith.constant 0 : i32
        %dma_wait3A_1023 = arith.constant 0 : i32
        %dma_wait3A_1024 = tpu.memref_slice %arg11[%dma_wait3A_1022, %dma_wait3A_1023] : memref<5120x16xf32, #tpu.memory_space<vmem_shared>> -> memref<5120x16xf32, #tpu.memory_space<vmem_shared>>
        tpu.wait_indirect_dma semaphore(%run_scoped3A_1012 : memref<!tpu.dma_semaphore, #tpu.memory_space<semaphore_mem>>) src(%arg10 : memref<128x16xf32, #tpu.memory_space<vmem>>) dst(%dma_wait3A_1024 : memref<5120x16xf32, #tpu.memory_space<vmem_shared>>)
        tpu.yield
      }) : () -> ()
      %lt3A_591 = arith.constant 80 : i32
      %lt3A_592 = arith.cmpi slt, %add3A_191, %lt3A_591 : i32
      %convert_element_type3A_593 = arith.extui %lt3A_592 : i1 to i32
      %cond3A_594 = arith.constant 0 : i32
      %cond3A_595 = arith.cmpi ne, %convert_element_type3A_593, %cond3A_594 : i32
      scf.if %cond3A_595 {
        %dma_wait3A_1012 = arith.constant 1 : i32
        %dma_wait3A_1013 = arith.constant 0 : i32
        %dma_wait3A_1014 = tpu.memref_slice %arg5[%dma_wait3A_1012, %dma_wait3A_1013] : memref<2x64xi32, #tpu.memory_space<vmem>> -> memref<1x64xi32, #tpu.memory_space<vmem>>
        %dma_wait3A_1015 = tpu.memref_squeeze %dma_wait3A_1014 : memref<1x64xi32, #tpu.memory_space<vmem>> -> memref<64xi32, #tpu.memory_space<vmem>>
        %dma_wait3A_1016 = arith.constant 0 : i32
        %dma_wait3A_1017 = tpu.memref_slice %arg2[%add3A, %add3A_191, %dma_wait3A_1016] : memref<32x80x64xi32, #tpu.memory_space<hbm>> -> memref<1x1x64xi32, #tpu.memory_space<hbm>>
        %dma_wait3A_1018 = tpu.memref_squeeze %dma_wait3A_1017 : memref<1x1x64xi32, #tpu.memory_space<hbm>> -> memref<64xi32, #tpu.memory_space<hbm>>
        %dma_wait3A_1019 = arith.constant 0 : i32
        %dma_wait3A_1020 = tpu.memref_slice %arg5[%dma_wait3A_1012, %dma_wait3A_1019] : memref<2x64xi32, #tpu.memory_space<vmem>> -> memref<1x64xi32, #tpu.memory_space<vmem>>
        %dma_wait3A_1021 = tpu.memref_squeeze %dma_wait3A_1020 : memref<1x64xi32, #tpu.memory_space<vmem>> -> memref<64xi32, #tpu.memory_space<vmem>>
        %dma_wait3A_1022 = arith.constant 0 : i32
        %dma_wait3A_1023 = tpu.memref_slice %arg2[%add3A, %add3A_191, %dma_wait3A_1022] : memref<32x80x64xi32, #tpu.memory_space<hbm>> -> memref<1x1x64xi32, #tpu.memory_space<hbm>>
        %dma_wait3A_1024 = tpu.memref_squeeze %dma_wait3A_1023 : memref<1x1x64xi32, #tpu.memory_space<hbm>> -> memref<64xi32, #tpu.memory_space<hbm>>
        tpu.wait_dma2 semaphore(%arg12 : memref<!tpu.dma_semaphore, #tpu.memory_space<semaphore_mem>>) src(%dma_wait3A_1024 : memref<64xi32, #tpu.memory_space<hbm>>) dst(%dma_wait3A_1021 : memref<64xi32, #tpu.memory_space<vmem>>)
        %dma_wait3A_1025 = arith.constant 1 : i32
        %dma_wait3A_1026 = arith.constant 0 : i32
        %dma_wait3A_1027 = tpu.memref_slice %arg6[%dma_wait3A_1025, %dma_wait3A_1026] : memref<2x64xi32, #tpu.memory_space<vmem>> -> memref<1x64xi32, #tpu.memory_space<vmem>>
        %dma_wait3A_1028 = tpu.memref_squeeze %dma_wait3A_1027 : memref<1x64xi32, #tpu.memory_space<vmem>> -> memref<64xi32, #tpu.memory_space<vmem>>
        %dma_wait3A_1029 = arith.constant 0 : i32
        %dma_wait3A_1030 = tpu.memref_slice %arg3[%add3A, %add3A_191, %dma_wait3A_1029] : memref<32x80x64xi32, #tpu.memory_space<hbm>> -> memref<1x1x64xi32, #tpu.memory_space<hbm>>
        %dma_wait3A_1031 = tpu.memref_squeeze %dma_wait3A_1030 : memref<1x1x64xi32, #tpu.memory_space<hbm>> -> memref<64xi32, #tpu.memory_space<hbm>>
        %dma_wait3A_1032 = arith.constant 0 : i32
        %dma_wait3A_1033 = tpu.memref_slice %arg6[%dma_wait3A_1025, %dma_wait3A_1032] : memref<2x64xi32, #tpu.memory_space<vmem>> -> memref<1x64xi32, #tpu.memory_space<vmem>>
        %dma_wait3A_1034 = tpu.memref_squeeze %dma_wait3A_1033 : memref<1x64xi32, #tpu.memory_space<vmem>> -> memref<64xi32, #tpu.memory_space<vmem>>
        %dma_wait3A_1035 = arith.constant 0 : i32
        %dma_wait3A_1036 = tpu.memref_slice %arg3[%add3A, %add3A_191, %dma_wait3A_1035] : memref<32x80x64xi32, #tpu.memory_space<hbm>> -> memref<1x1x64xi32, #tpu.memory_space<hbm>>
        %dma_wait3A_1037 = tpu.memref_squeeze %dma_wait3A_1036 : memref<1x1x64xi32, #tpu.memory_space<hbm>> -> memref<64xi32, #tpu.memory_space<hbm>>
        tpu.wait_dma2 semaphore(%arg12 : memref<!tpu.dma_semaphore, #tpu.memory_space<semaphore_mem>>) src(%dma_wait3A_1037 : memref<64xi32, #tpu.memory_space<hbm>>) dst(%dma_wait3A_1034 : memref<64xi32, #tpu.memory_space<vmem>>)
      } else {
      }
      %add3A_596 = arith.constant 1 : i32
      %add3A_597 = arith.addi %add3A_187, %add3A_596 : i32
      %add3A_598 = arith.constant 1 : i32
      %add3A_599 = arith.addi %add3A_597, %add3A_598 : i32
      %lt3A_600 = arith.constant 80 : i32
      %lt3A_601 = arith.cmpi slt, %add3A_599, %lt3A_600 : i32
      %convert_element_type3A_602 = arith.extui %lt3A_601 : i1 to i32
      %cond3A_603 = arith.constant 0 : i32
      %cond3A_604 = arith.cmpi ne, %convert_element_type3A_602, %cond3A_603 : i32
      scf.if %cond3A_604 {
        %dma_start3A_1012 = arith.constant 0 : i32
        %dma_start3A_1013 = arith.constant 0 : i32
        %dma_start3A_1014 = tpu.memref_slice %arg5[%dma_start3A_1012, %dma_start3A_1013] : memref<2x64xi32, #tpu.memory_space<vmem>> -> memref<1x64xi32, #tpu.memory_space<vmem>>
        %dma_start3A_1015 = tpu.memref_squeeze %dma_start3A_1014 : memref<1x64xi32, #tpu.memory_space<vmem>> -> memref<64xi32, #tpu.memory_space<vmem>>
        %dma_start3A_1016 = arith.constant 0 : i32
        %dma_start3A_1017 = tpu.memref_slice %arg2[%add3A, %add3A_599, %dma_start3A_1016] : memref<32x80x64xi32, #tpu.memory_space<hbm>> -> memref<1x1x64xi32, #tpu.memory_space<hbm>>
        %dma_start3A_1018 = tpu.memref_squeeze %dma_start3A_1017 : memref<1x1x64xi32, #tpu.memory_space<hbm>> -> memref<64xi32, #tpu.memory_space<hbm>>
        %dma_start3A_1019 = arith.constant 0 : i32
        %dma_start3A_1020 = tpu.memref_slice %arg5[%dma_start3A_1012, %dma_start3A_1019] : memref<2x64xi32, #tpu.memory_space<vmem>> -> memref<1x64xi32, #tpu.memory_space<vmem>>
        %dma_start3A_1021 = tpu.memref_squeeze %dma_start3A_1020 : memref<1x64xi32, #tpu.memory_space<vmem>> -> memref<64xi32, #tpu.memory_space<vmem>>
        %dma_start3A_1022 = arith.constant 0 : i32
        %dma_start3A_1023 = tpu.memref_slice %arg2[%add3A, %add3A_599, %dma_start3A_1022] : memref<32x80x64xi32, #tpu.memory_space<hbm>> -> memref<1x1x64xi32, #tpu.memory_space<hbm>>
        %dma_start3A_1024 = tpu.memref_squeeze %dma_start3A_1023 : memref<1x1x64xi32, #tpu.memory_space<hbm>> -> memref<64xi32, #tpu.memory_space<hbm>>
        tpu.enqueue_dma source(%dma_start3A_1024 : memref<64xi32, #tpu.memory_space<hbm>>) target(%dma_start3A_1021 : memref<64xi32, #tpu.memory_space<vmem>>) target_semaphore(%arg12 : memref<!tpu.dma_semaphore, #tpu.memory_space<semaphore_mem>>)
        %dma_start3A_1025 = arith.constant 0 : i32
        %dma_start3A_1026 = arith.constant 0 : i32
        %dma_start3A_1027 = tpu.memref_slice %arg6[%dma_start3A_1025, %dma_start3A_1026] : memref<2x64xi32, #tpu.memory_space<vmem>> -> memref<1x64xi32, #tpu.memory_space<vmem>>
        %dma_start3A_1028 = tpu.memref_squeeze %dma_start3A_1027 : memref<1x64xi32, #tpu.memory_space<vmem>> -> memref<64xi32, #tpu.memory_space<vmem>>
        %dma_start3A_1029 = arith.constant 0 : i32
        %dma_start3A_1030 = tpu.memref_slice %arg3[%add3A, %add3A_599, %dma_start3A_1029] : memref<32x80x64xi32, #tpu.memory_space<hbm>> -> memref<1x1x64xi32, #tpu.memory_space<hbm>>
        %dma_start3A_1031 = tpu.memref_squeeze %dma_start3A_1030 : memref<1x1x64xi32, #tpu.memory_space<hbm>> -> memref<64xi32, #tpu.memory_space<hbm>>
        %dma_start3A_1032 = arith.constant 0 : i32
        %dma_start3A_1033 = tpu.memref_slice %arg6[%dma_start3A_1025, %dma_start3A_1032] : memref<2x64xi32, #tpu.memory_space<vmem>> -> memref<1x64xi32, #tpu.memory_space<vmem>>
        %dma_start3A_1034 = tpu.memref_squeeze %dma_start3A_1033 : memref<1x64xi32, #tpu.memory_space<vmem>> -> memref<64xi32, #tpu.memory_space<vmem>>
        %dma_start3A_1035 = arith.constant 0 : i32
        %dma_start3A_1036 = tpu.memref_slice %arg3[%add3A, %add3A_599, %dma_start3A_1035] : memref<32x80x64xi32, #tpu.memory_space<hbm>> -> memref<1x1x64xi32, #tpu.memory_space<hbm>>
        %dma_start3A_1037 = tpu.memref_squeeze %dma_start3A_1036 : memref<1x1x64xi32, #tpu.memory_space<hbm>> -> memref<64xi32, #tpu.memory_space<hbm>>
        tpu.enqueue_dma source(%dma_start3A_1037 : memref<64xi32, #tpu.memory_space<hbm>>) target(%dma_start3A_1034 : memref<64xi32, #tpu.memory_space<vmem>>) target_semaphore(%arg12 : memref<!tpu.dma_semaphore, #tpu.memory_space<semaphore_mem>>)
      } else {
      }
      %get3A_605 = arith.constant 1 : i32
      %get3A_606 = arith.constant 0 : i32
      %get3A_607 = tpu.memref_slice %arg5[%get3A_605, %get3A_606] : memref<2x64xi32, #tpu.memory_space<vmem>> -> memref<1x64xi32, #tpu.memory_space<vmem>>
      %get3A_608 = tpu.memref_squeeze %get3A_607 : memref<1x64xi32, #tpu.memory_space<vmem>> -> memref<64xi32, #tpu.memory_space<vmem>>
      %get3A_609 = arith.constant 0 : index
      %get3A_610 = tpu.vector_load %get3A_608[%get3A_609] {strides = array<i32>} : memref<64xi32, #tpu.memory_space<vmem>>, vector<16xi32>,
      %and3A_611 = arith.constant 65535 : i32
      %and3A_612 = vector.broadcast %and3A_611 : i32 to vector<16xi32>
      %and3A_613 = arith.andi %get3A_610, %and3A_612 : vector<16xi32>
      %sub3A_614 = arith.constant 0 : i32
      %sub3A_615 = vector.broadcast %sub3A_614 : i32 to vector<16xi32>
      %sub3A_616 = arith.subi %and3A_613, %sub3A_615 : vector<16xi32>
      %shift_right_logical3A_617 = arith.constant 16 : i32
      %shift_right_logical3A_618 = vector.broadcast %shift_right_logical3A_617 : i32 to vector<16xi32>
      %shift_right_logical3A_619 = arith.shrui %get3A_610, %shift_right_logical3A_618 : vector<16xi32>
      %sub3A_620 = arith.constant 0 : i32
      %sub3A_621 = vector.broadcast %sub3A_620 : i32 to vector<16xi32>
      %sub3A_622 = arith.subi %shift_right_logical3A_619, %sub3A_621 : vector<16xi32>
      %ge3A_623 = arith.constant 0 : i32
      %ge3A_624 = vector.broadcast %ge3A_623 : i32 to vector<16xi32>
      %ge3A_625 = arith.cmpi sge, %sub3A_616, %ge3A_624 : vector<16xi32>
      %lt3A_626 = arith.constant 5056 : i32
      %lt3A_627 = vector.broadcast %lt3A_626 : i32 to vector<16xi32>
      %lt3A_628 = arith.cmpi slt, %sub3A_616, %lt3A_627 : vector<16xi32>
      %and3A_629 = arith.andi %ge3A_625, %lt3A_628 : vector<16xi1>
      %jit3A_630 = arith.constant 5056 : i32
      %broadcast_in_dim3A_631 = vector.broadcast %jit3A_630 : i32 to vector<16xi32>
      %select_n3A_632 = arith.select %and3A_629, %sub3A_616, %broadcast_in_dim3A_631 : vector<16xi1>, vector<16xi32>
      %ge3A_633 = arith.constant 0 : i32
      %ge3A_634 = vector.broadcast %ge3A_633 : i32 to vector<16xi32>
      %ge3A_635 = arith.cmpi sge, %sub3A_622, %ge3A_634 : vector<16xi32>
      %lt3A_636 = arith.constant 5056 : i32
      %lt3A_637 = vector.broadcast %lt3A_636 : i32 to vector<16xi32>
      %lt3A_638 = arith.cmpi slt, %sub3A_622, %lt3A_637 : vector<16xi32>
      %and3A_639 = arith.andi %ge3A_635, %lt3A_638 : vector<16xi1>
      %jit3A_640 = arith.constant 5056 : i32
      %broadcast_in_dim3A_641 = vector.broadcast %jit3A_640 : i32 to vector<16xi32>
      %select_n3A_642 = arith.select %and3A_639, %sub3A_622, %broadcast_in_dim3A_641 : vector<16xi1>, vector<16xi32>
      %swap3A_643 = arith.constant 0 : i32
      %swap3A_644 = arith.constant 0 : i32
      %swap3A_645 = tpu.memref_slice %arg7[%swap3A_643, %swap3A_644] : memref<1x128xi32, #tpu.memory_space<vmem>> -> memref<1x128xi32, #tpu.memory_space<vmem>>
      %swap3A_646 = tpu.memref_squeeze %swap3A_645 : memref<1x128xi32, #tpu.memory_space<vmem>> -> memref<128xi32, #tpu.memory_space<vmem>>
      %swap3A_647 = arith.constant 0 : index
      %swap3A_648 = tpu.vector_load %swap3A_646[%swap3A_647] {strides = array<i32>} : memref<128xi32, #tpu.memory_space<vmem>>, vector<16xi32>,
      tpu.vector_store %swap3A_646[%swap3A_647], %select_n3A_632 {strides = array<i32>} : memref<128xi32, #tpu.memory_space<vmem>>, vector<16xi32>,
      %swap3A_649 = arith.constant 0 : i32
      %swap3A_650 = arith.constant 0 : i32
      %swap3A_651 = tpu.memref_slice %arg7[%swap3A_649, %swap3A_650] : memref<1x128xi32, #tpu.memory_space<vmem>> -> memref<1x128xi32, #tpu.memory_space<vmem>>
      %swap3A_652 = tpu.memref_squeeze %swap3A_651 : memref<1x128xi32, #tpu.memory_space<vmem>> -> memref<128xi32, #tpu.memory_space<vmem>>
      %swap3A_653 = arith.constant 16 : index
      %swap3A_654 = tpu.vector_load %swap3A_652[%swap3A_653] {strides = array<i32>} : memref<128xi32, #tpu.memory_space<vmem>>, vector<16xi32>,
      tpu.vector_store %swap3A_652[%swap3A_653], %select_n3A_642 {strides = array<i32>} : memref<128xi32, #tpu.memory_space<vmem>>, vector<16xi32>,
      %get3A_655 = arith.constant 1 : i32
      %get3A_656 = arith.constant 0 : i32
      %get3A_657 = tpu.memref_slice %arg5[%get3A_655, %get3A_656] : memref<2x64xi32, #tpu.memory_space<vmem>> -> memref<1x64xi32, #tpu.memory_space<vmem>>
      %get3A_658 = tpu.memref_squeeze %get3A_657 : memref<1x64xi32, #tpu.memory_space<vmem>> -> memref<64xi32, #tpu.memory_space<vmem>>
      %get3A_659 = arith.constant 16 : index
      %get3A_660 = tpu.vector_load %get3A_658[%get3A_659] {strides = array<i32>} : memref<64xi32, #tpu.memory_space<vmem>>, vector<16xi32>,
      %and3A_661 = arith.constant 65535 : i32
      %and3A_662 = vector.broadcast %and3A_661 : i32 to vector<16xi32>
      %and3A_663 = arith.andi %get3A_660, %and3A_662 : vector<16xi32>
      %sub3A_664 = arith.constant 0 : i32
      %sub3A_665 = vector.broadcast %sub3A_664 : i32 to vector<16xi32>
      %sub3A_666 = arith.subi %and3A_663, %sub3A_665 : vector<16xi32>
      %shift_right_logical3A_667 = arith.constant 16 : i32
      %shift_right_logical3A_668 = vector.broadcast %shift_right_logical3A_667 : i32 to vector<16xi32>
      %shift_right_logical3A_669 = arith.shrui %get3A_660, %shift_right_logical3A_668 : vector<16xi32>
      %sub3A_670 = arith.constant 0 : i32
      %sub3A_671 = vector.broadcast %sub3A_670 : i32 to vector<16xi32>
      %sub3A_672 = arith.subi %shift_right_logical3A_669, %sub3A_671 : vector<16xi32>
      %ge3A_673 = arith.constant 0 : i32
      %ge3A_674 = vector.broadcast %ge3A_673 : i32 to vector<16xi32>
      %ge3A_675 = arith.cmpi sge, %sub3A_666, %ge3A_674 : vector<16xi32>
      %lt3A_676 = arith.constant 5056 : i32
      %lt3A_677 = vector.broadcast %lt3A_676 : i32 to vector<16xi32>
      %lt3A_678 = arith.cmpi slt, %sub3A_666, %lt3A_677 : vector<16xi32>
      %and3A_679 = arith.andi %ge3A_675, %lt3A_678 : vector<16xi1>
      %jit3A_680 = arith.constant 5056 : i32
      %broadcast_in_dim3A_681 = vector.broadcast %jit3A_680 : i32 to vector<16xi32>
      %select_n3A_682 = arith.select %and3A_679, %sub3A_666, %broadcast_in_dim3A_681 : vector<16xi1>, vector<16xi32>
      %ge3A_683 = arith.constant 0 : i32
      %ge3A_684 = vector.broadcast %ge3A_683 : i32 to vector<16xi32>
      %ge3A_685 = arith.cmpi sge, %sub3A_672, %ge3A_684 : vector<16xi32>
      %lt3A_686 = arith.constant 5056 : i32
      %lt3A_687 = vector.broadcast %lt3A_686 : i32 to vector<16xi32>
      %lt3A_688 = arith.cmpi slt, %sub3A_672, %lt3A_687 : vector<16xi32>
      %and3A_689 = arith.andi %ge3A_685, %lt3A_688 : vector<16xi1>
      %jit3A_690 = arith.constant 5056 : i32
      %broadcast_in_dim3A_691 = vector.broadcast %jit3A_690 : i32 to vector<16xi32>
      %select_n3A_692 = arith.select %and3A_689, %sub3A_672, %broadcast_in_dim3A_691 : vector<16xi1>, vector<16xi32>
      %swap3A_693 = arith.constant 0 : i32
      %swap3A_694 = arith.constant 0 : i32
      %swap3A_695 = tpu.memref_slice %arg7[%swap3A_693, %swap3A_694] : memref<1x128xi32, #tpu.memory_space<vmem>> -> memref<1x128xi32, #tpu.memory_space<vmem>>
      %swap3A_696 = tpu.memref_squeeze %swap3A_695 : memref<1x128xi32, #tpu.memory_space<vmem>> -> memref<128xi32, #tpu.memory_space<vmem>>
      %swap3A_697 = arith.constant 32 : index
      %swap3A_698 = tpu.vector_load %swap3A_696[%swap3A_697] {strides = array<i32>} : memref<128xi32, #tpu.memory_space<vmem>>, vector<16xi32>,
      tpu.vector_store %swap3A_696[%swap3A_697], %select_n3A_682 {strides = array<i32>} : memref<128xi32, #tpu.memory_space<vmem>>, vector<16xi32>,
      %swap3A_699 = arith.constant 0 : i32
      %swap3A_700 = arith.constant 0 : i32
      %swap3A_701 = tpu.memref_slice %arg7[%swap3A_699, %swap3A_700] : memref<1x128xi32, #tpu.memory_space<vmem>> -> memref<1x128xi32, #tpu.memory_space<vmem>>
      %swap3A_702 = tpu.memref_squeeze %swap3A_701 : memref<1x128xi32, #tpu.memory_space<vmem>> -> memref<128xi32, #tpu.memory_space<vmem>>
      %swap3A_703 = arith.constant 48 : index
      %swap3A_704 = tpu.vector_load %swap3A_702[%swap3A_703] {strides = array<i32>} : memref<128xi32, #tpu.memory_space<vmem>>, vector<16xi32>,
      tpu.vector_store %swap3A_702[%swap3A_703], %select_n3A_692 {strides = array<i32>} : memref<128xi32, #tpu.memory_space<vmem>>, vector<16xi32>,
      %get3A_705 = arith.constant 1 : i32
      %get3A_706 = arith.constant 0 : i32
      %get3A_707 = tpu.memref_slice %arg5[%get3A_705, %get3A_706] : memref<2x64xi32, #tpu.memory_space<vmem>> -> memref<1x64xi32, #tpu.memory_space<vmem>>
      %get3A_708 = tpu.memref_squeeze %get3A_707 : memref<1x64xi32, #tpu.memory_space<vmem>> -> memref<64xi32, #tpu.memory_space<vmem>>
      %get3A_709 = arith.constant 32 : index
      %get3A_710 = tpu.vector_load %get3A_708[%get3A_709] {strides = array<i32>} : memref<64xi32, #tpu.memory_space<vmem>>, vector<16xi32>,
      %and3A_711 = arith.constant 65535 : i32
      %and3A_712 = vector.broadcast %and3A_711 : i32 to vector<16xi32>
      %and3A_713 = arith.andi %get3A_710, %and3A_712 : vector<16xi32>
      %sub3A_714 = arith.constant 0 : i32
      %sub3A_715 = vector.broadcast %sub3A_714 : i32 to vector<16xi32>
      %sub3A_716 = arith.subi %and3A_713, %sub3A_715 : vector<16xi32>
      %shift_right_logical3A_717 = arith.constant 16 : i32
      %shift_right_logical3A_718 = vector.broadcast %shift_right_logical3A_717 : i32 to vector<16xi32>
      %shift_right_logical3A_719 = arith.shrui %get3A_710, %shift_right_logical3A_718 : vector<16xi32>
      %sub3A_720 = arith.constant 0 : i32
      %sub3A_721 = vector.broadcast %sub3A_720 : i32 to vector<16xi32>
      %sub3A_722 = arith.subi %shift_right_logical3A_719, %sub3A_721 : vector<16xi32>
      %ge3A_723 = arith.constant 0 : i32
      %ge3A_724 = vector.broadcast %ge3A_723 : i32 to vector<16xi32>
      %ge3A_725 = arith.cmpi sge, %sub3A_716, %ge3A_724 : vector<16xi32>
      %lt3A_726 = arith.constant 5056 : i32
      %lt3A_727 = vector.broadcast %lt3A_726 : i32 to vector<16xi32>
      %lt3A_728 = arith.cmpi slt, %sub3A_716, %lt3A_727 : vector<16xi32>
      %and3A_729 = arith.andi %ge3A_725, %lt3A_728 : vector<16xi1>
      %jit3A_730 = arith.constant 5056 : i32
      %broadcast_in_dim3A_731 = vector.broadcast %jit3A_730 : i32 to vector<16xi32>
      %select_n3A_732 = arith.select %and3A_729, %sub3A_716, %broadcast_in_dim3A_731 : vector<16xi1>, vector<16xi32>
      %ge3A_733 = arith.constant 0 : i32
      %ge3A_734 = vector.broadcast %ge3A_733 : i32 to vector<16xi32>
      %ge3A_735 = arith.cmpi sge, %sub3A_722, %ge3A_734 : vector<16xi32>
      %lt3A_736 = arith.constant 5056 : i32
      %lt3A_737 = vector.broadcast %lt3A_736 : i32 to vector<16xi32>
      %lt3A_738 = arith.cmpi slt, %sub3A_722, %lt3A_737 : vector<16xi32>
      %and3A_739 = arith.andi %ge3A_735, %lt3A_738 : vector<16xi1>
      %jit3A_740 = arith.constant 5056 : i32
      %broadcast_in_dim3A_741 = vector.broadcast %jit3A_740 : i32 to vector<16xi32>
      %select_n3A_742 = arith.select %and3A_739, %sub3A_722, %broadcast_in_dim3A_741 : vector<16xi1>, vector<16xi32>
      %swap3A_743 = arith.constant 0 : i32
      %swap3A_744 = arith.constant 0 : i32
      %swap3A_745 = tpu.memref_slice %arg7[%swap3A_743, %swap3A_744] : memref<1x128xi32, #tpu.memory_space<vmem>> -> memref<1x128xi32, #tpu.memory_space<vmem>>
      %swap3A_746 = tpu.memref_squeeze %swap3A_745 : memref<1x128xi32, #tpu.memory_space<vmem>> -> memref<128xi32, #tpu.memory_space<vmem>>
      %swap3A_747 = arith.constant 64 : index
      %swap3A_748 = tpu.vector_load %swap3A_746[%swap3A_747] {strides = array<i32>} : memref<128xi32, #tpu.memory_space<vmem>>, vector<16xi32>,
      tpu.vector_store %swap3A_746[%swap3A_747], %select_n3A_732 {strides = array<i32>} : memref<128xi32, #tpu.memory_space<vmem>>, vector<16xi32>,
      %swap3A_749 = arith.constant 0 : i32
      %swap3A_750 = arith.constant 0 : i32
      %swap3A_751 = tpu.memref_slice %arg7[%swap3A_749, %swap3A_750] : memref<1x128xi32, #tpu.memory_space<vmem>> -> memref<1x128xi32, #tpu.memory_space<vmem>>
      %swap3A_752 = tpu.memref_squeeze %swap3A_751 : memref<1x128xi32, #tpu.memory_space<vmem>> -> memref<128xi32, #tpu.memory_space<vmem>>
      %swap3A_753 = arith.constant 80 : index
      %swap3A_754 = tpu.vector_load %swap3A_752[%swap3A_753] {strides = array<i32>} : memref<128xi32, #tpu.memory_space<vmem>>, vector<16xi32>,
      tpu.vector_store %swap3A_752[%swap3A_753], %select_n3A_742 {strides = array<i32>} : memref<128xi32, #tpu.memory_space<vmem>>, vector<16xi32>,
      %get3A_755 = arith.constant 1 : i32
      %get3A_756 = arith.constant 0 : i32
      %get3A_757 = tpu.memref_slice %arg5[%get3A_755, %get3A_756] : memref<2x64xi32, #tpu.memory_space<vmem>> -> memref<1x64xi32, #tpu.memory_space<vmem>>
      %get3A_758 = tpu.memref_squeeze %get3A_757 : memref<1x64xi32, #tpu.memory_space<vmem>> -> memref<64xi32, #tpu.memory_space<vmem>>
      %get3A_759 = arith.constant 48 : index
      %get3A_760 = tpu.vector_load %get3A_758[%get3A_759] {strides = array<i32>} : memref<64xi32, #tpu.memory_space<vmem>>, vector<16xi32>,
      %and3A_761 = arith.constant 65535 : i32
      %and3A_762 = vector.broadcast %and3A_761 : i32 to vector<16xi32>
      %and3A_763 = arith.andi %get3A_760, %and3A_762 : vector<16xi32>
      %sub3A_764 = arith.constant 0 : i32
      %sub3A_765 = vector.broadcast %sub3A_764 : i32 to vector<16xi32>
      %sub3A_766 = arith.subi %and3A_763, %sub3A_765 : vector<16xi32>
      %shift_right_logical3A_767 = arith.constant 16 : i32
      %shift_right_logical3A_768 = vector.broadcast %shift_right_logical3A_767 : i32 to vector<16xi32>
      %shift_right_logical3A_769 = arith.shrui %get3A_760, %shift_right_logical3A_768 : vector<16xi32>
      %sub3A_770 = arith.constant 0 : i32
      %sub3A_771 = vector.broadcast %sub3A_770 : i32 to vector<16xi32>
      %sub3A_772 = arith.subi %shift_right_logical3A_769, %sub3A_771 : vector<16xi32>
      %ge3A_773 = arith.constant 0 : i32
      %ge3A_774 = vector.broadcast %ge3A_773 : i32 to vector<16xi32>
      %ge3A_775 = arith.cmpi sge, %sub3A_766, %ge3A_774 : vector<16xi32>
      %lt3A_776 = arith.constant 5056 : i32
      %lt3A_777 = vector.broadcast %lt3A_776 : i32 to vector<16xi32>
      %lt3A_778 = arith.cmpi slt, %sub3A_766, %lt3A_777 : vector<16xi32>
      %and3A_779 = arith.andi %ge3A_775, %lt3A_778 : vector<16xi1>
      %jit3A_780 = arith.constant 5056 : i32
      %broadcast_in_dim3A_781 = vector.broadcast %jit3A_780 : i32 to vector<16xi32>
      %select_n3A_782 = arith.select %and3A_779, %sub3A_766, %broadcast_in_dim3A_781 : vector<16xi1>, vector<16xi32>
      %ge3A_783 = arith.constant 0 : i32
      %ge3A_784 = vector.broadcast %ge3A_783 : i32 to vector<16xi32>
      %ge3A_785 = arith.cmpi sge, %sub3A_772, %ge3A_784 : vector<16xi32>
      %lt3A_786 = arith.constant 5056 : i32
      %lt3A_787 = vector.broadcast %lt3A_786 : i32 to vector<16xi32>
      %lt3A_788 = arith.cmpi slt, %sub3A_772, %lt3A_787 : vector<16xi32>
      %and3A_789 = arith.andi %ge3A_785, %lt3A_788 : vector<16xi1>
      %jit3A_790 = arith.constant 5056 : i32
      %broadcast_in_dim3A_791 = vector.broadcast %jit3A_790 : i32 to vector<16xi32>
      %select_n3A_792 = arith.select %and3A_789, %sub3A_772, %broadcast_in_dim3A_791 : vector<16xi1>, vector<16xi32>
      %swap3A_793 = arith.constant 0 : i32
      %swap3A_794 = arith.constant 0 : i32
      %swap3A_795 = tpu.memref_slice %arg7[%swap3A_793, %swap3A_794] : memref<1x128xi32, #tpu.memory_space<vmem>> -> memref<1x128xi32, #tpu.memory_space<vmem>>
      %swap3A_796 = tpu.memref_squeeze %swap3A_795 : memref<1x128xi32, #tpu.memory_space<vmem>> -> memref<128xi32, #tpu.memory_space<vmem>>
      %swap3A_797 = arith.constant 96 : index
      %swap3A_798 = tpu.vector_load %swap3A_796[%swap3A_797] {strides = array<i32>} : memref<128xi32, #tpu.memory_space<vmem>>, vector<16xi32>,
      tpu.vector_store %swap3A_796[%swap3A_797], %select_n3A_782 {strides = array<i32>} : memref<128xi32, #tpu.memory_space<vmem>>, vector<16xi32>,
      %swap3A_799 = arith.constant 0 : i32
      %swap3A_800 = arith.constant 0 : i32
      %swap3A_801 = tpu.memref_slice %arg7[%swap3A_799, %swap3A_800] : memref<1x128xi32, #tpu.memory_space<vmem>> -> memref<1x128xi32, #tpu.memory_space<vmem>>
      %swap3A_802 = tpu.memref_squeeze %swap3A_801 : memref<1x128xi32, #tpu.memory_space<vmem>> -> memref<128xi32, #tpu.memory_space<vmem>>
      %swap3A_803 = arith.constant 112 : index
      %swap3A_804 = tpu.vector_load %swap3A_802[%swap3A_803] {strides = array<i32>} : memref<128xi32, #tpu.memory_space<vmem>>, vector<16xi32>,
      tpu.vector_store %swap3A_802[%swap3A_803], %select_n3A_792 {strides = array<i32>} : memref<128xi32, #tpu.memory_space<vmem>>, vector<16xi32>,
      %get3A_805 = arith.constant 1 : i32
      %get3A_806 = arith.constant 0 : i32
      %get3A_807 = tpu.memref_slice %arg6[%get3A_805, %get3A_806] : memref<2x64xi32, #tpu.memory_space<vmem>> -> memref<1x64xi32, #tpu.memory_space<vmem>>
      %get3A_808 = tpu.memref_squeeze %get3A_807 : memref<1x64xi32, #tpu.memory_space<vmem>> -> memref<64xi32, #tpu.memory_space<vmem>>
      %get3A_809 = arith.constant 0 : index
      %get3A_810 = tpu.vector_load %get3A_808[%get3A_809] {strides = array<i32>} : memref<64xi32, #tpu.memory_space<vmem>>, vector<16xi32>,
      %and3A_811 = arith.constant 65535 : i32
      %and3A_812 = vector.broadcast %and3A_811 : i32 to vector<16xi32>
      %and3A_813 = arith.andi %get3A_810, %and3A_812 : vector<16xi32>
      %sub3A_814 = arith.constant 0 : i32
      %sub3A_815 = vector.broadcast %sub3A_814 : i32 to vector<16xi32>
      %sub3A_816 = arith.subi %and3A_813, %sub3A_815 : vector<16xi32>
      %shift_right_logical3A_817 = arith.constant 16 : i32
      %shift_right_logical3A_818 = vector.broadcast %shift_right_logical3A_817 : i32 to vector<16xi32>
      %shift_right_logical3A_819 = arith.shrui %get3A_810, %shift_right_logical3A_818 : vector<16xi32>
      %sub3A_820 = arith.constant 0 : i32
      %sub3A_821 = vector.broadcast %sub3A_820 : i32 to vector<16xi32>
      %sub3A_822 = arith.subi %shift_right_logical3A_819, %sub3A_821 : vector<16xi32>
      %ge3A_823 = arith.constant 0 : i32
      %ge3A_824 = vector.broadcast %ge3A_823 : i32 to vector<16xi32>
      %ge3A_825 = arith.cmpi sge, %sub3A_816, %ge3A_824 : vector<16xi32>
      %lt3A_826 = arith.constant 5056 : i32
      %lt3A_827 = vector.broadcast %lt3A_826 : i32 to vector<16xi32>
      %lt3A_828 = arith.cmpi slt, %sub3A_816, %lt3A_827 : vector<16xi32>
      %and3A_829 = arith.andi %ge3A_825, %lt3A_828 : vector<16xi1>
      %jit3A_830 = arith.constant 5056 : i32
      %broadcast_in_dim3A_831 = vector.broadcast %jit3A_830 : i32 to vector<16xi32>
      %select_n3A_832 = arith.select %and3A_829, %sub3A_816, %broadcast_in_dim3A_831 : vector<16xi1>, vector<16xi32>
      %ge3A_833 = arith.constant 0 : i32
      %ge3A_834 = vector.broadcast %ge3A_833 : i32 to vector<16xi32>
      %ge3A_835 = arith.cmpi sge, %sub3A_822, %ge3A_834 : vector<16xi32>
      %lt3A_836 = arith.constant 5056 : i32
      %lt3A_837 = vector.broadcast %lt3A_836 : i32 to vector<16xi32>
      %lt3A_838 = arith.cmpi slt, %sub3A_822, %lt3A_837 : vector<16xi32>
      %and3A_839 = arith.andi %ge3A_835, %lt3A_838 : vector<16xi1>
      %jit3A_840 = arith.constant 5056 : i32
      %broadcast_in_dim3A_841 = vector.broadcast %jit3A_840 : i32 to vector<16xi32>
      %select_n3A_842 = arith.select %and3A_839, %sub3A_822, %broadcast_in_dim3A_841 : vector<16xi1>, vector<16xi32>
      %swap3A_843 = arith.constant 0 : i32
      %swap3A_844 = arith.constant 0 : i32
      %swap3A_845 = tpu.memref_slice %arg8[%swap3A_843, %swap3A_844] : memref<1x128xi32, #tpu.memory_space<vmem>> -> memref<1x128xi32, #tpu.memory_space<vmem>>
      %swap3A_846 = tpu.memref_squeeze %swap3A_845 : memref<1x128xi32, #tpu.memory_space<vmem>> -> memref<128xi32, #tpu.memory_space<vmem>>
      %swap3A_847 = arith.constant 0 : index
      %swap3A_848 = tpu.vector_load %swap3A_846[%swap3A_847] {strides = array<i32>} : memref<128xi32, #tpu.memory_space<vmem>>, vector<16xi32>,
      tpu.vector_store %swap3A_846[%swap3A_847], %select_n3A_832 {strides = array<i32>} : memref<128xi32, #tpu.memory_space<vmem>>, vector<16xi32>,
      %swap3A_849 = arith.constant 0 : i32
      %swap3A_850 = arith.constant 0 : i32
      %swap3A_851 = tpu.memref_slice %arg8[%swap3A_849, %swap3A_850] : memref<1x128xi32, #tpu.memory_space<vmem>> -> memref<1x128xi32, #tpu.memory_space<vmem>>
      %swap3A_852 = tpu.memref_squeeze %swap3A_851 : memref<1x128xi32, #tpu.memory_space<vmem>> -> memref<128xi32, #tpu.memory_space<vmem>>
      %swap3A_853 = arith.constant 16 : index
      %swap3A_854 = tpu.vector_load %swap3A_852[%swap3A_853] {strides = array<i32>} : memref<128xi32, #tpu.memory_space<vmem>>, vector<16xi32>,
      tpu.vector_store %swap3A_852[%swap3A_853], %select_n3A_842 {strides = array<i32>} : memref<128xi32, #tpu.memory_space<vmem>>, vector<16xi32>,
      %get3A_855 = arith.constant 1 : i32
      %get3A_856 = arith.constant 0 : i32
      %get3A_857 = tpu.memref_slice %arg6[%get3A_855, %get3A_856] : memref<2x64xi32, #tpu.memory_space<vmem>> -> memref<1x64xi32, #tpu.memory_space<vmem>>
      %get3A_858 = tpu.memref_squeeze %get3A_857 : memref<1x64xi32, #tpu.memory_space<vmem>> -> memref<64xi32, #tpu.memory_space<vmem>>
      %get3A_859 = arith.constant 16 : index
      %get3A_860 = tpu.vector_load %get3A_858[%get3A_859] {strides = array<i32>} : memref<64xi32, #tpu.memory_space<vmem>>, vector<16xi32>,
      %and3A_861 = arith.constant 65535 : i32
      %and3A_862 = vector.broadcast %and3A_861 : i32 to vector<16xi32>
      %and3A_863 = arith.andi %get3A_860, %and3A_862 : vector<16xi32>
      %sub3A_864 = arith.constant 0 : i32
      %sub3A_865 = vector.broadcast %sub3A_864 : i32 to vector<16xi32>
      %sub3A_866 = arith.subi %and3A_863, %sub3A_865 : vector<16xi32>
      %shift_right_logical3A_867 = arith.constant 16 : i32
      %shift_right_logical3A_868 = vector.broadcast %shift_right_logical3A_867 : i32 to vector<16xi32>
      %shift_right_logical3A_869 = arith.shrui %get3A_860, %shift_right_logical3A_868 : vector<16xi32>
      %sub3A_870 = arith.constant 0 : i32
      %sub3A_871 = vector.broadcast %sub3A_870 : i32 to vector<16xi32>
      %sub3A_872 = arith.subi %shift_right_logical3A_869, %sub3A_871 : vector<16xi32>
      %ge3A_873 = arith.constant 0 : i32
      %ge3A_874 = vector.broadcast %ge3A_873 : i32 to vector<16xi32>
      %ge3A_875 = arith.cmpi sge, %sub3A_866, %ge3A_874 : vector<16xi32>
      %lt3A_876 = arith.constant 5056 : i32
      %lt3A_877 = vector.broadcast %lt3A_876 : i32 to vector<16xi32>
      %lt3A_878 = arith.cmpi slt, %sub3A_866, %lt3A_877 : vector<16xi32>
      %and3A_879 = arith.andi %ge3A_875, %lt3A_878 : vector<16xi1>
      %jit3A_880 = arith.constant 5056 : i32
      %broadcast_in_dim3A_881 = vector.broadcast %jit3A_880 : i32 to vector<16xi32>
      %select_n3A_882 = arith.select %and3A_879, %sub3A_866, %broadcast_in_dim3A_881 : vector<16xi1>, vector<16xi32>
      %ge3A_883 = arith.constant 0 : i32
      %ge3A_884 = vector.broadcast %ge3A_883 : i32 to vector<16xi32>
      %ge3A_885 = arith.cmpi sge, %sub3A_872, %ge3A_884 : vector<16xi32>
      %lt3A_886 = arith.constant 5056 : i32
      %lt3A_887 = vector.broadcast %lt3A_886 : i32 to vector<16xi32>
      %lt3A_888 = arith.cmpi slt, %sub3A_872, %lt3A_887 : vector<16xi32>
      %and3A_889 = arith.andi %ge3A_885, %lt3A_888 : vector<16xi1>
      %jit3A_890 = arith.constant 5056 : i32
      %broadcast_in_dim3A_891 = vector.broadcast %jit3A_890 : i32 to vector<16xi32>
      %select_n3A_892 = arith.select %and3A_889, %sub3A_872, %broadcast_in_dim3A_891 : vector<16xi1>, vector<16xi32>
      %swap3A_893 = arith.constant 0 : i32
      %swap3A_894 = arith.constant 0 : i32
      %swap3A_895 = tpu.memref_slice %arg8[%swap3A_893, %swap3A_894] : memref<1x128xi32, #tpu.memory_space<vmem>> -> memref<1x128xi32, #tpu.memory_space<vmem>>
      %swap3A_896 = tpu.memref_squeeze %swap3A_895 : memref<1x128xi32, #tpu.memory_space<vmem>> -> memref<128xi32, #tpu.memory_space<vmem>>
      %swap3A_897 = arith.constant 32 : index
      %swap3A_898 = tpu.vector_load %swap3A_896[%swap3A_897] {strides = array<i32>} : memref<128xi32, #tpu.memory_space<vmem>>, vector<16xi32>,
      tpu.vector_store %swap3A_896[%swap3A_897], %select_n3A_882 {strides = array<i32>} : memref<128xi32, #tpu.memory_space<vmem>>, vector<16xi32>,
      %swap3A_899 = arith.constant 0 : i32
      %swap3A_900 = arith.constant 0 : i32
      %swap3A_901 = tpu.memref_slice %arg8[%swap3A_899, %swap3A_900] : memref<1x128xi32, #tpu.memory_space<vmem>> -> memref<1x128xi32, #tpu.memory_space<vmem>>
      %swap3A_902 = tpu.memref_squeeze %swap3A_901 : memref<1x128xi32, #tpu.memory_space<vmem>> -> memref<128xi32, #tpu.memory_space<vmem>>
      %swap3A_903 = arith.constant 48 : index
      %swap3A_904 = tpu.vector_load %swap3A_902[%swap3A_903] {strides = array<i32>} : memref<128xi32, #tpu.memory_space<vmem>>, vector<16xi32>,
      tpu.vector_store %swap3A_902[%swap3A_903], %select_n3A_892 {strides = array<i32>} : memref<128xi32, #tpu.memory_space<vmem>>, vector<16xi32>,
      %get3A_905 = arith.constant 1 : i32
      %get3A_906 = arith.constant 0 : i32
      %get3A_907 = tpu.memref_slice %arg6[%get3A_905, %get3A_906] : memref<2x64xi32, #tpu.memory_space<vmem>> -> memref<1x64xi32, #tpu.memory_space<vmem>>
      %get3A_908 = tpu.memref_squeeze %get3A_907 : memref<1x64xi32, #tpu.memory_space<vmem>> -> memref<64xi32, #tpu.memory_space<vmem>>
      %get3A_909 = arith.constant 32 : index
      %get3A_910 = tpu.vector_load %get3A_908[%get3A_909] {strides = array<i32>} : memref<64xi32, #tpu.memory_space<vmem>>, vector<16xi32>,
      %and3A_911 = arith.constant 65535 : i32
      %and3A_912 = vector.broadcast %and3A_911 : i32 to vector<16xi32>
      %and3A_913 = arith.andi %get3A_910, %and3A_912 : vector<16xi32>
      %sub3A_914 = arith.constant 0 : i32
      %sub3A_915 = vector.broadcast %sub3A_914 : i32 to vector<16xi32>
      %sub3A_916 = arith.subi %and3A_913, %sub3A_915 : vector<16xi32>
      %shift_right_logical3A_917 = arith.constant 16 : i32
      %shift_right_logical3A_918 = vector.broadcast %shift_right_logical3A_917 : i32 to vector<16xi32>
      %shift_right_logical3A_919 = arith.shrui %get3A_910, %shift_right_logical3A_918 : vector<16xi32>
      %sub3A_920 = arith.constant 0 : i32
      %sub3A_921 = vector.broadcast %sub3A_920 : i32 to vector<16xi32>
      %sub3A_922 = arith.subi %shift_right_logical3A_919, %sub3A_921 : vector<16xi32>
      %ge3A_923 = arith.constant 0 : i32
      %ge3A_924 = vector.broadcast %ge3A_923 : i32 to vector<16xi32>
      %ge3A_925 = arith.cmpi sge, %sub3A_916, %ge3A_924 : vector<16xi32>
      %lt3A_926 = arith.constant 5056 : i32
      %lt3A_927 = vector.broadcast %lt3A_926 : i32 to vector<16xi32>
      %lt3A_928 = arith.cmpi slt, %sub3A_916, %lt3A_927 : vector<16xi32>
      %and3A_929 = arith.andi %ge3A_925, %lt3A_928 : vector<16xi1>
      %jit3A_930 = arith.constant 5056 : i32
      %broadcast_in_dim3A_931 = vector.broadcast %jit3A_930 : i32 to vector<16xi32>
      %select_n3A_932 = arith.select %and3A_929, %sub3A_916, %broadcast_in_dim3A_931 : vector<16xi1>, vector<16xi32>
      %ge3A_933 = arith.constant 0 : i32
      %ge3A_934 = vector.broadcast %ge3A_933 : i32 to vector<16xi32>
      %ge3A_935 = arith.cmpi sge, %sub3A_922, %ge3A_934 : vector<16xi32>
      %lt3A_936 = arith.constant 5056 : i32
      %lt3A_937 = vector.broadcast %lt3A_936 : i32 to vector<16xi32>
      %lt3A_938 = arith.cmpi slt, %sub3A_922, %lt3A_937 : vector<16xi32>
      %and3A_939 = arith.andi %ge3A_935, %lt3A_938 : vector<16xi1>
      %jit3A_940 = arith.constant 5056 : i32
      %broadcast_in_dim3A_941 = vector.broadcast %jit3A_940 : i32 to vector<16xi32>
      %select_n3A_942 = arith.select %and3A_939, %sub3A_922, %broadcast_in_dim3A_941 : vector<16xi1>, vector<16xi32>
      %swap3A_943 = arith.constant 0 : i32
      %swap3A_944 = arith.constant 0 : i32
      %swap3A_945 = tpu.memref_slice %arg8[%swap3A_943, %swap3A_944] : memref<1x128xi32, #tpu.memory_space<vmem>> -> memref<1x128xi32, #tpu.memory_space<vmem>>
      %swap3A_946 = tpu.memref_squeeze %swap3A_945 : memref<1x128xi32, #tpu.memory_space<vmem>> -> memref<128xi32, #tpu.memory_space<vmem>>
      %swap3A_947 = arith.constant 64 : index
      %swap3A_948 = tpu.vector_load %swap3A_946[%swap3A_947] {strides = array<i32>} : memref<128xi32, #tpu.memory_space<vmem>>, vector<16xi32>,
      tpu.vector_store %swap3A_946[%swap3A_947], %select_n3A_932 {strides = array<i32>} : memref<128xi32, #tpu.memory_space<vmem>>, vector<16xi32>,
      %swap3A_949 = arith.constant 0 : i32
      %swap3A_950 = arith.constant 0 : i32
      %swap3A_951 = tpu.memref_slice %arg8[%swap3A_949, %swap3A_950] : memref<1x128xi32, #tpu.memory_space<vmem>> -> memref<1x128xi32, #tpu.memory_space<vmem>>
      %swap3A_952 = tpu.memref_squeeze %swap3A_951 : memref<1x128xi32, #tpu.memory_space<vmem>> -> memref<128xi32, #tpu.memory_space<vmem>>
      %swap3A_953 = arith.constant 80 : index
      %swap3A_954 = tpu.vector_load %swap3A_952[%swap3A_953] {strides = array<i32>} : memref<128xi32, #tpu.memory_space<vmem>>, vector<16xi32>,
      tpu.vector_store %swap3A_952[%swap3A_953], %select_n3A_942 {strides = array<i32>} : memref<128xi32, #tpu.memory_space<vmem>>, vector<16xi32>,
      %get3A_955 = arith.constant 1 : i32
      %get3A_956 = arith.constant 0 : i32
      %get3A_957 = tpu.memref_slice %arg6[%get3A_955, %get3A_956] : memref<2x64xi32, #tpu.memory_space<vmem>> -> memref<1x64xi32, #tpu.memory_space<vmem>>
      %get3A_958 = tpu.memref_squeeze %get3A_957 : memref<1x64xi32, #tpu.memory_space<vmem>> -> memref<64xi32, #tpu.memory_space<vmem>>
      %get3A_959 = arith.constant 48 : index
      %get3A_960 = tpu.vector_load %get3A_958[%get3A_959] {strides = array<i32>} : memref<64xi32, #tpu.memory_space<vmem>>, vector<16xi32>,
      %and3A_961 = arith.constant 65535 : i32
      %and3A_962 = vector.broadcast %and3A_961 : i32 to vector<16xi32>
      %and3A_963 = arith.andi %get3A_960, %and3A_962 : vector<16xi32>
      %sub3A_964 = arith.constant 0 : i32
      %sub3A_965 = vector.broadcast %sub3A_964 : i32 to vector<16xi32>
      %sub3A_966 = arith.subi %and3A_963, %sub3A_965 : vector<16xi32>
      %shift_right_logical3A_967 = arith.constant 16 : i32
      %shift_right_logical3A_968 = vector.broadcast %shift_right_logical3A_967 : i32 to vector<16xi32>
      %shift_right_logical3A_969 = arith.shrui %get3A_960, %shift_right_logical3A_968 : vector<16xi32>
      %sub3A_970 = arith.constant 0 : i32
      %sub3A_971 = vector.broadcast %sub3A_970 : i32 to vector<16xi32>
      %sub3A_972 = arith.subi %shift_right_logical3A_969, %sub3A_971 : vector<16xi32>
      %ge3A_973 = arith.constant 0 : i32
      %ge3A_974 = vector.broadcast %ge3A_973 : i32 to vector<16xi32>
      %ge3A_975 = arith.cmpi sge, %sub3A_966, %ge3A_974 : vector<16xi32>
      %lt3A_976 = arith.constant 5056 : i32
      %lt3A_977 = vector.broadcast %lt3A_976 : i32 to vector<16xi32>
      %lt3A_978 = arith.cmpi slt, %sub3A_966, %lt3A_977 : vector<16xi32>
      %and3A_979 = arith.andi %ge3A_975, %lt3A_978 : vector<16xi1>
      %jit3A_980 = arith.constant 5056 : i32
      %broadcast_in_dim3A_981 = vector.broadcast %jit3A_980 : i32 to vector<16xi32>
      %select_n3A_982 = arith.select %and3A_979, %sub3A_966, %broadcast_in_dim3A_981 : vector<16xi1>, vector<16xi32>
      %ge3A_983 = arith.constant 0 : i32
      %ge3A_984 = vector.broadcast %ge3A_983 : i32 to vector<16xi32>
      %ge3A_985 = arith.cmpi sge, %sub3A_972, %ge3A_984 : vector<16xi32>
      %lt3A_986 = arith.constant 5056 : i32
      %lt3A_987 = vector.broadcast %lt3A_986 : i32 to vector<16xi32>
      %lt3A_988 = arith.cmpi slt, %sub3A_972, %lt3A_987 : vector<16xi32>
      %and3A_989 = arith.andi %ge3A_985, %lt3A_988 : vector<16xi1>
      %jit3A_990 = arith.constant 5056 : i32
      %broadcast_in_dim3A_991 = vector.broadcast %jit3A_990 : i32 to vector<16xi32>
      %select_n3A_992 = arith.select %and3A_989, %sub3A_972, %broadcast_in_dim3A_991 : vector<16xi1>, vector<16xi32>
      %swap3A_993 = arith.constant 0 : i32
      %swap3A_994 = arith.constant 0 : i32
      %swap3A_995 = tpu.memref_slice %arg8[%swap3A_993, %swap3A_994] : memref<1x128xi32, #tpu.memory_space<vmem>> -> memref<1x128xi32, #tpu.memory_space<vmem>>
      %swap3A_996 = tpu.memref_squeeze %swap3A_995 : memref<1x128xi32, #tpu.memory_space<vmem>> -> memref<128xi32, #tpu.memory_space<vmem>>
      %swap3A_997 = arith.constant 96 : index
      %swap3A_998 = tpu.vector_load %swap3A_996[%swap3A_997] {strides = array<i32>} : memref<128xi32, #tpu.memory_space<vmem>>, vector<16xi32>,
      tpu.vector_store %swap3A_996[%swap3A_997], %select_n3A_982 {strides = array<i32>} : memref<128xi32, #tpu.memory_space<vmem>>, vector<16xi32>,
      %swap3A_999 = arith.constant 0 : i32
      %swap3A_1000 = arith.constant 0 : i32
      %swap3A_1001 = tpu.memref_slice %arg8[%swap3A_999, %swap3A_1000] : memref<1x128xi32, #tpu.memory_space<vmem>> -> memref<1x128xi32, #tpu.memory_space<vmem>>
      %swap3A_1002 = tpu.memref_squeeze %swap3A_1001 : memref<1x128xi32, #tpu.memory_space<vmem>> -> memref<128xi32, #tpu.memory_space<vmem>>
      %swap3A_1003 = arith.constant 112 : index
      %swap3A_1004 = tpu.vector_load %swap3A_1002[%swap3A_1003] {strides = array<i32>} : memref<128xi32, #tpu.memory_space<vmem>>, vector<16xi32>,
      tpu.vector_store %swap3A_1002[%swap3A_1003], %select_n3A_992 {strides = array<i32>} : memref<128xi32, #tpu.memory_space<vmem>>, vector<16xi32>,
      %run_scoped3A_1005 = arith.constant 0 : i32
      "tpu.region"() ({
        %run_scoped3A_1012 = tpu.sem_alloc : memref<!tpu.dma_semaphore, #tpu.memory_space<semaphore_mem>>
        %dma_start3A_1013 = arith.constant 0 : i32
        %dma_start3A_1014 = tpu.memref_slice %arg7[%run_scoped3A_1005, %dma_start3A_1013] : memref<1x128xi32, #tpu.memory_space<vmem>> -> memref<1x128xi32, #tpu.memory_space<vmem>>
        %dma_start3A_1015 = tpu.memref_squeeze %dma_start3A_1014 : memref<1x128xi32, #tpu.memory_space<vmem>> -> memref<128xi32, #tpu.memory_space<vmem>>
        %dma_start3A_1016 = arith.constant 0 : i32
        %dma_start3A_1017 = arith.constant 0 : i32
        %dma_start3A_1018 = tpu.memref_slice %arg11[%dma_start3A_1016, %dma_start3A_1017] : memref<5120x16xf32, #tpu.memory_space<vmem_shared>> -> memref<5120x16xf32, #tpu.memory_space<vmem_shared>>
        tpu.enqueue_indirect_dma source(%arg9 : memref<128x16xf32, #tpu.memory_space<vmem>>) target(%dma_start3A_1018 : memref<5120x16xf32, #tpu.memory_space<vmem_shared>>) offsets(%dma_start3A_1015 : memref<128xi32, #tpu.memory_space<vmem>>) semaphore(%run_scoped3A_1012 : memref<!tpu.dma_semaphore, #tpu.memory_space<semaphore_mem>>) {add = true}
        %dma_wait3A_1019 = arith.constant 0 : i32
        %dma_wait3A_1020 = tpu.memref_slice %arg7[%run_scoped3A_1005, %dma_wait3A_1019] : memref<1x128xi32, #tpu.memory_space<vmem>> -> memref<1x128xi32, #tpu.memory_space<vmem>>
        %dma_wait3A_1021 = tpu.memref_squeeze %dma_wait3A_1020 : memref<1x128xi32, #tpu.memory_space<vmem>> -> memref<128xi32, #tpu.memory_space<vmem>>
        %dma_wait3A_1022 = arith.constant 0 : i32
        %dma_wait3A_1023 = arith.constant 0 : i32
        %dma_wait3A_1024 = tpu.memref_slice %arg11[%dma_wait3A_1022, %dma_wait3A_1023] : memref<5120x16xf32, #tpu.memory_space<vmem_shared>> -> memref<5120x16xf32, #tpu.memory_space<vmem_shared>>
        tpu.wait_indirect_dma semaphore(%run_scoped3A_1012 : memref<!tpu.dma_semaphore, #tpu.memory_space<semaphore_mem>>) src(%arg9 : memref<128x16xf32, #tpu.memory_space<vmem>>) dst(%dma_wait3A_1024 : memref<5120x16xf32, #tpu.memory_space<vmem_shared>>)
        tpu.yield
      }) : () -> ()
      %run_scoped3A_1006 = arith.constant 0 : i32
      "tpu.region"() ({
        %run_scoped3A_1012 = tpu.sem_alloc : memref<!tpu.dma_semaphore, #tpu.memory_space<semaphore_mem>>
        %dma_start3A_1013 = arith.constant 0 : i32
        %dma_start3A_1014 = tpu.memref_slice %arg8[%run_scoped3A_1006, %dma_start3A_1013] : memref<1x128xi32, #tpu.memory_space<vmem>> -> memref<1x128xi32, #tpu.memory_space<vmem>>
        %dma_start3A_1015 = tpu.memref_squeeze %dma_start3A_1014 : memref<1x128xi32, #tpu.memory_space<vmem>> -> memref<128xi32, #tpu.memory_space<vmem>>
        %dma_start3A_1016 = arith.constant 0 : i32
        %dma_start3A_1017 = arith.constant 0 : i32
        %dma_start3A_1018 = tpu.memref_slice %arg11[%dma_start3A_1016, %dma_start3A_1017] : memref<5120x16xf32, #tpu.memory_space<vmem_shared>> -> memref<5120x16xf32, #tpu.memory_space<vmem_shared>>
        tpu.enqueue_indirect_dma source(%arg10 : memref<128x16xf32, #tpu.memory_space<vmem>>) target(%dma_start3A_1018 : memref<5120x16xf32, #tpu.memory_space<vmem_shared>>) offsets(%dma_start3A_1015 : memref<128xi32, #tpu.memory_space<vmem>>) semaphore(%run_scoped3A_1012 : memref<!tpu.dma_semaphore, #tpu.memory_space<semaphore_mem>>) {add = true}
        %dma_wait3A_1019 = arith.constant 0 : i32
        %dma_wait3A_1020 = tpu.memref_slice %arg8[%run_scoped3A_1006, %dma_wait3A_1019] : memref<1x128xi32, #tpu.memory_space<vmem>> -> memref<1x128xi32, #tpu.memory_space<vmem>>
        %dma_wait3A_1021 = tpu.memref_squeeze %dma_wait3A_1020 : memref<1x128xi32, #tpu.memory_space<vmem>> -> memref<128xi32, #tpu.memory_space<vmem>>
        %dma_wait3A_1022 = arith.constant 0 : i32
        %dma_wait3A_1023 = arith.constant 0 : i32
        %dma_wait3A_1024 = tpu.memref_slice %arg11[%dma_wait3A_1022, %dma_wait3A_1023] : memref<5120x16xf32, #tpu.memory_space<vmem_shared>> -> memref<5120x16xf32, #tpu.memory_space<vmem_shared>>
        tpu.wait_indirect_dma semaphore(%run_scoped3A_1012 : memref<!tpu.dma_semaphore, #tpu.memory_space<semaphore_mem>>) src(%arg10 : memref<128x16xf32, #tpu.memory_space<vmem>>) dst(%dma_wait3A_1024 : memref<5120x16xf32, #tpu.memory_space<vmem_shared>>)
        tpu.yield
      }) : () -> ()
      %lt3A_1007 = arith.constant 80 : i32
      %lt3A_1008 = arith.cmpi slt, %add3A_599, %lt3A_1007 : i32
      %convert_element_type3A_1009 = arith.extui %lt3A_1008 : i1 to i32
      %cond3A_1010 = arith.constant 0 : i32
      %cond3A_1011 = arith.cmpi ne, %convert_element_type3A_1009, %cond3A_1010 : i32
      scf.if %cond3A_1011 {
        %dma_wait3A_1012 = arith.constant 0 : i32
        %dma_wait3A_1013 = arith.constant 0 : i32
        %dma_wait3A_1014 = tpu.memref_slice %arg5[%dma_wait3A_1012, %dma_wait3A_1013] : memref<2x64xi32, #tpu.memory_space<vmem>> -> memref<1x64xi32, #tpu.memory_space<vmem>>
        %dma_wait3A_1015 = tpu.memref_squeeze %dma_wait3A_1014 : memref<1x64xi32, #tpu.memory_space<vmem>> -> memref<64xi32, #tpu.memory_space<vmem>>
        %dma_wait3A_1016 = arith.constant 0 : i32
        %dma_wait3A_1017 = tpu.memref_slice %arg2[%add3A, %add3A_599, %dma_wait3A_1016] : memref<32x80x64xi32, #tpu.memory_space<hbm>> -> memref<1x1x64xi32, #tpu.memory_space<hbm>>
        %dma_wait3A_1018 = tpu.memref_squeeze %dma_wait3A_1017 : memref<1x1x64xi32, #tpu.memory_space<hbm>> -> memref<64xi32, #tpu.memory_space<hbm>>
        %dma_wait3A_1019 = arith.constant 0 : i32
        %dma_wait3A_1020 = tpu.memref_slice %arg5[%dma_wait3A_1012, %dma_wait3A_1019] : memref<2x64xi32, #tpu.memory_space<vmem>> -> memref<1x64xi32, #tpu.memory_space<vmem>>
        %dma_wait3A_1021 = tpu.memref_squeeze %dma_wait3A_1020 : memref<1x64xi32, #tpu.memory_space<vmem>> -> memref<64xi32, #tpu.memory_space<vmem>>
        %dma_wait3A_1022 = arith.constant 0 : i32
        %dma_wait3A_1023 = tpu.memref_slice %arg2[%add3A, %add3A_599, %dma_wait3A_1022] : memref<32x80x64xi32, #tpu.memory_space<hbm>> -> memref<1x1x64xi32, #tpu.memory_space<hbm>>
        %dma_wait3A_1024 = tpu.memref_squeeze %dma_wait3A_1023 : memref<1x1x64xi32, #tpu.memory_space<hbm>> -> memref<64xi32, #tpu.memory_space<hbm>>
        tpu.wait_dma2 semaphore(%arg12 : memref<!tpu.dma_semaphore, #tpu.memory_space<semaphore_mem>>) src(%dma_wait3A_1024 : memref<64xi32, #tpu.memory_space<hbm>>) dst(%dma_wait3A_1021 : memref<64xi32, #tpu.memory_space<vmem>>)
        %dma_wait3A_1025 = arith.constant 0 : i32
        %dma_wait3A_1026 = arith.constant 0 : i32
        %dma_wait3A_1027 = tpu.memref_slice %arg6[%dma_wait3A_1025, %dma_wait3A_1026] : memref<2x64xi32, #tpu.memory_space<vmem>> -> memref<1x64xi32, #tpu.memory_space<vmem>>
        %dma_wait3A_1028 = tpu.memref_squeeze %dma_wait3A_1027 : memref<1x64xi32, #tpu.memory_space<vmem>> -> memref<64xi32, #tpu.memory_space<vmem>>
        %dma_wait3A_1029 = arith.constant 0 : i32
        %dma_wait3A_1030 = tpu.memref_slice %arg3[%add3A, %add3A_599, %dma_wait3A_1029] : memref<32x80x64xi32, #tpu.memory_space<hbm>> -> memref<1x1x64xi32, #tpu.memory_space<hbm>>
        %dma_wait3A_1031 = tpu.memref_squeeze %dma_wait3A_1030 : memref<1x1x64xi32, #tpu.memory_space<hbm>> -> memref<64xi32, #tpu.memory_space<hbm>>
        %dma_wait3A_1032 = arith.constant 0 : i32
        %dma_wait3A_1033 = tpu.memref_slice %arg6[%dma_wait3A_1025, %dma_wait3A_1032] : memref<2x64xi32, #tpu.memory_space<vmem>> -> memref<1x64xi32, #tpu.memory_space<vmem>>
        %dma_wait3A_1034 = tpu.memref_squeeze %dma_wait3A_1033 : memref<1x64xi32, #tpu.memory_space<vmem>> -> memref<64xi32, #tpu.memory_space<vmem>>
        %dma_wait3A_1035 = arith.constant 0 : i32
        %dma_wait3A_1036 = tpu.memref_slice %arg3[%add3A, %add3A_599, %dma_wait3A_1035] : memref<32x80x64xi32, #tpu.memory_space<hbm>> -> memref<1x1x64xi32, #tpu.memory_space<hbm>>
        %dma_wait3A_1037 = tpu.memref_squeeze %dma_wait3A_1036 : memref<1x1x64xi32, #tpu.memory_space<hbm>> -> memref<64xi32, #tpu.memory_space<hbm>>
        tpu.wait_dma2 semaphore(%arg12 : memref<!tpu.dma_semaphore, #tpu.memory_space<semaphore_mem>>) src(%dma_wait3A_1037 : memref<64xi32, #tpu.memory_space<hbm>>) dst(%dma_wait3A_1034 : memref<64xi32, #tpu.memory_space<vmem>>)
      } else {
      }
    }
    %scan3A_95 = arith.constant 40 : i32
    %barrier3A_96 = arith.constant 0 : index
    tpu.barrier barrier_id(%barrier3A_96)
    %run_scoped3A = arith.constant 0 : i32
    "tpu.region"() ({
      %run_scoped3A_183 = tpu.sem_alloc : memref<!tpu.dma_semaphore, #tpu.memory_space<semaphore_mem>>
      %dma_start3A_184 = arith.constant 0 : i32
      %dma_start3A_185 = tpu.memref_slice %arg4[%arg0, %run_scoped3A, %mul3A_16, %dma_start3A_184] : memref<2x2x5120x16xf32, #tpu.memory_space<hbm>> -> memref<1x1x320x16xf32, #tpu.memory_space<hbm>>
      %dma_start3A_186 = tpu.memref_squeeze %dma_start3A_185 : memref<1x1x320x16xf32, #tpu.memory_space<hbm>> -> memref<320x16xf32, #tpu.memory_space<hbm>>
      %dma_start3A_187 = arith.constant 0 : i32
      %dma_start3A_188 = tpu.memref_slice %arg11[%mul3A_16, %dma_start3A_187] : memref<5120x16xf32, #tpu.memory_space<vmem_shared>> -> memref<320x16xf32, #tpu.memory_space<vmem_shared>>
      tpu.enqueue_dma source(%dma_start3A_188 : memref<320x16xf32, #tpu.memory_space<vmem_shared>>) target(%dma_start3A_186 : memref<320x16xf32, #tpu.memory_space<hbm>>) target_semaphore(%run_scoped3A_183 : memref<!tpu.dma_semaphore, #tpu.memory_space<semaphore_mem>>)
      %dma_wait3A_189 = arith.constant 0 : i32
      %dma_wait3A_190 = tpu.memref_slice %arg4[%arg0, %run_scoped3A, %mul3A_16, %dma_wait3A_189] : memref<2x2x5120x16xf32, #tpu.memory_space<hbm>> -> memref<1x1x320x16xf32, #tpu.memory_space<hbm>>
      %dma_wait3A_191 = tpu.memref_squeeze %dma_wait3A_190 : memref<1x1x320x16xf32, #tpu.memory_space<hbm>> -> memref<320x16xf32, #tpu.memory_space<hbm>>
      %dma_wait3A_192 = arith.constant 0 : i32
      %dma_wait3A_193 = tpu.memref_slice %arg11[%mul3A_16, %dma_wait3A_192] : memref<5120x16xf32, #tpu.memory_space<vmem_shared>> -> memref<320x16xf32, #tpu.memory_space<vmem_shared>>
      tpu.wait_dma2 semaphore(%run_scoped3A_183 : memref<!tpu.dma_semaphore, #tpu.memory_space<semaphore_mem>>) src(%dma_wait3A_193 : memref<320x16xf32, #tpu.memory_space<vmem_shared>>) dst(%dma_wait3A_191 : memref<320x16xf32, #tpu.memory_space<hbm>>)
      tpu.yield
    }) : () -> ()
    %barrier3A_97 = arith.constant 0 : index
    tpu.barrier barrier_id(%barrier3A_97)
    %scan3A_98 = arith.constant 0 : i32
    %scan3A_99 = arith.constant 128 : i32
    %scan3A_100 = arith.addi %scan3A_98, %scan3A_99 : i32
    %scan3A_101 = arith.constant 1 : i32
    scf.for %scan3A_183 = %scan3A_98 to %scan3A_100 step %scan3A_101  : i32 {
      %mul3A_184 = arith.constant 1 : i32
      %mul3A_185 = arith.muli %scan3A_183, %mul3A_184 : i32
      %add3A_186 = arith.constant 0 : i32
      %add3A_187 = arith.addi %add3A_186, %mul3A_185 : i32
      %swap3A = arith.index_cast %add3A_187 : i32 to index
      %swap3A_188 = arith.constant 0 : index
      %swap3A_189 = tpu.vector_load %arg9[%swap3A, %swap3A_188] {strides = array<i32>} : memref<128x16xf32, #tpu.memory_space<vmem>>, vector<16xf32>,
      tpu.vector_store %arg9[%swap3A, %swap3A_188], %broadcast_in_dim3A_14 {strides = array<i32>} : memref<128x16xf32, #tpu.memory_space<vmem>>, vector<16xf32>,
    }
    %scan3A_102 = arith.constant 128 : i32
    %add3A_103 = arith.constant 0 : i32
    %add3A_104 = arith.addi %mul3A_16, %add3A_103 : i32
    "tpu.region"() ({
      %run_scoped3A_183 = tpu.sem_alloc : memref<!tpu.dma_semaphore, #tpu.memory_space<semaphore_mem>>
      %dma_start3A_184 = arith.constant 0 : i32
      %dma_start3A_185 = tpu.memref_slice %arg11[%add3A_104, %dma_start3A_184] : memref<5120x16xf32, #tpu.memory_space<vmem_shared>> -> memref<128x16xf32, #tpu.memory_space<vmem_shared>>
      %dma_start3A_186 = arith.constant 0 : i32
      %dma_start3A_187 = tpu.memref_slice %arg11[%add3A_104, %dma_start3A_186] : memref<5120x16xf32, #tpu.memory_space<vmem_shared>> -> memref<128x16xf32, #tpu.memory_space<vmem_shared>>
      tpu.enqueue_dma source(%arg9 : memref<128x16xf32, #tpu.memory_space<vmem>>) target(%dma_start3A_187 : memref<128x16xf32, #tpu.memory_space<vmem_shared>>) target_semaphore(%run_scoped3A_183 : memref<!tpu.dma_semaphore, #tpu.memory_space<semaphore_mem>>)
      %dma_wait3A_188 = arith.constant 0 : i32
      %dma_wait3A_189 = tpu.memref_slice %arg11[%add3A_104, %dma_wait3A_188] : memref<5120x16xf32, #tpu.memory_space<vmem_shared>> -> memref<128x16xf32, #tpu.memory_space<vmem_shared>>
      %dma_wait3A_190 = arith.constant 0 : i32
      %dma_wait3A_191 = tpu.memref_slice %arg11[%add3A_104, %dma_wait3A_190] : memref<5120x16xf32, #tpu.memory_space<vmem_shared>> -> memref<128x16xf32, #tpu.memory_space<vmem_shared>>
      tpu.wait_dma2 semaphore(%run_scoped3A_183 : memref<!tpu.dma_semaphore, #tpu.memory_space<semaphore_mem>>) src(%arg9 : memref<128x16xf32, #tpu.memory_space<vmem>>) dst(%dma_wait3A_191 : memref<128x16xf32, #tpu.memory_space<vmem_shared>>)
      tpu.yield
    }) : () -> ()
    %add3A_105 = arith.constant 128 : i32
    %add3A_106 = arith.addi %mul3A_16, %add3A_105 : i32
    "tpu.region"() ({
      %run_scoped3A_183 = tpu.sem_alloc : memref<!tpu.dma_semaphore, #tpu.memory_space<semaphore_mem>>
      %dma_start3A_184 = arith.constant 0 : i32
      %dma_start3A_185 = tpu.memref_slice %arg11[%add3A_106, %dma_start3A_184] : memref<5120x16xf32, #tpu.memory_space<vmem_shared>> -> memref<128x16xf32, #tpu.memory_space<vmem_shared>>
      %dma_start3A_186 = arith.constant 0 : i32
      %dma_start3A_187 = tpu.memref_slice %arg11[%add3A_106, %dma_start3A_186] : memref<5120x16xf32, #tpu.memory_space<vmem_shared>> -> memref<128x16xf32, #tpu.memory_space<vmem_shared>>
      tpu.enqueue_dma source(%arg9 : memref<128x16xf32, #tpu.memory_space<vmem>>) target(%dma_start3A_187 : memref<128x16xf32, #tpu.memory_space<vmem_shared>>) target_semaphore(%run_scoped3A_183 : memref<!tpu.dma_semaphore, #tpu.memory_space<semaphore_mem>>)
      %dma_wait3A_188 = arith.constant 0 : i32
      %dma_wait3A_189 = tpu.memref_slice %arg11[%add3A_106, %dma_wait3A_188] : memref<5120x16xf32, #tpu.memory_space<vmem_shared>> -> memref<128x16xf32, #tpu.memory_space<vmem_shared>>
      %dma_wait3A_190 = arith.constant 0 : i32
      %dma_wait3A_191 = tpu.memref_slice %arg11[%add3A_106, %dma_wait3A_190] : memref<5120x16xf32, #tpu.memory_space<vmem_shared>> -> memref<128x16xf32, #tpu.memory_space<vmem_shared>>
      tpu.wait_dma2 semaphore(%run_scoped3A_183 : memref<!tpu.dma_semaphore, #tpu.memory_space<semaphore_mem>>) src(%arg9 : memref<128x16xf32, #tpu.memory_space<vmem>>) dst(%dma_wait3A_191 : memref<128x16xf32, #tpu.memory_space<vmem_shared>>)
      tpu.yield
    }) : () -> ()
    %add3A_107 = arith.constant 256 : i32
    %add3A_108 = arith.addi %mul3A_16, %add3A_107 : i32
    "tpu.region"() ({
      %run_scoped3A_183 = tpu.sem_alloc : memref<!tpu.dma_semaphore, #tpu.memory_space<semaphore_mem>>
      %dma_start3A_184 = arith.constant 0 : i32
      %dma_start3A_185 = arith.constant 0 : i32
      %dma_start3A_186 = tpu.memref_slice %arg9[%dma_start3A_184, %dma_start3A_185] : memref<128x16xf32, #tpu.memory_space<vmem>> -> memref<64x16xf32, #tpu.memory_space<vmem>>
      %dma_start3A_187 = arith.constant 0 : i32
      %dma_start3A_188 = tpu.memref_slice %arg11[%add3A_108, %dma_start3A_187] : memref<5120x16xf32, #tpu.memory_space<vmem_shared>> -> memref<64x16xf32, #tpu.memory_space<vmem_shared>>
      %dma_start3A_189 = arith.constant 0 : i32
      %dma_start3A_190 = tpu.memref_slice %arg11[%add3A_108, %dma_start3A_189] : memref<5120x16xf32, #tpu.memory_space<vmem_shared>> -> memref<64x16xf32, #tpu.memory_space<vmem_shared>>
      %dma_start3A_191 = arith.constant 0 : i32
      %dma_start3A_192 = arith.constant 0 : i32
      %dma_start3A_193 = tpu.memref_slice %arg9[%dma_start3A_191, %dma_start3A_192] : memref<128x16xf32, #tpu.memory_space<vmem>> -> memref<64x16xf32, #tpu.memory_space<vmem>>
      tpu.enqueue_dma source(%dma_start3A_193 : memref<64x16xf32, #tpu.memory_space<vmem>>) target(%dma_start3A_190 : memref<64x16xf32, #tpu.memory_space<vmem_shared>>) target_semaphore(%run_scoped3A_183 : memref<!tpu.dma_semaphore, #tpu.memory_space<semaphore_mem>>)
      %dma_wait3A_194 = arith.constant 0 : i32
      %dma_wait3A_195 = arith.constant 0 : i32
      %dma_wait3A_196 = tpu.memref_slice %arg9[%dma_wait3A_194, %dma_wait3A_195] : memref<128x16xf32, #tpu.memory_space<vmem>> -> memref<64x16xf32, #tpu.memory_space<vmem>>
      %dma_wait3A_197 = arith.constant 0 : i32
      %dma_wait3A_198 = tpu.memref_slice %arg11[%add3A_108, %dma_wait3A_197] : memref<5120x16xf32, #tpu.memory_space<vmem_shared>> -> memref<64x16xf32, #tpu.memory_space<vmem_shared>>
      %dma_wait3A_199 = arith.constant 0 : i32
      %dma_wait3A_200 = tpu.memref_slice %arg11[%add3A_108, %dma_wait3A_199] : memref<5120x16xf32, #tpu.memory_space<vmem_shared>> -> memref<64x16xf32, #tpu.memory_space<vmem_shared>>
      %dma_wait3A_201 = arith.constant 0 : i32
      %dma_wait3A_202 = arith.constant 0 : i32
      %dma_wait3A_203 = tpu.memref_slice %arg9[%dma_wait3A_201, %dma_wait3A_202] : memref<128x16xf32, #tpu.memory_space<vmem>> -> memref<64x16xf32, #tpu.memory_space<vmem>>
      tpu.wait_dma2 semaphore(%run_scoped3A_183 : memref<!tpu.dma_semaphore, #tpu.memory_space<semaphore_mem>>) src(%dma_wait3A_203 : memref<64x16xf32, #tpu.memory_space<vmem>>) dst(%dma_wait3A_200 : memref<64x16xf32, #tpu.memory_space<vmem_shared>>)
      tpu.yield
    }) : () -> ()
    %scan3A_109 = arith.constant 0 : i32
    %scan3A_110 = arith.constant 128 : i32
    %scan3A_111 = arith.addi %scan3A_109, %scan3A_110 : i32
    %scan3A_112 = arith.constant 1 : i32
    scf.for %scan3A_183 = %scan3A_109 to %scan3A_111 step %scan3A_112  : i32 {
      %mul3A_184 = arith.constant 1 : i32
      %mul3A_185 = arith.muli %scan3A_183, %mul3A_184 : i32
      %add3A_186 = arith.constant 0 : i32
      %add3A_187 = arith.addi %add3A_186, %mul3A_185 : i32
      %swap3A = arith.index_cast %add3A_187 : i32 to index
      %swap3A_188 = arith.constant 0 : index
      %swap3A_189 = tpu.vector_load %arg9[%swap3A, %swap3A_188] {strides = array<i32>} : memref<128x16xf32, #tpu.memory_space<vmem>>, vector<16xf32>,
      tpu.vector_store %arg9[%swap3A, %swap3A_188], %select_n3A {strides = array<i32>} : memref<128x16xf32, #tpu.memory_space<vmem>>, vector<16xf32>,
    }
    %scan3A_113 = arith.constant 128 : i32
    %scan3A_114 = arith.constant 0 : i32
    %scan3A_115 = arith.constant 128 : i32
    %scan3A_116 = arith.addi %scan3A_114, %scan3A_115 : i32
    %scan3A_117 = arith.constant 1 : i32
    scf.for %scan3A_183 = %scan3A_114 to %scan3A_116 step %scan3A_117  : i32 {
      %mul3A_184 = arith.constant 1 : i32
      %mul3A_185 = arith.muli %scan3A_183, %mul3A_184 : i32
      %add3A_186 = arith.constant 0 : i32
      %add3A_187 = arith.addi %add3A_186, %mul3A_185 : i32
      %swap3A = arith.index_cast %add3A_187 : i32 to index
      %swap3A_188 = arith.constant 0 : index
      %swap3A_189 = tpu.vector_load %arg10[%swap3A, %swap3A_188] {strides = array<i32>} : memref<128x16xf32, #tpu.memory_space<vmem>>, vector<16xf32>,
      tpu.vector_store %arg10[%swap3A, %swap3A_188], %select_n3A_12 {strides = array<i32>} : memref<128x16xf32, #tpu.memory_space<vmem>>, vector<16xf32>,
    }
    %scan3A_118 = arith.constant 128 : i32
    %dma_start3A_119 = arith.constant 0 : i32
    %dma_start3A_120 = arith.constant 0 : i32
    %dma_start3A_121 = arith.constant 0 : i32
    %dma_start3A_122 = tpu.memref_slice %arg5[%dma_start3A_120, %dma_start3A_121] : memref<2x64xi32, #tpu.memory_space<vmem>> -> memref<1x64xi32, #tpu.memory_space<vmem>>
    %dma_start3A_123 = tpu.memref_squeeze %dma_start3A_122 : memref<1x64xi32, #tpu.memory_space<vmem>> -> memref<64xi32, #tpu.memory_space<vmem>>
    %dma_start3A_124 = arith.constant 0 : i32
    %dma_start3A_125 = tpu.memref_slice %arg2[%add3A, %dma_start3A_119, %dma_start3A_124] : memref<32x80x64xi32, #tpu.memory_space<hbm>> -> memref<1x1x64xi32, #tpu.memory_space<hbm>>
    %dma_start3A_126 = tpu.memref_squeeze %dma_start3A_125 : memref<1x1x64xi32, #tpu.memory_space<hbm>> -> memref<64xi32, #tpu.memory_space<hbm>>
    %dma_start3A_127 = arith.constant 0 : i32
    %dma_start3A_128 = tpu.memref_slice %arg5[%dma_start3A_120, %dma_start3A_127] : memref<2x64xi32, #tpu.memory_space<vmem>> -> memref<1x64xi32, #tpu.memory_space<vmem>>
    %dma_start3A_129 = tpu.memref_squeeze %dma_start3A_128 : memref<1x64xi32, #tpu.memory_space<vmem>> -> memref<64xi32, #tpu.memory_space<vmem>>
    %dma_start3A_130 = arith.constant 0 : i32
    %dma_start3A_131 = tpu.memref_slice %arg2[%add3A, %dma_start3A_119, %dma_start3A_130] : memref<32x80x64xi32, #tpu.memory_space<hbm>> -> memref<1x1x64xi32, #tpu.memory_space<hbm>>
    %dma_start3A_132 = tpu.memref_squeeze %dma_start3A_131 : memref<1x1x64xi32, #tpu.memory_space<hbm>> -> memref<64xi32, #tpu.memory_space<hbm>>
    tpu.enqueue_dma source(%dma_start3A_132 : memref<64xi32, #tpu.memory_space<hbm>>) target(%dma_start3A_129 : memref<64xi32, #tpu.memory_space<vmem>>) target_semaphore(%arg12 : memref<!tpu.dma_semaphore, #tpu.memory_space<semaphore_mem>>)
    %dma_start3A_133 = arith.constant 0 : i32
    %dma_start3A_134 = arith.constant 0 : i32
    %dma_start3A_135 = arith.constant 0 : i32
    %dma_start3A_136 = tpu.memref_slice %arg6[%dma_start3A_134, %dma_start3A_135] : memref<2x64xi32, #tpu.memory_space<vmem>> -> memref<1x64xi32, #tpu.memory_space<vmem>>
    %dma_start3A_137 = tpu.memref_squeeze %dma_start3A_136 : memref<1x64xi32, #tpu.memory_space<vmem>> -> memref<64xi32, #tpu.memory_space<vmem>>
    %dma_start3A_138 = arith.constant 0 : i32
    %dma_start3A_139 = tpu.memref_slice %arg3[%add3A, %dma_start3A_133, %dma_start3A_138] : memref<32x80x64xi32, #tpu.memory_space<hbm>> -> memref<1x1x64xi32, #tpu.memory_space<hbm>>
    %dma_start3A_140 = tpu.memref_squeeze %dma_start3A_139 : memref<1x1x64xi32, #tpu.memory_space<hbm>> -> memref<64xi32, #tpu.memory_space<hbm>>
    %dma_start3A_141 = arith.constant 0 : i32
    %dma_start3A_142 = tpu.memref_slice %arg6[%dma_start3A_134, %dma_start3A_141] : memref<2x64xi32, #tpu.memory_space<vmem>> -> memref<1x64xi32, #tpu.memory_space<vmem>>
    %dma_start3A_143 = tpu.memref_squeeze %dma_start3A_142 : memref<1x64xi32, #tpu.memory_space<vmem>> -> memref<64xi32, #tpu.memory_space<vmem>>
    %dma_start3A_144 = arith.constant 0 : i32
    %dma_start3A_145 = tpu.memref_slice %arg3[%add3A, %dma_start3A_133, %dma_start3A_144] : memref<32x80x64xi32, #tpu.memory_space<hbm>> -> memref<1x1x64xi32, #tpu.memory_space<hbm>>
    %dma_start3A_146 = tpu.memref_squeeze %dma_start3A_145 : memref<1x1x64xi32, #tpu.memory_space<hbm>> -> memref<64xi32, #tpu.memory_space<hbm>>
    tpu.enqueue_dma source(%dma_start3A_146 : memref<64xi32, #tpu.memory_space<hbm>>) target(%dma_start3A_143 : memref<64xi32, #tpu.memory_space<vmem>>) target_semaphore(%arg12 : memref<!tpu.dma_semaphore, #tpu.memory_space<semaphore_mem>>)
    %barrier3A_147 = arith.constant 0 : index
    tpu.barrier barrier_id(%barrier3A_147)
    %dma_wait3A_148 = arith.constant 0 : i32
    %dma_wait3A_149 = arith.constant 0 : i32
    %dma_wait3A_150 = arith.constant 0 : i32
    %dma_wait3A_151 = tpu.memref_slice %arg5[%dma_wait3A_149, %dma_wait3A_150] : memref<2x64xi32, #tpu.memory_space<vmem>> -> memref<1x64xi32, #tpu.memory_space<vmem>>
    %dma_wait3A_152 = tpu.memref_squeeze %dma_wait3A_151 : memref<1x64xi32, #tpu.memory_space<vmem>> -> memref<64xi32, #tpu.memory_space<vmem>>
    %dma_wait3A_153 = arith.constant 0 : i32
    %dma_wait3A_154 = tpu.memref_slice %arg2[%add3A, %dma_wait3A_148, %dma_wait3A_153] : memref<32x80x64xi32, #tpu.memory_space<hbm>> -> memref<1x1x64xi32, #tpu.memory_space<hbm>>
    %dma_wait3A_155 = tpu.memref_squeeze %dma_wait3A_154 : memref<1x1x64xi32, #tpu.memory_space<hbm>> -> memref<64xi32, #tpu.memory_space<hbm>>
    %dma_wait3A_156 = arith.constant 0 : i32
    %dma_wait3A_157 = tpu.memref_slice %arg5[%dma_wait3A_149, %dma_wait3A_156] : memref<2x64xi32, #tpu.memory_space<vmem>> -> memref<1x64xi32, #tpu.memory_space<vmem>>
    %dma_wait3A_158 = tpu.memref_squeeze %dma_wait3A_157 : memref<1x64xi32, #tpu.memory_space<vmem>> -> memref<64xi32, #tpu.memory_space<vmem>>
    %dma_wait3A_159 = arith.constant 0 : i32
    %dma_wait3A_160 = tpu.memref_slice %arg2[%add3A, %dma_wait3A_148, %dma_wait3A_159] : memref<32x80x64xi32, #tpu.memory_space<hbm>> -> memref<1x1x64xi32, #tpu.memory_space<hbm>>
    %dma_wait3A_161 = tpu.memref_squeeze %dma_wait3A_160 : memref<1x1x64xi32, #tpu.memory_space<hbm>> -> memref<64xi32, #tpu.memory_space<hbm>>
    tpu.wait_dma2 semaphore(%arg12 : memref<!tpu.dma_semaphore, #tpu.memory_space<semaphore_mem>>) src(%dma_wait3A_161 : memref<64xi32, #tpu.memory_space<hbm>>) dst(%dma_wait3A_158 : memref<64xi32, #tpu.memory_space<vmem>>)
    %dma_wait3A_162 = arith.constant 0 : i32
    %dma_wait3A_163 = arith.constant 0 : i32
    %dma_wait3A_164 = arith.constant 0 : i32
    %dma_wait3A_165 = tpu.memref_slice %arg6[%dma_wait3A_163, %dma_wait3A_164] : memref<2x64xi32, #tpu.memory_space<vmem>> -> memref<1x64xi32, #tpu.memory_space<vmem>>
    %dma_wait3A_166 = tpu.memref_squeeze %dma_wait3A_165 : memref<1x64xi32, #tpu.memory_space<vmem>> -> memref<64xi32, #tpu.memory_space<vmem>>
    %dma_wait3A_167 = arith.constant 0 : i32
    %dma_wait3A_168 = tpu.memref_slice %arg3[%add3A, %dma_wait3A_162, %dma_wait3A_167] : memref<32x80x64xi32, #tpu.memory_space<hbm>> -> memref<1x1x64xi32, #tpu.memory_space<hbm>>
    %dma_wait3A_169 = tpu.memref_squeeze %dma_wait3A_168 : memref<1x1x64xi32, #tpu.memory_space<hbm>> -> memref<64xi32, #tpu.memory_space<hbm>>
    %dma_wait3A_170 = arith.constant 0 : i32
    %dma_wait3A_171 = tpu.memref_slice %arg6[%dma_wait3A_163, %dma_wait3A_170] : memref<2x64xi32, #tpu.memory_space<vmem>> -> memref<1x64xi32, #tpu.memory_space<vmem>>
    %dma_wait3A_172 = tpu.memref_squeeze %dma_wait3A_171 : memref<1x64xi32, #tpu.memory_space<vmem>> -> memref<64xi32, #tpu.memory_space<vmem>>
    %dma_wait3A_173 = arith.constant 0 : i32
    %dma_wait3A_174 = tpu.memref_slice %arg3[%add3A, %dma_wait3A_162, %dma_wait3A_173] : memref<32x80x64xi32, #tpu.memory_space<hbm>> -> memref<1x1x64xi32, #tpu.memory_space<hbm>>
    %dma_wait3A_175 = tpu.memref_squeeze %dma_wait3A_174 : memref<1x1x64xi32, #tpu.memory_space<hbm>> -> memref<64xi32, #tpu.memory_space<hbm>>
    tpu.wait_dma2 semaphore(%arg12 : memref<!tpu.dma_semaphore, #tpu.memory_space<semaphore_mem>>) src(%dma_wait3A_175 : memref<64xi32, #tpu.memory_space<hbm>>) dst(%dma_wait3A_172 : memref<64xi32, #tpu.memory_space<vmem>>)
    %scan3A_176 = arith.constant 0 : i32
    %scan3A_177 = arith.constant 40 : i32
    %scan3A_178 = arith.addi %scan3A_176, %scan3A_177 : i32
    %scan3A_179 = arith.constant 1 : i32
    scf.for %scan3A_183 = %scan3A_176 to %scan3A_178 step %scan3A_179  : i32 {
      %mul3A_184 = arith.constant 2 : i32
      %mul3A_185 = arith.muli %scan3A_183, %mul3A_184 : i32
      %add3A_186 = arith.constant 0 : i32
      %add3A_187 = arith.addi %add3A_186, %mul3A_185 : i32
      %add3A_188 = arith.constant 0 : i32
      %add3A_189 = arith.addi %add3A_187, %add3A_188 : i32
      %add3A_190 = arith.constant 1 : i32
      %add3A_191 = arith.addi %add3A_189, %add3A_190 : i32
      %lt3A_192 = arith.constant 80 : i32
      %lt3A_193 = arith.cmpi slt, %add3A_191, %lt3A_192 : i32
      %convert_element_type3A = arith.extui %lt3A_193 : i1 to i32
      %cond3A = arith.constant 0 : i32
      %cond3A_194 = arith.cmpi ne, %convert_element_type3A, %cond3A : i32
      scf.if %cond3A_194 {
        %dma_start3A_1012 = arith.constant 1 : i32
        %dma_start3A_1013 = arith.constant 0 : i32
        %dma_start3A_1014 = tpu.memref_slice %arg5[%dma_start3A_1012, %dma_start3A_1013] : memref<2x64xi32, #tpu.memory_space<vmem>> -> memref<1x64xi32, #tpu.memory_space<vmem>>
        %dma_start3A_1015 = tpu.memref_squeeze %dma_start3A_1014 : memref<1x64xi32, #tpu.memory_space<vmem>> -> memref<64xi32, #tpu.memory_space<vmem>>
        %dma_start3A_1016 = arith.constant 0 : i32
        %dma_start3A_1017 = tpu.memref_slice %arg2[%add3A, %add3A_191, %dma_start3A_1016] : memref<32x80x64xi32, #tpu.memory_space<hbm>> -> memref<1x1x64xi32, #tpu.memory_space<hbm>>
        %dma_start3A_1018 = tpu.memref_squeeze %dma_start3A_1017 : memref<1x1x64xi32, #tpu.memory_space<hbm>> -> memref<64xi32, #tpu.memory_space<hbm>>
        %dma_start3A_1019 = arith.constant 0 : i32
        %dma_start3A_1020 = tpu.memref_slice %arg5[%dma_start3A_1012, %dma_start3A_1019] : memref<2x64xi32, #tpu.memory_space<vmem>> -> memref<1x64xi32, #tpu.memory_space<vmem>>
        %dma_start3A_1021 = tpu.memref_squeeze %dma_start3A_1020 : memref<1x64xi32, #tpu.memory_space<vmem>> -> memref<64xi32, #tpu.memory_space<vmem>>
        %dma_start3A_1022 = arith.constant 0 : i32
        %dma_start3A_1023 = tpu.memref_slice %arg2[%add3A, %add3A_191, %dma_start3A_1022] : memref<32x80x64xi32, #tpu.memory_space<hbm>> -> memref<1x1x64xi32, #tpu.memory_space<hbm>>
        %dma_start3A_1024 = tpu.memref_squeeze %dma_start3A_1023 : memref<1x1x64xi32, #tpu.memory_space<hbm>> -> memref<64xi32, #tpu.memory_space<hbm>>
        tpu.enqueue_dma source(%dma_start3A_1024 : memref<64xi32, #tpu.memory_space<hbm>>) target(%dma_start3A_1021 : memref<64xi32, #tpu.memory_space<vmem>>) target_semaphore(%arg12 : memref<!tpu.dma_semaphore, #tpu.memory_space<semaphore_mem>>)
        %dma_start3A_1025 = arith.constant 1 : i32
        %dma_start3A_1026 = arith.constant 0 : i32
        %dma_start3A_1027 = tpu.memref_slice %arg6[%dma_start3A_1025, %dma_start3A_1026] : memref<2x64xi32, #tpu.memory_space<vmem>> -> memref<1x64xi32, #tpu.memory_space<vmem>>
        %dma_start3A_1028 = tpu.memref_squeeze %dma_start3A_1027 : memref<1x64xi32, #tpu.memory_space<vmem>> -> memref<64xi32, #tpu.memory_space<vmem>>
        %dma_start3A_1029 = arith.constant 0 : i32
        %dma_start3A_1030 = tpu.memref_slice %arg3[%add3A, %add3A_191, %dma_start3A_1029] : memref<32x80x64xi32, #tpu.memory_space<hbm>> -> memref<1x1x64xi32, #tpu.memory_space<hbm>>
        %dma_start3A_1031 = tpu.memref_squeeze %dma_start3A_1030 : memref<1x1x64xi32, #tpu.memory_space<hbm>> -> memref<64xi32, #tpu.memory_space<hbm>>
        %dma_start3A_1032 = arith.constant 0 : i32
        %dma_start3A_1033 = tpu.memref_slice %arg6[%dma_start3A_1025, %dma_start3A_1032] : memref<2x64xi32, #tpu.memory_space<vmem>> -> memref<1x64xi32, #tpu.memory_space<vmem>>
        %dma_start3A_1034 = tpu.memref_squeeze %dma_start3A_1033 : memref<1x64xi32, #tpu.memory_space<vmem>> -> memref<64xi32, #tpu.memory_space<vmem>>
        %dma_start3A_1035 = arith.constant 0 : i32
        %dma_start3A_1036 = tpu.memref_slice %arg3[%add3A, %add3A_191, %dma_start3A_1035] : memref<32x80x64xi32, #tpu.memory_space<hbm>> -> memref<1x1x64xi32, #tpu.memory_space<hbm>>
        %dma_start3A_1037 = tpu.memref_squeeze %dma_start3A_1036 : memref<1x1x64xi32, #tpu.memory_space<hbm>> -> memref<64xi32, #tpu.memory_space<hbm>>
        tpu.enqueue_dma source(%dma_start3A_1037 : memref<64xi32, #tpu.memory_space<hbm>>) target(%dma_start3A_1034 : memref<64xi32, #tpu.memory_space<vmem>>) target_semaphore(%arg12 : memref<!tpu.dma_semaphore, #tpu.memory_space<semaphore_mem>>)
      } else {
      }
      %get3A = arith.constant 0 : i32
      %get3A_195 = arith.constant 0 : i32
      %get3A_196 = tpu.memref_slice %arg5[%get3A, %get3A_195] : memref<2x64xi32, #tpu.memory_space<vmem>> -> memref<1x64xi32, #tpu.memory_space<vmem>>
      %get3A_197 = tpu.memref_squeeze %get3A_196 : memref<1x64xi32, #tpu.memory_space<vmem>> -> memref<64xi32, #tpu.memory_space<vmem>>
      %get3A_198 = arith.constant 0 : index
      %get3A_199 = tpu.vector_load %get3A_197[%get3A_198] {strides = array<i32>} : memref<64xi32, #tpu.memory_space<vmem>>, vector<16xi32>,
      %and3A = arith.constant 65535 : i32
      %and3A_200 = vector.broadcast %and3A : i32 to vector<16xi32>
      %and3A_201 = arith.andi %get3A_199, %and3A_200 : vector<16xi32>
      %sub3A = arith.constant 5056 : i32
      %sub3A_202 = vector.broadcast %sub3A : i32 to vector<16xi32>
      %sub3A_203 = arith.subi %and3A_201, %sub3A_202 : vector<16xi32>
      %shift_right_logical3A = arith.constant 16 : i32
      %shift_right_logical3A_204 = vector.broadcast %shift_right_logical3A : i32 to vector<16xi32>
      %shift_right_logical3A_205 = arith.shrui %get3A_199, %shift_right_logical3A_204 : vector<16xi32>
      %sub3A_206 = arith.constant 5056 : i32
      %sub3A_207 = vector.broadcast %sub3A_206 : i32 to vector<16xi32>
      %sub3A_208 = arith.subi %shift_right_logical3A_205, %sub3A_207 : vector<16xi32>
      %ge3A = arith.constant 0 : i32
      %ge3A_209 = vector.broadcast %ge3A : i32 to vector<16xi32>
      %ge3A_210 = arith.cmpi sge, %sub3A_203, %ge3A_209 : vector<16xi32>
      %lt3A_211 = arith.constant 5056 : i32
      %lt3A_212 = vector.broadcast %lt3A_211 : i32 to vector<16xi32>
      %lt3A_213 = arith.cmpi slt, %sub3A_203, %lt3A_212 : vector<16xi32>
      %and3A_214 = arith.andi %ge3A_210, %lt3A_213 : vector<16xi1>
      %jit3A_215 = arith.constant 5056 : i32
      %broadcast_in_dim3A_216 = vector.broadcast %jit3A_215 : i32 to vector<16xi32>
      %select_n3A_217 = arith.select %and3A_214, %sub3A_203, %broadcast_in_dim3A_216 : vector<16xi1>, vector<16xi32>
      %ge3A_218 = arith.constant 0 : i32
      %ge3A_219 = vector.broadcast %ge3A_218 : i32 to vector<16xi32>
      %ge3A_220 = arith.cmpi sge, %sub3A_208, %ge3A_219 : vector<16xi32>
      %lt3A_221 = arith.constant 5056 : i32
      %lt3A_222 = vector.broadcast %lt3A_221 : i32 to vector<16xi32>
      %lt3A_223 = arith.cmpi slt, %sub3A_208, %lt3A_222 : vector<16xi32>
      %and3A_224 = arith.andi %ge3A_220, %lt3A_223 : vector<16xi1>
      %jit3A_225 = arith.constant 5056 : i32
      %broadcast_in_dim3A_226 = vector.broadcast %jit3A_225 : i32 to vector<16xi32>
      %select_n3A_227 = arith.select %and3A_224, %sub3A_208, %broadcast_in_dim3A_226 : vector<16xi1>, vector<16xi32>
      %swap3A = arith.constant 0 : i32
      %swap3A_228 = arith.constant 0 : i32
      %swap3A_229 = tpu.memref_slice %arg7[%swap3A, %swap3A_228] : memref<1x128xi32, #tpu.memory_space<vmem>> -> memref<1x128xi32, #tpu.memory_space<vmem>>
      %swap3A_230 = tpu.memref_squeeze %swap3A_229 : memref<1x128xi32, #tpu.memory_space<vmem>> -> memref<128xi32, #tpu.memory_space<vmem>>
      %swap3A_231 = arith.constant 0 : index
      %swap3A_232 = tpu.vector_load %swap3A_230[%swap3A_231] {strides = array<i32>} : memref<128xi32, #tpu.memory_space<vmem>>, vector<16xi32>,
      tpu.vector_store %swap3A_230[%swap3A_231], %select_n3A_217 {strides = array<i32>} : memref<128xi32, #tpu.memory_space<vmem>>, vector<16xi32>,
      %swap3A_233 = arith.constant 0 : i32
      %swap3A_234 = arith.constant 0 : i32
      %swap3A_235 = tpu.memref_slice %arg7[%swap3A_233, %swap3A_234] : memref<1x128xi32, #tpu.memory_space<vmem>> -> memref<1x128xi32, #tpu.memory_space<vmem>>
      %swap3A_236 = tpu.memref_squeeze %swap3A_235 : memref<1x128xi32, #tpu.memory_space<vmem>> -> memref<128xi32, #tpu.memory_space<vmem>>
      %swap3A_237 = arith.constant 16 : index
      %swap3A_238 = tpu.vector_load %swap3A_236[%swap3A_237] {strides = array<i32>} : memref<128xi32, #tpu.memory_space<vmem>>, vector<16xi32>,
      tpu.vector_store %swap3A_236[%swap3A_237], %select_n3A_227 {strides = array<i32>} : memref<128xi32, #tpu.memory_space<vmem>>, vector<16xi32>,
      %get3A_239 = arith.constant 0 : i32
      %get3A_240 = arith.constant 0 : i32
      %get3A_241 = tpu.memref_slice %arg5[%get3A_239, %get3A_240] : memref<2x64xi32, #tpu.memory_space<vmem>> -> memref<1x64xi32, #tpu.memory_space<vmem>>
      %get3A_242 = tpu.memref_squeeze %get3A_241 : memref<1x64xi32, #tpu.memory_space<vmem>> -> memref<64xi32, #tpu.memory_space<vmem>>
      %get3A_243 = arith.constant 16 : index
      %get3A_244 = tpu.vector_load %get3A_242[%get3A_243] {strides = array<i32>} : memref<64xi32, #tpu.memory_space<vmem>>, vector<16xi32>,
      %and3A_245 = arith.constant 65535 : i32
      %and3A_246 = vector.broadcast %and3A_245 : i32 to vector<16xi32>
      %and3A_247 = arith.andi %get3A_244, %and3A_246 : vector<16xi32>
      %sub3A_248 = arith.constant 5056 : i32
      %sub3A_249 = vector.broadcast %sub3A_248 : i32 to vector<16xi32>
      %sub3A_250 = arith.subi %and3A_247, %sub3A_249 : vector<16xi32>
      %shift_right_logical3A_251 = arith.constant 16 : i32
      %shift_right_logical3A_252 = vector.broadcast %shift_right_logical3A_251 : i32 to vector<16xi32>
      %shift_right_logical3A_253 = arith.shrui %get3A_244, %shift_right_logical3A_252 : vector<16xi32>
      %sub3A_254 = arith.constant 5056 : i32
      %sub3A_255 = vector.broadcast %sub3A_254 : i32 to vector<16xi32>
      %sub3A_256 = arith.subi %shift_right_logical3A_253, %sub3A_255 : vector<16xi32>
      %ge3A_257 = arith.constant 0 : i32
      %ge3A_258 = vector.broadcast %ge3A_257 : i32 to vector<16xi32>
      %ge3A_259 = arith.cmpi sge, %sub3A_250, %ge3A_258 : vector<16xi32>
      %lt3A_260 = arith.constant 5056 : i32
      %lt3A_261 = vector.broadcast %lt3A_260 : i32 to vector<16xi32>
      %lt3A_262 = arith.cmpi slt, %sub3A_250, %lt3A_261 : vector<16xi32>
      %and3A_263 = arith.andi %ge3A_259, %lt3A_262 : vector<16xi1>
      %jit3A_264 = arith.constant 5056 : i32
      %broadcast_in_dim3A_265 = vector.broadcast %jit3A_264 : i32 to vector<16xi32>
      %select_n3A_266 = arith.select %and3A_263, %sub3A_250, %broadcast_in_dim3A_265 : vector<16xi1>, vector<16xi32>
      %ge3A_267 = arith.constant 0 : i32
      %ge3A_268 = vector.broadcast %ge3A_267 : i32 to vector<16xi32>
      %ge3A_269 = arith.cmpi sge, %sub3A_256, %ge3A_268 : vector<16xi32>
      %lt3A_270 = arith.constant 5056 : i32
      %lt3A_271 = vector.broadcast %lt3A_270 : i32 to vector<16xi32>
      %lt3A_272 = arith.cmpi slt, %sub3A_256, %lt3A_271 : vector<16xi32>
      %and3A_273 = arith.andi %ge3A_269, %lt3A_272 : vector<16xi1>
      %jit3A_274 = arith.constant 5056 : i32
      %broadcast_in_dim3A_275 = vector.broadcast %jit3A_274 : i32 to vector<16xi32>
      %select_n3A_276 = arith.select %and3A_273, %sub3A_256, %broadcast_in_dim3A_275 : vector<16xi1>, vector<16xi32>
      %swap3A_277 = arith.constant 0 : i32
      %swap3A_278 = arith.constant 0 : i32
      %swap3A_279 = tpu.memref_slice %arg7[%swap3A_277, %swap3A_278] : memref<1x128xi32, #tpu.memory_space<vmem>> -> memref<1x128xi32, #tpu.memory_space<vmem>>
      %swap3A_280 = tpu.memref_squeeze %swap3A_279 : memref<1x128xi32, #tpu.memory_space<vmem>> -> memref<128xi32, #tpu.memory_space<vmem>>
      %swap3A_281 = arith.constant 32 : index
      %swap3A_282 = tpu.vector_load %swap3A_280[%swap3A_281] {strides = array<i32>} : memref<128xi32, #tpu.memory_space<vmem>>, vector<16xi32>,
      tpu.vector_store %swap3A_280[%swap3A_281], %select_n3A_266 {strides = array<i32>} : memref<128xi32, #tpu.memory_space<vmem>>, vector<16xi32>,
      %swap3A_283 = arith.constant 0 : i32
      %swap3A_284 = arith.constant 0 : i32
      %swap3A_285 = tpu.memref_slice %arg7[%swap3A_283, %swap3A_284] : memref<1x128xi32, #tpu.memory_space<vmem>> -> memref<1x128xi32, #tpu.memory_space<vmem>>
      %swap3A_286 = tpu.memref_squeeze %swap3A_285 : memref<1x128xi32, #tpu.memory_space<vmem>> -> memref<128xi32, #tpu.memory_space<vmem>>
      %swap3A_287 = arith.constant 48 : index
      %swap3A_288 = tpu.vector_load %swap3A_286[%swap3A_287] {strides = array<i32>} : memref<128xi32, #tpu.memory_space<vmem>>, vector<16xi32>,
      tpu.vector_store %swap3A_286[%swap3A_287], %select_n3A_276 {strides = array<i32>} : memref<128xi32, #tpu.memory_space<vmem>>, vector<16xi32>,
      %get3A_289 = arith.constant 0 : i32
      %get3A_290 = arith.constant 0 : i32
      %get3A_291 = tpu.memref_slice %arg5[%get3A_289, %get3A_290] : memref<2x64xi32, #tpu.memory_space<vmem>> -> memref<1x64xi32, #tpu.memory_space<vmem>>
      %get3A_292 = tpu.memref_squeeze %get3A_291 : memref<1x64xi32, #tpu.memory_space<vmem>> -> memref<64xi32, #tpu.memory_space<vmem>>
      %get3A_293 = arith.constant 32 : index
      %get3A_294 = tpu.vector_load %get3A_292[%get3A_293] {strides = array<i32>} : memref<64xi32, #tpu.memory_space<vmem>>, vector<16xi32>,
      %and3A_295 = arith.constant 65535 : i32
      %and3A_296 = vector.broadcast %and3A_295 : i32 to vector<16xi32>
      %and3A_297 = arith.andi %get3A_294, %and3A_296 : vector<16xi32>
      %sub3A_298 = arith.constant 5056 : i32
      %sub3A_299 = vector.broadcast %sub3A_298 : i32 to vector<16xi32>
      %sub3A_300 = arith.subi %and3A_297, %sub3A_299 : vector<16xi32>
      %shift_right_logical3A_301 = arith.constant 16 : i32
      %shift_right_logical3A_302 = vector.broadcast %shift_right_logical3A_301 : i32 to vector<16xi32>
      %shift_right_logical3A_303 = arith.shrui %get3A_294, %shift_right_logical3A_302 : vector<16xi32>
      %sub3A_304 = arith.constant 5056 : i32
      %sub3A_305 = vector.broadcast %sub3A_304 : i32 to vector<16xi32>
      %sub3A_306 = arith.subi %shift_right_logical3A_303, %sub3A_305 : vector<16xi32>
      %ge3A_307 = arith.constant 0 : i32
      %ge3A_308 = vector.broadcast %ge3A_307 : i32 to vector<16xi32>
      %ge3A_309 = arith.cmpi sge, %sub3A_300, %ge3A_308 : vector<16xi32>
      %lt3A_310 = arith.constant 5056 : i32
      %lt3A_311 = vector.broadcast %lt3A_310 : i32 to vector<16xi32>
      %lt3A_312 = arith.cmpi slt, %sub3A_300, %lt3A_311 : vector<16xi32>
      %and3A_313 = arith.andi %ge3A_309, %lt3A_312 : vector<16xi1>
      %jit3A_314 = arith.constant 5056 : i32
      %broadcast_in_dim3A_315 = vector.broadcast %jit3A_314 : i32 to vector<16xi32>
      %select_n3A_316 = arith.select %and3A_313, %sub3A_300, %broadcast_in_dim3A_315 : vector<16xi1>, vector<16xi32>
      %ge3A_317 = arith.constant 0 : i32
      %ge3A_318 = vector.broadcast %ge3A_317 : i32 to vector<16xi32>
      %ge3A_319 = arith.cmpi sge, %sub3A_306, %ge3A_318 : vector<16xi32>
      %lt3A_320 = arith.constant 5056 : i32
      %lt3A_321 = vector.broadcast %lt3A_320 : i32 to vector<16xi32>
      %lt3A_322 = arith.cmpi slt, %sub3A_306, %lt3A_321 : vector<16xi32>
      %and3A_323 = arith.andi %ge3A_319, %lt3A_322 : vector<16xi1>
      %jit3A_324 = arith.constant 5056 : i32
      %broadcast_in_dim3A_325 = vector.broadcast %jit3A_324 : i32 to vector<16xi32>
      %select_n3A_326 = arith.select %and3A_323, %sub3A_306, %broadcast_in_dim3A_325 : vector<16xi1>, vector<16xi32>
      %swap3A_327 = arith.constant 0 : i32
      %swap3A_328 = arith.constant 0 : i32
      %swap3A_329 = tpu.memref_slice %arg7[%swap3A_327, %swap3A_328] : memref<1x128xi32, #tpu.memory_space<vmem>> -> memref<1x128xi32, #tpu.memory_space<vmem>>
      %swap3A_330 = tpu.memref_squeeze %swap3A_329 : memref<1x128xi32, #tpu.memory_space<vmem>> -> memref<128xi32, #tpu.memory_space<vmem>>
      %swap3A_331 = arith.constant 64 : index
      %swap3A_332 = tpu.vector_load %swap3A_330[%swap3A_331] {strides = array<i32>} : memref<128xi32, #tpu.memory_space<vmem>>, vector<16xi32>,
      tpu.vector_store %swap3A_330[%swap3A_331], %select_n3A_316 {strides = array<i32>} : memref<128xi32, #tpu.memory_space<vmem>>, vector<16xi32>,
      %swap3A_333 = arith.constant 0 : i32
      %swap3A_334 = arith.constant 0 : i32
      %swap3A_335 = tpu.memref_slice %arg7[%swap3A_333, %swap3A_334] : memref<1x128xi32, #tpu.memory_space<vmem>> -> memref<1x128xi32, #tpu.memory_space<vmem>>
      %swap3A_336 = tpu.memref_squeeze %swap3A_335 : memref<1x128xi32, #tpu.memory_space<vmem>> -> memref<128xi32, #tpu.memory_space<vmem>>
      %swap3A_337 = arith.constant 80 : index
      %swap3A_338 = tpu.vector_load %swap3A_336[%swap3A_337] {strides = array<i32>} : memref<128xi32, #tpu.memory_space<vmem>>, vector<16xi32>,
      tpu.vector_store %swap3A_336[%swap3A_337], %select_n3A_326 {strides = array<i32>} : memref<128xi32, #tpu.memory_space<vmem>>, vector<16xi32>,
      %get3A_339 = arith.constant 0 : i32
      %get3A_340 = arith.constant 0 : i32
      %get3A_341 = tpu.memref_slice %arg5[%get3A_339, %get3A_340] : memref<2x64xi32, #tpu.memory_space<vmem>> -> memref<1x64xi32, #tpu.memory_space<vmem>>
      %get3A_342 = tpu.memref_squeeze %get3A_341 : memref<1x64xi32, #tpu.memory_space<vmem>> -> memref<64xi32, #tpu.memory_space<vmem>>
      %get3A_343 = arith.constant 48 : index
      %get3A_344 = tpu.vector_load %get3A_342[%get3A_343] {strides = array<i32>} : memref<64xi32, #tpu.memory_space<vmem>>, vector<16xi32>,
      %and3A_345 = arith.constant 65535 : i32
      %and3A_346 = vector.broadcast %and3A_345 : i32 to vector<16xi32>
      %and3A_347 = arith.andi %get3A_344, %and3A_346 : vector<16xi32>
      %sub3A_348 = arith.constant 5056 : i32
      %sub3A_349 = vector.broadcast %sub3A_348 : i32 to vector<16xi32>
      %sub3A_350 = arith.subi %and3A_347, %sub3A_349 : vector<16xi32>
      %shift_right_logical3A_351 = arith.constant 16 : i32
      %shift_right_logical3A_352 = vector.broadcast %shift_right_logical3A_351 : i32 to vector<16xi32>
      %shift_right_logical3A_353 = arith.shrui %get3A_344, %shift_right_logical3A_352 : vector<16xi32>
      %sub3A_354 = arith.constant 5056 : i32
      %sub3A_355 = vector.broadcast %sub3A_354 : i32 to vector<16xi32>
      %sub3A_356 = arith.subi %shift_right_logical3A_353, %sub3A_355 : vector<16xi32>
      %ge3A_357 = arith.constant 0 : i32
      %ge3A_358 = vector.broadcast %ge3A_357 : i32 to vector<16xi32>
      %ge3A_359 = arith.cmpi sge, %sub3A_350, %ge3A_358 : vector<16xi32>
      %lt3A_360 = arith.constant 5056 : i32
      %lt3A_361 = vector.broadcast %lt3A_360 : i32 to vector<16xi32>
      %lt3A_362 = arith.cmpi slt, %sub3A_350, %lt3A_361 : vector<16xi32>
      %and3A_363 = arith.andi %ge3A_359, %lt3A_362 : vector<16xi1>
      %jit3A_364 = arith.constant 5056 : i32
      %broadcast_in_dim3A_365 = vector.broadcast %jit3A_364 : i32 to vector<16xi32>
      %select_n3A_366 = arith.select %and3A_363, %sub3A_350, %broadcast_in_dim3A_365 : vector<16xi1>, vector<16xi32>
      %ge3A_367 = arith.constant 0 : i32
      %ge3A_368 = vector.broadcast %ge3A_367 : i32 to vector<16xi32>
      %ge3A_369 = arith.cmpi sge, %sub3A_356, %ge3A_368 : vector<16xi32>
      %lt3A_370 = arith.constant 5056 : i32
      %lt3A_371 = vector.broadcast %lt3A_370 : i32 to vector<16xi32>
      %lt3A_372 = arith.cmpi slt, %sub3A_356, %lt3A_371 : vector<16xi32>
      %and3A_373 = arith.andi %ge3A_369, %lt3A_372 : vector<16xi1>
      %jit3A_374 = arith.constant 5056 : i32
      %broadcast_in_dim3A_375 = vector.broadcast %jit3A_374 : i32 to vector<16xi32>
      %select_n3A_376 = arith.select %and3A_373, %sub3A_356, %broadcast_in_dim3A_375 : vector<16xi1>, vector<16xi32>
      %swap3A_377 = arith.constant 0 : i32
      %swap3A_378 = arith.constant 0 : i32
      %swap3A_379 = tpu.memref_slice %arg7[%swap3A_377, %swap3A_378] : memref<1x128xi32, #tpu.memory_space<vmem>> -> memref<1x128xi32, #tpu.memory_space<vmem>>
      %swap3A_380 = tpu.memref_squeeze %swap3A_379 : memref<1x128xi32, #tpu.memory_space<vmem>> -> memref<128xi32, #tpu.memory_space<vmem>>
      %swap3A_381 = arith.constant 96 : index
      %swap3A_382 = tpu.vector_load %swap3A_380[%swap3A_381] {strides = array<i32>} : memref<128xi32, #tpu.memory_space<vmem>>, vector<16xi32>,
      tpu.vector_store %swap3A_380[%swap3A_381], %select_n3A_366 {strides = array<i32>} : memref<128xi32, #tpu.memory_space<vmem>>, vector<16xi32>,
      %swap3A_383 = arith.constant 0 : i32
      %swap3A_384 = arith.constant 0 : i32
      %swap3A_385 = tpu.memref_slice %arg7[%swap3A_383, %swap3A_384] : memref<1x128xi32, #tpu.memory_space<vmem>> -> memref<1x128xi32, #tpu.memory_space<vmem>>
      %swap3A_386 = tpu.memref_squeeze %swap3A_385 : memref<1x128xi32, #tpu.memory_space<vmem>> -> memref<128xi32, #tpu.memory_space<vmem>>
      %swap3A_387 = arith.constant 112 : index
      %swap3A_388 = tpu.vector_load %swap3A_386[%swap3A_387] {strides = array<i32>} : memref<128xi32, #tpu.memory_space<vmem>>, vector<16xi32>,
      tpu.vector_store %swap3A_386[%swap3A_387], %select_n3A_376 {strides = array<i32>} : memref<128xi32, #tpu.memory_space<vmem>>, vector<16xi32>,
      %get3A_389 = arith.constant 0 : i32
      %get3A_390 = arith.constant 0 : i32
      %get3A_391 = tpu.memref_slice %arg6[%get3A_389, %get3A_390] : memref<2x64xi32, #tpu.memory_space<vmem>> -> memref<1x64xi32, #tpu.memory_space<vmem>>
      %get3A_392 = tpu.memref_squeeze %get3A_391 : memref<1x64xi32, #tpu.memory_space<vmem>> -> memref<64xi32, #tpu.memory_space<vmem>>
      %get3A_393 = arith.constant 0 : index
      %get3A_394 = tpu.vector_load %get3A_392[%get3A_393] {strides = array<i32>} : memref<64xi32, #tpu.memory_space<vmem>>, vector<16xi32>,
      %and3A_395 = arith.constant 65535 : i32
      %and3A_396 = vector.broadcast %and3A_395 : i32 to vector<16xi32>
      %and3A_397 = arith.andi %get3A_394, %and3A_396 : vector<16xi32>
      %sub3A_398 = arith.constant 5056 : i32
      %sub3A_399 = vector.broadcast %sub3A_398 : i32 to vector<16xi32>
      %sub3A_400 = arith.subi %and3A_397, %sub3A_399 : vector<16xi32>
      %shift_right_logical3A_401 = arith.constant 16 : i32
      %shift_right_logical3A_402 = vector.broadcast %shift_right_logical3A_401 : i32 to vector<16xi32>
      %shift_right_logical3A_403 = arith.shrui %get3A_394, %shift_right_logical3A_402 : vector<16xi32>
      %sub3A_404 = arith.constant 5056 : i32
      %sub3A_405 = vector.broadcast %sub3A_404 : i32 to vector<16xi32>
      %sub3A_406 = arith.subi %shift_right_logical3A_403, %sub3A_405 : vector<16xi32>
      %ge3A_407 = arith.constant 0 : i32
      %ge3A_408 = vector.broadcast %ge3A_407 : i32 to vector<16xi32>
      %ge3A_409 = arith.cmpi sge, %sub3A_400, %ge3A_408 : vector<16xi32>
      %lt3A_410 = arith.constant 5056 : i32
      %lt3A_411 = vector.broadcast %lt3A_410 : i32 to vector<16xi32>
      %lt3A_412 = arith.cmpi slt, %sub3A_400, %lt3A_411 : vector<16xi32>
      %and3A_413 = arith.andi %ge3A_409, %lt3A_412 : vector<16xi1>
      %jit3A_414 = arith.constant 5056 : i32
      %broadcast_in_dim3A_415 = vector.broadcast %jit3A_414 : i32 to vector<16xi32>
      %select_n3A_416 = arith.select %and3A_413, %sub3A_400, %broadcast_in_dim3A_415 : vector<16xi1>, vector<16xi32>
      %ge3A_417 = arith.constant 0 : i32
      %ge3A_418 = vector.broadcast %ge3A_417 : i32 to vector<16xi32>
      %ge3A_419 = arith.cmpi sge, %sub3A_406, %ge3A_418 : vector<16xi32>
      %lt3A_420 = arith.constant 5056 : i32
      %lt3A_421 = vector.broadcast %lt3A_420 : i32 to vector<16xi32>
      %lt3A_422 = arith.cmpi slt, %sub3A_406, %lt3A_421 : vector<16xi32>
      %and3A_423 = arith.andi %ge3A_419, %lt3A_422 : vector<16xi1>
      %jit3A_424 = arith.constant 5056 : i32
      %broadcast_in_dim3A_425 = vector.broadcast %jit3A_424 : i32 to vector<16xi32>
      %select_n3A_426 = arith.select %and3A_423, %sub3A_406, %broadcast_in_dim3A_425 : vector<16xi1>, vector<16xi32>
      %swap3A_427 = arith.constant 0 : i32
      %swap3A_428 = arith.constant 0 : i32
      %swap3A_429 = tpu.memref_slice %arg8[%swap3A_427, %swap3A_428] : memref<1x128xi32, #tpu.memory_space<vmem>> -> memref<1x128xi32, #tpu.memory_space<vmem>>
      %swap3A_430 = tpu.memref_squeeze %swap3A_429 : memref<1x128xi32, #tpu.memory_space<vmem>> -> memref<128xi32, #tpu.memory_space<vmem>>
      %swap3A_431 = arith.constant 0 : index
      %swap3A_432 = tpu.vector_load %swap3A_430[%swap3A_431] {strides = array<i32>} : memref<128xi32, #tpu.memory_space<vmem>>, vector<16xi32>,
      tpu.vector_store %swap3A_430[%swap3A_431], %select_n3A_416 {strides = array<i32>} : memref<128xi32, #tpu.memory_space<vmem>>, vector<16xi32>,
      %swap3A_433 = arith.constant 0 : i32
      %swap3A_434 = arith.constant 0 : i32
      %swap3A_435 = tpu.memref_slice %arg8[%swap3A_433, %swap3A_434] : memref<1x128xi32, #tpu.memory_space<vmem>> -> memref<1x128xi32, #tpu.memory_space<vmem>>
      %swap3A_436 = tpu.memref_squeeze %swap3A_435 : memref<1x128xi32, #tpu.memory_space<vmem>> -> memref<128xi32, #tpu.memory_space<vmem>>
      %swap3A_437 = arith.constant 16 : index
      %swap3A_438 = tpu.vector_load %swap3A_436[%swap3A_437] {strides = array<i32>} : memref<128xi32, #tpu.memory_space<vmem>>, vector<16xi32>,
      tpu.vector_store %swap3A_436[%swap3A_437], %select_n3A_426 {strides = array<i32>} : memref<128xi32, #tpu.memory_space<vmem>>, vector<16xi32>,
      %get3A_439 = arith.constant 0 : i32
      %get3A_440 = arith.constant 0 : i32
      %get3A_441 = tpu.memref_slice %arg6[%get3A_439, %get3A_440] : memref<2x64xi32, #tpu.memory_space<vmem>> -> memref<1x64xi32, #tpu.memory_space<vmem>>
      %get3A_442 = tpu.memref_squeeze %get3A_441 : memref<1x64xi32, #tpu.memory_space<vmem>> -> memref<64xi32, #tpu.memory_space<vmem>>
      %get3A_443 = arith.constant 16 : index
      %get3A_444 = tpu.vector_load %get3A_442[%get3A_443] {strides = array<i32>} : memref<64xi32, #tpu.memory_space<vmem>>, vector<16xi32>,
      %and3A_445 = arith.constant 65535 : i32
      %and3A_446 = vector.broadcast %and3A_445 : i32 to vector<16xi32>
      %and3A_447 = arith.andi %get3A_444, %and3A_446 : vector<16xi32>
      %sub3A_448 = arith.constant 5056 : i32
      %sub3A_449 = vector.broadcast %sub3A_448 : i32 to vector<16xi32>
      %sub3A_450 = arith.subi %and3A_447, %sub3A_449 : vector<16xi32>
      %shift_right_logical3A_451 = arith.constant 16 : i32
      %shift_right_logical3A_452 = vector.broadcast %shift_right_logical3A_451 : i32 to vector<16xi32>
      %shift_right_logical3A_453 = arith.shrui %get3A_444, %shift_right_logical3A_452 : vector<16xi32>
      %sub3A_454 = arith.constant 5056 : i32
      %sub3A_455 = vector.broadcast %sub3A_454 : i32 to vector<16xi32>
      %sub3A_456 = arith.subi %shift_right_logical3A_453, %sub3A_455 : vector<16xi32>
      %ge3A_457 = arith.constant 0 : i32
      %ge3A_458 = vector.broadcast %ge3A_457 : i32 to vector<16xi32>
      %ge3A_459 = arith.cmpi sge, %sub3A_450, %ge3A_458 : vector<16xi32>
      %lt3A_460 = arith.constant 5056 : i32
      %lt3A_461 = vector.broadcast %lt3A_460 : i32 to vector<16xi32>
      %lt3A_462 = arith.cmpi slt, %sub3A_450, %lt3A_461 : vector<16xi32>
      %and3A_463 = arith.andi %ge3A_459, %lt3A_462 : vector<16xi1>
      %jit3A_464 = arith.constant 5056 : i32
      %broadcast_in_dim3A_465 = vector.broadcast %jit3A_464 : i32 to vector<16xi32>
      %select_n3A_466 = arith.select %and3A_463, %sub3A_450, %broadcast_in_dim3A_465 : vector<16xi1>, vector<16xi32>
      %ge3A_467 = arith.constant 0 : i32
      %ge3A_468 = vector.broadcast %ge3A_467 : i32 to vector<16xi32>
      %ge3A_469 = arith.cmpi sge, %sub3A_456, %ge3A_468 : vector<16xi32>
      %lt3A_470 = arith.constant 5056 : i32
      %lt3A_471 = vector.broadcast %lt3A_470 : i32 to vector<16xi32>
      %lt3A_472 = arith.cmpi slt, %sub3A_456, %lt3A_471 : vector<16xi32>
      %and3A_473 = arith.andi %ge3A_469, %lt3A_472 : vector<16xi1>
      %jit3A_474 = arith.constant 5056 : i32
      %broadcast_in_dim3A_475 = vector.broadcast %jit3A_474 : i32 to vector<16xi32>
      %select_n3A_476 = arith.select %and3A_473, %sub3A_456, %broadcast_in_dim3A_475 : vector<16xi1>, vector<16xi32>
      %swap3A_477 = arith.constant 0 : i32
      %swap3A_478 = arith.constant 0 : i32
      %swap3A_479 = tpu.memref_slice %arg8[%swap3A_477, %swap3A_478] : memref<1x128xi32, #tpu.memory_space<vmem>> -> memref<1x128xi32, #tpu.memory_space<vmem>>
      %swap3A_480 = tpu.memref_squeeze %swap3A_479 : memref<1x128xi32, #tpu.memory_space<vmem>> -> memref<128xi32, #tpu.memory_space<vmem>>
      %swap3A_481 = arith.constant 32 : index
      %swap3A_482 = tpu.vector_load %swap3A_480[%swap3A_481] {strides = array<i32>} : memref<128xi32, #tpu.memory_space<vmem>>, vector<16xi32>,
      tpu.vector_store %swap3A_480[%swap3A_481], %select_n3A_466 {strides = array<i32>} : memref<128xi32, #tpu.memory_space<vmem>>, vector<16xi32>,
      %swap3A_483 = arith.constant 0 : i32
      %swap3A_484 = arith.constant 0 : i32
      %swap3A_485 = tpu.memref_slice %arg8[%swap3A_483, %swap3A_484] : memref<1x128xi32, #tpu.memory_space<vmem>> -> memref<1x128xi32, #tpu.memory_space<vmem>>
      %swap3A_486 = tpu.memref_squeeze %swap3A_485 : memref<1x128xi32, #tpu.memory_space<vmem>> -> memref<128xi32, #tpu.memory_space<vmem>>
      %swap3A_487 = arith.constant 48 : index
      %swap3A_488 = tpu.vector_load %swap3A_486[%swap3A_487] {strides = array<i32>} : memref<128xi32, #tpu.memory_space<vmem>>, vector<16xi32>,
      tpu.vector_store %swap3A_486[%swap3A_487], %select_n3A_476 {strides = array<i32>} : memref<128xi32, #tpu.memory_space<vmem>>, vector<16xi32>,
      %get3A_489 = arith.constant 0 : i32
      %get3A_490 = arith.constant 0 : i32
      %get3A_491 = tpu.memref_slice %arg6[%get3A_489, %get3A_490] : memref<2x64xi32, #tpu.memory_space<vmem>> -> memref<1x64xi32, #tpu.memory_space<vmem>>
      %get3A_492 = tpu.memref_squeeze %get3A_491 : memref<1x64xi32, #tpu.memory_space<vmem>> -> memref<64xi32, #tpu.memory_space<vmem>>
      %get3A_493 = arith.constant 32 : index
      %get3A_494 = tpu.vector_load %get3A_492[%get3A_493] {strides = array<i32>} : memref<64xi32, #tpu.memory_space<vmem>>, vector<16xi32>,
      %and3A_495 = arith.constant 65535 : i32
      %and3A_496 = vector.broadcast %and3A_495 : i32 to vector<16xi32>
      %and3A_497 = arith.andi %get3A_494, %and3A_496 : vector<16xi32>
      %sub3A_498 = arith.constant 5056 : i32
      %sub3A_499 = vector.broadcast %sub3A_498 : i32 to vector<16xi32>
      %sub3A_500 = arith.subi %and3A_497, %sub3A_499 : vector<16xi32>
      %shift_right_logical3A_501 = arith.constant 16 : i32
      %shift_right_logical3A_502 = vector.broadcast %shift_right_logical3A_501 : i32 to vector<16xi32>
      %shift_right_logical3A_503 = arith.shrui %get3A_494, %shift_right_logical3A_502 : vector<16xi32>
      %sub3A_504 = arith.constant 5056 : i32
      %sub3A_505 = vector.broadcast %sub3A_504 : i32 to vector<16xi32>
      %sub3A_506 = arith.subi %shift_right_logical3A_503, %sub3A_505 : vector<16xi32>
      %ge3A_507 = arith.constant 0 : i32
      %ge3A_508 = vector.broadcast %ge3A_507 : i32 to vector<16xi32>
      %ge3A_509 = arith.cmpi sge, %sub3A_500, %ge3A_508 : vector<16xi32>
      %lt3A_510 = arith.constant 5056 : i32
      %lt3A_511 = vector.broadcast %lt3A_510 : i32 to vector<16xi32>
      %lt3A_512 = arith.cmpi slt, %sub3A_500, %lt3A_511 : vector<16xi32>
      %and3A_513 = arith.andi %ge3A_509, %lt3A_512 : vector<16xi1>
      %jit3A_514 = arith.constant 5056 : i32
      %broadcast_in_dim3A_515 = vector.broadcast %jit3A_514 : i32 to vector<16xi32>
      %select_n3A_516 = arith.select %and3A_513, %sub3A_500, %broadcast_in_dim3A_515 : vector<16xi1>, vector<16xi32>
      %ge3A_517 = arith.constant 0 : i32
      %ge3A_518 = vector.broadcast %ge3A_517 : i32 to vector<16xi32>
      %ge3A_519 = arith.cmpi sge, %sub3A_506, %ge3A_518 : vector<16xi32>
      %lt3A_520 = arith.constant 5056 : i32
      %lt3A_521 = vector.broadcast %lt3A_520 : i32 to vector<16xi32>
      %lt3A_522 = arith.cmpi slt, %sub3A_506, %lt3A_521 : vector<16xi32>
      %and3A_523 = arith.andi %ge3A_519, %lt3A_522 : vector<16xi1>
      %jit3A_524 = arith.constant 5056 : i32
      %broadcast_in_dim3A_525 = vector.broadcast %jit3A_524 : i32 to vector<16xi32>
      %select_n3A_526 = arith.select %and3A_523, %sub3A_506, %broadcast_in_dim3A_525 : vector<16xi1>, vector<16xi32>
      %swap3A_527 = arith.constant 0 : i32
      %swap3A_528 = arith.constant 0 : i32
      %swap3A_529 = tpu.memref_slice %arg8[%swap3A_527, %swap3A_528] : memref<1x128xi32, #tpu.memory_space<vmem>> -> memref<1x128xi32, #tpu.memory_space<vmem>>
      %swap3A_530 = tpu.memref_squeeze %swap3A_529 : memref<1x128xi32, #tpu.memory_space<vmem>> -> memref<128xi32, #tpu.memory_space<vmem>>
      %swap3A_531 = arith.constant 64 : index
      %swap3A_532 = tpu.vector_load %swap3A_530[%swap3A_531] {strides = array<i32>} : memref<128xi32, #tpu.memory_space<vmem>>, vector<16xi32>,
      tpu.vector_store %swap3A_530[%swap3A_531], %select_n3A_516 {strides = array<i32>} : memref<128xi32, #tpu.memory_space<vmem>>, vector<16xi32>,
      %swap3A_533 = arith.constant 0 : i32
      %swap3A_534 = arith.constant 0 : i32
      %swap3A_535 = tpu.memref_slice %arg8[%swap3A_533, %swap3A_534] : memref<1x128xi32, #tpu.memory_space<vmem>> -> memref<1x128xi32, #tpu.memory_space<vmem>>
      %swap3A_536 = tpu.memref_squeeze %swap3A_535 : memref<1x128xi32, #tpu.memory_space<vmem>> -> memref<128xi32, #tpu.memory_space<vmem>>
      %swap3A_537 = arith.constant 80 : index
      %swap3A_538 = tpu.vector_load %swap3A_536[%swap3A_537] {strides = array<i32>} : memref<128xi32, #tpu.memory_space<vmem>>, vector<16xi32>,
      tpu.vector_store %swap3A_536[%swap3A_537], %select_n3A_526 {strides = array<i32>} : memref<128xi32, #tpu.memory_space<vmem>>, vector<16xi32>,
      %get3A_539 = arith.constant 0 : i32
      %get3A_540 = arith.constant 0 : i32
      %get3A_541 = tpu.memref_slice %arg6[%get3A_539, %get3A_540] : memref<2x64xi32, #tpu.memory_space<vmem>> -> memref<1x64xi32, #tpu.memory_space<vmem>>
      %get3A_542 = tpu.memref_squeeze %get3A_541 : memref<1x64xi32, #tpu.memory_space<vmem>> -> memref<64xi32, #tpu.memory_space<vmem>>
      %get3A_543 = arith.constant 48 : index
      %get3A_544 = tpu.vector_load %get3A_542[%get3A_543] {strides = array<i32>} : memref<64xi32, #tpu.memory_space<vmem>>, vector<16xi32>,
      %and3A_545 = arith.constant 65535 : i32
      %and3A_546 = vector.broadcast %and3A_545 : i32 to vector<16xi32>
      %and3A_547 = arith.andi %get3A_544, %and3A_546 : vector<16xi32>
      %sub3A_548 = arith.constant 5056 : i32
      %sub3A_549 = vector.broadcast %sub3A_548 : i32 to vector<16xi32>
      %sub3A_550 = arith.subi %and3A_547, %sub3A_549 : vector<16xi32>
      %shift_right_logical3A_551 = arith.constant 16 : i32
      %shift_right_logical3A_552 = vector.broadcast %shift_right_logical3A_551 : i32 to vector<16xi32>
      %shift_right_logical3A_553 = arith.shrui %get3A_544, %shift_right_logical3A_552 : vector<16xi32>
      %sub3A_554 = arith.constant 5056 : i32
      %sub3A_555 = vector.broadcast %sub3A_554 : i32 to vector<16xi32>
      %sub3A_556 = arith.subi %shift_right_logical3A_553, %sub3A_555 : vector<16xi32>
      %ge3A_557 = arith.constant 0 : i32
      %ge3A_558 = vector.broadcast %ge3A_557 : i32 to vector<16xi32>
      %ge3A_559 = arith.cmpi sge, %sub3A_550, %ge3A_558 : vector<16xi32>
      %lt3A_560 = arith.constant 5056 : i32
      %lt3A_561 = vector.broadcast %lt3A_560 : i32 to vector<16xi32>
      %lt3A_562 = arith.cmpi slt, %sub3A_550, %lt3A_561 : vector<16xi32>
      %and3A_563 = arith.andi %ge3A_559, %lt3A_562 : vector<16xi1>
      %jit3A_564 = arith.constant 5056 : i32
      %broadcast_in_dim3A_565 = vector.broadcast %jit3A_564 : i32 to vector<16xi32>
      %select_n3A_566 = arith.select %and3A_563, %sub3A_550, %broadcast_in_dim3A_565 : vector<16xi1>, vector<16xi32>
      %ge3A_567 = arith.constant 0 : i32
      %ge3A_568 = vector.broadcast %ge3A_567 : i32 to vector<16xi32>
      %ge3A_569 = arith.cmpi sge, %sub3A_556, %ge3A_568 : vector<16xi32>
      %lt3A_570 = arith.constant 5056 : i32
      %lt3A_571 = vector.broadcast %lt3A_570 : i32 to vector<16xi32>
      %lt3A_572 = arith.cmpi slt, %sub3A_556, %lt3A_571 : vector<16xi32>
      %and3A_573 = arith.andi %ge3A_569, %lt3A_572 : vector<16xi1>
      %jit3A_574 = arith.constant 5056 : i32
      %broadcast_in_dim3A_575 = vector.broadcast %jit3A_574 : i32 to vector<16xi32>
      %select_n3A_576 = arith.select %and3A_573, %sub3A_556, %broadcast_in_dim3A_575 : vector<16xi1>, vector<16xi32>
      %swap3A_577 = arith.constant 0 : i32
      %swap3A_578 = arith.constant 0 : i32
      %swap3A_579 = tpu.memref_slice %arg8[%swap3A_577, %swap3A_578] : memref<1x128xi32, #tpu.memory_space<vmem>> -> memref<1x128xi32, #tpu.memory_space<vmem>>
      %swap3A_580 = tpu.memref_squeeze %swap3A_579 : memref<1x128xi32, #tpu.memory_space<vmem>> -> memref<128xi32, #tpu.memory_space<vmem>>
      %swap3A_581 = arith.constant 96 : index
      %swap3A_582 = tpu.vector_load %swap3A_580[%swap3A_581] {strides = array<i32>} : memref<128xi32, #tpu.memory_space<vmem>>, vector<16xi32>,
      tpu.vector_store %swap3A_580[%swap3A_581], %select_n3A_566 {strides = array<i32>} : memref<128xi32, #tpu.memory_space<vmem>>, vector<16xi32>,
      %swap3A_583 = arith.constant 0 : i32
      %swap3A_584 = arith.constant 0 : i32
      %swap3A_585 = tpu.memref_slice %arg8[%swap3A_583, %swap3A_584] : memref<1x128xi32, #tpu.memory_space<vmem>> -> memref<1x128xi32, #tpu.memory_space<vmem>>
      %swap3A_586 = tpu.memref_squeeze %swap3A_585 : memref<1x128xi32, #tpu.memory_space<vmem>> -> memref<128xi32, #tpu.memory_space<vmem>>
      %swap3A_587 = arith.constant 112 : index
      %swap3A_588 = tpu.vector_load %swap3A_586[%swap3A_587] {strides = array<i32>} : memref<128xi32, #tpu.memory_space<vmem>>, vector<16xi32>,
      tpu.vector_store %swap3A_586[%swap3A_587], %select_n3A_576 {strides = array<i32>} : memref<128xi32, #tpu.memory_space<vmem>>, vector<16xi32>,
      %run_scoped3A_589 = arith.constant 0 : i32
      "tpu.region"() ({
        %run_scoped3A_1012 = tpu.sem_alloc : memref<!tpu.dma_semaphore, #tpu.memory_space<semaphore_mem>>
        %dma_start3A_1013 = arith.constant 0 : i32
        %dma_start3A_1014 = tpu.memref_slice %arg7[%run_scoped3A_589, %dma_start3A_1013] : memref<1x128xi32, #tpu.memory_space<vmem>> -> memref<1x128xi32, #tpu.memory_space<vmem>>
        %dma_start3A_1015 = tpu.memref_squeeze %dma_start3A_1014 : memref<1x128xi32, #tpu.memory_space<vmem>> -> memref<128xi32, #tpu.memory_space<vmem>>
        %dma_start3A_1016 = arith.constant 0 : i32
        %dma_start3A_1017 = arith.constant 0 : i32
        %dma_start3A_1018 = tpu.memref_slice %arg11[%dma_start3A_1016, %dma_start3A_1017] : memref<5120x16xf32, #tpu.memory_space<vmem_shared>> -> memref<5120x16xf32, #tpu.memory_space<vmem_shared>>
        tpu.enqueue_indirect_dma source(%arg9 : memref<128x16xf32, #tpu.memory_space<vmem>>) target(%dma_start3A_1018 : memref<5120x16xf32, #tpu.memory_space<vmem_shared>>) offsets(%dma_start3A_1015 : memref<128xi32, #tpu.memory_space<vmem>>) semaphore(%run_scoped3A_1012 : memref<!tpu.dma_semaphore, #tpu.memory_space<semaphore_mem>>) {add = true}
        %dma_wait3A_1019 = arith.constant 0 : i32
        %dma_wait3A_1020 = tpu.memref_slice %arg7[%run_scoped3A_589, %dma_wait3A_1019] : memref<1x128xi32, #tpu.memory_space<vmem>> -> memref<1x128xi32, #tpu.memory_space<vmem>>
        %dma_wait3A_1021 = tpu.memref_squeeze %dma_wait3A_1020 : memref<1x128xi32, #tpu.memory_space<vmem>> -> memref<128xi32, #tpu.memory_space<vmem>>
        %dma_wait3A_1022 = arith.constant 0 : i32
        %dma_wait3A_1023 = arith.constant 0 : i32
        %dma_wait3A_1024 = tpu.memref_slice %arg11[%dma_wait3A_1022, %dma_wait3A_1023] : memref<5120x16xf32, #tpu.memory_space<vmem_shared>> -> memref<5120x16xf32, #tpu.memory_space<vmem_shared>>
        tpu.wait_indirect_dma semaphore(%run_scoped3A_1012 : memref<!tpu.dma_semaphore, #tpu.memory_space<semaphore_mem>>) src(%arg9 : memref<128x16xf32, #tpu.memory_space<vmem>>) dst(%dma_wait3A_1024 : memref<5120x16xf32, #tpu.memory_space<vmem_shared>>)
        tpu.yield
      }) : () -> ()
      %run_scoped3A_590 = arith.constant 0 : i32
      "tpu.region"() ({
        %run_scoped3A_1012 = tpu.sem_alloc : memref<!tpu.dma_semaphore, #tpu.memory_space<semaphore_mem>>
        %dma_start3A_1013 = arith.constant 0 : i32
        %dma_start3A_1014 = tpu.memref_slice %arg8[%run_scoped3A_590, %dma_start3A_1013] : memref<1x128xi32, #tpu.memory_space<vmem>> -> memref<1x128xi32, #tpu.memory_space<vmem>>
        %dma_start3A_1015 = tpu.memref_squeeze %dma_start3A_1014 : memref<1x128xi32, #tpu.memory_space<vmem>> -> memref<128xi32, #tpu.memory_space<vmem>>
        %dma_start3A_1016 = arith.constant 0 : i32
        %dma_start3A_1017 = arith.constant 0 : i32
        %dma_start3A_1018 = tpu.memref_slice %arg11[%dma_start3A_1016, %dma_start3A_1017] : memref<5120x16xf32, #tpu.memory_space<vmem_shared>> -> memref<5120x16xf32, #tpu.memory_space<vmem_shared>>
        tpu.enqueue_indirect_dma source(%arg10 : memref<128x16xf32, #tpu.memory_space<vmem>>) target(%dma_start3A_1018 : memref<5120x16xf32, #tpu.memory_space<vmem_shared>>) offsets(%dma_start3A_1015 : memref<128xi32, #tpu.memory_space<vmem>>) semaphore(%run_scoped3A_1012 : memref<!tpu.dma_semaphore, #tpu.memory_space<semaphore_mem>>) {add = true}
        %dma_wait3A_1019 = arith.constant 0 : i32
        %dma_wait3A_1020 = tpu.memref_slice %arg8[%run_scoped3A_590, %dma_wait3A_1019] : memref<1x128xi32, #tpu.memory_space<vmem>> -> memref<1x128xi32, #tpu.memory_space<vmem>>
        %dma_wait3A_1021 = tpu.memref_squeeze %dma_wait3A_1020 : memref<1x128xi32, #tpu.memory_space<vmem>> -> memref<128xi32, #tpu.memory_space<vmem>>
        %dma_wait3A_1022 = arith.constant 0 : i32
        %dma_wait3A_1023 = arith.constant 0 : i32
        %dma_wait3A_1024 = tpu.memref_slice %arg11[%dma_wait3A_1022, %dma_wait3A_1023] : memref<5120x16xf32, #tpu.memory_space<vmem_shared>> -> memref<5120x16xf32, #tpu.memory_space<vmem_shared>>
        tpu.wait_indirect_dma semaphore(%run_scoped3A_1012 : memref<!tpu.dma_semaphore, #tpu.memory_space<semaphore_mem>>) src(%arg10 : memref<128x16xf32, #tpu.memory_space<vmem>>) dst(%dma_wait3A_1024 : memref<5120x16xf32, #tpu.memory_space<vmem_shared>>)
        tpu.yield
      }) : () -> ()
      %lt3A_591 = arith.constant 80 : i32
      %lt3A_592 = arith.cmpi slt, %add3A_191, %lt3A_591 : i32
      %convert_element_type3A_593 = arith.extui %lt3A_592 : i1 to i32
      %cond3A_594 = arith.constant 0 : i32
      %cond3A_595 = arith.cmpi ne, %convert_element_type3A_593, %cond3A_594 : i32
      scf.if %cond3A_595 {
        %dma_wait3A_1012 = arith.constant 1 : i32
        %dma_wait3A_1013 = arith.constant 0 : i32
        %dma_wait3A_1014 = tpu.memref_slice %arg5[%dma_wait3A_1012, %dma_wait3A_1013] : memref<2x64xi32, #tpu.memory_space<vmem>> -> memref<1x64xi32, #tpu.memory_space<vmem>>
        %dma_wait3A_1015 = tpu.memref_squeeze %dma_wait3A_1014 : memref<1x64xi32, #tpu.memory_space<vmem>> -> memref<64xi32, #tpu.memory_space<vmem>>
        %dma_wait3A_1016 = arith.constant 0 : i32
        %dma_wait3A_1017 = tpu.memref_slice %arg2[%add3A, %add3A_191, %dma_wait3A_1016] : memref<32x80x64xi32, #tpu.memory_space<hbm>> -> memref<1x1x64xi32, #tpu.memory_space<hbm>>
        %dma_wait3A_1018 = tpu.memref_squeeze %dma_wait3A_1017 : memref<1x1x64xi32, #tpu.memory_space<hbm>> -> memref<64xi32, #tpu.memory_space<hbm>>
        %dma_wait3A_1019 = arith.constant 0 : i32
        %dma_wait3A_1020 = tpu.memref_slice %arg5[%dma_wait3A_1012, %dma_wait3A_1019] : memref<2x64xi32, #tpu.memory_space<vmem>> -> memref<1x64xi32, #tpu.memory_space<vmem>>
        %dma_wait3A_1021 = tpu.memref_squeeze %dma_wait3A_1020 : memref<1x64xi32, #tpu.memory_space<vmem>> -> memref<64xi32, #tpu.memory_space<vmem>>
        %dma_wait3A_1022 = arith.constant 0 : i32
        %dma_wait3A_1023 = tpu.memref_slice %arg2[%add3A, %add3A_191, %dma_wait3A_1022] : memref<32x80x64xi32, #tpu.memory_space<hbm>> -> memref<1x1x64xi32, #tpu.memory_space<hbm>>
        %dma_wait3A_1024 = tpu.memref_squeeze %dma_wait3A_1023 : memref<1x1x64xi32, #tpu.memory_space<hbm>> -> memref<64xi32, #tpu.memory_space<hbm>>
        tpu.wait_dma2 semaphore(%arg12 : memref<!tpu.dma_semaphore, #tpu.memory_space<semaphore_mem>>) src(%dma_wait3A_1024 : memref<64xi32, #tpu.memory_space<hbm>>) dst(%dma_wait3A_1021 : memref<64xi32, #tpu.memory_space<vmem>>)
        %dma_wait3A_1025 = arith.constant 1 : i32
        %dma_wait3A_1026 = arith.constant 0 : i32
        %dma_wait3A_1027 = tpu.memref_slice %arg6[%dma_wait3A_1025, %dma_wait3A_1026] : memref<2x64xi32, #tpu.memory_space<vmem>> -> memref<1x64xi32, #tpu.memory_space<vmem>>
        %dma_wait3A_1028 = tpu.memref_squeeze %dma_wait3A_1027 : memref<1x64xi32, #tpu.memory_space<vmem>> -> memref<64xi32, #tpu.memory_space<vmem>>
        %dma_wait3A_1029 = arith.constant 0 : i32
        %dma_wait3A_1030 = tpu.memref_slice %arg3[%add3A, %add3A_191, %dma_wait3A_1029] : memref<32x80x64xi32, #tpu.memory_space<hbm>> -> memref<1x1x64xi32, #tpu.memory_space<hbm>>
        %dma_wait3A_1031 = tpu.memref_squeeze %dma_wait3A_1030 : memref<1x1x64xi32, #tpu.memory_space<hbm>> -> memref<64xi32, #tpu.memory_space<hbm>>
        %dma_wait3A_1032 = arith.constant 0 : i32
        %dma_wait3A_1033 = tpu.memref_slice %arg6[%dma_wait3A_1025, %dma_wait3A_1032] : memref<2x64xi32, #tpu.memory_space<vmem>> -> memref<1x64xi32, #tpu.memory_space<vmem>>
        %dma_wait3A_1034 = tpu.memref_squeeze %dma_wait3A_1033 : memref<1x64xi32, #tpu.memory_space<vmem>> -> memref<64xi32, #tpu.memory_space<vmem>>
        %dma_wait3A_1035 = arith.constant 0 : i32
        %dma_wait3A_1036 = tpu.memref_slice %arg3[%add3A, %add3A_191, %dma_wait3A_1035] : memref<32x80x64xi32, #tpu.memory_space<hbm>> -> memref<1x1x64xi32, #tpu.memory_space<hbm>>
        %dma_wait3A_1037 = tpu.memref_squeeze %dma_wait3A_1036 : memref<1x1x64xi32, #tpu.memory_space<hbm>> -> memref<64xi32, #tpu.memory_space<hbm>>
        tpu.wait_dma2 semaphore(%arg12 : memref<!tpu.dma_semaphore, #tpu.memory_space<semaphore_mem>>) src(%dma_wait3A_1037 : memref<64xi32, #tpu.memory_space<hbm>>) dst(%dma_wait3A_1034 : memref<64xi32, #tpu.memory_space<vmem>>)
      } else {
      }
      %add3A_596 = arith.constant 1 : i32
      %add3A_597 = arith.addi %add3A_187, %add3A_596 : i32
      %add3A_598 = arith.constant 1 : i32
      %add3A_599 = arith.addi %add3A_597, %add3A_598 : i32
      %lt3A_600 = arith.constant 80 : i32
      %lt3A_601 = arith.cmpi slt, %add3A_599, %lt3A_600 : i32
      %convert_element_type3A_602 = arith.extui %lt3A_601 : i1 to i32
      %cond3A_603 = arith.constant 0 : i32
      %cond3A_604 = arith.cmpi ne, %convert_element_type3A_602, %cond3A_603 : i32
      scf.if %cond3A_604 {
        %dma_start3A_1012 = arith.constant 0 : i32
        %dma_start3A_1013 = arith.constant 0 : i32
        %dma_start3A_1014 = tpu.memref_slice %arg5[%dma_start3A_1012, %dma_start3A_1013] : memref<2x64xi32, #tpu.memory_space<vmem>> -> memref<1x64xi32, #tpu.memory_space<vmem>>
        %dma_start3A_1015 = tpu.memref_squeeze %dma_start3A_1014 : memref<1x64xi32, #tpu.memory_space<vmem>> -> memref<64xi32, #tpu.memory_space<vmem>>
        %dma_start3A_1016 = arith.constant 0 : i32
        %dma_start3A_1017 = tpu.memref_slice %arg2[%add3A, %add3A_599, %dma_start3A_1016] : memref<32x80x64xi32, #tpu.memory_space<hbm>> -> memref<1x1x64xi32, #tpu.memory_space<hbm>>
        %dma_start3A_1018 = tpu.memref_squeeze %dma_start3A_1017 : memref<1x1x64xi32, #tpu.memory_space<hbm>> -> memref<64xi32, #tpu.memory_space<hbm>>
        %dma_start3A_1019 = arith.constant 0 : i32
        %dma_start3A_1020 = tpu.memref_slice %arg5[%dma_start3A_1012, %dma_start3A_1019] : memref<2x64xi32, #tpu.memory_space<vmem>> -> memref<1x64xi32, #tpu.memory_space<vmem>>
        %dma_start3A_1021 = tpu.memref_squeeze %dma_start3A_1020 : memref<1x64xi32, #tpu.memory_space<vmem>> -> memref<64xi32, #tpu.memory_space<vmem>>
        %dma_start3A_1022 = arith.constant 0 : i32
        %dma_start3A_1023 = tpu.memref_slice %arg2[%add3A, %add3A_599, %dma_start3A_1022] : memref<32x80x64xi32, #tpu.memory_space<hbm>> -> memref<1x1x64xi32, #tpu.memory_space<hbm>>
        %dma_start3A_1024 = tpu.memref_squeeze %dma_start3A_1023 : memref<1x1x64xi32, #tpu.memory_space<hbm>> -> memref<64xi32, #tpu.memory_space<hbm>>
        tpu.enqueue_dma source(%dma_start3A_1024 : memref<64xi32, #tpu.memory_space<hbm>>) target(%dma_start3A_1021 : memref<64xi32, #tpu.memory_space<vmem>>) target_semaphore(%arg12 : memref<!tpu.dma_semaphore, #tpu.memory_space<semaphore_mem>>)
        %dma_start3A_1025 = arith.constant 0 : i32
        %dma_start3A_1026 = arith.constant 0 : i32
        %dma_start3A_1027 = tpu.memref_slice %arg6[%dma_start3A_1025, %dma_start3A_1026] : memref<2x64xi32, #tpu.memory_space<vmem>> -> memref<1x64xi32, #tpu.memory_space<vmem>>
        %dma_start3A_1028 = tpu.memref_squeeze %dma_start3A_1027 : memref<1x64xi32, #tpu.memory_space<vmem>> -> memref<64xi32, #tpu.memory_space<vmem>>
        %dma_start3A_1029 = arith.constant 0 : i32
        %dma_start3A_1030 = tpu.memref_slice %arg3[%add3A, %add3A_599, %dma_start3A_1029] : memref<32x80x64xi32, #tpu.memory_space<hbm>> -> memref<1x1x64xi32, #tpu.memory_space<hbm>>
        %dma_start3A_1031 = tpu.memref_squeeze %dma_start3A_1030 : memref<1x1x64xi32, #tpu.memory_space<hbm>> -> memref<64xi32, #tpu.memory_space<hbm>>
        %dma_start3A_1032 = arith.constant 0 : i32
        %dma_start3A_1033 = tpu.memref_slice %arg6[%dma_start3A_1025, %dma_start3A_1032] : memref<2x64xi32, #tpu.memory_space<vmem>> -> memref<1x64xi32, #tpu.memory_space<vmem>>
        %dma_start3A_1034 = tpu.memref_squeeze %dma_start3A_1033 : memref<1x64xi32, #tpu.memory_space<vmem>> -> memref<64xi32, #tpu.memory_space<vmem>>
        %dma_start3A_1035 = arith.constant 0 : i32
        %dma_start3A_1036 = tpu.memref_slice %arg3[%add3A, %add3A_599, %dma_start3A_1035] : memref<32x80x64xi32, #tpu.memory_space<hbm>> -> memref<1x1x64xi32, #tpu.memory_space<hbm>>
        %dma_start3A_1037 = tpu.memref_squeeze %dma_start3A_1036 : memref<1x1x64xi32, #tpu.memory_space<hbm>> -> memref<64xi32, #tpu.memory_space<hbm>>
        tpu.enqueue_dma source(%dma_start3A_1037 : memref<64xi32, #tpu.memory_space<hbm>>) target(%dma_start3A_1034 : memref<64xi32, #tpu.memory_space<vmem>>) target_semaphore(%arg12 : memref<!tpu.dma_semaphore, #tpu.memory_space<semaphore_mem>>)
      } else {
      }
      %get3A_605 = arith.constant 1 : i32
      %get3A_606 = arith.constant 0 : i32
      %get3A_607 = tpu.memref_slice %arg5[%get3A_605, %get3A_606] : memref<2x64xi32, #tpu.memory_space<vmem>> -> memref<1x64xi32, #tpu.memory_space<vmem>>
      %get3A_608 = tpu.memref_squeeze %get3A_607 : memref<1x64xi32, #tpu.memory_space<vmem>> -> memref<64xi32, #tpu.memory_space<vmem>>
      %get3A_609 = arith.constant 0 : index
      %get3A_610 = tpu.vector_load %get3A_608[%get3A_609] {strides = array<i32>} : memref<64xi32, #tpu.memory_space<vmem>>, vector<16xi32>,
      %and3A_611 = arith.constant 65535 : i32
      %and3A_612 = vector.broadcast %and3A_611 : i32 to vector<16xi32>
      %and3A_613 = arith.andi %get3A_610, %and3A_612 : vector<16xi32>
      %sub3A_614 = arith.constant 5056 : i32
      %sub3A_615 = vector.broadcast %sub3A_614 : i32 to vector<16xi32>
      %sub3A_616 = arith.subi %and3A_613, %sub3A_615 : vector<16xi32>
      %shift_right_logical3A_617 = arith.constant 16 : i32
      %shift_right_logical3A_618 = vector.broadcast %shift_right_logical3A_617 : i32 to vector<16xi32>
      %shift_right_logical3A_619 = arith.shrui %get3A_610, %shift_right_logical3A_618 : vector<16xi32>
      %sub3A_620 = arith.constant 5056 : i32
      %sub3A_621 = vector.broadcast %sub3A_620 : i32 to vector<16xi32>
      %sub3A_622 = arith.subi %shift_right_logical3A_619, %sub3A_621 : vector<16xi32>
      %ge3A_623 = arith.constant 0 : i32
      %ge3A_624 = vector.broadcast %ge3A_623 : i32 to vector<16xi32>
      %ge3A_625 = arith.cmpi sge, %sub3A_616, %ge3A_624 : vector<16xi32>
      %lt3A_626 = arith.constant 5056 : i32
      %lt3A_627 = vector.broadcast %lt3A_626 : i32 to vector<16xi32>
      %lt3A_628 = arith.cmpi slt, %sub3A_616, %lt3A_627 : vector<16xi32>
      %and3A_629 = arith.andi %ge3A_625, %lt3A_628 : vector<16xi1>
      %jit3A_630 = arith.constant 5056 : i32
      %broadcast_in_dim3A_631 = vector.broadcast %jit3A_630 : i32 to vector<16xi32>
      %select_n3A_632 = arith.select %and3A_629, %sub3A_616, %broadcast_in_dim3A_631 : vector<16xi1>, vector<16xi32>
      %ge3A_633 = arith.constant 0 : i32
      %ge3A_634 = vector.broadcast %ge3A_633 : i32 to vector<16xi32>
      %ge3A_635 = arith.cmpi sge, %sub3A_622, %ge3A_634 : vector<16xi32>
      %lt3A_636 = arith.constant 5056 : i32
      %lt3A_637 = vector.broadcast %lt3A_636 : i32 to vector<16xi32>
      %lt3A_638 = arith.cmpi slt, %sub3A_622, %lt3A_637 : vector<16xi32>
      %and3A_639 = arith.andi %ge3A_635, %lt3A_638 : vector<16xi1>
      %jit3A_640 = arith.constant 5056 : i32
      %broadcast_in_dim3A_641 = vector.broadcast %jit3A_640 : i32 to vector<16xi32>
      %select_n3A_642 = arith.select %and3A_639, %sub3A_622, %broadcast_in_dim3A_641 : vector<16xi1>, vector<16xi32>
      %swap3A_643 = arith.constant 0 : i32
      %swap3A_644 = arith.constant 0 : i32
      %swap3A_645 = tpu.memref_slice %arg7[%swap3A_643, %swap3A_644] : memref<1x128xi32, #tpu.memory_space<vmem>> -> memref<1x128xi32, #tpu.memory_space<vmem>>
      %swap3A_646 = tpu.memref_squeeze %swap3A_645 : memref<1x128xi32, #tpu.memory_space<vmem>> -> memref<128xi32, #tpu.memory_space<vmem>>
      %swap3A_647 = arith.constant 0 : index
      %swap3A_648 = tpu.vector_load %swap3A_646[%swap3A_647] {strides = array<i32>} : memref<128xi32, #tpu.memory_space<vmem>>, vector<16xi32>,
      tpu.vector_store %swap3A_646[%swap3A_647], %select_n3A_632 {strides = array<i32>} : memref<128xi32, #tpu.memory_space<vmem>>, vector<16xi32>,
      %swap3A_649 = arith.constant 0 : i32
      %swap3A_650 = arith.constant 0 : i32
      %swap3A_651 = tpu.memref_slice %arg7[%swap3A_649, %swap3A_650] : memref<1x128xi32, #tpu.memory_space<vmem>> -> memref<1x128xi32, #tpu.memory_space<vmem>>
      %swap3A_652 = tpu.memref_squeeze %swap3A_651 : memref<1x128xi32, #tpu.memory_space<vmem>> -> memref<128xi32, #tpu.memory_space<vmem>>
      %swap3A_653 = arith.constant 16 : index
      %swap3A_654 = tpu.vector_load %swap3A_652[%swap3A_653] {strides = array<i32>} : memref<128xi32, #tpu.memory_space<vmem>>, vector<16xi32>,
      tpu.vector_store %swap3A_652[%swap3A_653], %select_n3A_642 {strides = array<i32>} : memref<128xi32, #tpu.memory_space<vmem>>, vector<16xi32>,
      %get3A_655 = arith.constant 1 : i32
      %get3A_656 = arith.constant 0 : i32
      %get3A_657 = tpu.memref_slice %arg5[%get3A_655, %get3A_656] : memref<2x64xi32, #tpu.memory_space<vmem>> -> memref<1x64xi32, #tpu.memory_space<vmem>>
      %get3A_658 = tpu.memref_squeeze %get3A_657 : memref<1x64xi32, #tpu.memory_space<vmem>> -> memref<64xi32, #tpu.memory_space<vmem>>
      %get3A_659 = arith.constant 16 : index
      %get3A_660 = tpu.vector_load %get3A_658[%get3A_659] {strides = array<i32>} : memref<64xi32, #tpu.memory_space<vmem>>, vector<16xi32>,
      %and3A_661 = arith.constant 65535 : i32
      %and3A_662 = vector.broadcast %and3A_661 : i32 to vector<16xi32>
      %and3A_663 = arith.andi %get3A_660, %and3A_662 : vector<16xi32>
      %sub3A_664 = arith.constant 5056 : i32
      %sub3A_665 = vector.broadcast %sub3A_664 : i32 to vector<16xi32>
      %sub3A_666 = arith.subi %and3A_663, %sub3A_665 : vector<16xi32>
      %shift_right_logical3A_667 = arith.constant 16 : i32
      %shift_right_logical3A_668 = vector.broadcast %shift_right_logical3A_667 : i32 to vector<16xi32>
      %shift_right_logical3A_669 = arith.shrui %get3A_660, %shift_right_logical3A_668 : vector<16xi32>
      %sub3A_670 = arith.constant 5056 : i32
      %sub3A_671 = vector.broadcast %sub3A_670 : i32 to vector<16xi32>
      %sub3A_672 = arith.subi %shift_right_logical3A_669, %sub3A_671 : vector<16xi32>
      %ge3A_673 = arith.constant 0 : i32
      %ge3A_674 = vector.broadcast %ge3A_673 : i32 to vector<16xi32>
      %ge3A_675 = arith.cmpi sge, %sub3A_666, %ge3A_674 : vector<16xi32>
      %lt3A_676 = arith.constant 5056 : i32
      %lt3A_677 = vector.broadcast %lt3A_676 : i32 to vector<16xi32>
      %lt3A_678 = arith.cmpi slt, %sub3A_666, %lt3A_677 : vector<16xi32>
      %and3A_679 = arith.andi %ge3A_675, %lt3A_678 : vector<16xi1>
      %jit3A_680 = arith.constant 5056 : i32
      %broadcast_in_dim3A_681 = vector.broadcast %jit3A_680 : i32 to vector<16xi32>
      %select_n3A_682 = arith.select %and3A_679, %sub3A_666, %broadcast_in_dim3A_681 : vector<16xi1>, vector<16xi32>
      %ge3A_683 = arith.constant 0 : i32
      %ge3A_684 = vector.broadcast %ge3A_683 : i32 to vector<16xi32>
      %ge3A_685 = arith.cmpi sge, %sub3A_672, %ge3A_684 : vector<16xi32>
      %lt3A_686 = arith.constant 5056 : i32
      %lt3A_687 = vector.broadcast %lt3A_686 : i32 to vector<16xi32>
      %lt3A_688 = arith.cmpi slt, %sub3A_672, %lt3A_687 : vector<16xi32>
      %and3A_689 = arith.andi %ge3A_685, %lt3A_688 : vector<16xi1>
      %jit3A_690 = arith.constant 5056 : i32
      %broadcast_in_dim3A_691 = vector.broadcast %jit3A_690 : i32 to vector<16xi32>
      %select_n3A_692 = arith.select %and3A_689, %sub3A_672, %broadcast_in_dim3A_691 : vector<16xi1>, vector<16xi32>
      %swap3A_693 = arith.constant 0 : i32
      %swap3A_694 = arith.constant 0 : i32
      %swap3A_695 = tpu.memref_slice %arg7[%swap3A_693, %swap3A_694] : memref<1x128xi32, #tpu.memory_space<vmem>> -> memref<1x128xi32, #tpu.memory_space<vmem>>
      %swap3A_696 = tpu.memref_squeeze %swap3A_695 : memref<1x128xi32, #tpu.memory_space<vmem>> -> memref<128xi32, #tpu.memory_space<vmem>>
      %swap3A_697 = arith.constant 32 : index
      %swap3A_698 = tpu.vector_load %swap3A_696[%swap3A_697] {strides = array<i32>} : memref<128xi32, #tpu.memory_space<vmem>>, vector<16xi32>,
      tpu.vector_store %swap3A_696[%swap3A_697], %select_n3A_682 {strides = array<i32>} : memref<128xi32, #tpu.memory_space<vmem>>, vector<16xi32>,
      %swap3A_699 = arith.constant 0 : i32
      %swap3A_700 = arith.constant 0 : i32
      %swap3A_701 = tpu.memref_slice %arg7[%swap3A_699, %swap3A_700] : memref<1x128xi32, #tpu.memory_space<vmem>> -> memref<1x128xi32, #tpu.memory_space<vmem>>
      %swap3A_702 = tpu.memref_squeeze %swap3A_701 : memref<1x128xi32, #tpu.memory_space<vmem>> -> memref<128xi32, #tpu.memory_space<vmem>>
      %swap3A_703 = arith.constant 48 : index
      %swap3A_704 = tpu.vector_load %swap3A_702[%swap3A_703] {strides = array<i32>} : memref<128xi32, #tpu.memory_space<vmem>>, vector<16xi32>,
      tpu.vector_store %swap3A_702[%swap3A_703], %select_n3A_692 {strides = array<i32>} : memref<128xi32, #tpu.memory_space<vmem>>, vector<16xi32>,
      %get3A_705 = arith.constant 1 : i32
      %get3A_706 = arith.constant 0 : i32
      %get3A_707 = tpu.memref_slice %arg5[%get3A_705, %get3A_706] : memref<2x64xi32, #tpu.memory_space<vmem>> -> memref<1x64xi32, #tpu.memory_space<vmem>>
      %get3A_708 = tpu.memref_squeeze %get3A_707 : memref<1x64xi32, #tpu.memory_space<vmem>> -> memref<64xi32, #tpu.memory_space<vmem>>
      %get3A_709 = arith.constant 32 : index
      %get3A_710 = tpu.vector_load %get3A_708[%get3A_709] {strides = array<i32>} : memref<64xi32, #tpu.memory_space<vmem>>, vector<16xi32>,
      %and3A_711 = arith.constant 65535 : i32
      %and3A_712 = vector.broadcast %and3A_711 : i32 to vector<16xi32>
      %and3A_713 = arith.andi %get3A_710, %and3A_712 : vector<16xi32>
      %sub3A_714 = arith.constant 5056 : i32
      %sub3A_715 = vector.broadcast %sub3A_714 : i32 to vector<16xi32>
      %sub3A_716 = arith.subi %and3A_713, %sub3A_715 : vector<16xi32>
      %shift_right_logical3A_717 = arith.constant 16 : i32
      %shift_right_logical3A_718 = vector.broadcast %shift_right_logical3A_717 : i32 to vector<16xi32>
      %shift_right_logical3A_719 = arith.shrui %get3A_710, %shift_right_logical3A_718 : vector<16xi32>
      %sub3A_720 = arith.constant 5056 : i32
      %sub3A_721 = vector.broadcast %sub3A_720 : i32 to vector<16xi32>
      %sub3A_722 = arith.subi %shift_right_logical3A_719, %sub3A_721 : vector<16xi32>
      %ge3A_723 = arith.constant 0 : i32
      %ge3A_724 = vector.broadcast %ge3A_723 : i32 to vector<16xi32>
      %ge3A_725 = arith.cmpi sge, %sub3A_716, %ge3A_724 : vector<16xi32>
      %lt3A_726 = arith.constant 5056 : i32
      %lt3A_727 = vector.broadcast %lt3A_726 : i32 to vector<16xi32>
      %lt3A_728 = arith.cmpi slt, %sub3A_716, %lt3A_727 : vector<16xi32>
      %and3A_729 = arith.andi %ge3A_725, %lt3A_728 : vector<16xi1>
      %jit3A_730 = arith.constant 5056 : i32
      %broadcast_in_dim3A_731 = vector.broadcast %jit3A_730 : i32 to vector<16xi32>
      %select_n3A_732 = arith.select %and3A_729, %sub3A_716, %broadcast_in_dim3A_731 : vector<16xi1>, vector<16xi32>
      %ge3A_733 = arith.constant 0 : i32
      %ge3A_734 = vector.broadcast %ge3A_733 : i32 to vector<16xi32>
      %ge3A_735 = arith.cmpi sge, %sub3A_722, %ge3A_734 : vector<16xi32>
      %lt3A_736 = arith.constant 5056 : i32
      %lt3A_737 = vector.broadcast %lt3A_736 : i32 to vector<16xi32>
      %lt3A_738 = arith.cmpi slt, %sub3A_722, %lt3A_737 : vector<16xi32>
      %and3A_739 = arith.andi %ge3A_735, %lt3A_738 : vector<16xi1>
      %jit3A_740 = arith.constant 5056 : i32
      %broadcast_in_dim3A_741 = vector.broadcast %jit3A_740 : i32 to vector<16xi32>
      %select_n3A_742 = arith.select %and3A_739, %sub3A_722, %broadcast_in_dim3A_741 : vector<16xi1>, vector<16xi32>
      %swap3A_743 = arith.constant 0 : i32
      %swap3A_744 = arith.constant 0 : i32
      %swap3A_745 = tpu.memref_slice %arg7[%swap3A_743, %swap3A_744] : memref<1x128xi32, #tpu.memory_space<vmem>> -> memref<1x128xi32, #tpu.memory_space<vmem>>
      %swap3A_746 = tpu.memref_squeeze %swap3A_745 : memref<1x128xi32, #tpu.memory_space<vmem>> -> memref<128xi32, #tpu.memory_space<vmem>>
      %swap3A_747 = arith.constant 64 : index
      %swap3A_748 = tpu.vector_load %swap3A_746[%swap3A_747] {strides = array<i32>} : memref<128xi32, #tpu.memory_space<vmem>>, vector<16xi32>,
      tpu.vector_store %swap3A_746[%swap3A_747], %select_n3A_732 {strides = array<i32>} : memref<128xi32, #tpu.memory_space<vmem>>, vector<16xi32>,
      %swap3A_749 = arith.constant 0 : i32
      %swap3A_750 = arith.constant 0 : i32
      %swap3A_751 = tpu.memref_slice %arg7[%swap3A_749, %swap3A_750] : memref<1x128xi32, #tpu.memory_space<vmem>> -> memref<1x128xi32, #tpu.memory_space<vmem>>
      %swap3A_752 = tpu.memref_squeeze %swap3A_751 : memref<1x128xi32, #tpu.memory_space<vmem>> -> memref<128xi32, #tpu.memory_space<vmem>>
      %swap3A_753 = arith.constant 80 : index
      %swap3A_754 = tpu.vector_load %swap3A_752[%swap3A_753] {strides = array<i32>} : memref<128xi32, #tpu.memory_space<vmem>>, vector<16xi32>,
      tpu.vector_store %swap3A_752[%swap3A_753], %select_n3A_742 {strides = array<i32>} : memref<128xi32, #tpu.memory_space<vmem>>, vector<16xi32>,
      %get3A_755 = arith.constant 1 : i32
      %get3A_756 = arith.constant 0 : i32
      %get3A_757 = tpu.memref_slice %arg5[%get3A_755, %get3A_756] : memref<2x64xi32, #tpu.memory_space<vmem>> -> memref<1x64xi32, #tpu.memory_space<vmem>>
      %get3A_758 = tpu.memref_squeeze %get3A_757 : memref<1x64xi32, #tpu.memory_space<vmem>> -> memref<64xi32, #tpu.memory_space<vmem>>
      %get3A_759 = arith.constant 48 : index
      %get3A_760 = tpu.vector_load %get3A_758[%get3A_759] {strides = array<i32>} : memref<64xi32, #tpu.memory_space<vmem>>, vector<16xi32>,
      %and3A_761 = arith.constant 65535 : i32
      %and3A_762 = vector.broadcast %and3A_761 : i32 to vector<16xi32>
      %and3A_763 = arith.andi %get3A_760, %and3A_762 : vector<16xi32>
      %sub3A_764 = arith.constant 5056 : i32
      %sub3A_765 = vector.broadcast %sub3A_764 : i32 to vector<16xi32>
      %sub3A_766 = arith.subi %and3A_763, %sub3A_765 : vector<16xi32>
      %shift_right_logical3A_767 = arith.constant 16 : i32
      %shift_right_logical3A_768 = vector.broadcast %shift_right_logical3A_767 : i32 to vector<16xi32>
      %shift_right_logical3A_769 = arith.shrui %get3A_760, %shift_right_logical3A_768 : vector<16xi32>
      %sub3A_770 = arith.constant 5056 : i32
      %sub3A_771 = vector.broadcast %sub3A_770 : i32 to vector<16xi32>
      %sub3A_772 = arith.subi %shift_right_logical3A_769, %sub3A_771 : vector<16xi32>
      %ge3A_773 = arith.constant 0 : i32
      %ge3A_774 = vector.broadcast %ge3A_773 : i32 to vector<16xi32>
      %ge3A_775 = arith.cmpi sge, %sub3A_766, %ge3A_774 : vector<16xi32>
      %lt3A_776 = arith.constant 5056 : i32
      %lt3A_777 = vector.broadcast %lt3A_776 : i32 to vector<16xi32>
      %lt3A_778 = arith.cmpi slt, %sub3A_766, %lt3A_777 : vector<16xi32>
      %and3A_779 = arith.andi %ge3A_775, %lt3A_778 : vector<16xi1>
      %jit3A_780 = arith.constant 5056 : i32
      %broadcast_in_dim3A_781 = vector.broadcast %jit3A_780 : i32 to vector<16xi32>
      %select_n3A_782 = arith.select %and3A_779, %sub3A_766, %broadcast_in_dim3A_781 : vector<16xi1>, vector<16xi32>
      %ge3A_783 = arith.constant 0 : i32
      %ge3A_784 = vector.broadcast %ge3A_783 : i32 to vector<16xi32>
      %ge3A_785 = arith.cmpi sge, %sub3A_772, %ge3A_784 : vector<16xi32>
      %lt3A_786 = arith.constant 5056 : i32
      %lt3A_787 = vector.broadcast %lt3A_786 : i32 to vector<16xi32>
      %lt3A_788 = arith.cmpi slt, %sub3A_772, %lt3A_787 : vector<16xi32>
      %and3A_789 = arith.andi %ge3A_785, %lt3A_788 : vector<16xi1>
      %jit3A_790 = arith.constant 5056 : i32
      %broadcast_in_dim3A_791 = vector.broadcast %jit3A_790 : i32 to vector<16xi32>
      %select_n3A_792 = arith.select %and3A_789, %sub3A_772, %broadcast_in_dim3A_791 : vector<16xi1>, vector<16xi32>
      %swap3A_793 = arith.constant 0 : i32
      %swap3A_794 = arith.constant 0 : i32
      %swap3A_795 = tpu.memref_slice %arg7[%swap3A_793, %swap3A_794] : memref<1x128xi32, #tpu.memory_space<vmem>> -> memref<1x128xi32, #tpu.memory_space<vmem>>
      %swap3A_796 = tpu.memref_squeeze %swap3A_795 : memref<1x128xi32, #tpu.memory_space<vmem>> -> memref<128xi32, #tpu.memory_space<vmem>>
      %swap3A_797 = arith.constant 96 : index
      %swap3A_798 = tpu.vector_load %swap3A_796[%swap3A_797] {strides = array<i32>} : memref<128xi32, #tpu.memory_space<vmem>>, vector<16xi32>,
      tpu.vector_store %swap3A_796[%swap3A_797], %select_n3A_782 {strides = array<i32>} : memref<128xi32, #tpu.memory_space<vmem>>, vector<16xi32>,
      %swap3A_799 = arith.constant 0 : i32
      %swap3A_800 = arith.constant 0 : i32
      %swap3A_801 = tpu.memref_slice %arg7[%swap3A_799, %swap3A_800] : memref<1x128xi32, #tpu.memory_space<vmem>> -> memref<1x128xi32, #tpu.memory_space<vmem>>
      %swap3A_802 = tpu.memref_squeeze %swap3A_801 : memref<1x128xi32, #tpu.memory_space<vmem>> -> memref<128xi32, #tpu.memory_space<vmem>>
      %swap3A_803 = arith.constant 112 : index
      %swap3A_804 = tpu.vector_load %swap3A_802[%swap3A_803] {strides = array<i32>} : memref<128xi32, #tpu.memory_space<vmem>>, vector<16xi32>,
      tpu.vector_store %swap3A_802[%swap3A_803], %select_n3A_792 {strides = array<i32>} : memref<128xi32, #tpu.memory_space<vmem>>, vector<16xi32>,
      %get3A_805 = arith.constant 1 : i32
      %get3A_806 = arith.constant 0 : i32
      %get3A_807 = tpu.memref_slice %arg6[%get3A_805, %get3A_806] : memref<2x64xi32, #tpu.memory_space<vmem>> -> memref<1x64xi32, #tpu.memory_space<vmem>>
      %get3A_808 = tpu.memref_squeeze %get3A_807 : memref<1x64xi32, #tpu.memory_space<vmem>> -> memref<64xi32, #tpu.memory_space<vmem>>
      %get3A_809 = arith.constant 0 : index
      %get3A_810 = tpu.vector_load %get3A_808[%get3A_809] {strides = array<i32>} : memref<64xi32, #tpu.memory_space<vmem>>, vector<16xi32>,
      %and3A_811 = arith.constant 65535 : i32
      %and3A_812 = vector.broadcast %and3A_811 : i32 to vector<16xi32>
      %and3A_813 = arith.andi %get3A_810, %and3A_812 : vector<16xi32>
      %sub3A_814 = arith.constant 5056 : i32
      %sub3A_815 = vector.broadcast %sub3A_814 : i32 to vector<16xi32>
      %sub3A_816 = arith.subi %and3A_813, %sub3A_815 : vector<16xi32>
      %shift_right_logical3A_817 = arith.constant 16 : i32
      %shift_right_logical3A_818 = vector.broadcast %shift_right_logical3A_817 : i32 to vector<16xi32>
      %shift_right_logical3A_819 = arith.shrui %get3A_810, %shift_right_logical3A_818 : vector<16xi32>
      %sub3A_820 = arith.constant 5056 : i32
      %sub3A_821 = vector.broadcast %sub3A_820 : i32 to vector<16xi32>
      %sub3A_822 = arith.subi %shift_right_logical3A_819, %sub3A_821 : vector<16xi32>
      %ge3A_823 = arith.constant 0 : i32
      %ge3A_824 = vector.broadcast %ge3A_823 : i32 to vector<16xi32>
      %ge3A_825 = arith.cmpi sge, %sub3A_816, %ge3A_824 : vector<16xi32>
      %lt3A_826 = arith.constant 5056 : i32
      %lt3A_827 = vector.broadcast %lt3A_826 : i32 to vector<16xi32>
      %lt3A_828 = arith.cmpi slt, %sub3A_816, %lt3A_827 : vector<16xi32>
      %and3A_829 = arith.andi %ge3A_825, %lt3A_828 : vector<16xi1>
      %jit3A_830 = arith.constant 5056 : i32
      %broadcast_in_dim3A_831 = vector.broadcast %jit3A_830 : i32 to vector<16xi32>
      %select_n3A_832 = arith.select %and3A_829, %sub3A_816, %broadcast_in_dim3A_831 : vector<16xi1>, vector<16xi32>
      %ge3A_833 = arith.constant 0 : i32
      %ge3A_834 = vector.broadcast %ge3A_833 : i32 to vector<16xi32>
      %ge3A_835 = arith.cmpi sge, %sub3A_822, %ge3A_834 : vector<16xi32>
      %lt3A_836 = arith.constant 5056 : i32
      %lt3A_837 = vector.broadcast %lt3A_836 : i32 to vector<16xi32>
      %lt3A_838 = arith.cmpi slt, %sub3A_822, %lt3A_837 : vector<16xi32>
      %and3A_839 = arith.andi %ge3A_835, %lt3A_838 : vector<16xi1>
      %jit3A_840 = arith.constant 5056 : i32
      %broadcast_in_dim3A_841 = vector.broadcast %jit3A_840 : i32 to vector<16xi32>
      %select_n3A_842 = arith.select %and3A_839, %sub3A_822, %broadcast_in_dim3A_841 : vector<16xi1>, vector<16xi32>
      %swap3A_843 = arith.constant 0 : i32
      %swap3A_844 = arith.constant 0 : i32
      %swap3A_845 = tpu.memref_slice %arg8[%swap3A_843, %swap3A_844] : memref<1x128xi32, #tpu.memory_space<vmem>> -> memref<1x128xi32, #tpu.memory_space<vmem>>
      %swap3A_846 = tpu.memref_squeeze %swap3A_845 : memref<1x128xi32, #tpu.memory_space<vmem>> -> memref<128xi32, #tpu.memory_space<vmem>>
      %swap3A_847 = arith.constant 0 : index
      %swap3A_848 = tpu.vector_load %swap3A_846[%swap3A_847] {strides = array<i32>} : memref<128xi32, #tpu.memory_space<vmem>>, vector<16xi32>,
      tpu.vector_store %swap3A_846[%swap3A_847], %select_n3A_832 {strides = array<i32>} : memref<128xi32, #tpu.memory_space<vmem>>, vector<16xi32>,
      %swap3A_849 = arith.constant 0 : i32
      %swap3A_850 = arith.constant 0 : i32
      %swap3A_851 = tpu.memref_slice %arg8[%swap3A_849, %swap3A_850] : memref<1x128xi32, #tpu.memory_space<vmem>> -> memref<1x128xi32, #tpu.memory_space<vmem>>
      %swap3A_852 = tpu.memref_squeeze %swap3A_851 : memref<1x128xi32, #tpu.memory_space<vmem>> -> memref<128xi32, #tpu.memory_space<vmem>>
      %swap3A_853 = arith.constant 16 : index
      %swap3A_854 = tpu.vector_load %swap3A_852[%swap3A_853] {strides = array<i32>} : memref<128xi32, #tpu.memory_space<vmem>>, vector<16xi32>,
      tpu.vector_store %swap3A_852[%swap3A_853], %select_n3A_842 {strides = array<i32>} : memref<128xi32, #tpu.memory_space<vmem>>, vector<16xi32>,
      %get3A_855 = arith.constant 1 : i32
      %get3A_856 = arith.constant 0 : i32
      %get3A_857 = tpu.memref_slice %arg6[%get3A_855, %get3A_856] : memref<2x64xi32, #tpu.memory_space<vmem>> -> memref<1x64xi32, #tpu.memory_space<vmem>>
      %get3A_858 = tpu.memref_squeeze %get3A_857 : memref<1x64xi32, #tpu.memory_space<vmem>> -> memref<64xi32, #tpu.memory_space<vmem>>
      %get3A_859 = arith.constant 16 : index
      %get3A_860 = tpu.vector_load %get3A_858[%get3A_859] {strides = array<i32>} : memref<64xi32, #tpu.memory_space<vmem>>, vector<16xi32>,
      %and3A_861 = arith.constant 65535 : i32
      %and3A_862 = vector.broadcast %and3A_861 : i32 to vector<16xi32>
      %and3A_863 = arith.andi %get3A_860, %and3A_862 : vector<16xi32>
      %sub3A_864 = arith.constant 5056 : i32
      %sub3A_865 = vector.broadcast %sub3A_864 : i32 to vector<16xi32>
      %sub3A_866 = arith.subi %and3A_863, %sub3A_865 : vector<16xi32>
      %shift_right_logical3A_867 = arith.constant 16 : i32
      %shift_right_logical3A_868 = vector.broadcast %shift_right_logical3A_867 : i32 to vector<16xi32>
      %shift_right_logical3A_869 = arith.shrui %get3A_860, %shift_right_logical3A_868 : vector<16xi32>
      %sub3A_870 = arith.constant 5056 : i32
      %sub3A_871 = vector.broadcast %sub3A_870 : i32 to vector<16xi32>
      %sub3A_872 = arith.subi %shift_right_logical3A_869, %sub3A_871 : vector<16xi32>
      %ge3A_873 = arith.constant 0 : i32
      %ge3A_874 = vector.broadcast %ge3A_873 : i32 to vector<16xi32>
      %ge3A_875 = arith.cmpi sge, %sub3A_866, %ge3A_874 : vector<16xi32>
      %lt3A_876 = arith.constant 5056 : i32
      %lt3A_877 = vector.broadcast %lt3A_876 : i32 to vector<16xi32>
      %lt3A_878 = arith.cmpi slt, %sub3A_866, %lt3A_877 : vector<16xi32>
      %and3A_879 = arith.andi %ge3A_875, %lt3A_878 : vector<16xi1>
      %jit3A_880 = arith.constant 5056 : i32
      %broadcast_in_dim3A_881 = vector.broadcast %jit3A_880 : i32 to vector<16xi32>
      %select_n3A_882 = arith.select %and3A_879, %sub3A_866, %broadcast_in_dim3A_881 : vector<16xi1>, vector<16xi32>
      %ge3A_883 = arith.constant 0 : i32
      %ge3A_884 = vector.broadcast %ge3A_883 : i32 to vector<16xi32>
      %ge3A_885 = arith.cmpi sge, %sub3A_872, %ge3A_884 : vector<16xi32>
      %lt3A_886 = arith.constant 5056 : i32
      %lt3A_887 = vector.broadcast %lt3A_886 : i32 to vector<16xi32>
      %lt3A_888 = arith.cmpi slt, %sub3A_872, %lt3A_887 : vector<16xi32>
      %and3A_889 = arith.andi %ge3A_885, %lt3A_888 : vector<16xi1>
      %jit3A_890 = arith.constant 5056 : i32
      %broadcast_in_dim3A_891 = vector.broadcast %jit3A_890 : i32 to vector<16xi32>
      %select_n3A_892 = arith.select %and3A_889, %sub3A_872, %broadcast_in_dim3A_891 : vector<16xi1>, vector<16xi32>
      %swap3A_893 = arith.constant 0 : i32
      %swap3A_894 = arith.constant 0 : i32
      %swap3A_895 = tpu.memref_slice %arg8[%swap3A_893, %swap3A_894] : memref<1x128xi32, #tpu.memory_space<vmem>> -> memref<1x128xi32, #tpu.memory_space<vmem>>
      %swap3A_896 = tpu.memref_squeeze %swap3A_895 : memref<1x128xi32, #tpu.memory_space<vmem>> -> memref<128xi32, #tpu.memory_space<vmem>>
      %swap3A_897 = arith.constant 32 : index
      %swap3A_898 = tpu.vector_load %swap3A_896[%swap3A_897] {strides = array<i32>} : memref<128xi32, #tpu.memory_space<vmem>>, vector<16xi32>,
      tpu.vector_store %swap3A_896[%swap3A_897], %select_n3A_882 {strides = array<i32>} : memref<128xi32, #tpu.memory_space<vmem>>, vector<16xi32>,
      %swap3A_899 = arith.constant 0 : i32
      %swap3A_900 = arith.constant 0 : i32
      %swap3A_901 = tpu.memref_slice %arg8[%swap3A_899, %swap3A_900] : memref<1x128xi32, #tpu.memory_space<vmem>> -> memref<1x128xi32, #tpu.memory_space<vmem>>
      %swap3A_902 = tpu.memref_squeeze %swap3A_901 : memref<1x128xi32, #tpu.memory_space<vmem>> -> memref<128xi32, #tpu.memory_space<vmem>>
      %swap3A_903 = arith.constant 48 : index
      %swap3A_904 = tpu.vector_load %swap3A_902[%swap3A_903] {strides = array<i32>} : memref<128xi32, #tpu.memory_space<vmem>>, vector<16xi32>,
      tpu.vector_store %swap3A_902[%swap3A_903], %select_n3A_892 {strides = array<i32>} : memref<128xi32, #tpu.memory_space<vmem>>, vector<16xi32>,
      %get3A_905 = arith.constant 1 : i32
      %get3A_906 = arith.constant 0 : i32
      %get3A_907 = tpu.memref_slice %arg6[%get3A_905, %get3A_906] : memref<2x64xi32, #tpu.memory_space<vmem>> -> memref<1x64xi32, #tpu.memory_space<vmem>>
      %get3A_908 = tpu.memref_squeeze %get3A_907 : memref<1x64xi32, #tpu.memory_space<vmem>> -> memref<64xi32, #tpu.memory_space<vmem>>
      %get3A_909 = arith.constant 32 : index
      %get3A_910 = tpu.vector_load %get3A_908[%get3A_909] {strides = array<i32>} : memref<64xi32, #tpu.memory_space<vmem>>, vector<16xi32>,
      %and3A_911 = arith.constant 65535 : i32
      %and3A_912 = vector.broadcast %and3A_911 : i32 to vector<16xi32>
      %and3A_913 = arith.andi %get3A_910, %and3A_912 : vector<16xi32>
      %sub3A_914 = arith.constant 5056 : i32
      %sub3A_915 = vector.broadcast %sub3A_914 : i32 to vector<16xi32>
      %sub3A_916 = arith.subi %and3A_913, %sub3A_915 : vector<16xi32>
      %shift_right_logical3A_917 = arith.constant 16 : i32
      %shift_right_logical3A_918 = vector.broadcast %shift_right_logical3A_917 : i32 to vector<16xi32>
      %shift_right_logical3A_919 = arith.shrui %get3A_910, %shift_right_logical3A_918 : vector<16xi32>
      %sub3A_920 = arith.constant 5056 : i32
      %sub3A_921 = vector.broadcast %sub3A_920 : i32 to vector<16xi32>
      %sub3A_922 = arith.subi %shift_right_logical3A_919, %sub3A_921 : vector<16xi32>
      %ge3A_923 = arith.constant 0 : i32
      %ge3A_924 = vector.broadcast %ge3A_923 : i32 to vector<16xi32>
      %ge3A_925 = arith.cmpi sge, %sub3A_916, %ge3A_924 : vector<16xi32>
      %lt3A_926 = arith.constant 5056 : i32
      %lt3A_927 = vector.broadcast %lt3A_926 : i32 to vector<16xi32>
      %lt3A_928 = arith.cmpi slt, %sub3A_916, %lt3A_927 : vector<16xi32>
      %and3A_929 = arith.andi %ge3A_925, %lt3A_928 : vector<16xi1>
      %jit3A_930 = arith.constant 5056 : i32
      %broadcast_in_dim3A_931 = vector.broadcast %jit3A_930 : i32 to vector<16xi32>
      %select_n3A_932 = arith.select %and3A_929, %sub3A_916, %broadcast_in_dim3A_931 : vector<16xi1>, vector<16xi32>
      %ge3A_933 = arith.constant 0 : i32
      %ge3A_934 = vector.broadcast %ge3A_933 : i32 to vector<16xi32>
      %ge3A_935 = arith.cmpi sge, %sub3A_922, %ge3A_934 : vector<16xi32>
      %lt3A_936 = arith.constant 5056 : i32
      %lt3A_937 = vector.broadcast %lt3A_936 : i32 to vector<16xi32>
      %lt3A_938 = arith.cmpi slt, %sub3A_922, %lt3A_937 : vector<16xi32>
      %and3A_939 = arith.andi %ge3A_935, %lt3A_938 : vector<16xi1>
      %jit3A_940 = arith.constant 5056 : i32
      %broadcast_in_dim3A_941 = vector.broadcast %jit3A_940 : i32 to vector<16xi32>
      %select_n3A_942 = arith.select %and3A_939, %sub3A_922, %broadcast_in_dim3A_941 : vector<16xi1>, vector<16xi32>
      %swap3A_943 = arith.constant 0 : i32
      %swap3A_944 = arith.constant 0 : i32
      %swap3A_945 = tpu.memref_slice %arg8[%swap3A_943, %swap3A_944] : memref<1x128xi32, #tpu.memory_space<vmem>> -> memref<1x128xi32, #tpu.memory_space<vmem>>
      %swap3A_946 = tpu.memref_squeeze %swap3A_945 : memref<1x128xi32, #tpu.memory_space<vmem>> -> memref<128xi32, #tpu.memory_space<vmem>>
      %swap3A_947 = arith.constant 64 : index
      %swap3A_948 = tpu.vector_load %swap3A_946[%swap3A_947] {strides = array<i32>} : memref<128xi32, #tpu.memory_space<vmem>>, vector<16xi32>,
      tpu.vector_store %swap3A_946[%swap3A_947], %select_n3A_932 {strides = array<i32>} : memref<128xi32, #tpu.memory_space<vmem>>, vector<16xi32>,
      %swap3A_949 = arith.constant 0 : i32
      %swap3A_950 = arith.constant 0 : i32
      %swap3A_951 = tpu.memref_slice %arg8[%swap3A_949, %swap3A_950] : memref<1x128xi32, #tpu.memory_space<vmem>> -> memref<1x128xi32, #tpu.memory_space<vmem>>
      %swap3A_952 = tpu.memref_squeeze %swap3A_951 : memref<1x128xi32, #tpu.memory_space<vmem>> -> memref<128xi32, #tpu.memory_space<vmem>>
      %swap3A_953 = arith.constant 80 : index
      %swap3A_954 = tpu.vector_load %swap3A_952[%swap3A_953] {strides = array<i32>} : memref<128xi32, #tpu.memory_space<vmem>>, vector<16xi32>,
      tpu.vector_store %swap3A_952[%swap3A_953], %select_n3A_942 {strides = array<i32>} : memref<128xi32, #tpu.memory_space<vmem>>, vector<16xi32>,
      %get3A_955 = arith.constant 1 : i32
      %get3A_956 = arith.constant 0 : i32
      %get3A_957 = tpu.memref_slice %arg6[%get3A_955, %get3A_956] : memref<2x64xi32, #tpu.memory_space<vmem>> -> memref<1x64xi32, #tpu.memory_space<vmem>>
      %get3A_958 = tpu.memref_squeeze %get3A_957 : memref<1x64xi32, #tpu.memory_space<vmem>> -> memref<64xi32, #tpu.memory_space<vmem>>
      %get3A_959 = arith.constant 48 : index
      %get3A_960 = tpu.vector_load %get3A_958[%get3A_959] {strides = array<i32>} : memref<64xi32, #tpu.memory_space<vmem>>, vector<16xi32>,
      %and3A_961 = arith.constant 65535 : i32
      %and3A_962 = vector.broadcast %and3A_961 : i32 to vector<16xi32>
      %and3A_963 = arith.andi %get3A_960, %and3A_962 : vector<16xi32>
      %sub3A_964 = arith.constant 5056 : i32
      %sub3A_965 = vector.broadcast %sub3A_964 : i32 to vector<16xi32>
      %sub3A_966 = arith.subi %and3A_963, %sub3A_965 : vector<16xi32>
      %shift_right_logical3A_967 = arith.constant 16 : i32
      %shift_right_logical3A_968 = vector.broadcast %shift_right_logical3A_967 : i32 to vector<16xi32>
      %shift_right_logical3A_969 = arith.shrui %get3A_960, %shift_right_logical3A_968 : vector<16xi32>
      %sub3A_970 = arith.constant 5056 : i32
      %sub3A_971 = vector.broadcast %sub3A_970 : i32 to vector<16xi32>
      %sub3A_972 = arith.subi %shift_right_logical3A_969, %sub3A_971 : vector<16xi32>
      %ge3A_973 = arith.constant 0 : i32
      %ge3A_974 = vector.broadcast %ge3A_973 : i32 to vector<16xi32>
      %ge3A_975 = arith.cmpi sge, %sub3A_966, %ge3A_974 : vector<16xi32>
      %lt3A_976 = arith.constant 5056 : i32
      %lt3A_977 = vector.broadcast %lt3A_976 : i32 to vector<16xi32>
      %lt3A_978 = arith.cmpi slt, %sub3A_966, %lt3A_977 : vector<16xi32>
      %and3A_979 = arith.andi %ge3A_975, %lt3A_978 : vector<16xi1>
      %jit3A_980 = arith.constant 5056 : i32
      %broadcast_in_dim3A_981 = vector.broadcast %jit3A_980 : i32 to vector<16xi32>
      %select_n3A_982 = arith.select %and3A_979, %sub3A_966, %broadcast_in_dim3A_981 : vector<16xi1>, vector<16xi32>
      %ge3A_983 = arith.constant 0 : i32
      %ge3A_984 = vector.broadcast %ge3A_983 : i32 to vector<16xi32>
      %ge3A_985 = arith.cmpi sge, %sub3A_972, %ge3A_984 : vector<16xi32>
      %lt3A_986 = arith.constant 5056 : i32
      %lt3A_987 = vector.broadcast %lt3A_986 : i32 to vector<16xi32>
      %lt3A_988 = arith.cmpi slt, %sub3A_972, %lt3A_987 : vector<16xi32>
      %and3A_989 = arith.andi %ge3A_985, %lt3A_988 : vector<16xi1>
      %jit3A_990 = arith.constant 5056 : i32
      %broadcast_in_dim3A_991 = vector.broadcast %jit3A_990 : i32 to vector<16xi32>
      %select_n3A_992 = arith.select %and3A_989, %sub3A_972, %broadcast_in_dim3A_991 : vector<16xi1>, vector<16xi32>
      %swap3A_993 = arith.constant 0 : i32
      %swap3A_994 = arith.constant 0 : i32
      %swap3A_995 = tpu.memref_slice %arg8[%swap3A_993, %swap3A_994] : memref<1x128xi32, #tpu.memory_space<vmem>> -> memref<1x128xi32, #tpu.memory_space<vmem>>
      %swap3A_996 = tpu.memref_squeeze %swap3A_995 : memref<1x128xi32, #tpu.memory_space<vmem>> -> memref<128xi32, #tpu.memory_space<vmem>>
      %swap3A_997 = arith.constant 96 : index
      %swap3A_998 = tpu.vector_load %swap3A_996[%swap3A_997] {strides = array<i32>} : memref<128xi32, #tpu.memory_space<vmem>>, vector<16xi32>,
      tpu.vector_store %swap3A_996[%swap3A_997], %select_n3A_982 {strides = array<i32>} : memref<128xi32, #tpu.memory_space<vmem>>, vector<16xi32>,
      %swap3A_999 = arith.constant 0 : i32
      %swap3A_1000 = arith.constant 0 : i32
      %swap3A_1001 = tpu.memref_slice %arg8[%swap3A_999, %swap3A_1000] : memref<1x128xi32, #tpu.memory_space<vmem>> -> memref<1x128xi32, #tpu.memory_space<vmem>>
      %swap3A_1002 = tpu.memref_squeeze %swap3A_1001 : memref<1x128xi32, #tpu.memory_space<vmem>> -> memref<128xi32, #tpu.memory_space<vmem>>
      %swap3A_1003 = arith.constant 112 : index
      %swap3A_1004 = tpu.vector_load %swap3A_1002[%swap3A_1003] {strides = array<i32>} : memref<128xi32, #tpu.memory_space<vmem>>, vector<16xi32>,
      tpu.vector_store %swap3A_1002[%swap3A_1003], %select_n3A_992 {strides = array<i32>} : memref<128xi32, #tpu.memory_space<vmem>>, vector<16xi32>,
      %run_scoped3A_1005 = arith.constant 0 : i32
      "tpu.region"() ({
        %run_scoped3A_1012 = tpu.sem_alloc : memref<!tpu.dma_semaphore, #tpu.memory_space<semaphore_mem>>
        %dma_start3A_1013 = arith.constant 0 : i32
        %dma_start3A_1014 = tpu.memref_slice %arg7[%run_scoped3A_1005, %dma_start3A_1013] : memref<1x128xi32, #tpu.memory_space<vmem>> -> memref<1x128xi32, #tpu.memory_space<vmem>>
        %dma_start3A_1015 = tpu.memref_squeeze %dma_start3A_1014 : memref<1x128xi32, #tpu.memory_space<vmem>> -> memref<128xi32, #tpu.memory_space<vmem>>
        %dma_start3A_1016 = arith.constant 0 : i32
        %dma_start3A_1017 = arith.constant 0 : i32
        %dma_start3A_1018 = tpu.memref_slice %arg11[%dma_start3A_1016, %dma_start3A_1017] : memref<5120x16xf32, #tpu.memory_space<vmem_shared>> -> memref<5120x16xf32, #tpu.memory_space<vmem_shared>>
        tpu.enqueue_indirect_dma source(%arg9 : memref<128x16xf32, #tpu.memory_space<vmem>>) target(%dma_start3A_1018 : memref<5120x16xf32, #tpu.memory_space<vmem_shared>>) offsets(%dma_start3A_1015 : memref<128xi32, #tpu.memory_space<vmem>>) semaphore(%run_scoped3A_1012 : memref<!tpu.dma_semaphore, #tpu.memory_space<semaphore_mem>>) {add = true}
        %dma_wait3A_1019 = arith.constant 0 : i32
        %dma_wait3A_1020 = tpu.memref_slice %arg7[%run_scoped3A_1005, %dma_wait3A_1019] : memref<1x128xi32, #tpu.memory_space<vmem>> -> memref<1x128xi32, #tpu.memory_space<vmem>>
        %dma_wait3A_1021 = tpu.memref_squeeze %dma_wait3A_1020 : memref<1x128xi32, #tpu.memory_space<vmem>> -> memref<128xi32, #tpu.memory_space<vmem>>
        %dma_wait3A_1022 = arith.constant 0 : i32
        %dma_wait3A_1023 = arith.constant 0 : i32
        %dma_wait3A_1024 = tpu.memref_slice %arg11[%dma_wait3A_1022, %dma_wait3A_1023] : memref<5120x16xf32, #tpu.memory_space<vmem_shared>> -> memref<5120x16xf32, #tpu.memory_space<vmem_shared>>
        tpu.wait_indirect_dma semaphore(%run_scoped3A_1012 : memref<!tpu.dma_semaphore, #tpu.memory_space<semaphore_mem>>) src(%arg9 : memref<128x16xf32, #tpu.memory_space<vmem>>) dst(%dma_wait3A_1024 : memref<5120x16xf32, #tpu.memory_space<vmem_shared>>)
        tpu.yield
      }) : () -> ()
      %run_scoped3A_1006 = arith.constant 0 : i32
      "tpu.region"() ({
        %run_scoped3A_1012 = tpu.sem_alloc : memref<!tpu.dma_semaphore, #tpu.memory_space<semaphore_mem>>
        %dma_start3A_1013 = arith.constant 0 : i32
        %dma_start3A_1014 = tpu.memref_slice %arg8[%run_scoped3A_1006, %dma_start3A_1013] : memref<1x128xi32, #tpu.memory_space<vmem>> -> memref<1x128xi32, #tpu.memory_space<vmem>>
        %dma_start3A_1015 = tpu.memref_squeeze %dma_start3A_1014 : memref<1x128xi32, #tpu.memory_space<vmem>> -> memref<128xi32, #tpu.memory_space<vmem>>
        %dma_start3A_1016 = arith.constant 0 : i32
        %dma_start3A_1017 = arith.constant 0 : i32
        %dma_start3A_1018 = tpu.memref_slice %arg11[%dma_start3A_1016, %dma_start3A_1017] : memref<5120x16xf32, #tpu.memory_space<vmem_shared>> -> memref<5120x16xf32, #tpu.memory_space<vmem_shared>>
        tpu.enqueue_indirect_dma source(%arg10 : memref<128x16xf32, #tpu.memory_space<vmem>>) target(%dma_start3A_1018 : memref<5120x16xf32, #tpu.memory_space<vmem_shared>>) offsets(%dma_start3A_1015 : memref<128xi32, #tpu.memory_space<vmem>>) semaphore(%run_scoped3A_1012 : memref<!tpu.dma_semaphore, #tpu.memory_space<semaphore_mem>>) {add = true}
        %dma_wait3A_1019 = arith.constant 0 : i32
        %dma_wait3A_1020 = tpu.memref_slice %arg8[%run_scoped3A_1006, %dma_wait3A_1019] : memref<1x128xi32, #tpu.memory_space<vmem>> -> memref<1x128xi32, #tpu.memory_space<vmem>>
        %dma_wait3A_1021 = tpu.memref_squeeze %dma_wait3A_1020 : memref<1x128xi32, #tpu.memory_space<vmem>> -> memref<128xi32, #tpu.memory_space<vmem>>
        %dma_wait3A_1022 = arith.constant 0 : i32
        %dma_wait3A_1023 = arith.constant 0 : i32
        %dma_wait3A_1024 = tpu.memref_slice %arg11[%dma_wait3A_1022, %dma_wait3A_1023] : memref<5120x16xf32, #tpu.memory_space<vmem_shared>> -> memref<5120x16xf32, #tpu.memory_space<vmem_shared>>
        tpu.wait_indirect_dma semaphore(%run_scoped3A_1012 : memref<!tpu.dma_semaphore, #tpu.memory_space<semaphore_mem>>) src(%arg10 : memref<128x16xf32, #tpu.memory_space<vmem>>) dst(%dma_wait3A_1024 : memref<5120x16xf32, #tpu.memory_space<vmem_shared>>)
        tpu.yield
      }) : () -> ()
      %lt3A_1007 = arith.constant 80 : i32
      %lt3A_1008 = arith.cmpi slt, %add3A_599, %lt3A_1007 : i32
      %convert_element_type3A_1009 = arith.extui %lt3A_1008 : i1 to i32
      %cond3A_1010 = arith.constant 0 : i32
      %cond3A_1011 = arith.cmpi ne, %convert_element_type3A_1009, %cond3A_1010 : i32
      scf.if %cond3A_1011 {
        %dma_wait3A_1012 = arith.constant 0 : i32
        %dma_wait3A_1013 = arith.constant 0 : i32
        %dma_wait3A_1014 = tpu.memref_slice %arg5[%dma_wait3A_1012, %dma_wait3A_1013] : memref<2x64xi32, #tpu.memory_space<vmem>> -> memref<1x64xi32, #tpu.memory_space<vmem>>
        %dma_wait3A_1015 = tpu.memref_squeeze %dma_wait3A_1014 : memref<1x64xi32, #tpu.memory_space<vmem>> -> memref<64xi32, #tpu.memory_space<vmem>>
        %dma_wait3A_1016 = arith.constant 0 : i32
        %dma_wait3A_1017 = tpu.memref_slice %arg2[%add3A, %add3A_599, %dma_wait3A_1016] : memref<32x80x64xi32, #tpu.memory_space<hbm>> -> memref<1x1x64xi32, #tpu.memory_space<hbm>>
        %dma_wait3A_1018 = tpu.memref_squeeze %dma_wait3A_1017 : memref<1x1x64xi32, #tpu.memory_space<hbm>> -> memref<64xi32, #tpu.memory_space<hbm>>
        %dma_wait3A_1019 = arith.constant 0 : i32
        %dma_wait3A_1020 = tpu.memref_slice %arg5[%dma_wait3A_1012, %dma_wait3A_1019] : memref<2x64xi32, #tpu.memory_space<vmem>> -> memref<1x64xi32, #tpu.memory_space<vmem>>
        %dma_wait3A_1021 = tpu.memref_squeeze %dma_wait3A_1020 : memref<1x64xi32, #tpu.memory_space<vmem>> -> memref<64xi32, #tpu.memory_space<vmem>>
        %dma_wait3A_1022 = arith.constant 0 : i32
        %dma_wait3A_1023 = tpu.memref_slice %arg2[%add3A, %add3A_599, %dma_wait3A_1022] : memref<32x80x64xi32, #tpu.memory_space<hbm>> -> memref<1x1x64xi32, #tpu.memory_space<hbm>>
        %dma_wait3A_1024 = tpu.memref_squeeze %dma_wait3A_1023 : memref<1x1x64xi32, #tpu.memory_space<hbm>> -> memref<64xi32, #tpu.memory_space<hbm>>
        tpu.wait_dma2 semaphore(%arg12 : memref<!tpu.dma_semaphore, #tpu.memory_space<semaphore_mem>>) src(%dma_wait3A_1024 : memref<64xi32, #tpu.memory_space<hbm>>) dst(%dma_wait3A_1021 : memref<64xi32, #tpu.memory_space<vmem>>)
        %dma_wait3A_1025 = arith.constant 0 : i32
        %dma_wait3A_1026 = arith.constant 0 : i32
        %dma_wait3A_1027 = tpu.memref_slice %arg6[%dma_wait3A_1025, %dma_wait3A_1026] : memref<2x64xi32, #tpu.memory_space<vmem>> -> memref<1x64xi32, #tpu.memory_space<vmem>>
        %dma_wait3A_1028 = tpu.memref_squeeze %dma_wait3A_1027 : memref<1x64xi32, #tpu.memory_space<vmem>> -> memref<64xi32, #tpu.memory_space<vmem>>
        %dma_wait3A_1029 = arith.constant 0 : i32
        %dma_wait3A_1030 = tpu.memref_slice %arg3[%add3A, %add3A_599, %dma_wait3A_1029] : memref<32x80x64xi32, #tpu.memory_space<hbm>> -> memref<1x1x64xi32, #tpu.memory_space<hbm>>
        %dma_wait3A_1031 = tpu.memref_squeeze %dma_wait3A_1030 : memref<1x1x64xi32, #tpu.memory_space<hbm>> -> memref<64xi32, #tpu.memory_space<hbm>>
        %dma_wait3A_1032 = arith.constant 0 : i32
        %dma_wait3A_1033 = tpu.memref_slice %arg6[%dma_wait3A_1025, %dma_wait3A_1032] : memref<2x64xi32, #tpu.memory_space<vmem>> -> memref<1x64xi32, #tpu.memory_space<vmem>>
        %dma_wait3A_1034 = tpu.memref_squeeze %dma_wait3A_1033 : memref<1x64xi32, #tpu.memory_space<vmem>> -> memref<64xi32, #tpu.memory_space<vmem>>
        %dma_wait3A_1035 = arith.constant 0 : i32
        %dma_wait3A_1036 = tpu.memref_slice %arg3[%add3A, %add3A_599, %dma_wait3A_1035] : memref<32x80x64xi32, #tpu.memory_space<hbm>> -> memref<1x1x64xi32, #tpu.memory_space<hbm>>
        %dma_wait3A_1037 = tpu.memref_squeeze %dma_wait3A_1036 : memref<1x1x64xi32, #tpu.memory_space<hbm>> -> memref<64xi32, #tpu.memory_space<hbm>>
        tpu.wait_dma2 semaphore(%arg12 : memref<!tpu.dma_semaphore, #tpu.memory_space<semaphore_mem>>) src(%dma_wait3A_1037 : memref<64xi32, #tpu.memory_space<hbm>>) dst(%dma_wait3A_1034 : memref<64xi32, #tpu.memory_space<vmem>>)
      } else {
      }
    }
    %scan3A_180 = arith.constant 40 : i32
    %barrier3A_181 = arith.constant 0 : index
    tpu.barrier barrier_id(%barrier3A_181)
    %run_scoped3A_182 = arith.constant 1 : i32
    "tpu.region"() ({
      %run_scoped3A_183 = tpu.sem_alloc : memref<!tpu.dma_semaphore, #tpu.memory_space<semaphore_mem>>
      %dma_start3A_184 = arith.constant 0 : i32
      %dma_start3A_185 = tpu.memref_slice %arg4[%arg0, %run_scoped3A_182, %mul3A_16, %dma_start3A_184] : memref<2x2x5120x16xf32, #tpu.memory_space<hbm>> -> memref<1x1x320x16xf32, #tpu.memory_space<hbm>>
      %dma_start3A_186 = tpu.memref_squeeze %dma_start3A_185 : memref<1x1x320x16xf32, #tpu.memory_space<hbm>> -> memref<320x16xf32, #tpu.memory_space<hbm>>
      %dma_start3A_187 = arith.constant 0 : i32
      %dma_start3A_188 = tpu.memref_slice %arg11[%mul3A_16, %dma_start3A_187] : memref<5120x16xf32, #tpu.memory_space<vmem_shared>> -> memref<320x16xf32, #tpu.memory_space<vmem_shared>>
      tpu.enqueue_dma source(%dma_start3A_188 : memref<320x16xf32, #tpu.memory_space<vmem_shared>>) target(%dma_start3A_186 : memref<320x16xf32, #tpu.memory_space<hbm>>) target_semaphore(%run_scoped3A_183 : memref<!tpu.dma_semaphore, #tpu.memory_space<semaphore_mem>>)
      %dma_wait3A_189 = arith.constant 0 : i32
      %dma_wait3A_190 = tpu.memref_slice %arg4[%arg0, %run_scoped3A_182, %mul3A_16, %dma_wait3A_189] : memref<2x2x5120x16xf32, #tpu.memory_space<hbm>> -> memref<1x1x320x16xf32, #tpu.memory_space<hbm>>
      %dma_wait3A_191 = tpu.memref_squeeze %dma_wait3A_190 : memref<1x1x320x16xf32, #tpu.memory_space<hbm>> -> memref<320x16xf32, #tpu.memory_space<hbm>>
      %dma_wait3A_192 = arith.constant 0 : i32
      %dma_wait3A_193 = tpu.memref_slice %arg11[%mul3A_16, %dma_wait3A_192] : memref<5120x16xf32, #tpu.memory_space<vmem_shared>> -> memref<320x16xf32, #tpu.memory_space<vmem_shared>>
      tpu.wait_dma2 semaphore(%run_scoped3A_183 : memref<!tpu.dma_semaphore, #tpu.memory_space<semaphore_mem>>) src(%dma_wait3A_193 : memref<320x16xf32, #tpu.memory_space<vmem_shared>>) dst(%dma_wait3A_191 : memref<320x16xf32, #tpu.memory_space<hbm>>)
      tpu.yield
    }) : () -> ()
    return
  }
}

module attributes {stable_mosaic.version = 14 : i64} {
  func.func @_norm_body(%arg0: memref<2x2x5120x16xf32, #tpu.memory_space<vmem>>, %arg1: memref<10112xf32, #tpu.memory_space<vmem>>, %arg2: memref<10112xf32, #tpu.memory_space<vmem>>) attributes {dimension_semantics = [], scalar_prefetch = 0 : i64, scratch_operands = 0 : i64, tpu.core_type = #tpu.core_type<tc>} {
    %get3A = arith.constant 0 : index
    %get3A_0 = arith.constant 0 : index
    %get3A_1 = arith.constant 0 : index
    %get3A_2 = arith.constant 0 : index
    %get3A_3 = vector.load %arg0[%get3A, %get3A_0, %get3A_1, %get3A_2] : memref<2x2x5120x16xf32, #tpu.memory_space<vmem>>, vector<2x2x5120x16xf32>
    %slice3A = vector.extract_strided_slice %get3A_3 {offsets = [0, 0, 0, 0], sizes = [2, 1, 5056, 16], strides = [1, 1, 1, 1]} : vector<2x2x5120x16xf32> to vector<2x1x5056x16xf32>
    %squeeze3A = vector.shape_cast %slice3A : vector<2x1x5056x16xf32> to vector<2x5056x16xf32>
    %slice3A_4 = vector.extract_strided_slice %get3A_3 {offsets = [0, 1, 0, 0], sizes = [2, 1, 5056, 16], strides = [1, 1, 1, 1]} : vector<2x2x5120x16xf32> to vector<2x1x5056x16xf32>
    %squeeze3A_5 = vector.shape_cast %slice3A_4 : vector<2x1x5056x16xf32> to vector<2x5056x16xf32>
    %concatenate3A = tpu.concatenate %squeeze3A, %squeeze3A_5 in 1 : vector<2x5056x16xf32>, vector<2x5056x16xf32> -> vector<2x10112x16xf32>
    %slice3A_6 = vector.extract_strided_slice %concatenate3A {offsets = [0, 0, 0], sizes = [2, 10112, 8], strides = [1, 1, 1]} : vector<2x10112x16xf32> to vector<2x10112x8xf32>
    %reduce_sum3A = arith.constant dense<0.000000e+00> : vector<10112xf32>
    %reduce_sum3A_7 = vector.multi_reduction <add>, %slice3A_6, %reduce_sum3A [0, 2] : vector<2x10112x8xf32> to vector<10112xf32>
    %mul3A = arith.constant 1.250000e-01 : f32
    %mul3A_8 = vector.broadcast %mul3A : f32 to vector<10112xf32>
    %mul3A_9 = arith.mulf %reduce_sum3A_7, %mul3A_8 : vector<10112xf32>
    %slice3A_10 = vector.extract_strided_slice %concatenate3A {offsets = [0, 0, 8], sizes = [2, 10112, 8], strides = [1, 1, 1]} : vector<2x10112x16xf32> to vector<2x10112x8xf32>
    %reduce_sum3A_11 = arith.constant dense<0.000000e+00> : vector<10112xf32>
    %reduce_sum3A_12 = vector.multi_reduction <add>, %slice3A_10, %reduce_sum3A_11 [0, 2] : vector<2x10112x8xf32> to vector<10112xf32>
    %mul3A_13 = arith.constant 1.250000e-01 : f32
    %mul3A_14 = vector.broadcast %mul3A_13 : f32 to vector<10112xf32>
    %mul3A_15 = arith.mulf %reduce_sum3A_12, %mul3A_14 : vector<10112xf32>
    %max3A = arith.constant 1.000000e+00 : f32
    %max3A_16 = vector.broadcast %max3A : f32 to vector<10112xf32>
    %max3A_17 = arith.maximumf %mul3A_9, %max3A_16 : vector<10112xf32>
    %rsqrt3A = math.rsqrt %max3A_17 : vector<10112xf32>
    %swap3A = arith.constant 0 : index
    %swap3A_18 = vector.load %arg1[%swap3A] : memref<10112xf32, #tpu.memory_space<vmem>>, vector<10112xf32>
    tpu.vector_store %arg1[%swap3A], %rsqrt3A {strides = array<i32>} : memref<10112xf32, #tpu.memory_space<vmem>>, vector<10112xf32>,
    %max3A_19 = arith.constant 1.000000e+00 : f32
    %max3A_20 = vector.broadcast %max3A_19 : f32 to vector<10112xf32>
    %max3A_21 = arith.maximumf %mul3A_15, %max3A_20 : vector<10112xf32>
    %rsqrt3A_22 = math.rsqrt %max3A_21 : vector<10112xf32>
    %swap3A_23 = arith.constant 0 : index
    %swap3A_24 = vector.load %arg2[%swap3A_23] : memref<10112xf32, #tpu.memory_space<vmem>>, vector<10112xf32>
    tpu.vector_store %arg2[%swap3A_23], %rsqrt3A_22 {strides = array<i32>} : memref<10112xf32, #tpu.memory_space<vmem>>, vector<10112xf32>,
    return
  }
}

module attributes {stable_mosaic.version = 14 : i64} {
  func.func @_scale_body(%arg0: i32, %arg1: memref<2528x128xf32, #tpu.memory_space<vmem>>, %arg2: memref<2528x1xf32, #tpu.memory_space<vmem>>, %arg3: memref<2528x128xf32, #tpu.memory_space<vmem>>) attributes {dimension_semantics = [#tpu.dimension_semantics<arbitrary>], iteration_bounds = array<i64: 4>, scalar_prefetch = 0 : i64, scratch_operands = 0 : i64, tpu.core_type = #tpu.core_type<tc>, window_params = [{transform_indices = @transform_0, window_bounds = array<i64: 2528, 128>}, {transform_indices = @transform_1, window_bounds = array<i64: 2528, 1>}, {transform_indices = @transform_2, window_bounds = array<i64: 2528, 128>}]} {
    %get3A = arith.constant 0 : index
    %get3A_0 = arith.constant 0 : index
    %get3A_1 = vector.load %arg1[%get3A, %get3A_0] : memref<2528x128xf32, #tpu.memory_space<vmem>>, vector<2528x128xf32>
    %get3A_2 = arith.constant 0 : index
    %get3A_3 = arith.constant 0 : index
    %get3A_4 = vector.load %arg2[%get3A_2, %get3A_3] : memref<2528x1xf32, #tpu.memory_space<vmem>>, vector<2528x1xf32>
    %mul3A = vector.broadcast %get3A_4 : vector<2528x1xf32> to vector<2528x128xf32>
    %mul3A_5 = arith.mulf %get3A_1, %mul3A : vector<2528x128xf32>
    %swap3A = arith.constant 0 : index
    %swap3A_6 = arith.constant 0 : index
    %swap3A_7 = vector.load %arg3[%swap3A, %swap3A_6] : memref<2528x128xf32, #tpu.memory_space<vmem>>, vector<2528x128xf32>
    tpu.vector_store %arg3[%swap3A, %swap3A_6], %mul3A_5 {strides = array<i32>} : memref<2528x128xf32, #tpu.memory_space<vmem>>, vector<2528x128xf32>,
    return
  }
  func.func @transform_0(%arg0: i32) -> (i32, i32) {
    %c0_i32 = arith.constant 0 : i32
    %c0_i32_0 = arith.constant 0 : i32
    return %arg0, %c0_i32 : i32, i32
  }
  func.func @transform_1(%arg0: i32) -> (i32, i32) {
    %c0_i32 = arith.constant 0 : i32
    %c0_i32_0 = arith.constant 0 : i32
    return %arg0, %c0_i32 : i32, i32
  }
  func.func @transform_2(%arg0: i32) -> (i32, i32) {
    %c0_i32 = arith.constant 0 : i32
    %c0_i32_0 = arith.constant 0 : i32
    return %arg0, %c0_i32 : i32, i32
  }
}

module attributes {stable_mosaic.version = 14 : i64} {
  func.func @_layer_body(%arg0: i32, %arg1: memref<2x2528x128xf32, #tpu.memory_space<vmem>>, %arg2: memref<2528x1xf32, #tpu.memory_space<vmem>>, %arg3: memref<2528x1xf32, #tpu.memory_space<vmem>>, %arg4: memref<128x128xf32, #tpu.memory_space<vmem>>, %arg5: memref<1x128xf32, #tpu.memory_space<vmem>>, %arg6: memref<1x1xf32, #tpu.memory_space<vmem>>, %arg7: memref<2528x128xf32, #tpu.memory_space<vmem>>) attributes {dimension_semantics = [#tpu.dimension_semantics<arbitrary>], iteration_bounds = array<i64: 4>, scalar_prefetch = 0 : i64, scratch_operands = 0 : i64, tpu.core_type = #tpu.core_type<tc>, window_params = [{transform_indices = @transform_0, window_bounds = array<i64: 2, 2528, 128>}, {transform_indices = @transform_1, window_bounds = array<i64: 2528, 1>}, {transform_indices = @transform_2, window_bounds = array<i64: 2528, 1>}, {pipeline_mode = #tpu.pipeline_mode<synchronous>, transform_indices = @transform_3, window_bounds = array<i64: 128, 128>}, {pipeline_mode = #tpu.pipeline_mode<synchronous>, transform_indices = @transform_4, window_bounds = array<i64: 1, 128>}, {pipeline_mode = #tpu.pipeline_mode<synchronous>, transform_indices = @transform_5, window_bounds = array<i64: 1, 1>}, {transform_indices = @transform_6, window_bounds = array<i64: 2528, 128>}]} {
    %get3A = arith.constant 0 : index
    %get3A_0 = arith.constant 0 : index
    %get3A_1 = arith.constant 0 : index
    %get3A_2 = vector.load %arg1[%get3A, %get3A_0, %get3A_1] : memref<2x2528x128xf32, #tpu.memory_space<vmem>>, vector<1x2528x128xf32>
    %get3A_3 = vector.shape_cast %get3A_2 : vector<1x2528x128xf32> to vector<2528x128xf32>
    %get3A_4 = arith.constant 1 : index
    %get3A_5 = arith.constant 0 : index
    %get3A_6 = arith.constant 0 : index
    %get3A_7 = vector.load %arg1[%get3A_4, %get3A_5, %get3A_6] : memref<2x2528x128xf32, #tpu.memory_space<vmem>>, vector<1x2528x128xf32>
    %get3A_8 = vector.shape_cast %get3A_7 : vector<1x2528x128xf32> to vector<2528x128xf32>
    %add3A = arith.addf %get3A_3, %get3A_8 : vector<2528x128xf32>
    %get3A_9 = arith.constant 0 : index
    %get3A_10 = arith.constant 0 : index
    %get3A_11 = vector.load %arg2[%get3A_9, %get3A_10] : memref<2528x1xf32, #tpu.memory_space<vmem>>, vector<2528x1xf32>
    %mul3A = vector.broadcast %get3A_11 : vector<2528x1xf32> to vector<2528x128xf32>
    %mul3A_12 = arith.mulf %add3A, %mul3A : vector<2528x128xf32>
    %get3A_13 = arith.constant 0 : index
    %get3A_14 = arith.constant 0 : index
    %get3A_15 = vector.load %arg4[%get3A_13, %get3A_14] : memref<128x128xf32, #tpu.memory_space<vmem>>, vector<128x128xf32>
    %dot_general3A = arith.constant dense<0.000000e+00> : vector<2528x128xf32>
    %dot_general3A_16 = tpu.matmul %mul3A_12, %get3A_15, %dot_general3A {dimension_numbers = #tpu.dot_dimension_numbers<[1], [0], [0], [1], [0, 0, 1, 1], [], []>, precision = #tpu.contract_precision<fp32>, transpose_lhs_hint = false} : vector<2528x128xf32>, vector<128x128xf32>, vector<2528x128xf32> -> vector<2528x128xf32>
    %get3A_17 = arith.constant 0 : index
    %get3A_18 = arith.constant 0 : index
    %get3A_19 = vector.load %arg5[%get3A_17, %get3A_18] : memref<1x128xf32, #tpu.memory_space<vmem>>, vector<1x128xf32>
    %add3A_20 = vector.broadcast %get3A_19 : vector<1x128xf32> to vector<2528x128xf32>
    %add3A_21 = arith.addf %dot_general3A_16, %add3A_20 : vector<2528x128xf32>
    %max3A = arith.constant 0.000000e+00 : f32
    %max3A_22 = vector.broadcast %max3A : f32 to vector<2528x128xf32>
    %max3A_23 = arith.maximumf %add3A_21, %max3A_22 : vector<2528x128xf32>
    %get3A_24 = arith.constant 0 : index
    %get3A_25 = arith.constant 0 : index
    %get3A_26 = vector.load %arg3[%get3A_24, %get3A_25] : memref<2528x1xf32, #tpu.memory_space<vmem>>, vector<2528x1xf32>
    %mul3A_27 = vector.broadcast %get3A_26 : vector<2528x1xf32> to vector<2528x128xf32>
    %mul3A_28 = arith.mulf %max3A_23, %mul3A_27 : vector<2528x128xf32>
    %get3A_29 = arith.constant 0 : index
    %get3A_30 = arith.constant 0 : index
    %get3A_31 = vector.load %arg6[%get3A_29, %get3A_30] : memref<1x1xf32, #tpu.memory_space<vmem>>, vector<1x1xf32>
    %get3A_32 = vector.extract %get3A_31[0, 0] : f32 from vector<1x1xf32>
    %gt3A = arith.constant 5.000000e-01 : f32
    %gt3A_33 = arith.cmpf ogt, %get3A_32, %gt3A : f32
    %select_n3A = arith.select %gt3A_33, %add3A_21, %mul3A_28 : vector<2528x128xf32>
    %swap3A = arith.constant 0 : index
    %swap3A_34 = arith.constant 0 : index
    %swap3A_35 = vector.load %arg7[%swap3A, %swap3A_34] : memref<2528x128xf32, #tpu.memory_space<vmem>>, vector<2528x128xf32>
    tpu.vector_store %arg7[%swap3A, %swap3A_34], %select_n3A {strides = array<i32>} : memref<2528x128xf32, #tpu.memory_space<vmem>>, vector<2528x128xf32>,
    return
  }
  func.func @transform_0(%arg0: i32) -> (i32, i32, i32) {
    %c0_i32 = arith.constant 0 : i32
    %c0_i32_0 = arith.constant 0 : i32
    %c0_i32_1 = arith.constant 0 : i32
    return %c0_i32, %arg0, %c0_i32_0 : i32, i32, i32
  }
  func.func @transform_1(%arg0: i32) -> (i32, i32) {
    %c0_i32 = arith.constant 0 : i32
    %c0_i32_0 = arith.constant 0 : i32
    return %arg0, %c0_i32 : i32, i32
  }
  func.func @transform_2(%arg0: i32) -> (i32, i32) {
    %c0_i32 = arith.constant 0 : i32
    %c0_i32_0 = arith.constant 0 : i32
    return %arg0, %c0_i32 : i32, i32
  }
  func.func @transform_3(%arg0: i32) -> (i32, i32) {
    %c0_i32 = arith.constant 0 : i32
    %c0_i32_0 = arith.constant 0 : i32
    %c0_i32_1 = arith.constant 0 : i32
    return %c0_i32, %c0_i32_0 : i32, i32
  }
  func.func @transform_4(%arg0: i32) -> (i32, i32) {
    %c0_i32 = arith.constant 0 : i32
    %c0_i32_0 = arith.constant 0 : i32
    %c0_i32_1 = arith.constant 0 : i32
    return %c0_i32, %c0_i32_0 : i32, i32
  }
  func.func @transform_5(%arg0: i32) -> (i32, i32) {
    %c0_i32 = arith.constant 0 : i32
    %c0_i32_0 = arith.constant 0 : i32
    %c0_i32_1 = arith.constant 0 : i32
    return %c0_i32, %c0_i32_0 : i32, i32
  }
  func.func @transform_6(%arg0: i32) -> (i32, i32) {
    %c0_i32 = arith.constant 0 : i32
    %c0_i32_0 = arith.constant 0 : i32
    return %arg0, %c0_i32 : i32, i32
  }
}

</mosaic_0001>

<sc_bundles>
// kernel: closed_call.9.cloned.1.call-start
scs
__scs_entry_jumppad:
0x0: {  	(pc) =	sbr.rel $0x88, $3  }
0x1: {  	(tag) =	ssettag $0x0;
	lr =	simm.s32 $0x1  }
0x2: {  	[smem:$0x3F99] =	sst lr;
	_ =	strace $0xD0000000  }
0x3: {  	_ = 	snop  }
0x4: {  	_ = 	snop  }
0x5: {  	_ = 	snop  }
0x6: {  	_ = 	snop  }
0x7: {  	_ = 	snop  }
__scs_overlays_trampoline_lowered:
0x8: {  	[smem:$0x3FA8] =	sst s0  }
0x9: {  	[smem:$0x3FA9] =	sst s1  }
0xa: {  	[smem:$0x3FAA] =	sst s2  }
0xb: {  	[smem:$0x3FAB] =	sst s3  }
0xc: {  	[smem:$0x3FAC] =	sst s4  }
0xd: {  	[smem:$0x3FAD] =	sst s5  }
0xe: {  	[smem:$0x3FAE] =	sst s6  }
0xf: {  	[smem:$0x3FAF] =	sst s7  }
0x10: {  	[smem:$0x3FB0] =	sst s8  }
0x11: {  	[smem:$0x3FB1] =	sst s9;
	s0 =	simm.s32 @!p0 $0x0  }
0x12: {  	s1 =	sld [smem:$0x3F97];
	s0 =	simm.s32 @p0 $0x1  }
0x13: {  	[smem:$0x3FB2] =	sst s0;
	s0 =	simm.s32 @!p1 $0x0  }
0x14: {  	s2 =	sld [smem:$0x3F96];
	s0 =	simm.s32 @p1 $0x1  }
0x15: {  	[smem:$0x3FB3] =	sst s0;
	s0 =	simm.s32 @!p2 $0x0  }
0x16: {  	s3 =	sld [smem:$0x3FDB];
	s0 =	simm.s32 @p2 $0x1  }
0x17: {  	s4 =	simm.s32 $0x1BF5;
	[smem:$0x3FB5] =	sst s0  }
0x18: {  	s0 =	sld [smem:$0x3F98];
	_ =	swait.ge [sflag:s4], $0x0  }
0x19: {  	s7 =	sld [smem:$0x3F99]  }
0x1a: {  	s8 =	sadd.s32 $0xFFFFE003, lr  }
0x1b: {  	s9 =	sadd.s32 $0xFFFFFEF7, lr;
	s5 =	simm.s32 $0xFFFFFFFF;
	p2 =	slt.u32 s8, $0xFFFFF086  }
0x1c: {  	p1 =	slt.u32 s9, $0xF7A;
	s5 =	simm.s32 @!p2 $0x0  }
0x1d: {  	s5 =	simm.s32 @p1 $0x1;
	p0 =	seq.s32 s7, s2  }
0x1e: {  	s7 =	smul.u32 @!p0 $0xF7A, s2;
	p2 =	seq.s32 @!p0 s5, $0x0  }
0x1f: {  	s9 =	smul.u32 $0xF7A, s1;
	s8 =	simm.s32 @!p0 $0x1BF5;
	p2 =	por !p2, p0  }
0x20: {  	[sflag:s8] =	ssyncset.s32 @!p0 $0xFFFFF086;
	s6 =	sadd.s32 @!p0 s3, s7;
	s7 =	simm.s32 @!p0 $0x108  }
0x21: {  	s3 =	sadd.s32 s3, s9;
	s6 =	sadd.s32 @!p0 $0x88, s6;
	s7 =	simm.s32 @p2 $0x1082  }
0x22: {  	[simem:s7], [sflag:s8] =	dma.local @!p0 [hbm:s6], $0xF7A  }
0x23: {  	s9 =	sor.u32 $0xD0000000, s2;
	s6 =	simm.s32 $0x108;
	_ =	swait.ge @!p0 [sflag:s8], $0x0  }
0x24: {  	s3 =	sadd.s32 $0x88, s3;
	s6 =	simm.s32 @!p1 $0x1082;
	[sflag:s4] =	ssyncset.s32 $0xFFFFF086  }
0x25: {  	[simem:s6], [sflag:s4] =	dma.local [hbm:s3], $0xF7A  }
0x26: {  	[smem:$0x3F99] =	sst s1;
	(tag) =	ssettag s2;
	_ =	strace s9  }
0x27: {  	s1 =	sld [smem:$0x3FA9]  }
0x28: {  	s2 =	sld [smem:$0x3FAA]  }
0x29: {  	s4 =	sld [smem:$0x3FAC]  }
0x2a: {  	p0 =	seq.s32 s5, $0x0;
	s5 =	sld [smem:$0x3FAD]  }
0x2b: {  	s6 =	sld [smem:$0x3FAE]  }
0x2c: {  	s7 =	sld [smem:$0x3FAF]  }
0x2d: {  	s3 =	simm.s32 $0x108;
	s8 =	sld [smem:$0x3FB0]  }
0x2e: {  	s3 =	simm.s32 @!p0 $0x1082;
	s9 =	sld [smem:$0x3FB1]  }
0x2f: {  	lr =	sadd.s32 s0, s3;
	s0 =	sld [smem:$0x3FA8]  }
0x30: {  	s3 =	sld [smem:$0x3FAB]  }
0x31: {  	[smem:$0x3FB4] =	sst s10  }
0x32: {  	s10 =	sld [smem:$0x3FB2];
	_ =	sdelay $0x3  }
0x33: {  	p0 =	seq.s32 s10, $0x1;
	s10 =	sld [smem:$0x3FB4];
	_ =	sdelay $0x3  }
0x34: {  	[smem:$0x3FB4] =	sst s10  }
0x35: {  	s10 =	sld [smem:$0x3FB3];
	_ =	sdelay $0x3  }
0x36: {  	p1 =	seq.s32 s10, $0x1;
	s10 =	sld [smem:$0x3FB4];
	_ =	sdelay $0x3  }
0x37: {  	[smem:$0x3FB4] =	sst s10  }
0x38: {  	s10 =	sld [smem:$0x3FB5]  }
0x39: {  	_ = 	snop;
	(pc) =	sbr.ind lr, $3  }
0x3a: {  	_ = 	snop  }
0x3b: {  	_ = 	snop  }
0x3c: {  	p2 =	seq.s32 s10, $0x1;
	s10 =	sld [smem:$0x3FB4]  }
0x3d: {  	_ =	shalt  }
0x3e: {  	_ =	shalt  }
0x3f: {  	_ =	shalt  }
0x40: {  	_ =	shalt  }
0x41: {  	_ =	shalt  }
0x42: {  	_ =	shalt  }
0x43: {  	_ =	shalt  }
0x44: {  	_ =	shalt  }
0x45: {  	_ =	shalt  }
0x46: {  	_ =	shalt  }
0x47: {  	_ =	shalt  }
0x48: {  	_ =	shalt  }
0x49: {  	_ =	shalt  }
0x4a: {  	_ =	shalt  }
0x4b: {  	_ =	shalt  }
0x4c: {  	_ =	shalt  }
0x4d: {  	_ =	shalt  }
0x4e: {  	_ =	shalt  }
0x4f: {  	_ =	shalt  }
0x50: {  	_ =	shalt  }
0x51: {  	_ =	shalt  }
0x52: {  	_ =	shalt  }
0x53: {  	_ =	shalt  }
0x54: {  	_ =	shalt  }
0x55: {  	_ =	shalt  }
0x56: {  	_ =	shalt  }
0x57: {  	_ =	shalt  }
0x58: {  	_ =	shalt  }
0x59: {  	_ =	shalt  }
0x5a: {  	_ =	shalt  }
0x5b: {  	_ =	shalt  }
0x5c: {  	_ =	shalt  }
0x5d: {  	_ =	shalt  }
0x5e: {  	_ =	shalt  }
0x5f: {  	_ =	shalt  }
0x60: {  	_ =	shalt  }
0x61: {  	_ =	shalt  }
0x62: {  	_ =	shalt  }
0x63: {  	_ =	shalt  }
0x64: {  	_ =	shalt  }
0x65: {  	_ =	shalt  }
0x66: {  	_ =	shalt  }
0x67: {  	_ =	shalt  }
0x68: {  	_ =	shalt  }
0x69: {  	_ =	shalt  }
0x6a: {  	_ =	shalt  }
0x6b: {  	_ =	shalt  }
0x6c: {  	_ =	shalt  }
0x6d: {  	_ =	shalt  }
0x6e: {  	_ =	shalt  }
0x6f: {  	_ =	shalt  }
0x70: {  	_ =	shalt  }
0x71: {  	_ =	shalt  }
0x72: {  	_ =	shalt  }
0x73: {  	_ =	shalt  }
0x74: {  	_ =	shalt  }
0x75: {  	_ =	shalt  }
0x76: {  	_ =	shalt  }
0x77: {  	_ =	shalt  }
0x78: {  	_ =	shalt  }
0x79: {  	_ =	shalt  }
0x7a: {  	_ =	shalt  }
0x7b: {  	_ =	shalt  }
0x7c: {  	_ =	shalt  }
0x7d: {  	_ =	shalt  }
0x7e: {  	_ =	shalt  }
0x7f: {  	_ =	shalt  }
0x80: {  	_ =	shalt  }
0x81: {  	_ =	shalt  }
0x82: {  	_ =	shalt  }
0x83: {  	_ =	shalt  }
0x84: {  	_ =	shalt  }
0x85: {  	_ =	shalt  }
0x86: {  	_ =	shalt  }
0x87: {  	_ =	shalt  }
.Lfunc_end0:
.L_simem_size_0:
called_computation_lowered:
.L_overlay_start_0:
0x88: {  	s2 =	sld [smem:$0x3FD9]  }
0x89: {  	s3 =	sld [smem:$0x3FFE];
	_ =	sdelay $0x1  }
0x8a: {  	s1 =	srdreg.scid  }
0x8b: {  	s0 =	sand.u32 $0x1, s1  }
0x8c: {  	s17 =	sshll.u32 s0, $0xA;
	s2 =	sadd.s32 s3, s2  }
0x8d: {  	s2 =	sadd.s32 s2, s17  }
0x8e: {  	[smem:$0x3FC0] =	sst s2  }
0x8f: {  	_ = 	snop  }
0x90: {  	s2 =	sld [smem:$0x3FD0];
	(tm) =	ssettm $0x1  }
0x91: {  	s18 =	sld [smem:$0x3FFB];
	_ =	sdelay $0x3  }
0x92: {  	_ =	strace s18  }
0x93: {  	s3 =	sld [smem:$0x3FFC];
	_ =	sdelay $0x3  }
0x94: {  	_ =	strace s3  }
0x95: {  	s3 =	sld [smem:$0x3FFD];
	_ =	sdelay $0x3  }
0x96: {  	_ =	strace s3  }
0x97: {  	_ =	strace $0x8FFFFFFF  }
0x98: {  	s19 =	sld [smem:$0x3FDB];
	_ =	sdelay $0x1  }
0x99: {  	s4 =	simm.s32 $_scs_section_size  }
0x9a: {  	s5 =	simm.s32 $_size__tile_overlayer_lowered;
	s6 =	simm.s32 $_tile_overlayer_lowered  }
0x9b: {  	s22 =	simm.s32 $0x1BFF;
	s21 =	sshll.u32 s6, $0x1;
	s3 =	sadd.s32 s4, s19  }
0x9c: {  	s7 =	simm.s32 $0x0;
	s20 =	sshll.u32 s5, $0x1;
	s5 =	sadd.s32 s21, s3  }
0x9d: {  	[timem:s7], [sflag:s22] =	dma.local [hbm:s5], s20  }
0x9e: {  	_ =	swait.ge [sflag:s22], s20  }
0x9f: {  	s4 =	ssub.s32 $0x0, s20;
	[sflag:s22] =	ssyncset.done $0x0  }
0xa0: {  	[sflag:s22] =	ssyncadd.s32 s4;
	_ =	sdelay $0x1  }
0xa1: {  	s23 =	simm.s32 $0x1B8B  }
0xa2: {  	_ =	swait.ge [sflag:s23], $0x1  }
0xa3: {  	[sflag:s23] =	ssyncset.done $0x0  }
0xa4: {  	s25 =	simm.s32 $0x1B8E;
	s24 =	sld [smem:$0x3FFE];
	[sflag:s23] =	ssyncadd.s32 $0xFFFFFFFF  }
0xa5: {  	s26 =	simm.s32 $execute0_lowered;
	[smem:$0x3FD2] =	sst s25  }
0xa6: {  	s5 =	sshll.u32 s26, $0x1;
	_ =	strace $0x80000049;
	[dreg:$0x1] =	wrdreg $0xFFFFFFFF  }
0xa7: {  	s28 =	simm.s32 $_size_execute0_lowered;
	s3 =	sadd.s32 s3, s5;
	[dreg:$0x0] =	wrdreg $0x0  }
0xa8: {  	s5 =	sshll.u32 s28, $0x1;
	[dreg:$0x2] =	wrdreg s3  }
0xa9: {  	[dreg:$0x3] =	wrdreg s5  }
0xaa: {  	[dreg:$0x4] =	wrdreg $0xC0  }
0xab: {  	_ =	task [dreg:s7], $0x5FFFF  }
0xac: {  	[dreg:$0x1] =	wrdreg $0xFFFFFFFF  }
0xad: {  	[dreg:$0x0] =	wrdreg $0x60  }
0xae: {  	[dreg:$0x2] =	wrdreg s24  }
0xaf: {  	[dreg:$0x3] =	wrdreg s2  }
0xb0: {  	[dreg:$0x4] =	wrdreg $0x84000  }
0xb1: {  	[dreg:$0x5] =	wrdreg $0x9  }
0xb2: {  	_ =	task.clear_ibuf [dreg:s7], $0x6FFFF;
	_ =	strace $0x90000049  }
0xb3: {  	s29 =	simm.s32 $0x9;
	_ =	strace $0x8000004B  }
0xb4: {  	_ =	swait.ge [sflag:s29], $0x1  }
0xb5: {  	[sflag:s29] =	ssyncadd.s32 $0xFFFFFFFF  }
0xb6: {  	_ =	strace $0x9000004B  }
0xb7: {  	_ =	sfence  }
0xb8: {  	s30 =	sld [smem:$0x0];
	_ =	sdelay $0x2  }
0xb9: {  	s31 =	sshll.u32 s1, $0xD;
	s1 =	sshrl.u32 s1, $0x2  }
0xba: {  	s3 =	sand.u32 $0x4000, s31;
	s1 =	sadd.s32 s1, s30  }
0xbb: {  	s0 =	sor.u32 s3, s0;
	s1 =	sshll.u32 s1, $0x11  }
0xbc: {  	s0 =	sor.u32 s1, s0  }
0xbd: {  	s0 =	sadd.s32 $0x8F2B, s0  }
0xbe: {  	[sflag:s0] =	ssyncadd.remote.s32 $0x1  }
0xbf: {  	_ =	sfence.sel $0xFFFF  }
0xc0: {  	[dreg:$0x0] =	wrdreg $0xFFFFFFFF;
	(pc) =	sbr.abs _section_cstart, $3  }
0xc1: {  	[dreg:$0x1] =	wrdreg $0xFFFFFFFF  }
0xc2: {  	_ =	task.clear_ibuf [dreg:s7], $0x2FFFF;
	_ =	strace $0x9FFFFFFF  }
0xc3: {  	(tm) =	ssettm $0x7FFFFFFF  }
tec
execute0_lowered:
.L_overlay_start_1:
0x0: {  	(tag) =	ssettag $0x1  }
0x1: {  	s0 =	rddreg [dreg:$0x0]  }
0x2: {  	s1 =	rddreg [dreg:$0x1]  }
0x3: {  	s2 =	rddreg [dreg:$0x2];
	s4 =	simm.s32 $0x0;
	s3 =	srdreg.scid  }
0x4: {  	s10 =	stileid.u32;
	s19 =	simm.s32 $0x100;
	s28 =	simm.s32 $0x4400  }
0x5: {  	s29 =	simm.s32 $0x300;
	s30 =	simm.s32 $0x380;
	s31 =	simm.s32 $0x180  }
0x6: {  	[smem:$0x7FF] =	sst s4;
	s3 =	sand.u32 $0x1, s3;
	s8 =	smul.u32 $0x13C00, s10  }
0x7: {  	s5 =	sadd.s32 $0xB200, s0;
	s9 =	sshll.u32 s10, $0x1;
	s21 =	smul.u32 $0x4F000, s10  }
0x8: {  	s7 =	smul.u32 $0x13C000, s3;
	s20 =	sor.u32 s3, s9;
	s3 =	ssub.s32 $0x2, s3  }
0x9: {  	s6 =	sadd.s32 $0x1200, s0;
	_ =	strace $0x8000004A;
	s23 =	sshrl.u32 s3, $0x1  }
0xa: {  	s9 =	sshrl.u32 s21, $0x2;
	s21 =	simm.s32 $0x3;
	s7 =	sadd.s32 s8, s7  }
0xb: {  	s3 =	ssub.s32 s3, s23;
	s8 =	sadd.s32 s9, s2;
	s23 =	simm.s32 $0x80  }
0xc: {  	s22 =	sshrl.u32 s7, $0x3;
	s7 =	smul.u32 $0x2800, s20;
	s11 =	sadd.s32 $0x4000, s8  }
0xd: {  	s12 =	sadd.s32 $0x8000, s8;
	s13 =	sadd.s32 $0xC000, s8;
	s18 =	smax.u32 s3, $0x1  }
0xe: {  	s20 =	simm.s32 $0x400;
	s0 =	sadd.s32 s22, s0;
	s22 =	simm.s32 $0x1  }
.Ltmp0:
0xf: {  	s14 =	sshrl.u32 s7, $0x3;
	s17 =	sadd.s32 $0x5B400, s0;
	(pc) =	sbr.rel .LBB2_1-.Ltmp0, $4  }
0x10: {  	s0 =	simm.s32 $0x0;
	s24 =	sadd.s32 s1, s14;
	s25 =	sadd.s32 s6, s14  }
0x11: {  	s26 =	sor.u32 $0x10, s14;
	s14 =	sadd.s32 $0x10000, s8;
	[dreg:$0x4] =	wrdreg s24  }
0x12: {  	[dreg:$0x5] =	wrdreg s25;
	s15 =	sadd.s32 s1, s26;
	s16 =	sadd.s32 s6, s26  }
0x13: {  	v0 =	vimm.f32 $0.0e+00;
	s24 =	simm.s32 $0x200;
	s25 =	simm.s32 $0x2;
	s26 =	simm.s32 $0x280  }
.LBB2_8:
0x14: {  	s3 =	stileid.u32;
	s0 =	sadd.s32 $0x1, s0  }
0x15: {  	[bflag:$0x0] =	sbarrier.arrive $0xFFFF;
	s3 =	sshll.u32 s3, $0x6;
	p0 =	sne.s32 s0, s18  }
.Ltmp1:
0x16: {  	s9 =	sshrl.u32 s8, $0x3;
	s3 =	sor.u32 $0x1C03, s3;
	(pc) =	sbr.rel @!p0 .LBB2_9-.Ltmp1, $4  }
0x17: {  	[hbm:s17], [sflag:s3] =	dma.local [spmem:s9], $0x2780  }
0x18: {  	_ =	swait.ge [sflag:s21], $0x2780  }
0x19: {  	[sflag:s21] =	ssyncset.done $0x0  }
0x1a: {  	[sflag:s21] =	ssyncadd.s32 $0xFFFFD880  }
.LBB2_1:
0x1b: {  	s3 =	rddreg [dreg:$0x4]  }
0x1c: {  	[tilespmem:s4], [sflag:$0x1] =	stream.linear.gather [hbm4b:s3+s4], $0x80, $0x38;
	[tilespmem:$0x1C000] =	vst v63  }
0x1d: {  	s10 =	rddreg [dreg:$0x5];
	s9 =	simm.s32 $0x200;
	s3 =	simm.s32 $0x0  }
0x1e: {  	[tilespmem:s19], [sflag:$0x1] =	stream.linear.gather [hbm4b:s10+s4], $0x80, $0x38;
	[tilespmem:$0x1C000] =	vst v63  }
.LBB2_2:
0x1f: {  	p0 =	sne.s32 s9, $0xFE00;
	[tilespmem:s3+$0x470] =	vst v0  }
0x20: {  	[tilespmem:s3+$0x400] =	vst v0  }
0x21: {  	[tilespmem:s3+$0x410] =	vst v0  }
.Ltmp2:
0x22: {  	[tilespmem:s3+$0x420] =	vst v0;
	(pc) =	sbr.rel @p0 .LBB2_2-.Ltmp2, $4  }
0x23: {  	[tilespmem:s3+$0x430] =	vst v0  }
0x24: {  	[tilespmem:s3+$0x440] =	vst v0  }
0x25: {  	[tilespmem:s3+$0x450] =	vst v0  }
0x26: {  	[tilespmem:s3+$0x460] =	vst v0;
	s3 =	sshra.s32 s9, $0x2;
	s9 =	sadd.s32 $0x200, s9  }
0x27: {  	[tilespmem:s3+$0x470] =	vst v0  }
0x28: {  	[tilespmem:s3+$0x400] =	vst v0  }
0x29: {  	[tilespmem:s3+$0x410] =	vst v0  }
0x2a: {  	[tilespmem:s3+$0x420] =	vst v0  }
0x2b: {  	[tilespmem:s3+$0x430] =	vst v0  }
0x2c: {  	[tilespmem:s3+$0x440] =	vst v0  }
0x2d: {  	[tilespmem:s3+$0x450] =	vst v0  }
0x2e: {  	[tilespmem:s3+$0x460] =	vst v0  }
0x2f: {  	[spmem:s8] =	stream.linear.scatter [tilespmem:s20], [sflag:$0x3], $0x4000, $0x38;
	[tilespmem:$0x1C000] =	vst v63  }
0x30: {  	_ =	swait.ge [sflag:s21], $0x4000  }
0x31: {  	[sflag:s21] =	ssyncset.done $0x0  }
0x32: {  	[sflag:s21] =	ssyncadd.s32 $0xFFFFC000  }
0x33: {  	[spmem:s11] =	stream.linear.scatter [tilespmem:s20], [sflag:$0x3], $0x4000, $0x38;
	[tilespmem:$0x1C000] =	vst v63  }
0x34: {  	_ =	swait.ge [sflag:s21], $0x4000  }
0x35: {  	[sflag:s21] =	ssyncset.done $0x0  }
0x36: {  	[sflag:s21] =	ssyncadd.s32 $0xFFFFC000  }
0x37: {  	[spmem:s12] =	stream.linear.scatter [tilespmem:s20], [sflag:$0x3], $0x4000, $0x38;
	[tilespmem:$0x1C000] =	vst v63  }
0x38: {  	_ =	swait.ge [sflag:s21], $0x4000  }
0x39: {  	[sflag:s21] =	ssyncset.done $0x0  }
0x3a: {  	[sflag:s21] =	ssyncadd.s32 $0xFFFFC000  }
0x3b: {  	[spmem:s13] =	stream.linear.scatter [tilespmem:s20], [sflag:$0x3], $0x4000, $0x38;
	[tilespmem:$0x1C000] =	vst v63  }
0x3c: {  	_ =	swait.ge [sflag:s21], $0x4000  }
0x3d: {  	[sflag:s21] =	ssyncset.done $0x0  }
0x3e: {  	[sflag:s21] =	ssyncadd.s32 $0xFFFFC000  }
0x3f: {  	[spmem:s14] =	stream.linear.scatter [tilespmem:s20], [sflag:$0x3], $0x3C00, $0x38;
	[tilespmem:$0x1C000] =	vst v63  }
0x40: {  	_ =	swait.ge [sflag:s21], $0x3C00  }
0x41: {  	[sflag:s21] =	ssyncset.done $0x0  }
0x42: {  	[sflag:s21] =	ssyncadd.s32 $0xFFFFC400  }
0x43: {  	_ =	swait.ge [sflag:s22], $0x80  }
0x44: {  	[sflag:s22] =	ssyncset.done $0x0  }
0x45: {  	[sflag:s22] =	ssyncadd.s32 $0xFFFFFF80  }
0x46: {  	_ =	swait.ge [sflag:s22], $0x80  }
0x47: {  	[sflag:s22] =	ssyncset.done $0x0  }
0x48: {  	[sflag:s22] =	ssyncadd.s32 $0xFFFFFF80  }
0x49: {  	[tilespmem:s23], [sflag:$0x1] =	stream.linear.gather [hbm4b:s15+s4], $0x80, $0x38;
	[tilespmem:$0x1C000] =	vst v63  }
0x4a: {  	s3 =	simm.s32 $0x180  }
0x4b: {  	[tilespmem:s3], [sflag:$0x1] =	stream.linear.gather [hbm4b:s16+s4], $0x80, $0x38;
	[tilespmem:$0x1C000] =	vst v63  }
0x4c: {  	v1 =	vld [tilespmem:$0x0];
	_ =	sdelay $0x1  }
0x4d: {  	v2 =	vld [tilespmem:$0x10];
	_ =	sdelay $0x1  }
0x4e: {  	v3 =	vld [tilespmem:$0x20]  }
0x4f: {  	v61 =	vld [tilespmem:$0x30];
	v4 =	vand.u32 $0xFFFF, v1  }
0x50: {  	v1 =	vshrl.u32 v1, $0x10;
	[tilespmem:$0x200] =	vst v4  }
0x51: {  	[tilespmem:$0x210] =	vst v1;
	v1 =	vand.u32 $0xFFFF, v2  }
0x52: {  	v2 =	vshrl.u32 v2, $0x10;
	[tilespmem:$0x220] =	vst v1;
	v1 =	vld [tilespmem:$0x100]  }
0x53: {  	[tilespmem:$0x230] =	vst v2;
	v2 =	vand.u32 $0xFFFF, v3  }
0x54: {  	v4 =	vshrl.u32 v61, $0x10;
	[tilespmem:$0x240] =	vst v2;
	v2 =	vld [tilespmem:$0x110]  }
0x55: {  	v3 =	vshrl.u32 v3, $0x10;
	[tilespmem:$0x270] =	vst v4  }
0x56: {  	v63 =	vld [tilespmem:$0x130];
	[tilespmem:$0x250] =	vst v3;
	v3 =	vand.u32 $0xFFFF, v61  }
0x57: {  	[tilespmem:$0x260] =	vst v3;
	v3 =	vld [tilespmem:$0x120];
	v62 =	vand.u32 $0xFFFF, v1  }
0x58: {  	v1 =	vshrl.u32 v1, $0x10;
	[tilespmem:$0x300] =	vst v62  }
0x59: {  	[tilespmem:$0x310] =	vst v1;
	v1 =	vand.u32 $0xFFFF, v2  }
0x5a: {  	[tilespmem:$0x320] =	vst v1;
	v1 =	vshrl.u32 v2, $0x10  }
0x5b: {  	v2 =	vshrl.u32 v63, $0x10;
	[tilespmem:$0x330] =	vst v1  }
0x5c: {  	v1 =	vand.u32 $0xFFFF, v3;
	[tilespmem:$0x370] =	vst v2  }
.Ltmp3:
0x5d: {  	[tilespmem:$0x340] =	vst v1;
	v1 =	vshrl.u32 v3, $0x10;
	(pc) =	sbr.rel .LBB2_4-.Ltmp3, $4  }
0x5e: {  	[tilespmem:$0x350] =	vst v1;
	v1 =	vand.u32 $0xFFFF, v63  }
0x5f: {  	[tilespmem:$0x360] =	vst v1  }
0x60: {  	[bflag:$0x0] =	sbarrier.arrive $0xFFFF  }
0x61: {  	[tilespmem:s20], [sflag:$0x2] =	stream.indirect.gather [hbm4b:s5+s23], $0x80, s24, s23, $0xb8;
	[tilespmem:$0x1C000] =	vst v63  }
.LBB2_6:
0x62: {  	s9 =	sadd.s32 $0xFFFFFF80, s3  }
0x63: {  	s10 =	sand.u32 $0x7C00, s9  }
0x64: {  	s9 =	sand.u32 $0x300, s9;
	s10 =	sadd.s32 s7, s10  }
0x65: {  	s9 =	sor.u32 s9, s10  }
0x66: {  	s9 =	sshrl.u32 s9, $0x3  }
0x67: {  	s10 =	sadd.s32 s1, s9  }
0x68: {  	[tilespmem:s4], [sflag:$0x1] =	stream.linear.gather [hbm4b:s10+s4], $0x80, $0x38;
	[tilespmem:$0x1C000] =	vst v63  }
0x69: {  	s9 =	sadd.s32 s6, s9  }
0x6a: {  	[tilespmem:s19], [sflag:$0x1] =	stream.linear.gather [hbm4b:s9+s4], $0x80, $0x38;
	[tilespmem:$0x1C000] =	vst v63  }
0x6b: {  	_ = 	snop  }
0x6c: {  	[spmem:s2] =	stream.indirect.scatter.add.f32 [tilespmem:s20], [sflag:$0x3], $0x80, s29, s23, $0xb8;
	[tilespmem:$0x1C000] =	vst v63  }
0x6d: {  	_ =	swait.ge [sflag:s21], $0x4000  }
0x6e: {  	[sflag:s21] =	ssyncset.done $0x0  }
0x6f: {  	[sflag:s21] =	ssyncadd.s32 $0xFFFFC000  }
0x70: {  	_ =	swait.ge [sflag:s22], $0x80  }
0x71: {  	[sflag:s22] =	ssyncset.done $0x0  }
0x72: {  	[sflag:s22] =	ssyncadd.s32 $0xFFFFFF80  }
0x73: {  	_ =	swait.ge [sflag:s22], $0x80  }
0x74: {  	[sflag:s22] =	ssyncset.done $0x0  }
0x75: {  	[sflag:s22] =	ssyncadd.s32 $0xFFFFFF80  }
0x76: {  	v1 =	vld [tilespmem:$0x0];
	_ =	sdelay $0x1  }
0x77: {  	v2 =	vld [tilespmem:$0x10];
	_ =	sdelay $0x1  }
0x78: {  	v3 =	vld [tilespmem:$0x20]  }
0x79: {  	v61 =	vld [tilespmem:$0x30];
	v4 =	vand.u32 $0xFFFF, v1  }
0x7a: {  	v1 =	vshrl.u32 v1, $0x10;
	[tilespmem:$0x200] =	vst v4  }
0x7b: {  	[tilespmem:$0x210] =	vst v1;
	v1 =	vand.u32 $0xFFFF, v2  }
0x7c: {  	v2 =	vshrl.u32 v2, $0x10;
	[tilespmem:$0x220] =	vst v1;
	v1 =	vld [tilespmem:$0x100]  }
0x7d: {  	[tilespmem:$0x230] =	vst v2;
	v2 =	vand.u32 $0xFFFF, v3  }
0x7e: {  	v4 =	vshrl.u32 v61, $0x10;
	[tilespmem:$0x240] =	vst v2;
	v2 =	vld [tilespmem:$0x110]  }
0x7f: {  	v3 =	vshrl.u32 v3, $0x10;
	[tilespmem:$0x270] =	vst v4  }
0x80: {  	v63 =	vld [tilespmem:$0x130];
	[tilespmem:$0x250] =	vst v3;
	v3 =	vand.u32 $0xFFFF, v61  }
0x81: {  	[tilespmem:$0x260] =	vst v3;
	v3 =	vld [tilespmem:$0x120];
	v62 =	vand.u32 $0xFFFF, v1  }
0x82: {  	v1 =	vshrl.u32 v1, $0x10;
	[tilespmem:$0x300] =	vst v62  }
0x83: {  	[tilespmem:$0x310] =	vst v1;
	v1 =	vand.u32 $0xFFFF, v2  }
0x84: {  	[tilespmem:$0x320] =	vst v1;
	v1 =	vshrl.u32 v2, $0x10  }
0x85: {  	v2 =	vshrl.u32 v63, $0x10;
	[tilespmem:$0x330] =	vst v1  }
0x86: {  	v1 =	vand.u32 $0xFFFF, v3;
	[tilespmem:$0x370] =	vst v2  }
0x87: {  	[tilespmem:$0x340] =	vst v1;
	v1 =	vshrl.u32 v3, $0x10  }
0x88: {  	[tilespmem:$0x350] =	vst v1;
	v1 =	vand.u32 $0xFFFF, v63  }
0x89: {  	s10 =	sand.u32 $0x7C00, s3;
	[tilespmem:$0x360] =	vst v1  }
0x8a: {  	s9 =	sadd.s32 s7, s10;
	s10 =	sand.u32 $0x380, s3;
	_ =	swait.ge [sflag:s25], $0x4000  }
0x8b: {  	s9 =	sor.u32 s10, s9;
	[sflag:s25] =	ssyncset.done $0x0  }
0x8c: {  	s9 =	sshrl.u32 s9, $0x3;
	[sflag:s25] =	ssyncadd.s32 $0xFFFFC000  }
0x8d: {  	[tilespmem:s20], [sflag:$0x2] =	stream.indirect.gather [hbm4b:s5+s23], $0x80, s24, s23, $0xb8;
	[tilespmem:$0x1C000] =	vst v63  }
0x8e: {  	s10 =	sadd.s32 s1, s9  }
0x8f: {  	[tilespmem:s23], [sflag:$0x1] =	stream.linear.gather [hbm4b:s10+s4], $0x80, $0x38;
	[tilespmem:$0x1C000] =	vst v63  }
0x90: {  	s9 =	sadd.s32 s6, s9  }
0x91: {  	[tilespmem:s31], [sflag:$0x1] =	stream.linear.gather [hbm4b:s9+s4], $0x80, $0x38;
	[tilespmem:$0x1C000] =	vst v63  }
.LBB2_7:
0x92: {  	s3 =	sadd.s32 $0x100, s3  }
0x93: {  	p0 =	sne.s32 s3, $0x2980  }
.Ltmp4:
0x94: {  	_ = 	snop;
	(pc) =	sbr.rel @!p0 .LBB2_8-.Ltmp4, $4  }
0x95: {  	[spmem:s2] =	stream.indirect.scatter.add.f32 [tilespmem:s28], [sflag:$0x3], $0x80, s30, s23, $0xb8;
	[tilespmem:$0x1C000] =	vst v63  }
0x96: {  	_ =	swait.ge [sflag:s21], $0x4000  }
0x97: {  	[sflag:s21] =	ssyncset.done $0x0  }
0x98: {  	[sflag:s21] =	ssyncadd.s32 $0xFFFFC000  }
.LBB2_4:
0x99: {  	_ =	swait.ge [sflag:s22], $0x80  }
0x9a: {  	[sflag:s22] =	ssyncset.done $0x0  }
0x9b: {  	[sflag:s22] =	ssyncadd.s32 $0xFFFFFF80  }
0x9c: {  	_ =	swait.ge [sflag:s22], $0x80  }
0x9d: {  	[sflag:s22] =	ssyncset.done $0x0  }
0x9e: {  	[sflag:s22] =	ssyncadd.s32 $0xFFFFFF80  }
0x9f: {  	v1 =	vld [tilespmem:$0x80];
	_ =	sdelay $0x1  }
0xa0: {  	v2 =	vld [tilespmem:$0x90];
	_ =	sdelay $0x1  }
0xa1: {  	v3 =	vld [tilespmem:$0xA0]  }
0xa2: {  	v61 =	vld [tilespmem:$0xB0];
	v4 =	vand.u32 $0xFFFF, v1  }
0xa3: {  	v1 =	vshrl.u32 v1, $0x10;
	[tilespmem:$0x280] =	vst v4  }
0xa4: {  	[tilespmem:$0x290] =	vst v1;
	v1 =	vand.u32 $0xFFFF, v2  }
0xa5: {  	v2 =	vshrl.u32 v2, $0x10;
	[tilespmem:$0x2A0] =	vst v1;
	v1 =	vld [tilespmem:$0x180]  }
0xa6: {  	[tilespmem:$0x2B0] =	vst v2;
	v2 =	vand.u32 $0xFFFF, v3  }
0xa7: {  	v4 =	vshrl.u32 v61, $0x10;
	[tilespmem:$0x2C0] =	vst v2;
	v2 =	vld [tilespmem:$0x190]  }
0xa8: {  	v3 =	vshrl.u32 v3, $0x10;
	[tilespmem:$0x2F0] =	vst v4  }
0xa9: {  	v63 =	vld [tilespmem:$0x1B0];
	[tilespmem:$0x2D0] =	vst v3;
	v3 =	vand.u32 $0xFFFF, v61  }
0xaa: {  	[tilespmem:$0x2E0] =	vst v3;
	v3 =	vld [tilespmem:$0x1A0];
	v62 =	vand.u32 $0xFFFF, v1  }
0xab: {  	v1 =	vshrl.u32 v1, $0x10;
	[tilespmem:$0x380] =	vst v62  }
0xac: {  	[tilespmem:$0x390] =	vst v1;
	v1 =	vand.u32 $0xFFFF, v2  }
0xad: {  	[tilespmem:$0x3A0] =	vst v1;
	v1 =	vshrl.u32 v2, $0x10  }
0xae: {  	v2 =	vshrl.u32 v63, $0x10;
	[tilespmem:$0x3B0] =	vst v1  }
0xaf: {  	v1 =	vand.u32 $0xFFFF, v3;
	[tilespmem:$0x3F0] =	vst v2  }
0xb0: {  	[tilespmem:$0x3C0] =	vst v1;
	v1 =	vshrl.u32 v3, $0x10  }
0xb1: {  	p0 =	sne.s32 s3, $0x2880;
	[tilespmem:$0x3D0] =	vst v1;
	v1 =	vand.u32 $0xFFFF, v63  }
.Ltmp5:
0xb2: {  	[tilespmem:$0x3E0] =	vst v1;
	(pc) =	sbr.rel @p0 .LBB2_6-.Ltmp5, $4  }
0xb3: {  	_ =	swait.ge [sflag:s25], $0x4000  }
0xb4: {  	[sflag:s25] =	ssyncset.done $0x0  }
0xb5: {  	[sflag:s25] =	ssyncadd.s32 $0xFFFFC000  }
0xb6: {  	[tilespmem:s28], [sflag:$0x2] =	stream.indirect.gather [hbm4b:s5+s23], $0x80, s26, s23, $0xb8;
	[tilespmem:$0x1C000] =	vst v63  }
0xb7: {  	[spmem:s2] =	stream.indirect.scatter.add.f32 [tilespmem:s20], [sflag:$0x3], $0x80, s29, s23, $0xb8;
	[tilespmem:$0x1C000] =	vst v63  }
0xb8: {  	_ =	swait.ge [sflag:s21], $0x4000  }
.Ltmp6:
0xb9: {  	[sflag:s21] =	ssyncset.done $0x0;
	(pc) =	sbr.rel .LBB2_7-.Ltmp6, $4  }
0xba: {  	[sflag:s21] =	ssyncadd.s32 $0xFFFFC000  }
0xbb: {  	_ =	swait.ge [sflag:s25], $0x4000  }
0xbc: {  	[sflag:s25] =	ssyncset.done $0x0  }
0xbd: {  	[sflag:s25] =	ssyncadd.s32 $0xFFFFC000  }
.LBB2_9:
0xbe: {  	_ =	sfence.sel $0x180000  }
0xbf: {  	[bflag:$0x0] =	sbarrier.arrive $0xFFFF  }
0xc0: {  	_ =	strace $0x9000004A  }
0xc1: {  	s0 =	stileid.u32;
	[bflag:$0x2] =	sbarrier.arrive $0xFFFF  }
0xc2: {  	p0 =	sne.s32 s0, $0x0;
	s0 =	rddreg [dreg:$0x3]  }
0xc3: {  	s0 =	sadd.s32 @!p0 $0x100000, s0  }
0xc4: {  	[sflag:s0] =	ssyncadd.tile.s32 @!p0 $0x1;
	_ =	shalt  }
.Lfunc_end2:
_tile_overlayer_lowered:
.L_overlay_start_2:
0xc5: {  	(tag) =	ssettag $0x2  }
0xc6: {  	s0 =	rddreg [dreg:$0x0];
	s2 =	stileid.u32  }
0xc7: {  	s1 =	rddreg [dreg:$0x1];
	p0 =	sne.s32 s2, $0x0  }
0xc8: {  	s3 =	rddreg [dreg:$0x2];
	[bflag:$0x3] =	sbarrier.arrive $0xFFFF;
	s2 =	simm.s32 @!p0 $0x1C03  }
0xc9: {  	[timem:s3], [sflag:s2] =	dma.local @!p0 [hbm:s0], s1  }
0xca: {  	s0 =	simm.s32 @!p0 $0x3  }
0xcb: {  	_ =	swait.ge @!p0 [sflag:s0], s1  }
0xcc: {  	s1 =	ssub.s32 @!p0 $0x0, s1;
	[sflag:s0] =	ssyncset.done @!p0 $0x0  }
0xcd: {  	[sflag:s0] =	ssyncadd.s32 @!p0 s1  }
0xce: {  	[bflag:$0x3] =	sbarrier.arrive $0xFFFF  }
0xcf: {  	_ =	shalt  }

// kernel: kernel.5.cloned.1.call-start
scs
__scs_entry_jumppad:
0x0: {  	(pc) =	sbr.rel $0x88, $3  }
0x1: {  	(tag) =	ssettag $0x0;
	lr =	simm.s32 $0x1  }
0x2: {  	[smem:$0x3F99] =	sst lr;
	_ =	strace $0xD0000000  }
0x3: {  	_ = 	snop  }
0x4: {  	_ = 	snop  }
0x5: {  	_ = 	snop  }
0x6: {  	_ = 	snop  }
0x7: {  	_ = 	snop  }
__scs_overlays_trampoline_lowered:
0x8: {  	[smem:$0x3FA8] =	sst s0  }
0x9: {  	[smem:$0x3FA9] =	sst s1  }
0xa: {  	[smem:$0x3FAA] =	sst s2  }
0xb: {  	[smem:$0x3FAB] =	sst s3  }
0xc: {  	[smem:$0x3FAC] =	sst s4  }
0xd: {  	[smem:$0x3FAD] =	sst s5  }
0xe: {  	[smem:$0x3FAE] =	sst s6  }
0xf: {  	[smem:$0x3FAF] =	sst s7  }
0x10: {  	[smem:$0x3FB0] =	sst s8  }
0x11: {  	[smem:$0x3FB1] =	sst s9;
	s0 =	simm.s32 @!p0 $0x0  }
0x12: {  	s1 =	sld [smem:$0x3F97];
	s0 =	simm.s32 @p0 $0x1  }
0x13: {  	[smem:$0x3FB2] =	sst s0;
	s0 =	simm.s32 @!p1 $0x0  }
0x14: {  	s2 =	sld [smem:$0x3F96];
	s0 =	simm.s32 @p1 $0x1  }
0x15: {  	[smem:$0x3FB3] =	sst s0;
	s0 =	simm.s32 @!p2 $0x0  }
0x16: {  	s3 =	sld [smem:$0x3FDB];
	s0 =	simm.s32 @p2 $0x1  }
0x17: {  	s4 =	simm.s32 $0x1BF5;
	[smem:$0x3FB5] =	sst s0  }
0x18: {  	s0 =	sld [smem:$0x3F98];
	_ =	swait.ge [sflag:s4], $0x0  }
0x19: {  	s7 =	sld [smem:$0x3F99]  }
0x1a: {  	s8 =	sadd.s32 $0xFFFFE003, lr  }
0x1b: {  	s9 =	sadd.s32 $0xFFFFFEF7, lr;
	s5 =	simm.s32 $0xFFFFFFFF;
	p2 =	slt.u32 s8, $0xFFFFF086  }
0x1c: {  	p1 =	slt.u32 s9, $0xF7A;
	s5 =	simm.s32 @!p2 $0x0  }
0x1d: {  	s5 =	simm.s32 @p1 $0x1;
	p0 =	seq.s32 s7, s2  }
0x1e: {  	s7 =	smul.u32 @!p0 $0xF7A, s2;
	p2 =	seq.s32 @!p0 s5, $0x0  }
0x1f: {  	s9 =	smul.u32 $0xF7A, s1;
	s8 =	simm.s32 @!p0 $0x1BF5;
	p2 =	por !p2, p0  }
0x20: {  	[sflag:s8] =	ssyncset.s32 @!p0 $0xFFFFF086;
	s6 =	sadd.s32 @!p0 s3, s7;
	s7 =	simm.s32 @!p0 $0x108  }
0x21: {  	s3 =	sadd.s32 s3, s9;
	s6 =	sadd.s32 @!p0 $0x88, s6;
	s7 =	simm.s32 @p2 $0x1082  }
0x22: {  	[simem:s7], [sflag:s8] =	dma.local @!p0 [hbm:s6], $0xF7A  }
0x23: {  	s9 =	sor.u32 $0xD0000000, s2;
	s6 =	simm.s32 $0x108;
	_ =	swait.ge @!p0 [sflag:s8], $0x0  }
0x24: {  	s3 =	sadd.s32 $0x88, s3;
	s6 =	simm.s32 @!p1 $0x1082;
	[sflag:s4] =	ssyncset.s32 $0xFFFFF086  }
0x25: {  	[simem:s6], [sflag:s4] =	dma.local [hbm:s3], $0xF7A  }
0x26: {  	[smem:$0x3F99] =	sst s1;
	(tag) =	ssettag s2;
	_ =	strace s9  }
0x27: {  	s1 =	sld [smem:$0x3FA9]  }
0x28: {  	s2 =	sld [smem:$0x3FAA]  }
0x29: {  	s4 =	sld [smem:$0x3FAC]  }
0x2a: {  	p0 =	seq.s32 s5, $0x0;
	s5 =	sld [smem:$0x3FAD]  }
0x2b: {  	s6 =	sld [smem:$0x3FAE]  }
0x2c: {  	s7 =	sld [smem:$0x3FAF]  }
0x2d: {  	s3 =	simm.s32 $0x108;
	s8 =	sld [smem:$0x3FB0]  }
0x2e: {  	s3 =	simm.s32 @!p0 $0x1082;
	s9 =	sld [smem:$0x3FB1]  }
0x2f: {  	lr =	sadd.s32 s0, s3;
	s0 =	sld [smem:$0x3FA8]  }
0x30: {  	s3 =	sld [smem:$0x3FAB]  }
0x31: {  	[smem:$0x3FB4] =	sst s10  }
0x32: {  	s10 =	sld [smem:$0x3FB2];
	_ =	sdelay $0x3  }
0x33: {  	p0 =	seq.s32 s10, $0x1;
	s10 =	sld [smem:$0x3FB4];
	_ =	sdelay $0x3  }
0x34: {  	[smem:$0x3FB4] =	sst s10  }
0x35: {  	s10 =	sld [smem:$0x3FB3];
	_ =	sdelay $0x3  }
0x36: {  	p1 =	seq.s32 s10, $0x1;
	s10 =	sld [smem:$0x3FB4];
	_ =	sdelay $0x3  }
0x37: {  	[smem:$0x3FB4] =	sst s10  }
0x38: {  	s10 =	sld [smem:$0x3FB5]  }
0x39: {  	_ = 	snop;
	(pc) =	sbr.ind lr, $3  }
0x3a: {  	_ = 	snop  }
0x3b: {  	_ = 	snop  }
0x3c: {  	p2 =	seq.s32 s10, $0x1;
	s10 =	sld [smem:$0x3FB4]  }
0x3d: {  	_ =	shalt  }
0x3e: {  	_ =	shalt  }
0x3f: {  	_ =	shalt  }
0x40: {  	_ =	shalt  }
0x41: {  	_ =	shalt  }
0x42: {  	_ =	shalt  }
0x43: {  	_ =	shalt  }
0x44: {  	_ =	shalt  }
0x45: {  	_ =	shalt  }
0x46: {  	_ =	shalt  }
0x47: {  	_ =	shalt  }
0x48: {  	_ =	shalt  }
0x49: {  	_ =	shalt  }
0x4a: {  	_ =	shalt  }
0x4b: {  	_ =	shalt  }
0x4c: {  	_ =	shalt  }
0x4d: {  	_ =	shalt  }
0x4e: {  	_ =	shalt  }
0x4f: {  	_ =	shalt  }
0x50: {  	_ =	shalt  }
0x51: {  	_ =	shalt  }
0x52: {  	_ =	shalt  }
0x53: {  	_ =	shalt  }
0x54: {  	_ =	shalt  }
0x55: {  	_ =	shalt  }
0x56: {  	_ =	shalt  }
0x57: {  	_ =	shalt  }
0x58: {  	_ =	shalt  }
0x59: {  	_ =	shalt  }
0x5a: {  	_ =	shalt  }
0x5b: {  	_ =	shalt  }
0x5c: {  	_ =	shalt  }
0x5d: {  	_ =	shalt  }
0x5e: {  	_ =	shalt  }
0x5f: {  	_ =	shalt  }
0x60: {  	_ =	shalt  }
0x61: {  	_ =	shalt  }
0x62: {  	_ =	shalt  }
0x63: {  	_ =	shalt  }
0x64: {  	_ =	shalt  }
0x65: {  	_ =	shalt  }
0x66: {  	_ =	shalt  }
0x67: {  	_ =	shalt  }
0x68: {  	_ =	shalt  }
0x69: {  	_ =	shalt  }
0x6a: {  	_ =	shalt  }
0x6b: {  	_ =	shalt  }
0x6c: {  	_ =	shalt  }
0x6d: {  	_ =	shalt  }
0x6e: {  	_ =	shalt  }
0x6f: {  	_ =	shalt  }
0x70: {  	_ =	shalt  }
0x71: {  	_ =	shalt  }
0x72: {  	_ =	shalt  }
0x73: {  	_ =	shalt  }
0x74: {  	_ =	shalt  }
0x75: {  	_ =	shalt  }
0x76: {  	_ =	shalt  }
0x77: {  	_ =	shalt  }
0x78: {  	_ =	shalt  }
0x79: {  	_ =	shalt  }
0x7a: {  	_ =	shalt  }
0x7b: {  	_ =	shalt  }
0x7c: {  	_ =	shalt  }
0x7d: {  	_ =	shalt  }
0x7e: {  	_ =	shalt  }
0x7f: {  	_ =	shalt  }
0x80: {  	_ =	shalt  }
0x81: {  	_ =	shalt  }
0x82: {  	_ =	shalt  }
0x83: {  	_ =	shalt  }
0x84: {  	_ =	shalt  }
0x85: {  	_ =	shalt  }
0x86: {  	_ =	shalt  }
0x87: {  	_ =	shalt  }
.Lfunc_end0:
.L_simem_size_0:
called_computation.1_lowered:
.L_overlay_start_0:
0x88: {  	s2 =	sld [smem:$0x3FD9]  }
0x89: {  	s3 =	sld [smem:$0x3FFE];
	_ =	sdelay $0x1  }
0x8a: {  	s1 =	srdreg.scid  }
0x8b: {  	s0 =	sand.u32 $0x1, s1  }
0x8c: {  	s17 =	sshll.u32 s0, $0xA;
	s2 =	sadd.s32 s3, s2  }
0x8d: {  	s2 =	sadd.s32 s2, s17  }
0x8e: {  	[smem:$0x3FC0] =	sst s2  }
0x8f: {  	_ = 	snop  }
0x90: {  	s2 =	sld [smem:$0x3FD0];
	(tm) =	ssettm $0x1  }
0x91: {  	s18 =	sld [smem:$0x3FFB];
	_ =	sdelay $0x3  }
0x92: {  	_ =	strace s18  }
0x93: {  	s3 =	sld [smem:$0x3FFC];
	_ =	sdelay $0x3  }
0x94: {  	_ =	strace s3  }
0x95: {  	s3 =	sld [smem:$0x3FFD];
	_ =	sdelay $0x3  }
0x96: {  	_ =	strace s3  }
0x97: {  	_ =	strace $0x8FFFFFFF  }
0x98: {  	s19 =	sld [smem:$0x3FDB];
	_ =	sdelay $0x1  }
0x99: {  	s4 =	simm.s32 $_scs_section_size  }
0x9a: {  	s5 =	simm.s32 $_size__tile_overlayer_lowered;
	s6 =	simm.s32 $_tile_overlayer_lowered  }
0x9b: {  	s22 =	simm.s32 $0x1BFF;
	s21 =	sshll.u32 s6, $0x1;
	s3 =	sadd.s32 s4, s19  }
0x9c: {  	s7 =	simm.s32 $0x0;
	s20 =	sshll.u32 s5, $0x1;
	s5 =	sadd.s32 s21, s3  }
0x9d: {  	[timem:s7], [sflag:s22] =	dma.local [hbm:s5], s20  }
0x9e: {  	_ =	swait.ge [sflag:s22], s20  }
0x9f: {  	s4 =	ssub.s32 $0x0, s20;
	[sflag:s22] =	ssyncset.done $0x0  }
0xa0: {  	[sflag:s22] =	ssyncadd.s32 s4;
	_ =	sdelay $0x1  }
0xa1: {  	s23 =	simm.s32 $0x1B8B  }
0xa2: {  	_ =	swait.ge [sflag:s23], $0x1  }
0xa3: {  	[sflag:s23] =	ssyncset.done $0x0  }
0xa4: {  	s25 =	simm.s32 $0x1B8E;
	s24 =	sld [smem:$0x3FFE];
	[sflag:s23] =	ssyncadd.s32 $0xFFFFFFFF  }
0xa5: {  	s26 =	simm.s32 $execute0_lowered;
	[smem:$0x3FD2] =	sst s25  }
0xa6: {  	s5 =	sshll.u32 s26, $0x1;
	_ =	strace $0x80000046;
	[dreg:$0x1] =	wrdreg $0xFFFFFFFF  }
0xa7: {  	s28 =	simm.s32 $_size_execute0_lowered;
	s3 =	sadd.s32 s3, s5;
	[dreg:$0x0] =	wrdreg $0x0  }
0xa8: {  	s5 =	sshll.u32 s28, $0x1;
	[dreg:$0x2] =	wrdreg s3  }
0xa9: {  	[dreg:$0x3] =	wrdreg s5  }
0xaa: {  	[dreg:$0x4] =	wrdreg $0xC0  }
0xab: {  	_ =	task [dreg:s7], $0x5FFFF  }
0xac: {  	[dreg:$0x1] =	wrdreg $0xFFFFFFFF  }
0xad: {  	[dreg:$0x0] =	wrdreg $0x60  }
0xae: {  	[dreg:$0x2] =	wrdreg s2  }
0xaf: {  	[dreg:$0x3] =	wrdreg s24  }
0xb0: {  	[dreg:$0x4] =	wrdreg $0x83000  }
0xb1: {  	[dreg:$0x5] =	wrdreg $0x9  }
0xb2: {  	_ =	task.clear_ibuf [dreg:s7], $0x6FFFF;
	_ =	strace $0x90000046  }
0xb3: {  	s29 =	simm.s32 $0x9;
	_ =	strace $0x80000048  }
0xb4: {  	_ =	swait.ge [sflag:s29], $0x1  }
0xb5: {  	[sflag:s29] =	ssyncadd.s32 $0xFFFFFFFF  }
0xb6: {  	_ =	strace $0x90000048  }
0xb7: {  	_ =	sfence  }
0xb8: {  	s30 =	sld [smem:$0x0];
	_ =	sdelay $0x2  }
0xb9: {  	s31 =	sshll.u32 s1, $0xD;
	s1 =	sshrl.u32 s1, $0x2  }
0xba: {  	s3 =	sand.u32 $0x4000, s31;
	s1 =	sadd.s32 s1, s30  }
0xbb: {  	s0 =	sor.u32 s3, s0;
	s1 =	sshll.u32 s1, $0x11  }
0xbc: {  	s0 =	sor.u32 s1, s0  }
0xbd: {  	s0 =	sadd.s32 $0x8F2B, s0  }
0xbe: {  	[sflag:s0] =	ssyncadd.remote.s32 $0x1  }
0xbf: {  	_ =	sfence.sel $0xFFFF  }
0xc0: {  	[dreg:$0x0] =	wrdreg $0xFFFFFFFF;
	(pc) =	sbr.abs _section_cstart, $3  }
0xc1: {  	[dreg:$0x1] =	wrdreg $0xFFFFFFFF  }
0xc2: {  	_ =	task.clear_ibuf [dreg:s7], $0x2FFFF;
	_ =	strace $0x9FFFFFFF  }
0xc3: {  	(tm) =	ssettm $0x7FFFFFFF  }
tec
execute0_lowered:
.L_overlay_start_1:
0x0: {  	(tag) =	ssettag $0x1  }
0x1: {  	s1 =	rddreg [dreg:$0x0]  }
0x2: {  	s7 =	rddreg [dreg:$0x1]  }
0x3: {  	s2 =	rddreg [dreg:$0x2];
	s3 =	srdreg.scid  }
0x4: {  	s0 =	rddreg [dreg:$0x3];
	s4 =	simm.s32 $0x0;
	s15 =	simm.s32 $0x300  }
0x5: {  	s16 =	simm.s32 $0x2;
	s17 =	simm.s32 $0x1;
	s18 =	simm.s32 $0x80  }
0x6: {  	s19 =	simm.s32 $0x180;
	s20 =	simm.s32 $0x200;
	s21 =	simm.s32 $0x280  }
0x7: {  	s22 =	simm.s32 $0x4300;
	s6 =	sand.u32 $0x1, s3;
	s3 =	stileid.u32  }
0x8: {  	s23 =	simm.s32 $0x0;
	[smem:$0x7FF] =	sst s4;
	s5 =	smul.u32 $0x140000, s6  }
0x9: {  	s8 =	smul.u32 $0xA000, s3;
	_ =	strace $0x80000047;
	s9 =	sshll.u32 s3, $0x1  }
0xa: {  	s10 =	smul.u32 $0x28000, s3;
	s11 =	ssub.s32 $0x2, s6;
	s9 =	sor.u32 s6, s9  }
0xb: {  	s30 =	sshrl.u32 s11, $0x1;
	s8 =	sadd.s32 s8, s5;
	s6 =	smul.u32 $0x2800, s9  }
.Ltmp0:
0xc: {  	s5 =	sadd.s32 $0x1200, s7;
	s14 =	ssub.s32 s11, s30;
	(pc) =	sbr.rel .LBB2_1-.Ltmp0, $4  }
0xd: {  	s10 =	sshrl.u32 s10, $0x2;
	s8 =	sshrl.u32 s8, $0x3;
	s14 =	smax.u32 s14, $0x1  }
0xe: {  	s13 =	sadd.s32 s8, s7;
	s7 =	sadd.s32 s10, s2;
	s31 =	sshrl.u32 s6, $0x3  }
0xf: {  	v0 =	vimm.f32 $0.0e+00;
	vm0 =	vcmask $0x1F00;
	v2 =	vimm.f32 $1.000000000e+00;
	s8 =	sadd.s32 $0x4000, s7;
	s9 =	sadd.s32 $0x8000, s7;
	s10 =	sadd.s32 s1, s31  }
0x10: {  	v1 =	vsel vm0, $0x3F800000, v0;
	v2 =	vsel vm0, $0x0, v2;
	s11 =	sadd.s32 s5, s31;
	s12 =	sadd.s32 $0xB200, s13;
	s13 =	sadd.s32 $0x1F200, s13  }
.LBB2_19:
0x11: {  	s23 =	sadd.s32 $0x1, s23  }
0x12: {  	p0 =	sne.s32 s23, s14  }
.Ltmp1:
0x13: {  	[bflag:$0x0] =	sbarrier.arrive $0xFFFF;
	(pc) =	sbr.rel @!p0 .LBB2_20-.Ltmp1, $4  }
0x14: {  	[hbm:s13], [sflag:s24] =	dma.local [spmem:s25], $0x1400  }
0x15: {  	_ =	swait.ge [sflag:s16], $0x1400  }
0x16: {  	[sflag:s16] =	ssyncset.done $0x0  }
0x17: {  	[sflag:s16] =	ssyncadd.s32 $0xFFFFEC00  }
.LBB2_1:
0x18: {  	s24 =	simm.s32 $0x200;
	s25 =	simm.s32 $0x0  }
.LBB2_2:
0x19: {  	p0 =	sne.s32 s24, $0xFE00;
	[tilespmem:s25+$0x300] =	vst v0;
	s25 =	smov.u32 s24;
	s24 =	sadd.s32 $0x200, s24  }
.Ltmp2:
0x1a: {  	(pc) =	sbr.rel @p0 .LBB2_2-.Ltmp2, $2  }
0x1b: {  	_ =	sdelay $0x2  }
0x1c: {  	s25 =	sshra.s32 s25, $0x2  }
0x1d: {  	[tilespmem:s25+$0x300] =	vst v0  }
0x1e: {  	[spmem:s7] =	stream.linear.scatter [tilespmem:s15], [sflag:$0x2], $0x4000, $0x38;
	[tilespmem:$0x9700] =	vst v63  }
0x1f: {  	_ =	swait.ge [sflag:s16], $0x4000  }
0x20: {  	[sflag:s16] =	ssyncset.done $0x0  }
0x21: {  	[sflag:s16] =	ssyncadd.s32 $0xFFFFC000  }
0x22: {  	[spmem:s8] =	stream.linear.scatter [tilespmem:s15], [sflag:$0x2], $0x4000, $0x38;
	[tilespmem:$0x9700] =	vst v63  }
0x23: {  	_ =	swait.ge [sflag:s16], $0x4000  }
0x24: {  	[sflag:s16] =	ssyncset.done $0x0  }
0x25: {  	[sflag:s16] =	ssyncadd.s32 $0xFFFFC000  }
0x26: {  	[spmem:s9] =	stream.linear.scatter [tilespmem:s15], [sflag:$0x2], $0x2000, $0x38;
	[tilespmem:$0x9700] =	vst v63  }
0x27: {  	_ =	swait.ge [sflag:s16], $0x2000  }
0x28: {  	[sflag:s16] =	ssyncset.done $0x0  }
0x29: {  	s24 =	simm.s32 $0x200;
	s25 =	simm.s32 $0x0;
	[sflag:s16] =	ssyncadd.s32 $0xFFFFE000  }
.LBB2_4:
0x2a: {  	p0 =	sne.s32 s24, $0xFE00;
	[tilespmem:s25+$0x300] =	vst v1;
	s25 =	smov.u32 s24;
	s24 =	sadd.s32 $0x200, s24  }
.Ltmp3:
0x2b: {  	(pc) =	sbr.rel @p0 .LBB2_4-.Ltmp3, $2  }
0x2c: {  	_ =	sdelay $0x2  }
0x2d: {  	s25 =	sshra.s32 s25, $0x2  }
0x2e: {  	[tilespmem:s25+$0x300] =	vst v1;
	s24 =	simm.s32 $0x200;
	s25 =	simm.s32 $0x0  }
.LBB2_6:
0x2f: {  	p0 =	sne.s32 s24, $0xFE00;
	[tilespmem:s25+$0x4300] =	vst v2;
	s25 =	smov.u32 s24;
	s24 =	sadd.s32 $0x200, s24  }
.Ltmp4:
0x30: {  	(pc) =	sbr.rel @p0 .LBB2_6-.Ltmp4, $2  }
0x31: {  	_ =	sdelay $0x2  }
0x32: {  	s25 =	sshra.s32 s25, $0x2  }
0x33: {  	[tilespmem:s25+$0x4300] =	vst v2  }
0x34: {  	[tilespmem:s4], [sflag:$0x1] =	stream.linear.gather [hbm4b:s10+s4], $0x80, $0x38;
	[tilespmem:$0x9700] =	vst v63  }
0x35: {  	s24 =	simm.s32 $0x100  }
0x36: {  	[tilespmem:s24], [sflag:$0x1] =	stream.linear.gather [hbm4b:s11+s4], $0x80, $0x38;
	[tilespmem:$0x9700] =	vst v63  }
0x37: {  	[bflag:$0x0] =	sbarrier.arrive $0xFFFF  }
0x38: {  	_ =	swait.ge [sflag:s17], $0x80  }
0x39: {  	[sflag:s17] =	ssyncset.done $0x0  }
0x3a: {  	[sflag:s17] =	ssyncadd.s32 $0xFFFFFF80  }
0x3b: {  	_ =	swait.ge [sflag:s17], $0x80  }
0x3c: {  	[sflag:s17] =	ssyncset.done $0x0  }
0x3d: {  	[sflag:s17] =	ssyncadd.s32 $0xFFFFFF80  }
.LBB2_8:
0x3e: {  	s25 =	sadd.s32 $0xFFFFFF00, s24  }
0x3f: {  	s26 =	sand.u32 $0x3C00, s25  }
0x40: {  	s25 =	sand.u32 $0x300, s25;
	s26 =	sadd.s32 s6, s26  }
0x41: {  	s25 =	sor.u32 s26, s25  }
0x42: {  	s25 =	sor.u32 $0x80, s25  }
0x43: {  	s25 =	sshrl.u32 s25, $0x3  }
0x44: {  	s31 =	sadd.s32 s1, s25  }
0x45: {  	[tilespmem:s18], [sflag:$0x1] =	stream.linear.gather [hbm4b:s31+s4], $0x80, $0x38;
	[tilespmem:$0x9700] =	vst v63  }
0x46: {  	s25 =	sadd.s32 s5, s25  }
0x47: {  	[tilespmem:s19], [sflag:$0x1] =	stream.linear.gather [hbm4b:s25+s4], $0x80, $0x38;
	[tilespmem:$0x9700] =	vst v63  }
0x48: {  	v3 =	vld [tilespmem:$0x0];
	_ =	sdelay $0x1  }
0x49: {  	v4 =	vld [tilespmem:$0x10];
	_ =	sdelay $0x1  }
0x4a: {  	v5 =	vld [tilespmem:$0x20]  }
0x4b: {  	v6 =	vand.u32 $0xFFFF, v3  }
0x4c: {  	v7 =	vld [tilespmem:$0x30];
	v3 =	vshrl.u32 v3, $0x10;
	v6 =	vmin.u32 v6, $0x13C0  }
0x4d: {  	v36 =	vand.u32 $0xFFFF, v4;
	v3 =	vmin.u32 v3, $0x13C0;
	[tilespmem:$0x200] =	vst v6  }
0x4e: {  	v38 =	vld [tilespmem:$0x100];
	v37 =	vmin.u32 v36, $0x13C0;
	[tilespmem:$0x210] =	vst v3;
	v3 =	vshrl.u32 v4, $0x10  }
0x4f: {  	v39 =	vand.u32 $0xFFFF, v5;
	[tilespmem:$0x220] =	vst v37;
	v3 =	vmin.u32 v3, $0x13C0  }
0x50: {  	v40 =	vld [tilespmem:$0x110];
	v4 =	vmin.u32 v39, $0x13C0;
	[tilespmem:$0x230] =	vst v3;
	v3 =	vshrl.u32 v5, $0x10  }
0x51: {  	v41 =	vand.u32 $0xFFFF, v7;
	[tilespmem:$0x240] =	vst v4;
	v3 =	vmin.u32 v3, $0x13C0  }
0x52: {  	v42 =	vld [tilespmem:$0x120];
	v4 =	vmin.u32 v41, $0x13C0;
	[tilespmem:$0x250] =	vst v3;
	v3 =	vshrl.u32 v7, $0x10  }
0x53: {  	v43 =	vand.u32 $0xFFFF, v38;
	[tilespmem:$0x260] =	vst v4;
	v3 =	vmin.u32 v3, $0x13C0  }
0x54: {  	v44 =	vld [tilespmem:$0x130];
	v4 =	vmin.u32 v43, $0x13C0;
	[tilespmem:$0x270] =	vst v3;
	v3 =	vshrl.u32 v38, $0x10  }
0x55: {  	v45 =	vand.u32 $0xFFFF, v40;
	[tilespmem:$0x280] =	vst v4;
	v3 =	vmin.u32 v3, $0x13C0  }
0x56: {  	v4 =	vmin.u32 v45, $0x13C0;
	[tilespmem:$0x290] =	vst v3;
	v3 =	vshrl.u32 v40, $0x10  }
0x57: {  	v46 =	vand.u32 $0xFFFF, v42;
	[tilespmem:$0x2A0] =	vst v4;
	v3 =	vmin.u32 v3, $0x13C0  }
0x58: {  	v4 =	vmin.u32 v46, $0x13C0;
	[tilespmem:$0x2B0] =	vst v3;
	v3 =	vshrl.u32 v42, $0x10  }
0x59: {  	v47 =	vand.u32 $0xFFFF, v44;
	[tilespmem:$0x2C0] =	vst v4;
	v3 =	vmin.u32 v3, $0x13C0  }
0x5a: {  	v4 =	vmin.u32 v47, $0x13C0;
	[tilespmem:$0x2D0] =	vst v3;
	v3 =	vshrl.u32 v44, $0x10  }
0x5b: {  	[tilespmem:$0x2E0] =	vst v4;
	v3 =	vmin.u32 v3, $0x13C0  }
0x5c: {  	[tilespmem:$0x2F0] =	vst v3  }
0x5d: {  	[spmem:s2] =	stream.indirect.scatter.add.f32 [tilespmem:s15], [sflag:$0x2], $0x10, s20, s18, $0xb8;
	[tilespmem:$0x9700] =	vst v63  }
0x5e: {  	_ =	swait.ge [sflag:s16], $0x800  }
0x5f: {  	[sflag:s16] =	ssyncset.done $0x0  }
0x60: {  	[sflag:s16] =	ssyncadd.s32 $0xFFFFF800  }
0x61: {  	[spmem:s2] =	stream.indirect.scatter.add.f32 [tilespmem:s22], [sflag:$0x2], $0x10, s21, s18, $0xb8;
	[tilespmem:$0x9700] =	vst v63  }
0x62: {  	_ =	swait.ge [sflag:s16], $0x800  }
0x63: {  	[sflag:s16] =	ssyncset.done $0x0  }
0x64: {  	[sflag:s16] =	ssyncadd.s32 $0xFFFFF800  }
0x65: {  	p0 =	seq.s32 s24, $0x2800;
	_ =	swait.ge [sflag:s17], $0x80  }
0x66: {  	s25 =	sand.u32 @!p0 $0x7C00, s24;
	[sflag:s17] =	ssyncset.done $0x0  }
0x67: {  	s26 =	sand.u32 @!p0 $0x300, s24;
	s25 =	sadd.s32 @!p0 s6, s25;
	[sflag:s17] =	ssyncadd.s32 $0xFFFFFF80  }
0x68: {  	s25 =	sor.u32 @!p0 s26, s25;
	_ =	swait.ge [sflag:s17], $0x80  }
0x69: {  	s25 =	sshrl.u32 @!p0 s25, $0x3;
	[sflag:s17] =	ssyncset.done $0x0  }
0x6a: {  	s28 =	simm.s32 @!p0 $0x0;
	s26 =	sadd.s32 @!p0 s1, s25;
	[sflag:s17] =	ssyncadd.s32 $0xFFFFFF80  }
0x6b: {  	[tilespmem:s28], [sflag:$0x1] =	stream.linear.gather @!p0 [hbm4b:s26+s28], $0x80, $0x38;
	[tilespmem:$0x9700] =	vst v63  }
0x6c: {  	s25 =	sadd.s32 @!p0 s5, s25;
	s26 =	simm.s32 @!p0 $0x100  }
0x6d: {  	[tilespmem:s26], [sflag:$0x1] =	stream.linear.gather @!p0 [hbm4b:s25+s28], $0x80, $0x38;
	[tilespmem:$0x9700] =	vst v63  }
0x6e: {  	v3 =	vld [tilespmem:$0x80];
	_ =	sdelay $0x1  }
0x6f: {  	v48 =	vld [tilespmem:$0x90];
	_ =	sdelay $0x1  }
0x70: {  	v49 =	vld [tilespmem:$0xA0]  }
0x71: {  	v50 =	vand.u32 $0xFFFF, v3  }
0x72: {  	v51 =	vld [tilespmem:$0xB0];
	v3 =	vshrl.u32 v3, $0x10;
	v6 =	vmin.u32 v50, $0x13C0  }
0x73: {  	v52 =	vand.u32 $0xFFFF, v48;
	v3 =	vmin.u32 v3, $0x13C0;
	[tilespmem:$0x200] =	vst v6  }
0x74: {  	v54 =	vld [tilespmem:$0x180];
	v53 =	vmin.u32 v52, $0x13C0;
	[tilespmem:$0x210] =	vst v3;
	v3 =	vshrl.u32 v48, $0x10  }
0x75: {  	v55 =	vand.u32 $0xFFFF, v49;
	[tilespmem:$0x220] =	vst v53;
	v3 =	vmin.u32 v3, $0x13C0  }
0x76: {  	v56 =	vld [tilespmem:$0x190];
	v4 =	vmin.u32 v55, $0x13C0;
	[tilespmem:$0x230] =	vst v3;
	v3 =	vshrl.u32 v49, $0x10  }
0x77: {  	v57 =	vand.u32 $0xFFFF, v51;
	[tilespmem:$0x240] =	vst v4;
	v3 =	vmin.u32 v3, $0x13C0  }
0x78: {  	v58 =	vld [tilespmem:$0x1A0];
	v4 =	vmin.u32 v57, $0x13C0;
	[tilespmem:$0x250] =	vst v3;
	v3 =	vshrl.u32 v51, $0x10  }
0x79: {  	v59 =	vand.u32 $0xFFFF, v54;
	[tilespmem:$0x260] =	vst v4;
	v3 =	vmin.u32 v3, $0x13C0  }
0x7a: {  	v60 =	vld [tilespmem:$0x1B0];
	v4 =	vmin.u32 v59, $0x13C0;
	[tilespmem:$0x270] =	vst v3;
	v3 =	vshrl.u32 v54, $0x10  }
0x7b: {  	v61 =	vand.u32 $0xFFFF, v56;
	[tilespmem:$0x280] =	vst v4;
	v3 =	vmin.u32 v3, $0x13C0  }
0x7c: {  	v4 =	vmin.u32 v61, $0x13C0;
	[tilespmem:$0x290] =	vst v3;
	v3 =	vshrl.u32 v56, $0x10  }
0x7d: {  	v62 =	vand.u32 $0xFFFF, v58;
	[tilespmem:$0x2A0] =	vst v4;
	v3 =	vmin.u32 v3, $0x13C0  }
0x7e: {  	v4 =	vmin.u32 v62, $0x13C0;
	[tilespmem:$0x2B0] =	vst v3;
	v3 =	vshrl.u32 v58, $0x10  }
0x7f: {  	v63 =	vand.u32 $0xFFFF, v60;
	[tilespmem:$0x2C0] =	vst v4;
	v3 =	vmin.u32 v3, $0x13C0  }
0x80: {  	v4 =	vmin.u32 v63, $0x13C0;
	[tilespmem:$0x2D0] =	vst v3;
	v3 =	vshrl.u32 v60, $0x10  }
0x81: {  	[tilespmem:$0x2E0] =	vst v4;
	v3 =	vmin.u32 v3, $0x13C0  }
0x82: {  	[tilespmem:$0x2F0] =	vst v3  }
0x83: {  	[spmem:s2] =	stream.indirect.scatter.add.f32 [tilespmem:s15], [sflag:$0x2], $0x10, s20, s18, $0xb8;
	[tilespmem:$0x9700] =	vst v63  }
0x84: {  	_ =	swait.ge [sflag:s16], $0x800  }
0x85: {  	[sflag:s16] =	ssyncset.done $0x0  }
.Ltmp5:
0x86: {  	[sflag:s16] =	ssyncadd.s32 $0xFFFFF800;
	(pc) =	sbr.rel @p0 .LBB2_10-.Ltmp5, $4  }
0x87: {  	[spmem:s2] =	stream.indirect.scatter.add.f32 [tilespmem:s22], [sflag:$0x2], $0x10, s21, s18, $0xb8;
	[tilespmem:$0x9700] =	vst v63  }
0x88: {  	_ =	swait.ge [sflag:s16], $0x800  }
0x89: {  	[sflag:s16] =	ssyncset.done $0x0  }
0x8a: {  	[sflag:s16] =	ssyncadd.s32 $0xFFFFF800  }
0x8b: {  	_ =	swait.ge [sflag:s17], $0x80  }
.Ltmp6:
0x8c: {  	[sflag:s17] =	ssyncset.done $0x0;
	(pc) =	sbr.rel .LBB2_8-.Ltmp6, $4  }
0x8d: {  	[sflag:s17] =	ssyncadd.s32 $0xFFFFFF80  }
0x8e: {  	_ =	swait.ge [sflag:s17], $0x80  }
0x8f: {  	[sflag:s17] =	ssyncset.done $0x0  }
0x90: {  	s24 =	sadd.s32 $0x100, s24;
	[sflag:s17] =	ssyncadd.s32 $0xFFFFFF80  }
.LBB2_10:
0x91: {  	s24 =	sshll.u32 s3, $0x6  }
0x92: {  	[bflag:$0x0] =	sbarrier.arrive $0xFFFF;
	s25 =	sshrl.u32 s7, $0x3;
	s24 =	sor.u32 $0x1C02, s24  }
0x93: {  	[hbm:s12], [sflag:s24] =	dma.local [spmem:s25], $0x1400  }
0x94: {  	_ =	swait.ge [sflag:s16], $0x1400  }
0x95: {  	[sflag:s16] =	ssyncset.done $0x0  }
0x96: {  	[sflag:s16] =	ssyncadd.s32 $0xFFFFEC00  }
0x97: {  	s26 =	simm.s32 $0x200;
	s28 =	simm.s32 $0x0;
	[bflag:$0x0] =	sbarrier.arrive $0xFFFF  }
.LBB2_11:
0x98: {  	p0 =	sne.s32 s26, $0xFE00;
	[tilespmem:s28+$0x300] =	vst v0;
	s28 =	smov.u32 s26;
	s26 =	sadd.s32 $0x200, s26  }
.Ltmp7:
0x99: {  	(pc) =	sbr.rel @p0 .LBB2_11-.Ltmp7, $2  }
0x9a: {  	_ =	sdelay $0x2  }
0x9b: {  	s28 =	sshra.s32 s28, $0x2  }
0x9c: {  	[tilespmem:s28+$0x300] =	vst v0  }
0x9d: {  	[spmem:s7] =	stream.linear.scatter [tilespmem:s15], [sflag:$0x2], $0x4000, $0x38;
	[tilespmem:$0x9700] =	vst v63  }
0x9e: {  	_ =	swait.ge [sflag:s16], $0x4000  }
0x9f: {  	[sflag:s16] =	ssyncset.done $0x0  }
0xa0: {  	[sflag:s16] =	ssyncadd.s32 $0xFFFFC000  }
0xa1: {  	[spmem:s8] =	stream.linear.scatter [tilespmem:s15], [sflag:$0x2], $0x4000, $0x38;
	[tilespmem:$0x9700] =	vst v63  }
0xa2: {  	_ =	swait.ge [sflag:s16], $0x4000  }
0xa3: {  	[sflag:s16] =	ssyncset.done $0x0  }
0xa4: {  	[sflag:s16] =	ssyncadd.s32 $0xFFFFC000  }
0xa5: {  	[spmem:s9] =	stream.linear.scatter [tilespmem:s15], [sflag:$0x2], $0x2000, $0x38;
	[tilespmem:$0x9700] =	vst v63  }
0xa6: {  	_ =	swait.ge [sflag:s16], $0x2000  }
0xa7: {  	[sflag:s16] =	ssyncset.done $0x0  }
0xa8: {  	s26 =	simm.s32 $0x200;
	s28 =	simm.s32 $0x0;
	[sflag:s16] =	ssyncadd.s32 $0xFFFFE000  }
.LBB2_13:
0xa9: {  	p0 =	sne.s32 s26, $0xFE00;
	[tilespmem:s28+$0x300] =	vst v1;
	s28 =	smov.u32 s26;
	s26 =	sadd.s32 $0x200, s26  }
.Ltmp8:
0xaa: {  	(pc) =	sbr.rel @p0 .LBB2_13-.Ltmp8, $2  }
0xab: {  	_ =	sdelay $0x2  }
0xac: {  	s28 =	sshra.s32 s28, $0x2  }
0xad: {  	[tilespmem:s28+$0x300] =	vst v1;
	s26 =	simm.s32 $0x200;
	s28 =	simm.s32 $0x0  }
.LBB2_15:
0xae: {  	p0 =	sne.s32 s26, $0xFE00;
	[tilespmem:s28+$0x4300] =	vst v2;
	s28 =	smov.u32 s26;
	s26 =	sadd.s32 $0x200, s26  }
.Ltmp9:
0xaf: {  	(pc) =	sbr.rel @p0 .LBB2_15-.Ltmp9, $2  }
0xb0: {  	_ =	sdelay $0x2  }
0xb1: {  	s28 =	sshra.s32 s28, $0x2  }
0xb2: {  	[tilespmem:s28+$0x4300] =	vst v2  }
0xb3: {  	[tilespmem:s4], [sflag:$0x1] =	stream.linear.gather [hbm4b:s10+s4], $0x80, $0x38;
	[tilespmem:$0x9700] =	vst v63  }
0xb4: {  	s26 =	simm.s32 $0x100  }
0xb5: {  	[tilespmem:s26], [sflag:$0x1] =	stream.linear.gather [hbm4b:s11+s4], $0x80, $0x38;
	[tilespmem:$0x9700] =	vst v63  }
0xb6: {  	[bflag:$0x0] =	sbarrier.arrive $0xFFFF  }
0xb7: {  	_ =	swait.ge [sflag:s17], $0x80  }
0xb8: {  	[sflag:s17] =	ssyncset.done $0x0  }
0xb9: {  	[sflag:s17] =	ssyncadd.s32 $0xFFFFFF80  }
0xba: {  	_ =	swait.ge [sflag:s17], $0x80  }
0xbb: {  	[sflag:s17] =	ssyncset.done $0x0  }
0xbc: {  	[sflag:s17] =	ssyncadd.s32 $0xFFFFFF80  }
.LBB2_17:
0xbd: {  	s28 =	sadd.s32 $0xFFFFFF00, s26  }
0xbe: {  	s29 =	sand.u32 $0x3C00, s28  }
0xbf: {  	s28 =	sand.u32 $0x300, s28;
	s29 =	sadd.s32 s6, s29  }
0xc0: {  	s28 =	sor.u32 s29, s28  }
0xc1: {  	s28 =	sor.u32 $0x80, s28  }
0xc2: {  	s28 =	sshrl.u32 s28, $0x3  }
0xc3: {  	s31 =	sadd.s32 s1, s28  }
0xc4: {  	[tilespmem:s18], [sflag:$0x1] =	stream.linear.gather [hbm4b:s31+s4], $0x80, $0x38;
	[tilespmem:$0x9700] =	vst v63  }
0xc5: {  	s28 =	sadd.s32 s5, s28  }
0xc6: {  	[tilespmem:s19], [sflag:$0x1] =	stream.linear.gather [hbm4b:s28+s4], $0x80, $0x38;
	[tilespmem:$0x9700] =	vst v63  }
0xc7: {  	v3 =	vld [tilespmem:$0x0]  }
0xc8: {  	v4 =	vld [tilespmem:$0x10]  }
0xc9: {  	v7 =	vld [tilespmem:$0x20]  }
0xca: {  	v9 =	vld [tilespmem:$0x30]  }
0xcb: {  	v11 =	vld [tilespmem:$0x100]  }
0xcc: {  	v61 =	vld [tilespmem:$0x110];
	v5 =	vand.u32 $0xFFFF, v3  }
0xcd: {  	v15 =	vld [tilespmem:$0x120];
	v6 =	vshrl.u32 v3, $0x10;
	v3 =	vadd.s32 $0xEC400000, v3;
	v57 =	vand.u32 $0xFFFF, v4  }
0xce: {  	v8 =	vshrl.u32 v4, $0x10;
	v4 =	vadd.s32 $0xEC400000, v4;
	v58 =	vand.u32 $0xFFFF, v7  }
0xcf: {  	v10 =	vshrl.u32 v7, $0x10;
	v7 =	vadd.s32 $0xEC400000, v7;
	v59 =	vand.u32 $0xFFFF, v9  }
0xd0: {  	v60 =	vshrl.u32 v9, $0x10;
	v9 =	vadd.s32 $0xEC400000, v9;
	v13 =	vshrl.u32 v11, $0x10  }
0xd1: {  	v14 =	vadd.s32 $0xEC400000, v11;
	v16 =	vshrl.u32 v61, $0x10;
	v17 =	vadd.s32 $0xEC400000, v61  }
0xd2: {  	v22 =	vshrl.u32 v15, $0x10;
	v23 =	vadd.s32 $0xEC400000, v15;
	v5 =	vadd.s32 $0xFFFFEC40, v5  }
0xd3: {  	v6 =	vadd.s32 $0xFFFFEC40, v6;
	vm0 =	vlt.u32 v3, $0x13C00000;
	v3 =	vmin.u32 v5, $0x13C0  }
0xd4: {  	vm14 =	vlt.u32 v4, $0x13C00000;
	v4 =	vadd.s32 $0xFFFFEC40, v58;
	v56 =	vnsel vm0, $0x13C0, v6;
	[tilespmem:$0x200] =	vst v3  }
0xd5: {  	v18 =	vld [tilespmem:$0x130];
	v10 =	vadd.s32 $0xFFFFEC40, v10;
	vm1 =	vlt.u32 v7, $0x13C00000;
	v4 =	vmin.u32 v4, $0x13C0;
	[tilespmem:$0x210] =	vst v56  }
0xd6: {  	v62 =	vadd.s32 $0xFFFFEC40, v60;
	vm15 =	vlt.u32 v9, $0x13C00000;
	v7 =	vnsel vm1, $0x13C0, v10;
	[tilespmem:$0x240] =	vst v4  }
0xd7: {  	v19 =	vadd.s32 $0xFFFFEC40, v16;
	vm5 =	vlt.u32 v17, $0x13C00000;
	v63 =	vnsel vm15, $0x13C0, v62;
	[tilespmem:$0x250] =	vst v7  }
0xd8: {  	v24 =	vadd.s32 $0xFFFFEC40, v22;
	vm6 =	vlt.u32 v23, $0x13C00000;
	v20 =	vnsel vm5, $0x13C0, v19;
	[tilespmem:$0x270] =	vst v63  }
0xd9: {  	v21 =	vand.u32 $0xFFFF, v15;
	v8 =	vadd.s32 $0xFFFFEC40, v8;
	v25 =	vnsel vm6, $0x13C0, v24;
	[tilespmem:$0x2B0] =	vst v20  }
0xda: {  	v27 =	vshrl.u32 v18, $0x10;
	v5 =	vadd.s32 $0xFFFFEC40, v59;
	v3 =	vnsel vm14, $0x13C0, v8;
	[tilespmem:$0x2D0] =	vst v25  }
0xdb: {  	v9 =	vand.u32 $0xFFFF, v11;
	v6 =	vadd.s32 $0xFFFFEC40, v57;
	[tilespmem:$0x230] =	vst v3;
	v3 =	vmin.u32 v5, $0x13C0  }
0xdc: {  	v12 =	vadd.s32 $0xFFFFEC40, v9;
	v6 =	vmin.u32 v6, $0x13C0;
	[tilespmem:$0x260] =	vst v3;
	v3 =	vand.u32 $0xFFFF, v61  }
0xdd: {  	v28 =	vadd.s32 $0xEC400000, v18;
	v4 =	vmin.u32 v12, $0x13C0;
	[tilespmem:$0x220] =	vst v6;
	v3 =	vadd.s32 $0xFFFFEC40, v3  }
0xde: {  	v29 =	vadd.s32 $0xFFFFEC40, v27;
	vm7 =	vlt.u32 v28, $0x13C00000;
	[tilespmem:$0x280] =	vst v4;
	v3 =	vmin.u32 v3, $0x13C0  }
0xdf: {  	v26 =	vand.u32 $0xFFFF, v18;
	v4 =	vnsel vm7, $0x13C0, v29;
	[tilespmem:$0x2A0] =	vst v3;
	v3 =	vadd.s32 $0xFFFFEC40, v21  }
0xe0: {  	vm4 =	vlt.u32 v14, $0x13C00000;
	v6 =	vadd.s32 $0xFFFFEC40, v13;
	[tilespmem:$0x2F0] =	vst v4;
	v3 =	vmin.u32 v3, $0x13C0  }
0xe1: {  	v6 =	vnsel vm4, $0x13C0, v6;
	[tilespmem:$0x2C0] =	vst v3;
	v3 =	vadd.s32 $0xFFFFEC40, v26  }
0xe2: {  	[tilespmem:$0x290] =	vst v6;
	v3 =	vmin.u32 v3, $0x13C0  }
0xe3: {  	[tilespmem:$0x2E0] =	vst v3  }
0xe4: {  	[spmem:s2] =	stream.indirect.scatter.add.f32 [tilespmem:s15], [sflag:$0x2], $0x10, s20, s18, $0xb8;
	[tilespmem:$0x9700] =	vst v63  }
0xe5: {  	_ =	swait.ge [sflag:s16], $0x800  }
0xe6: {  	[sflag:s16] =	ssyncset.done $0x0  }
0xe7: {  	[sflag:s16] =	ssyncadd.s32 $0xFFFFF800  }
0xe8: {  	[spmem:s2] =	stream.indirect.scatter.add.f32 [tilespmem:s22], [sflag:$0x2], $0x10, s21, s18, $0xb8;
	[tilespmem:$0x9700] =	vst v63  }
0xe9: {  	_ =	swait.ge [sflag:s16], $0x800  }
0xea: {  	[sflag:s16] =	ssyncset.done $0x0  }
0xeb: {  	[sflag:s16] =	ssyncadd.s32 $0xFFFFF800  }
0xec: {  	p0 =	seq.s32 s26, $0x2800;
	_ =	swait.ge [sflag:s17], $0x80  }
0xed: {  	s28 =	sand.u32 @!p0 $0x7C00, s26;
	[sflag:s17] =	ssyncset.done $0x0  }
0xee: {  	s29 =	sand.u32 @!p0 $0x300, s26;
	s28 =	sadd.s32 @!p0 s6, s28;
	[sflag:s17] =	ssyncadd.s32 $0xFFFFFF80  }
0xef: {  	s28 =	sor.u32 @!p0 s29, s28;
	_ =	swait.ge [sflag:s17], $0x80  }
0xf0: {  	s28 =	sshrl.u32 @!p0 s28, $0x3;
	[sflag:s17] =	ssyncset.done $0x0  }
0xf1: {  	s30 =	simm.s32 @!p0 $0x0;
	s29 =	sadd.s32 @!p0 s1, s28;
	[sflag:s17] =	ssyncadd.s32 $0xFFFFFF80  }
0xf2: {  	[tilespmem:s30], [sflag:$0x1] =	stream.linear.gather @!p0 [hbm4b:s29+s30], $0x80, $0x38;
	[tilespmem:$0x9700] =	vst v63  }
0xf3: {  	s28 =	sadd.s32 @!p0 s5, s28;
	s29 =	simm.s32 @!p0 $0x100  }
0xf4: {  	[tilespmem:s29], [sflag:$0x1] =	stream.linear.gather @!p0 [hbm4b:s28+s30], $0x80, $0x38;
	[tilespmem:$0x9700] =	vst v63  }
0xf5: {  	v3 =	vld [tilespmem:$0x80]  }
0xf6: {  	v30 =	vld [tilespmem:$0x90]  }
0xf7: {  	v33 =	vld [tilespmem:$0xA0]  }
0xf8: {  	v37 =	vld [tilespmem:$0xB0]  }
0xf9: {  	v40 =	vld [tilespmem:$0x180]  }
0xfa: {  	v41 =	vld [tilespmem:$0x190];
	v31 =	vand.u32 $0xFFFF, v3  }
0xfb: {  	v50 =	vld [tilespmem:$0x1A0];
	v32 =	vshrl.u32 v3, $0x10;
	v3 =	vadd.s32 $0xEC400000, v3;
	v35 =	vand.u32 $0xFFFF, v30  }
0xfc: {  	v36 =	vshrl.u32 v30, $0x10;
	v4 =	vadd.s32 $0xEC400000, v30;
	v38 =	vand.u32 $0xFFFF, v33  }
0xfd: {  	v39 =	vshrl.u32 v33, $0x10;
	v7 =	vadd.s32 $0xEC400000, v33;
	v42 =	vand.u32 $0xFFFF, v37  }
0xfe: {  	v43 =	vshrl.u32 v37, $0x10;
	v9 =	vadd.s32 $0xEC400000, v37;
	v46 =	vand.u32 $0xFFFF, v40  }
0xff: {  	v48 =	vshrl.u32 v40, $0x10;
	v49 =	vadd.s32 $0xEC400000, v40;
	v51 =	vadd.s32 $0xEC400000, v41  }
0x100: {  	v56 =	vshrl.u32 v50, $0x10;
	v57 =	vadd.s32 $0xEC400000, v50;
	v5 =	vadd.s32 $0xFFFFEC40, v31  }
0x101: {  	v6 =	vadd.s32 $0xFFFFEC40, v32;
	vm8 =	vlt.u32 v3, $0x13C00000;
	v3 =	vmin.u32 v5, $0x13C0  }
0x102: {  	v52 =	vld [tilespmem:$0x1B0];
	vm9 =	vlt.u32 v4, $0x13C00000;
	v4 =	vadd.s32 $0xFFFFEC40, v38;
	v34 =	vnsel vm8, $0x13C0, v6;
	[tilespmem:$0x200] =	vst v3  }
0x103: {  	v10 =	vadd.s32 $0xFFFFEC40, v39;
	vm10 =	vlt.u32 v7, $0x13C00000;
	v4 =	vmin.u32 v4, $0x13C0;
	[tilespmem:$0x210] =	vst v34  }
0x104: {  	v44 =	vadd.s32 $0xFFFFEC40, v43;
	vm11 =	vlt.u32 v9, $0x13C00000;
	v7 =	vnsel vm10, $0x13C0, v10;
	[tilespmem:$0x240] =	vst v4  }
0x105: {  	vm14 =	vlt.u32 v57, $0x13C00000;
	v58 =	vadd.s32 $0xFFFFEC40, v56;
	v45 =	vnsel vm11, $0x13C0, v44;
	[tilespmem:$0x250] =	vst v7  }
0x106: {  	v55 =	vand.u32 $0xFFFF, v50;
	v6 =	vadd.s32 $0xFFFFEC40, v35;
	v59 =	vnsel vm14, $0x13C0, v58;
	[tilespmem:$0x270] =	vst v45  }
0x107: {  	v61 =	vshrl.u32 v52, $0x10;
	v8 =	vadd.s32 $0xFFFFEC40, v36;
	v6 =	vmin.u32 v6, $0x13C0;
	[tilespmem:$0x2D0] =	vst v59  }
0x108: {  	v62 =	vadd.s32 $0xEC400000, v52;
	v5 =	vadd.s32 $0xFFFFEC40, v42;
	v3 =	vnsel vm9, $0x13C0, v8;
	[tilespmem:$0x220] =	vst v6  }
0x109: {  	v47 =	vadd.s32 $0xFFFFEC40, v46;
	v63 =	vadd.s32 $0xFFFFEC40, v61;
	[tilespmem:$0x230] =	vst v3;
	v3 =	vmin.u32 v5, $0x13C0  }
0x10a: {  	vm15 =	vlt.u32 v62, $0x13C00000;
	v4 =	vmin.u32 v47, $0x13C0;
	[tilespmem:$0x260] =	vst v3;
	v3 =	vand.u32 $0xFFFF, v41  }
0x10b: {  	v60 =	vand.u32 $0xFFFF, v52;
	[tilespmem:$0x280] =	vst v4;
	v4 =	vnsel vm15, $0x13C0, v63;
	v3 =	vadd.s32 $0xFFFFEC40, v3  }
0x10c: {  	vm12 =	vlt.u32 v49, $0x13C00000;
	v6 =	vadd.s32 $0xFFFFEC40, v48;
	[tilespmem:$0x2F0] =	vst v4;
	v3 =	vmin.u32 v3, $0x13C0  }
0x10d: {  	v8 =	vshrl.u32 v41, $0x10;
	v6 =	vnsel vm12, $0x13C0, v6;
	[tilespmem:$0x2A0] =	vst v3;
	v3 =	vadd.s32 $0xFFFFEC40, v55  }
0x10e: {  	vm13 =	vlt.u32 v51, $0x13C00000;
	v53 =	vadd.s32 $0xFFFFEC40, v8;
	[tilespmem:$0x290] =	vst v6;
	v3 =	vmin.u32 v3, $0x13C0  }
0x10f: {  	v54 =	vnsel vm13, $0x13C0, v53;
	[tilespmem:$0x2C0] =	vst v3;
	v3 =	vadd.s32 $0xFFFFEC40, v60  }
0x110: {  	[tilespmem:$0x2B0] =	vst v54;
	v3 =	vmin.u32 v3, $0x13C0  }
0x111: {  	[tilespmem:$0x2E0] =	vst v3  }
0x112: {  	[spmem:s2] =	stream.indirect.scatter.add.f32 [tilespmem:s15], [sflag:$0x2], $0x10, s20, s18, $0xb8;
	[tilespmem:$0x9700] =	vst v63  }
0x113: {  	_ =	swait.ge [sflag:s16], $0x800  }
0x114: {  	[sflag:s16] =	ssyncset.done $0x0  }
.Ltmp10:
0x115: {  	[sflag:s16] =	ssyncadd.s32 $0xFFFFF800;
	(pc) =	sbr.rel @p0 .LBB2_19-.Ltmp10, $4  }
0x116: {  	[spmem:s2] =	stream.indirect.scatter.add.f32 [tilespmem:s22], [sflag:$0x2], $0x10, s21, s18, $0xb8;
	[tilespmem:$0x9700] =	vst v63  }
0x117: {  	_ =	swait.ge [sflag:s16], $0x800  }
0x118: {  	[sflag:s16] =	ssyncset.done $0x0  }
0x119: {  	[sflag:s16] =	ssyncadd.s32 $0xFFFFF800  }
0x11a: {  	_ =	swait.ge [sflag:s17], $0x80  }
.Ltmp11:
0x11b: {  	[sflag:s17] =	ssyncset.done $0x0;
	(pc) =	sbr.rel .LBB2_17-.Ltmp11, $4  }
0x11c: {  	[sflag:s17] =	ssyncadd.s32 $0xFFFFFF80  }
0x11d: {  	_ =	swait.ge [sflag:s17], $0x80  }
0x11e: {  	[sflag:s17] =	ssyncset.done $0x0  }
0x11f: {  	s26 =	sadd.s32 $0x100, s26;
	[sflag:s17] =	ssyncadd.s32 $0xFFFFFF80  }
.LBB2_20:
0x120: {  	_ =	sfence.sel $0x180000  }
0x121: {  	[bflag:$0x0] =	sbarrier.arrive $0xFFFF  }
0x122: {  	p0 =	sne.s32 s3, $0x0;
	_ =	strace $0x90000047  }
0x123: {  	s0 =	sadd.s32 @!p0 $0x100000, s0;
	[bflag:$0x2] =	sbarrier.arrive $0xFFFF  }
0x124: {  	[sflag:s0] =	ssyncadd.tile.s32 @!p0 $0x1;
	_ =	shalt  }
.Lfunc_end2:
_tile_overlayer_lowered:
.L_overlay_start_2:
0x125: {  	(tag) =	ssettag $0x2  }
0x126: {  	s0 =	rddreg [dreg:$0x0];
	s2 =	stileid.u32  }
0x127: {  	s1 =	rddreg [dreg:$0x1];
	p0 =	sne.s32 s2, $0x0  }
0x128: {  	s3 =	rddreg [dreg:$0x2];
	[bflag:$0x3] =	sbarrier.arrive $0xFFFF;
	s2 =	simm.s32 @!p0 $0x1C02  }
0x129: {  	[timem:s3], [sflag:s2] =	dma.local @!p0 [hbm:s0], s1  }
0x12a: {  	s0 =	simm.s32 @!p0 $0x2  }
0x12b: {  	_ =	swait.ge @!p0 [sflag:s0], s1  }
0x12c: {  	s1 =	ssub.s32 @!p0 $0x0, s1;
	[sflag:s0] =	ssyncset.done @!p0 $0x0  }
0x12d: {  	[sflag:s0] =	ssyncadd.s32 @!p0 s1  }
0x12e: {  	[bflag:$0x3] =	sbarrier.arrive $0xFFFF  }
0x12f: {  	_ =	shalt  }

</sc_bundles>
